<compile_context>
chip_gen: v7x
topology: tpu7x:2x2x1
jax: 0.10.2.dev20260603
libtpu: 0.0.44.dev20260713+nightly
codegen_flags: <defaults>
</compile_context>

<pallas_src>
import functools

import jax
import jax.numpy as jnp
from jax import lax
from jax.experimental import pallas as pl
from jax.experimental.pallas import tpu as pltpu
from jax.experimental.pallas import tpu_sc as plsc

N = 10000
E = 160000
D_IN = 256
D_E = 16
DH = D_IN // 2

NC = 2
NS = 16
CB = 96
E_PAD = 165888
NBN = E_PAD // NS // CB
NBA = E_PAD // (NC * NS) // CB
NROWS = N + 16

_sc_mesh = plsc.VectorSubcoreMesh(
    core_axis_name="c", subcore_axis_name="s", num_cores=NC, num_subcores=NS)


@functools.partial(
    pl.kernel,
    out_type=jax.ShapeDtypeStruct((2 * N, DH), jnp.bfloat16),
    mesh=_sc_mesh,
    scratch_types=[
        pltpu.VMEM((NBN, CB), jnp.int32),
        pltpu.VMEM((NBN, CB), jnp.int32),
        pltpu.VMEM((CB, DH), jnp.bfloat16),
        pltpu.VMEM((CB, DH), jnp.bfloat16),
        pltpu.VMEM((64, DH), jnp.bfloat16),
        pltpu.VMEM_SHARED((NROWS, DH), jnp.bfloat16),
        pltpu.VMEM_SHARED((NROWS, DH), jnp.bfloat16),
        pltpu.SemaphoreType.DMA,
        pltpu.SemaphoreType.DMA,
        pltpu.SemaphoreType.DMA,
        pltpu.SemaphoreType.DMA,
    ],
    compiler_params=pltpu.CompilerParams(use_tc_tiling_on_sc=False),
)
def _sc_nfeats(srcs_hbm, dst_hbm, nflr_hbm, aggn_hbm,
               gidx2, didx2, rows0, rows1, zwide, acc_n, table,
               sg0, sg1, ss0, ss1):
    cid = lax.axis_index("c")
    sid = lax.axis_index("s")
    rowsl = [rows0, rows1]
    sg = [sg0, sg1]
    ss = [ss0, ss1]

    zv = jnp.zeros((32,), jnp.bfloat16)
    for r in range(64):
        for k in range(DH // 32):
            zwide[r, pl.ds(k * 32, 32)] = zv

    zbase = sid * (NROWS // NS)
    for j in range(9):
        pltpu.sync_copy(zwide, acc_n.at[pl.ds(zbase + j * 64, 64)])
    pltpu.sync_copy(zwide.at[pl.ds(0, 50)], acc_n.at[pl.ds(zbase + 576, 50)])

    pltpu.sync_copy(srcs_hbm.at[pl.ds(sid * NBN, NBN)], gidx2)
    pltpu.sync_copy(dst_hbm.at[pl.ds(sid * NBN, NBN)], didx2)

    tb = sid * (N // NS)
    pltpu.sync_copy(nflr_hbm.at[pl.ds(cid * N + tb, N // NS)],
                    table.at[pl.ds(tb, N // NS)])

    plsc.subcore_barrier()

    for b in range(2):
        pltpu.async_copy(table.at[gidx2.at[b]], rowsl[b], sg[b])

    def nstep(t, _):
        for b in range(2):
            g = t * 2 + b
            pltpu.make_async_copy(table.at[gidx2.at[0]], rowsl[b], sg[b]).wait()
            pltpu.async_copy(rowsl[b], acc_n.at[didx2.at[g]], ss[b], add=True)
        for b in range(2):
            g = t * 2 + b
            pltpu.make_async_copy(rowsl[b], acc_n.at[didx2.at[0]], ss[b]).wait()
            gn = g + 2

            @pl.when(gn < NBN)
            def _():
                pltpu.async_copy(table.at[gidx2.at[gn]], rowsl[b], sg[b])

        return 0

    lax.fori_loop(0, NBN // 2, nstep, 0)

    plsc.subcore_barrier()

    obase = sid * (N // NS)
    pltpu.sync_copy(acc_n.at[pl.ds(obase, N // NS)],
                    aggn_hbm.at[pl.ds(cid * N + obase, N // NS)])


@functools.partial(
    pl.kernel,
    out_type=jax.ShapeDtypeStruct((2 * N, 32), jnp.float32),
    mesh=_sc_mesh,
    scratch_types=[
        pltpu.VMEM((NBA, CB), jnp.int32),
        pltpu.VMEM((CB, 32), jnp.float32),
        pltpu.VMEM((CB, 32), jnp.float32),
        pltpu.VMEM((64, 32), jnp.float32),
        pltpu.VMEM_SHARED((NROWS, 32), jnp.float32),
        pltpu.SemaphoreType.DMA,
        pltpu.SemaphoreType.DMA,
        pltpu.SemaphoreType.DMA,
        pltpu.SemaphoreType.DMA,
    ],
    compiler_params=pltpu.CompilerParams(use_tc_tiling_on_sc=False),
)
def _sc_aux(dst_hbm, efe2_hbm, aux_hbm,
            daux2, auxb0, auxb1, znarrow, acc_x,
            sg0, sg1, ss0, ss1):
    cid = lax.axis_index("c")
    sid = lax.axis_index("s")
    auxl = [auxb0, auxb1]
    sg = [sg0, sg1]
    ss = [ss0, ss1]

    zv = jnp.zeros((16,), jnp.float32)
    for r in range(64):
        for k in range(2):
            znarrow[r, pl.ds(k * 16, 16)] = zv

    zbase = sid * (NROWS // NS)
    for j in range(9):
        pltpu.sync_copy(znarrow, acc_x.at[pl.ds(zbase + j * 64, 64)])
    pltpu.sync_copy(znarrow.at[pl.ds(0, 50)], acc_x.at[pl.ds(zbase + 576, 50)])

    pltpu.sync_copy(dst_hbm.at[pl.ds((cid * NS + sid) * NBA, NBA)], daux2)

    plsc.subcore_barrier()

    base_a = (cid * NS + sid) * NBA * CB

    for b in range(2):
        pltpu.async_copy(efe2_hbm.at[pl.ds(base_a + b * CB, CB)], auxl[b], sg[b])

    def astep(t, _):
        for b in range(2):
            g = t * 2 + b
            pltpu.make_async_copy(efe2_hbm.at[pl.ds(0, CB)], auxl[b], sg[b]).wait()
            pltpu.async_copy(auxl[b], acc_x.at[daux2.at[g]], ss[b], add=True)
        for b in range(2):
            g = t * 2 + b
            pltpu.make_async_copy(auxl[b], acc_x.at[daux2.at[0]], ss[b]).wait()
            gn = g + 2

            @pl.when(gn < NBA)
            def _():
                pltpu.async_copy(
                    efe2_hbm.at[pl.ds(base_a + gn * CB, CB)], auxl[b], sg[b])

        return 0

    lax.fori_loop(0, NBA // 2, astep, 0)

    plsc.subcore_barrier()

    obase = sid * (N // NS)
    pltpu.sync_copy(acc_x.at[pl.ds(obase, N // NS)],
                    aux_hbm.at[pl.ds(cid * N + obase, N // NS)])


BLK = 2000


def _tc_pre_body(nf_ref, wa1_ref, ba_ref, out_ref):
    out_ref[...] = jnp.dot(nf_ref[...], wa1_ref[...],
                           preferred_element_type=jnp.float32) + ba_ref[...]


def _tc_body(pre_ref, al_ref, ar_ref, x0_ref, x1_ref, wm1a_ref, wm1b_ref,
             wm2_ref, wa2_ref, bm_ref, out_ref):
    aux = x0_ref[...] + x1_ref[...]
    agge = aux[:, :D_E]
    deg = aux[:, D_E:D_E + 1]
    al = al_ref[...].astype(jnp.float32)
    ar = ar_ref[...].astype(jnp.float32)
    msg = jnp.dot(al, wm1a_ref[...], preferred_element_type=jnp.float32)
    msg = msg + jnp.dot(ar, wm1b_ref[...],
                        preferred_element_type=jnp.float32)
    msg = msg + jnp.dot(agge, wm2_ref[...], preferred_element_type=jnp.float32)
    msg = msg + deg * bm_ref[...]
    h = jnp.where(deg > 0, msg * (1.0 / jnp.maximum(deg, 1.0)), 0.0)
    acc = pre_ref[...]
    acc = acc + jnp.dot(h, wa2_ref[...], preferred_element_type=jnp.float32)
    out_ref[...] = jnp.maximum(acc, 0.0)


def _tc_pre(nfeats, W_apply, b_apply):
    wa1 = W_apply[:D_IN]
    ba = b_apply.reshape(1, -1)
    nb = N // BLK
    full = lambda a: pl.BlockSpec(a.shape, lambda i: (0,) * a.ndim)
    return pl.pallas_call(
        _tc_pre_body,
        grid=(nb,),
        in_specs=[
            pl.BlockSpec((BLK, D_IN), lambda i: (i, 0)),
            full(wa1), full(ba),
        ],
        out_specs=pl.BlockSpec((BLK, D_IN), lambda i: (i, 0)),
        out_shape=jax.ShapeDtypeStruct((N, D_IN), jnp.float32),
    )(nfeats, wa1, ba)


def _tc_apply(pre, aggn2, aux2, W_msg, b_msg, W_apply, b_apply):
    wm1a = W_msg[:DH]
    wm1b = W_msg[DH:D_IN]
    wm2 = W_msg[D_IN:]
    wa2 = W_apply[D_IN:]
    bm = b_msg.reshape(1, -1)
    nb = N // BLK
    full = lambda a: pl.BlockSpec(a.shape, lambda i: (0,) * a.ndim)
    return pl.pallas_call(
        _tc_body,
        grid=(nb,),
        in_specs=[
            pl.BlockSpec((BLK, D_IN), lambda i: (i, 0)),
            pl.BlockSpec((BLK, DH), lambda i: (i, 0)),
            pl.BlockSpec((BLK, DH), lambda i: (i + nb, 0)),
            pl.BlockSpec((BLK, 32), lambda i: (i, 0)),
            pl.BlockSpec((BLK, 32), lambda i: (i + nb, 0)),
            full(wm1a), full(wm1b), full(wm2), full(wa2), full(bm),
        ],
        out_specs=pl.BlockSpec((BLK, D_IN), lambda i: (i, 0)),
        out_shape=jax.ShapeDtypeStruct((N, D_IN), jnp.float32),
    )(pre, aggn2, aggn2, aux2, aux2, wm1a, wm1b, wm2, wa2, bm)


@jax.jit
def kernel(nfeats, edge_index, efeats, W_msg, b_msg, W_apply, b_apply):
    src = edge_index[0]
    dst = edge_index[1]
    pad = E_PAD - E
    srcs2 = jnp.concatenate(
        [src, jnp.zeros((pad,), jnp.int32)]).reshape(NS * NBN, CB)
    dst_p = jnp.concatenate(
        [dst, jnp.full((pad,), N, jnp.int32)]).reshape(NS * NBN, CB)
    nflr = jnp.concatenate(
        [nfeats[:, :DH], nfeats[:, DH:]], axis=0).astype(jnp.bfloat16)
    efe2 = jnp.concatenate(
        [efeats, jnp.ones((E, 1), jnp.float32),
         jnp.zeros((E, 32 - D_E - 1), jnp.float32)], axis=1)
    efe2 = jnp.concatenate([efe2, jnp.zeros((pad, 32), jnp.float32)], axis=0)
    aggn2 = _sc_nfeats(srcs2, dst_p, nflr)
    aux2 = _sc_aux(dst_p, efe2)
    pre = _tc_pre(nfeats, W_apply, b_apply)
    return _tc_apply(pre, aggn2, aux2, W_msg, b_msg, W_apply, b_apply)

# --- scband reference (transcript-rebuilt; emitter-appended) ---
"""Pipeline reference for scband-sagelayer-18056042512799 (READ-ONLY COPY).

The authoritative reference and input builder live on the scoring server;
editing this copy changes nothing except your own understanding.
"""

import jax, jax.numpy as jnp
import numpy as np

N = 10000
E = 160000
D_IN = 256
D_E = 16
D_OUT = 256


def setup_inputs(seed: int = 0) -> dict:
    key = jax.random.key(seed)
    k1, k2, k3, k4, k5 = jax.random.split(key, 5)
    nfeats = jax.random.normal(k1, (N, D_IN), dtype=jnp.float32)
    edge_index = jax.random.randint(k2, (2, E), 0, N, dtype=jnp.int32)
    efeats = jax.random.normal(k3, (E, D_E), dtype=jnp.float32)
    # Linear W_msg: (ndim_in + edims) -> ndim_out
    W_msg = jax.random.normal(k4, (D_IN + D_E, D_OUT), dtype=jnp.float32) * 0.05
    b_msg = jnp.zeros((D_OUT,), dtype=jnp.float32)
    # Linear W_apply: (ndim_in + ndim_out) -> ndim_out
    W_apply = jax.random.normal(k5, (D_IN + D_OUT, D_OUT), dtype=jnp.float32) * 0.05
    b_apply = jnp.zeros((D_OUT,), dtype=jnp.float32)
    return {
        "nfeats": nfeats,
        "edge_index": edge_index,
        "efeats": efeats,
        "W_msg": W_msg,
        "b_msg": b_msg,
        "W_apply": W_apply,
        "b_apply": b_apply,
    }


def reference(nfeats, edge_index, efeats, W_msg, b_msg, W_apply, b_apply):
    src = edge_index[0]
    dst = edge_index[1]
    # message_func: m = W_msg(cat([src_h, edge_h], dim=1))
    src_h = jnp.take(nfeats, src, axis=0)
    m = jnp.concatenate([src_h, efeats], axis=1) @ W_msg + b_msg
    # fn.mean('m', 'h_neigh'): mean of incoming messages per destination node
    msg_sum = jax.ops.segment_sum(m, dst, num_segments=N)
    deg = jax.ops.segment_sum(jnp.ones((E,), dtype=m.dtype), dst, num_segments=N)
    h_neigh = jnp.where(deg[:, None] > 0, msg_sum / jnp.maximum(deg, 1.0)[:, None], 0.0)
    # apply: relu(W_apply(cat([h, h_neigh], dim=1)))
    out = jax.nn.relu(jnp.concatenate([nfeats, h_neigh], axis=1) @ W_apply + b_apply)
    return out

if __name__ == "__main__":
    import jax
    _d = setup_inputs()
    print(jax.jit(kernel)(*tuple(_d.values())))

</pallas_src>

<mosaic_0001>
#map = affine_map<(d0, d1) -> (0, 0)>
module attributes {stable_mosaic.version = 14 : i64} {
  func.func @_sc_aux(%arg0: i32, %arg1: i32, %arg2: memref<1728x96xi32, #tpu.memory_space<hbm>>, %arg3: memref<165888x32xf32, #tpu.memory_space<hbm>>, %arg4: memref<20000x32xf32, #tpu.memory_space<hbm>>, %arg5: memref<54x96xi32, #tpu.memory_space<vmem>>, %arg6: memref<96x32xf32, #tpu.memory_space<vmem>>, %arg7: memref<96x32xf32, #tpu.memory_space<vmem>>, %arg8: memref<64x32xf32, #tpu.memory_space<vmem>>, %arg9: memref<10016x32xf32, #tpu.memory_space<vmem_shared>>, %arg10: memref<!tpu.dma_semaphore, #tpu.memory_space<semaphore_mem>>, %arg11: memref<!tpu.dma_semaphore, #tpu.memory_space<semaphore_mem>>, %arg12: memref<!tpu.dma_semaphore, #tpu.memory_space<semaphore_mem>>, %arg13: memref<!tpu.dma_semaphore, #tpu.memory_space<semaphore_mem>>) attributes {dimension_semantics = [#tpu.dimension_semantics<core_parallel>, #tpu.dimension_semantics<subcore_parallel>], iteration_bounds = array<i64: 2, 16>, scalar_prefetch = 0 : i64, scratch_operands = 9 : i64, tpu.core_type = #tpu.core_type<sc_vector_subcore>, window_params = [{transform_indices = #map}, {transform_indices = #map}, {transform_indices = #map}]} {
    %broadcast_in_dim3A = arith.constant 0.000000e+00 : f32
    %broadcast_in_dim3A_0 = vector.broadcast %broadcast_in_dim3A : f32 to vector<16xf32>
    %swap3A = arith.constant 0 : i32
    %swap3A_1 = arith.index_cast %swap3A : i32 to index
    %swap3A_2 = arith.constant 0 : index
    %swap3A_3 = tpu.vector_load %arg8[%swap3A_1, %swap3A_2] {strides = array<i32>} : memref<64x32xf32, #tpu.memory_space<vmem>>, vector<1x16xf32>,
    %swap3A_4 = vector.shape_cast %swap3A_3 : vector<1x16xf32> to vector<16xf32>
    %swap3A_5 = vector.shape_cast %broadcast_in_dim3A_0 : vector<16xf32> to vector<1x16xf32>
    tpu.vector_store %arg8[%swap3A_1, %swap3A_2], %swap3A_5 {strides = array<i32>} : memref<64x32xf32, #tpu.memory_space<vmem>>, vector<1x16xf32>,
    %swap3A_6 = arith.constant 0 : i32
    %swap3A_7 = arith.index_cast %swap3A_6 : i32 to index
    %swap3A_8 = arith.constant 16 : index
    %swap3A_9 = tpu.vector_load %arg8[%swap3A_7, %swap3A_8] {strides = array<i32>} : memref<64x32xf32, #tpu.memory_space<vmem>>, vector<1x16xf32>,
    %swap3A_10 = vector.shape_cast %swap3A_9 : vector<1x16xf32> to vector<16xf32>
    %swap3A_11 = vector.shape_cast %broadcast_in_dim3A_0 : vector<16xf32> to vector<1x16xf32>
    tpu.vector_store %arg8[%swap3A_7, %swap3A_8], %swap3A_11 {strides = array<i32>} : memref<64x32xf32, #tpu.memory_space<vmem>>, vector<1x16xf32>,
    %swap3A_12 = arith.constant 1 : i32
    %swap3A_13 = arith.index_cast %swap3A_12 : i32 to index
    %swap3A_14 = arith.constant 0 : index
    %swap3A_15 = tpu.vector_load %arg8[%swap3A_13, %swap3A_14] {strides = array<i32>} : memref<64x32xf32, #tpu.memory_space<vmem>>, vector<1x16xf32>,
    %swap3A_16 = vector.shape_cast %swap3A_15 : vector<1x16xf32> to vector<16xf32>
    %swap3A_17 = vector.shape_cast %broadcast_in_dim3A_0 : vector<16xf32> to vector<1x16xf32>
    tpu.vector_store %arg8[%swap3A_13, %swap3A_14], %swap3A_17 {strides = array<i32>} : memref<64x32xf32, #tpu.memory_space<vmem>>, vector<1x16xf32>,
    %swap3A_18 = arith.constant 1 : i32
    %swap3A_19 = arith.index_cast %swap3A_18 : i32 to index
    %swap3A_20 = arith.constant 16 : index
    %swap3A_21 = tpu.vector_load %arg8[%swap3A_19, %swap3A_20] {strides = array<i32>} : memref<64x32xf32, #tpu.memory_space<vmem>>, vector<1x16xf32>,
    %swap3A_22 = vector.shape_cast %swap3A_21 : vector<1x16xf32> to vector<16xf32>
    %swap3A_23 = vector.shape_cast %broadcast_in_dim3A_0 : vector<16xf32> to vector<1x16xf32>
    tpu.vector_store %arg8[%swap3A_19, %swap3A_20], %swap3A_23 {strides = array<i32>} : memref<64x32xf32, #tpu.memory_space<vmem>>, vector<1x16xf32>,
    %swap3A_24 = arith.constant 2 : i32
    %swap3A_25 = arith.index_cast %swap3A_24 : i32 to index
    %swap3A_26 = arith.constant 0 : index
    %swap3A_27 = tpu.vector_load %arg8[%swap3A_25, %swap3A_26] {strides = array<i32>} : memref<64x32xf32, #tpu.memory_space<vmem>>, vector<1x16xf32>,
    %swap3A_28 = vector.shape_cast %swap3A_27 : vector<1x16xf32> to vector<16xf32>
    %swap3A_29 = vector.shape_cast %broadcast_in_dim3A_0 : vector<16xf32> to vector<1x16xf32>
    tpu.vector_store %arg8[%swap3A_25, %swap3A_26], %swap3A_29 {strides = array<i32>} : memref<64x32xf32, #tpu.memory_space<vmem>>, vector<1x16xf32>,
    %swap3A_30 = arith.constant 2 : i32
    %swap3A_31 = arith.index_cast %swap3A_30 : i32 to index
    %swap3A_32 = arith.constant 16 : index
    %swap3A_33 = tpu.vector_load %arg8[%swap3A_31, %swap3A_32] {strides = array<i32>} : memref<64x32xf32, #tpu.memory_space<vmem>>, vector<1x16xf32>,
    %swap3A_34 = vector.shape_cast %swap3A_33 : vector<1x16xf32> to vector<16xf32>
    %swap3A_35 = vector.shape_cast %broadcast_in_dim3A_0 : vector<16xf32> to vector<1x16xf32>
    tpu.vector_store %arg8[%swap3A_31, %swap3A_32], %swap3A_35 {strides = array<i32>} : memref<64x32xf32, #tpu.memory_space<vmem>>, vector<1x16xf32>,
    %swap3A_36 = arith.constant 3 : i32
    %swap3A_37 = arith.index_cast %swap3A_36 : i32 to index
    %swap3A_38 = arith.constant 0 : index
    %swap3A_39 = tpu.vector_load %arg8[%swap3A_37, %swap3A_38] {strides = array<i32>} : memref<64x32xf32, #tpu.memory_space<vmem>>, vector<1x16xf32>,
    %swap3A_40 = vector.shape_cast %swap3A_39 : vector<1x16xf32> to vector<16xf32>
    %swap3A_41 = vector.shape_cast %broadcast_in_dim3A_0 : vector<16xf32> to vector<1x16xf32>
    tpu.vector_store %arg8[%swap3A_37, %swap3A_38], %swap3A_41 {strides = array<i32>} : memref<64x32xf32, #tpu.memory_space<vmem>>, vector<1x16xf32>,
    %swap3A_42 = arith.constant 3 : i32
    %swap3A_43 = arith.index_cast %swap3A_42 : i32 to index
    %swap3A_44 = arith.constant 16 : index
    %swap3A_45 = tpu.vector_load %arg8[%swap3A_43, %swap3A_44] {strides = array<i32>} : memref<64x32xf32, #tpu.memory_space<vmem>>, vector<1x16xf32>,
    %swap3A_46 = vector.shape_cast %swap3A_45 : vector<1x16xf32> to vector<16xf32>
    %swap3A_47 = vector.shape_cast %broadcast_in_dim3A_0 : vector<16xf32> to vector<1x16xf32>
    tpu.vector_store %arg8[%swap3A_43, %swap3A_44], %swap3A_47 {strides = array<i32>} : memref<64x32xf32, #tpu.memory_space<vmem>>, vector<1x16xf32>,
    %swap3A_48 = arith.constant 4 : i32
    %swap3A_49 = arith.index_cast %swap3A_48 : i32 to index
    %swap3A_50 = arith.constant 0 : index
    %swap3A_51 = tpu.vector_load %arg8[%swap3A_49, %swap3A_50] {strides = array<i32>} : memref<64x32xf32, #tpu.memory_space<vmem>>, vector<1x16xf32>,
    %swap3A_52 = vector.shape_cast %swap3A_51 : vector<1x16xf32> to vector<16xf32>
    %swap3A_53 = vector.shape_cast %broadcast_in_dim3A_0 : vector<16xf32> to vector<1x16xf32>
    tpu.vector_store %arg8[%swap3A_49, %swap3A_50], %swap3A_53 {strides = array<i32>} : memref<64x32xf32, #tpu.memory_space<vmem>>, vector<1x16xf32>,
    %swap3A_54 = arith.constant 4 : i32
    %swap3A_55 = arith.index_cast %swap3A_54 : i32 to index
    %swap3A_56 = arith.constant 16 : index
    %swap3A_57 = tpu.vector_load %arg8[%swap3A_55, %swap3A_56] {strides = array<i32>} : memref<64x32xf32, #tpu.memory_space<vmem>>, vector<1x16xf32>,
    %swap3A_58 = vector.shape_cast %swap3A_57 : vector<1x16xf32> to vector<16xf32>
    %swap3A_59 = vector.shape_cast %broadcast_in_dim3A_0 : vector<16xf32> to vector<1x16xf32>
    tpu.vector_store %arg8[%swap3A_55, %swap3A_56], %swap3A_59 {strides = array<i32>} : memref<64x32xf32, #tpu.memory_space<vmem>>, vector<1x16xf32>,
    %swap3A_60 = arith.constant 5 : i32
    %swap3A_61 = arith.index_cast %swap3A_60 : i32 to index
    %swap3A_62 = arith.constant 0 : index
    %swap3A_63 = tpu.vector_load %arg8[%swap3A_61, %swap3A_62] {strides = array<i32>} : memref<64x32xf32, #tpu.memory_space<vmem>>, vector<1x16xf32>,
    %swap3A_64 = vector.shape_cast %swap3A_63 : vector<1x16xf32> to vector<16xf32>
    %swap3A_65 = vector.shape_cast %broadcast_in_dim3A_0 : vector<16xf32> to vector<1x16xf32>
    tpu.vector_store %arg8[%swap3A_61, %swap3A_62], %swap3A_65 {strides = array<i32>} : memref<64x32xf32, #tpu.memory_space<vmem>>, vector<1x16xf32>,
    %swap3A_66 = arith.constant 5 : i32
    %swap3A_67 = arith.index_cast %swap3A_66 : i32 to index
    %swap3A_68 = arith.constant 16 : index
    %swap3A_69 = tpu.vector_load %arg8[%swap3A_67, %swap3A_68] {strides = array<i32>} : memref<64x32xf32, #tpu.memory_space<vmem>>, vector<1x16xf32>,
    %swap3A_70 = vector.shape_cast %swap3A_69 : vector<1x16xf32> to vector<16xf32>
    %swap3A_71 = vector.shape_cast %broadcast_in_dim3A_0 : vector<16xf32> to vector<1x16xf32>
    tpu.vector_store %arg8[%swap3A_67, %swap3A_68], %swap3A_71 {strides = array<i32>} : memref<64x32xf32, #tpu.memory_space<vmem>>, vector<1x16xf32>,
    %swap3A_72 = arith.constant 6 : i32
    %swap3A_73 = arith.index_cast %swap3A_72 : i32 to index
    %swap3A_74 = arith.constant 0 : index
    %swap3A_75 = tpu.vector_load %arg8[%swap3A_73, %swap3A_74] {strides = array<i32>} : memref<64x32xf32, #tpu.memory_space<vmem>>, vector<1x16xf32>,
    %swap3A_76 = vector.shape_cast %swap3A_75 : vector<1x16xf32> to vector<16xf32>
    %swap3A_77 = vector.shape_cast %broadcast_in_dim3A_0 : vector<16xf32> to vector<1x16xf32>
    tpu.vector_store %arg8[%swap3A_73, %swap3A_74], %swap3A_77 {strides = array<i32>} : memref<64x32xf32, #tpu.memory_space<vmem>>, vector<1x16xf32>,
    %swap3A_78 = arith.constant 6 : i32
    %swap3A_79 = arith.index_cast %swap3A_78 : i32 to index
    %swap3A_80 = arith.constant 16 : index
    %swap3A_81 = tpu.vector_load %arg8[%swap3A_79, %swap3A_80] {strides = array<i32>} : memref<64x32xf32, #tpu.memory_space<vmem>>, vector<1x16xf32>,
    %swap3A_82 = vector.shape_cast %swap3A_81 : vector<1x16xf32> to vector<16xf32>
    %swap3A_83 = vector.shape_cast %broadcast_in_dim3A_0 : vector<16xf32> to vector<1x16xf32>
    tpu.vector_store %arg8[%swap3A_79, %swap3A_80], %swap3A_83 {strides = array<i32>} : memref<64x32xf32, #tpu.memory_space<vmem>>, vector<1x16xf32>,
    %swap3A_84 = arith.constant 7 : i32
    %swap3A_85 = arith.index_cast %swap3A_84 : i32 to index
    %swap3A_86 = arith.constant 0 : index
    %swap3A_87 = tpu.vector_load %arg8[%swap3A_85, %swap3A_86] {strides = array<i32>} : memref<64x32xf32, #tpu.memory_space<vmem>>, vector<1x16xf32>,
    %swap3A_88 = vector.shape_cast %swap3A_87 : vector<1x16xf32> to vector<16xf32>
    %swap3A_89 = vector.shape_cast %broadcast_in_dim3A_0 : vector<16xf32> to vector<1x16xf32>
    tpu.vector_store %arg8[%swap3A_85, %swap3A_86], %swap3A_89 {strides = array<i32>} : memref<64x32xf32, #tpu.memory_space<vmem>>, vector<1x16xf32>,
    %swap3A_90 = arith.constant 7 : i32
    %swap3A_91 = arith.index_cast %swap3A_90 : i32 to index
    %swap3A_92 = arith.constant 16 : index
    %swap3A_93 = tpu.vector_load %arg8[%swap3A_91, %swap3A_92] {strides = array<i32>} : memref<64x32xf32, #tpu.memory_space<vmem>>, vector<1x16xf32>,
    %swap3A_94 = vector.shape_cast %swap3A_93 : vector<1x16xf32> to vector<16xf32>
    %swap3A_95 = vector.shape_cast %broadcast_in_dim3A_0 : vector<16xf32> to vector<1x16xf32>
    tpu.vector_store %arg8[%swap3A_91, %swap3A_92], %swap3A_95 {strides = array<i32>} : memref<64x32xf32, #tpu.memory_space<vmem>>, vector<1x16xf32>,
    %swap3A_96 = arith.constant 8 : i32
    %swap3A_97 = arith.index_cast %swap3A_96 : i32 to index
    %swap3A_98 = arith.constant 0 : index
    %swap3A_99 = tpu.vector_load %arg8[%swap3A_97, %swap3A_98] {strides = array<i32>} : memref<64x32xf32, #tpu.memory_space<vmem>>, vector<1x16xf32>,
    %swap3A_100 = vector.shape_cast %swap3A_99 : vector<1x16xf32> to vector<16xf32>
    %swap3A_101 = vector.shape_cast %broadcast_in_dim3A_0 : vector<16xf32> to vector<1x16xf32>
    tpu.vector_store %arg8[%swap3A_97, %swap3A_98], %swap3A_101 {strides = array<i32>} : memref<64x32xf32, #tpu.memory_space<vmem>>, vector<1x16xf32>,
    %swap3A_102 = arith.constant 8 : i32
    %swap3A_103 = arith.index_cast %swap3A_102 : i32 to index
    %swap3A_104 = arith.constant 16 : index
    %swap3A_105 = tpu.vector_load %arg8[%swap3A_103, %swap3A_104] {strides = array<i32>} : memref<64x32xf32, #tpu.memory_space<vmem>>, vector<1x16xf32>,
    %swap3A_106 = vector.shape_cast %swap3A_105 : vector<1x16xf32> to vector<16xf32>
    %swap3A_107 = vector.shape_cast %broadcast_in_dim3A_0 : vector<16xf32> to vector<1x16xf32>
    tpu.vector_store %arg8[%swap3A_103, %swap3A_104], %swap3A_107 {strides = array<i32>} : memref<64x32xf32, #tpu.memory_space<vmem>>, vector<1x16xf32>,
    %swap3A_108 = arith.constant 9 : i32
    %swap3A_109 = arith.index_cast %swap3A_108 : i32 to index
    %swap3A_110 = arith.constant 0 : index
    %swap3A_111 = tpu.vector_load %arg8[%swap3A_109, %swap3A_110] {strides = array<i32>} : memref<64x32xf32, #tpu.memory_space<vmem>>, vector<1x16xf32>,
    %swap3A_112 = vector.shape_cast %swap3A_111 : vector<1x16xf32> to vector<16xf32>
    %swap3A_113 = vector.shape_cast %broadcast_in_dim3A_0 : vector<16xf32> to vector<1x16xf32>
    tpu.vector_store %arg8[%swap3A_109, %swap3A_110], %swap3A_113 {strides = array<i32>} : memref<64x32xf32, #tpu.memory_space<vmem>>, vector<1x16xf32>,
    %swap3A_114 = arith.constant 9 : i32
    %swap3A_115 = arith.index_cast %swap3A_114 : i32 to index
    %swap3A_116 = arith.constant 16 : index
    %swap3A_117 = tpu.vector_load %arg8[%swap3A_115, %swap3A_116] {strides = array<i32>} : memref<64x32xf32, #tpu.memory_space<vmem>>, vector<1x16xf32>,
    %swap3A_118 = vector.shape_cast %swap3A_117 : vector<1x16xf32> to vector<16xf32>
    %swap3A_119 = vector.shape_cast %broadcast_in_dim3A_0 : vector<16xf32> to vector<1x16xf32>
    tpu.vector_store %arg8[%swap3A_115, %swap3A_116], %swap3A_119 {strides = array<i32>} : memref<64x32xf32, #tpu.memory_space<vmem>>, vector<1x16xf32>,
    %swap3A_120 = arith.constant 10 : i32
    %swap3A_121 = arith.index_cast %swap3A_120 : i32 to index
    %swap3A_122 = arith.constant 0 : index
    %swap3A_123 = tpu.vector_load %arg8[%swap3A_121, %swap3A_122] {strides = array<i32>} : memref<64x32xf32, #tpu.memory_space<vmem>>, vector<1x16xf32>,
    %swap3A_124 = vector.shape_cast %swap3A_123 : vector<1x16xf32> to vector<16xf32>
    %swap3A_125 = vector.shape_cast %broadcast_in_dim3A_0 : vector<16xf32> to vector<1x16xf32>
    tpu.vector_store %arg8[%swap3A_121, %swap3A_122], %swap3A_125 {strides = array<i32>} : memref<64x32xf32, #tpu.memory_space<vmem>>, vector<1x16xf32>,
    %swap3A_126 = arith.constant 10 : i32
    %swap3A_127 = arith.index_cast %swap3A_126 : i32 to index
    %swap3A_128 = arith.constant 16 : index
    %swap3A_129 = tpu.vector_load %arg8[%swap3A_127, %swap3A_128] {strides = array<i32>} : memref<64x32xf32, #tpu.memory_space<vmem>>, vector<1x16xf32>,
    %swap3A_130 = vector.shape_cast %swap3A_129 : vector<1x16xf32> to vector<16xf32>
    %swap3A_131 = vector.shape_cast %broadcast_in_dim3A_0 : vector<16xf32> to vector<1x16xf32>
    tpu.vector_store %arg8[%swap3A_127, %swap3A_128], %swap3A_131 {strides = array<i32>} : memref<64x32xf32, #tpu.memory_space<vmem>>, vector<1x16xf32>,
    %swap3A_132 = arith.constant 11 : i32
    %swap3A_133 = arith.index_cast %swap3A_132 : i32 to index
    %swap3A_134 = arith.constant 0 : index
    %swap3A_135 = tpu.vector_load %arg8[%swap3A_133, %swap3A_134] {strides = array<i32>} : memref<64x32xf32, #tpu.memory_space<vmem>>, vector<1x16xf32>,
    %swap3A_136 = vector.shape_cast %swap3A_135 : vector<1x16xf32> to vector<16xf32>
    %swap3A_137 = vector.shape_cast %broadcast_in_dim3A_0 : vector<16xf32> to vector<1x16xf32>
    tpu.vector_store %arg8[%swap3A_133, %swap3A_134], %swap3A_137 {strides = array<i32>} : memref<64x32xf32, #tpu.memory_space<vmem>>, vector<1x16xf32>,
    %swap3A_138 = arith.constant 11 : i32
    %swap3A_139 = arith.index_cast %swap3A_138 : i32 to index
    %swap3A_140 = arith.constant 16 : index
    %swap3A_141 = tpu.vector_load %arg8[%swap3A_139, %swap3A_140] {strides = array<i32>} : memref<64x32xf32, #tpu.memory_space<vmem>>, vector<1x16xf32>,
    %swap3A_142 = vector.shape_cast %swap3A_141 : vector<1x16xf32> to vector<16xf32>
    %swap3A_143 = vector.shape_cast %broadcast_in_dim3A_0 : vector<16xf32> to vector<1x16xf32>
    tpu.vector_store %arg8[%swap3A_139, %swap3A_140], %swap3A_143 {strides = array<i32>} : memref<64x32xf32, #tpu.memory_space<vmem>>, vector<1x16xf32>,
    %swap3A_144 = arith.constant 12 : i32
    %swap3A_145 = arith.index_cast %swap3A_144 : i32 to index
    %swap3A_146 = arith.constant 0 : index
    %swap3A_147 = tpu.vector_load %arg8[%swap3A_145, %swap3A_146] {strides = array<i32>} : memref<64x32xf32, #tpu.memory_space<vmem>>, vector<1x16xf32>,
    %swap3A_148 = vector.shape_cast %swap3A_147 : vector<1x16xf32> to vector<16xf32>
    %swap3A_149 = vector.shape_cast %broadcast_in_dim3A_0 : vector<16xf32> to vector<1x16xf32>
    tpu.vector_store %arg8[%swap3A_145, %swap3A_146], %swap3A_149 {strides = array<i32>} : memref<64x32xf32, #tpu.memory_space<vmem>>, vector<1x16xf32>,
    %swap3A_150 = arith.constant 12 : i32
    %swap3A_151 = arith.index_cast %swap3A_150 : i32 to index
    %swap3A_152 = arith.constant 16 : index
    %swap3A_153 = tpu.vector_load %arg8[%swap3A_151, %swap3A_152] {strides = array<i32>} : memref<64x32xf32, #tpu.memory_space<vmem>>, vector<1x16xf32>,
    %swap3A_154 = vector.shape_cast %swap3A_153 : vector<1x16xf32> to vector<16xf32>
    %swap3A_155 = vector.shape_cast %broadcast_in_dim3A_0 : vector<16xf32> to vector<1x16xf32>
    tpu.vector_store %arg8[%swap3A_151, %swap3A_152], %swap3A_155 {strides = array<i32>} : memref<64x32xf32, #tpu.memory_space<vmem>>, vector<1x16xf32>,
    %swap3A_156 = arith.constant 13 : i32
    %swap3A_157 = arith.index_cast %swap3A_156 : i32 to index
    %swap3A_158 = arith.constant 0 : index
    %swap3A_159 = tpu.vector_load %arg8[%swap3A_157, %swap3A_158] {strides = array<i32>} : memref<64x32xf32, #tpu.memory_space<vmem>>, vector<1x16xf32>,
    %swap3A_160 = vector.shape_cast %swap3A_159 : vector<1x16xf32> to vector<16xf32>
    %swap3A_161 = vector.shape_cast %broadcast_in_dim3A_0 : vector<16xf32> to vector<1x16xf32>
    tpu.vector_store %arg8[%swap3A_157, %swap3A_158], %swap3A_161 {strides = array<i32>} : memref<64x32xf32, #tpu.memory_space<vmem>>, vector<1x16xf32>,
    %swap3A_162 = arith.constant 13 : i32
    %swap3A_163 = arith.index_cast %swap3A_162 : i32 to index
    %swap3A_164 = arith.constant 16 : index
    %swap3A_165 = tpu.vector_load %arg8[%swap3A_163, %swap3A_164] {strides = array<i32>} : memref<64x32xf32, #tpu.memory_space<vmem>>, vector<1x16xf32>,
    %swap3A_166 = vector.shape_cast %swap3A_165 : vector<1x16xf32> to vector<16xf32>
    %swap3A_167 = vector.shape_cast %broadcast_in_dim3A_0 : vector<16xf32> to vector<1x16xf32>
    tpu.vector_store %arg8[%swap3A_163, %swap3A_164], %swap3A_167 {strides = array<i32>} : memref<64x32xf32, #tpu.memory_space<vmem>>, vector<1x16xf32>,
    %swap3A_168 = arith.constant 14 : i32
    %swap3A_169 = arith.index_cast %swap3A_168 : i32 to index
    %swap3A_170 = arith.constant 0 : index
    %swap3A_171 = tpu.vector_load %arg8[%swap3A_169, %swap3A_170] {strides = array<i32>} : memref<64x32xf32, #tpu.memory_space<vmem>>, vector<1x16xf32>,
    %swap3A_172 = vector.shape_cast %swap3A_171 : vector<1x16xf32> to vector<16xf32>
    %swap3A_173 = vector.shape_cast %broadcast_in_dim3A_0 : vector<16xf32> to vector<1x16xf32>
    tpu.vector_store %arg8[%swap3A_169, %swap3A_170], %swap3A_173 {strides = array<i32>} : memref<64x32xf32, #tpu.memory_space<vmem>>, vector<1x16xf32>,
    %swap3A_174 = arith.constant 14 : i32
    %swap3A_175 = arith.index_cast %swap3A_174 : i32 to index
    %swap3A_176 = arith.constant 16 : index
    %swap3A_177 = tpu.vector_load %arg8[%swap3A_175, %swap3A_176] {strides = array<i32>} : memref<64x32xf32, #tpu.memory_space<vmem>>, vector<1x16xf32>,
    %swap3A_178 = vector.shape_cast %swap3A_177 : vector<1x16xf32> to vector<16xf32>
    %swap3A_179 = vector.shape_cast %broadcast_in_dim3A_0 : vector<16xf32> to vector<1x16xf32>
    tpu.vector_store %arg8[%swap3A_175, %swap3A_176], %swap3A_179 {strides = array<i32>} : memref<64x32xf32, #tpu.memory_space<vmem>>, vector<1x16xf32>,
    %swap3A_180 = arith.constant 15 : i32
    %swap3A_181 = arith.index_cast %swap3A_180 : i32 to index
    %swap3A_182 = arith.constant 0 : index
    %swap3A_183 = tpu.vector_load %arg8[%swap3A_181, %swap3A_182] {strides = array<i32>} : memref<64x32xf32, #tpu.memory_space<vmem>>, vector<1x16xf32>,
    %swap3A_184 = vector.shape_cast %swap3A_183 : vector<1x16xf32> to vector<16xf32>
    %swap3A_185 = vector.shape_cast %broadcast_in_dim3A_0 : vector<16xf32> to vector<1x16xf32>
    tpu.vector_store %arg8[%swap3A_181, %swap3A_182], %swap3A_185 {strides = array<i32>} : memref<64x32xf32, #tpu.memory_space<vmem>>, vector<1x16xf32>,
    %swap3A_186 = arith.constant 15 : i32
    %swap3A_187 = arith.index_cast %swap3A_186 : i32 to index
    %swap3A_188 = arith.constant 16 : index
    %swap3A_189 = tpu.vector_load %arg8[%swap3A_187, %swap3A_188] {strides = array<i32>} : memref<64x32xf32, #tpu.memory_space<vmem>>, vector<1x16xf32>,
    %swap3A_190 = vector.shape_cast %swap3A_189 : vector<1x16xf32> to vector<16xf32>
    %swap3A_191 = vector.shape_cast %broadcast_in_dim3A_0 : vector<16xf32> to vector<1x16xf32>
    tpu.vector_store %arg8[%swap3A_187, %swap3A_188], %swap3A_191 {strides = array<i32>} : memref<64x32xf32, #tpu.memory_space<vmem>>, vector<1x16xf32>,
    %swap3A_192 = arith.constant 16 : i32
    %swap3A_193 = arith.index_cast %swap3A_192 : i32 to index
    %swap3A_194 = arith.constant 0 : index
    %swap3A_195 = tpu.vector_load %arg8[%swap3A_193, %swap3A_194] {strides = array<i32>} : memref<64x32xf32, #tpu.memory_space<vmem>>, vector<1x16xf32>,
    %swap3A_196 = vector.shape_cast %swap3A_195 : vector<1x16xf32> to vector<16xf32>
    %swap3A_197 = vector.shape_cast %broadcast_in_dim3A_0 : vector<16xf32> to vector<1x16xf32>
    tpu.vector_store %arg8[%swap3A_193, %swap3A_194], %swap3A_197 {strides = array<i32>} : memref<64x32xf32, #tpu.memory_space<vmem>>, vector<1x16xf32>,
    %swap3A_198 = arith.constant 16 : i32
    %swap3A_199 = arith.index_cast %swap3A_198 : i32 to index
    %swap3A_200 = arith.constant 16 : index
    %swap3A_201 = tpu.vector_load %arg8[%swap3A_199, %swap3A_200] {strides = array<i32>} : memref<64x32xf32, #tpu.memory_space<vmem>>, vector<1x16xf32>,
    %swap3A_202 = vector.shape_cast %swap3A_201 : vector<1x16xf32> to vector<16xf32>
    %swap3A_203 = vector.shape_cast %broadcast_in_dim3A_0 : vector<16xf32> to vector<1x16xf32>
    tpu.vector_store %arg8[%swap3A_199, %swap3A_200], %swap3A_203 {strides = array<i32>} : memref<64x32xf32, #tpu.memory_space<vmem>>, vector<1x16xf32>,
    %swap3A_204 = arith.constant 17 : i32
    %swap3A_205 = arith.index_cast %swap3A_204 : i32 to index
    %swap3A_206 = arith.constant 0 : index
    %swap3A_207 = tpu.vector_load %arg8[%swap3A_205, %swap3A_206] {strides = array<i32>} : memref<64x32xf32, #tpu.memory_space<vmem>>, vector<1x16xf32>,
    %swap3A_208 = vector.shape_cast %swap3A_207 : vector<1x16xf32> to vector<16xf32>
    %swap3A_209 = vector.shape_cast %broadcast_in_dim3A_0 : vector<16xf32> to vector<1x16xf32>
    tpu.vector_store %arg8[%swap3A_205, %swap3A_206], %swap3A_209 {strides = array<i32>} : memref<64x32xf32, #tpu.memory_space<vmem>>, vector<1x16xf32>,
    %swap3A_210 = arith.constant 17 : i32
    %swap3A_211 = arith.index_cast %swap3A_210 : i32 to index
    %swap3A_212 = arith.constant 16 : index
    %swap3A_213 = tpu.vector_load %arg8[%swap3A_211, %swap3A_212] {strides = array<i32>} : memref<64x32xf32, #tpu.memory_space<vmem>>, vector<1x16xf32>,
    %swap3A_214 = vector.shape_cast %swap3A_213 : vector<1x16xf32> to vector<16xf32>
    %swap3A_215 = vector.shape_cast %broadcast_in_dim3A_0 : vector<16xf32> to vector<1x16xf32>
    tpu.vector_store %arg8[%swap3A_211, %swap3A_212], %swap3A_215 {strides = array<i32>} : memref<64x32xf32, #tpu.memory_space<vmem>>, vector<1x16xf32>,
    %swap3A_216 = arith.constant 18 : i32
    %swap3A_217 = arith.index_cast %swap3A_216 : i32 to index
    %swap3A_218 = arith.constant 0 : index
    %swap3A_219 = tpu.vector_load %arg8[%swap3A_217, %swap3A_218] {strides = array<i32>} : memref<64x32xf32, #tpu.memory_space<vmem>>, vector<1x16xf32>,
    %swap3A_220 = vector.shape_cast %swap3A_219 : vector<1x16xf32> to vector<16xf32>
    %swap3A_221 = vector.shape_cast %broadcast_in_dim3A_0 : vector<16xf32> to vector<1x16xf32>
    tpu.vector_store %arg8[%swap3A_217, %swap3A_218], %swap3A_221 {strides = array<i32>} : memref<64x32xf32, #tpu.memory_space<vmem>>, vector<1x16xf32>,
    %swap3A_222 = arith.constant 18 : i32
    %swap3A_223 = arith.index_cast %swap3A_222 : i32 to index
    %swap3A_224 = arith.constant 16 : index
    %swap3A_225 = tpu.vector_load %arg8[%swap3A_223, %swap3A_224] {strides = array<i32>} : memref<64x32xf32, #tpu.memory_space<vmem>>, vector<1x16xf32>,
    %swap3A_226 = vector.shape_cast %swap3A_225 : vector<1x16xf32> to vector<16xf32>
    %swap3A_227 = vector.shape_cast %broadcast_in_dim3A_0 : vector<16xf32> to vector<1x16xf32>
    tpu.vector_store %arg8[%swap3A_223, %swap3A_224], %swap3A_227 {strides = array<i32>} : memref<64x32xf32, #tpu.memory_space<vmem>>, vector<1x16xf32>,
    %swap3A_228 = arith.constant 19 : i32
    %swap3A_229 = arith.index_cast %swap3A_228 : i32 to index
    %swap3A_230 = arith.constant 0 : index
    %swap3A_231 = tpu.vector_load %arg8[%swap3A_229, %swap3A_230] {strides = array<i32>} : memref<64x32xf32, #tpu.memory_space<vmem>>, vector<1x16xf32>,
    %swap3A_232 = vector.shape_cast %swap3A_231 : vector<1x16xf32> to vector<16xf32>
    %swap3A_233 = vector.shape_cast %broadcast_in_dim3A_0 : vector<16xf32> to vector<1x16xf32>
    tpu.vector_store %arg8[%swap3A_229, %swap3A_230], %swap3A_233 {strides = array<i32>} : memref<64x32xf32, #tpu.memory_space<vmem>>, vector<1x16xf32>,
    %swap3A_234 = arith.constant 19 : i32
    %swap3A_235 = arith.index_cast %swap3A_234 : i32 to index
    %swap3A_236 = arith.constant 16 : index
    %swap3A_237 = tpu.vector_load %arg8[%swap3A_235, %swap3A_236] {strides = array<i32>} : memref<64x32xf32, #tpu.memory_space<vmem>>, vector<1x16xf32>,
    %swap3A_238 = vector.shape_cast %swap3A_237 : vector<1x16xf32> to vector<16xf32>
    %swap3A_239 = vector.shape_cast %broadcast_in_dim3A_0 : vector<16xf32> to vector<1x16xf32>
    tpu.vector_store %arg8[%swap3A_235, %swap3A_236], %swap3A_239 {strides = array<i32>} : memref<64x32xf32, #tpu.memory_space<vmem>>, vector<1x16xf32>,
    %swap3A_240 = arith.constant 20 : i32
    %swap3A_241 = arith.index_cast %swap3A_240 : i32 to index
    %swap3A_242 = arith.constant 0 : index
    %swap3A_243 = tpu.vector_load %arg8[%swap3A_241, %swap3A_242] {strides = array<i32>} : memref<64x32xf32, #tpu.memory_space<vmem>>, vector<1x16xf32>,
    %swap3A_244 = vector.shape_cast %swap3A_243 : vector<1x16xf32> to vector<16xf32>
    %swap3A_245 = vector.shape_cast %broadcast_in_dim3A_0 : vector<16xf32> to vector<1x16xf32>
    tpu.vector_store %arg8[%swap3A_241, %swap3A_242], %swap3A_245 {strides = array<i32>} : memref<64x32xf32, #tpu.memory_space<vmem>>, vector<1x16xf32>,
    %swap3A_246 = arith.constant 20 : i32
    %swap3A_247 = arith.index_cast %swap3A_246 : i32 to index
    %swap3A_248 = arith.constant 16 : index
    %swap3A_249 = tpu.vector_load %arg8[%swap3A_247, %swap3A_248] {strides = array<i32>} : memref<64x32xf32, #tpu.memory_space<vmem>>, vector<1x16xf32>,
    %swap3A_250 = vector.shape_cast %swap3A_249 : vector<1x16xf32> to vector<16xf32>
    %swap3A_251 = vector.shape_cast %broadcast_in_dim3A_0 : vector<16xf32> to vector<1x16xf32>
    tpu.vector_store %arg8[%swap3A_247, %swap3A_248], %swap3A_251 {strides = array<i32>} : memref<64x32xf32, #tpu.memory_space<vmem>>, vector<1x16xf32>,
    %swap3A_252 = arith.constant 21 : i32
    %swap3A_253 = arith.index_cast %swap3A_252 : i32 to index
    %swap3A_254 = arith.constant 0 : index
    %swap3A_255 = tpu.vector_load %arg8[%swap3A_253, %swap3A_254] {strides = array<i32>} : memref<64x32xf32, #tpu.memory_space<vmem>>, vector<1x16xf32>,
    %swap3A_256 = vector.shape_cast %swap3A_255 : vector<1x16xf32> to vector<16xf32>
    %swap3A_257 = vector.shape_cast %broadcast_in_dim3A_0 : vector<16xf32> to vector<1x16xf32>
    tpu.vector_store %arg8[%swap3A_253, %swap3A_254], %swap3A_257 {strides = array<i32>} : memref<64x32xf32, #tpu.memory_space<vmem>>, vector<1x16xf32>,
    %swap3A_258 = arith.constant 21 : i32
    %swap3A_259 = arith.index_cast %swap3A_258 : i32 to index
    %swap3A_260 = arith.constant 16 : index
    %swap3A_261 = tpu.vector_load %arg8[%swap3A_259, %swap3A_260] {strides = array<i32>} : memref<64x32xf32, #tpu.memory_space<vmem>>, vector<1x16xf32>,
    %swap3A_262 = vector.shape_cast %swap3A_261 : vector<1x16xf32> to vector<16xf32>
    %swap3A_263 = vector.shape_cast %broadcast_in_dim3A_0 : vector<16xf32> to vector<1x16xf32>
    tpu.vector_store %arg8[%swap3A_259, %swap3A_260], %swap3A_263 {strides = array<i32>} : memref<64x32xf32, #tpu.memory_space<vmem>>, vector<1x16xf32>,
    %swap3A_264 = arith.constant 22 : i32
    %swap3A_265 = arith.index_cast %swap3A_264 : i32 to index
    %swap3A_266 = arith.constant 0 : index
    %swap3A_267 = tpu.vector_load %arg8[%swap3A_265, %swap3A_266] {strides = array<i32>} : memref<64x32xf32, #tpu.memory_space<vmem>>, vector<1x16xf32>,
    %swap3A_268 = vector.shape_cast %swap3A_267 : vector<1x16xf32> to vector<16xf32>
    %swap3A_269 = vector.shape_cast %broadcast_in_dim3A_0 : vector<16xf32> to vector<1x16xf32>
    tpu.vector_store %arg8[%swap3A_265, %swap3A_266], %swap3A_269 {strides = array<i32>} : memref<64x32xf32, #tpu.memory_space<vmem>>, vector<1x16xf32>,
    %swap3A_270 = arith.constant 22 : i32
    %swap3A_271 = arith.index_cast %swap3A_270 : i32 to index
    %swap3A_272 = arith.constant 16 : index
    %swap3A_273 = tpu.vector_load %arg8[%swap3A_271, %swap3A_272] {strides = array<i32>} : memref<64x32xf32, #tpu.memory_space<vmem>>, vector<1x16xf32>,
    %swap3A_274 = vector.shape_cast %swap3A_273 : vector<1x16xf32> to vector<16xf32>
    %swap3A_275 = vector.shape_cast %broadcast_in_dim3A_0 : vector<16xf32> to vector<1x16xf32>
    tpu.vector_store %arg8[%swap3A_271, %swap3A_272], %swap3A_275 {strides = array<i32>} : memref<64x32xf32, #tpu.memory_space<vmem>>, vector<1x16xf32>,
    %swap3A_276 = arith.constant 23 : i32
    %swap3A_277 = arith.index_cast %swap3A_276 : i32 to index
    %swap3A_278 = arith.constant 0 : index
    %swap3A_279 = tpu.vector_load %arg8[%swap3A_277, %swap3A_278] {strides = array<i32>} : memref<64x32xf32, #tpu.memory_space<vmem>>, vector<1x16xf32>,
    %swap3A_280 = vector.shape_cast %swap3A_279 : vector<1x16xf32> to vector<16xf32>
    %swap3A_281 = vector.shape_cast %broadcast_in_dim3A_0 : vector<16xf32> to vector<1x16xf32>
    tpu.vector_store %arg8[%swap3A_277, %swap3A_278], %swap3A_281 {strides = array<i32>} : memref<64x32xf32, #tpu.memory_space<vmem>>, vector<1x16xf32>,
    %swap3A_282 = arith.constant 23 : i32
    %swap3A_283 = arith.index_cast %swap3A_282 : i32 to index
    %swap3A_284 = arith.constant 16 : index
    %swap3A_285 = tpu.vector_load %arg8[%swap3A_283, %swap3A_284] {strides = array<i32>} : memref<64x32xf32, #tpu.memory_space<vmem>>, vector<1x16xf32>,
    %swap3A_286 = vector.shape_cast %swap3A_285 : vector<1x16xf32> to vector<16xf32>
    %swap3A_287 = vector.shape_cast %broadcast_in_dim3A_0 : vector<16xf32> to vector<1x16xf32>
    tpu.vector_store %arg8[%swap3A_283, %swap3A_284], %swap3A_287 {strides = array<i32>} : memref<64x32xf32, #tpu.memory_space<vmem>>, vector<1x16xf32>,
    %swap3A_288 = arith.constant 24 : i32
    %swap3A_289 = arith.index_cast %swap3A_288 : i32 to index
    %swap3A_290 = arith.constant 0 : index
    %swap3A_291 = tpu.vector_load %arg8[%swap3A_289, %swap3A_290] {strides = array<i32>} : memref<64x32xf32, #tpu.memory_space<vmem>>, vector<1x16xf32>,
    %swap3A_292 = vector.shape_cast %swap3A_291 : vector<1x16xf32> to vector<16xf32>
    %swap3A_293 = vector.shape_cast %broadcast_in_dim3A_0 : vector<16xf32> to vector<1x16xf32>
    tpu.vector_store %arg8[%swap3A_289, %swap3A_290], %swap3A_293 {strides = array<i32>} : memref<64x32xf32, #tpu.memory_space<vmem>>, vector<1x16xf32>,
    %swap3A_294 = arith.constant 24 : i32
    %swap3A_295 = arith.index_cast %swap3A_294 : i32 to index
    %swap3A_296 = arith.constant 16 : index
    %swap3A_297 = tpu.vector_load %arg8[%swap3A_295, %swap3A_296] {strides = array<i32>} : memref<64x32xf32, #tpu.memory_space<vmem>>, vector<1x16xf32>,
    %swap3A_298 = vector.shape_cast %swap3A_297 : vector<1x16xf32> to vector<16xf32>
    %swap3A_299 = vector.shape_cast %broadcast_in_dim3A_0 : vector<16xf32> to vector<1x16xf32>
    tpu.vector_store %arg8[%swap3A_295, %swap3A_296], %swap3A_299 {strides = array<i32>} : memref<64x32xf32, #tpu.memory_space<vmem>>, vector<1x16xf32>,
    %swap3A_300 = arith.constant 25 : i32
    %swap3A_301 = arith.index_cast %swap3A_300 : i32 to index
    %swap3A_302 = arith.constant 0 : index
    %swap3A_303 = tpu.vector_load %arg8[%swap3A_301, %swap3A_302] {strides = array<i32>} : memref<64x32xf32, #tpu.memory_space<vmem>>, vector<1x16xf32>,
    %swap3A_304 = vector.shape_cast %swap3A_303 : vector<1x16xf32> to vector<16xf32>
    %swap3A_305 = vector.shape_cast %broadcast_in_dim3A_0 : vector<16xf32> to vector<1x16xf32>
    tpu.vector_store %arg8[%swap3A_301, %swap3A_302], %swap3A_305 {strides = array<i32>} : memref<64x32xf32, #tpu.memory_space<vmem>>, vector<1x16xf32>,
    %swap3A_306 = arith.constant 25 : i32
    %swap3A_307 = arith.index_cast %swap3A_306 : i32 to index
    %swap3A_308 = arith.constant 16 : index
    %swap3A_309 = tpu.vector_load %arg8[%swap3A_307, %swap3A_308] {strides = array<i32>} : memref<64x32xf32, #tpu.memory_space<vmem>>, vector<1x16xf32>,
    %swap3A_310 = vector.shape_cast %swap3A_309 : vector<1x16xf32> to vector<16xf32>
    %swap3A_311 = vector.shape_cast %broadcast_in_dim3A_0 : vector<16xf32> to vector<1x16xf32>
    tpu.vector_store %arg8[%swap3A_307, %swap3A_308], %swap3A_311 {strides = array<i32>} : memref<64x32xf32, #tpu.memory_space<vmem>>, vector<1x16xf32>,
    %swap3A_312 = arith.constant 26 : i32
    %swap3A_313 = arith.index_cast %swap3A_312 : i32 to index
    %swap3A_314 = arith.constant 0 : index
    %swap3A_315 = tpu.vector_load %arg8[%swap3A_313, %swap3A_314] {strides = array<i32>} : memref<64x32xf32, #tpu.memory_space<vmem>>, vector<1x16xf32>,
    %swap3A_316 = vector.shape_cast %swap3A_315 : vector<1x16xf32> to vector<16xf32>
    %swap3A_317 = vector.shape_cast %broadcast_in_dim3A_0 : vector<16xf32> to vector<1x16xf32>
    tpu.vector_store %arg8[%swap3A_313, %swap3A_314], %swap3A_317 {strides = array<i32>} : memref<64x32xf32, #tpu.memory_space<vmem>>, vector<1x16xf32>,
    %swap3A_318 = arith.constant 26 : i32
    %swap3A_319 = arith.index_cast %swap3A_318 : i32 to index
    %swap3A_320 = arith.constant 16 : index
    %swap3A_321 = tpu.vector_load %arg8[%swap3A_319, %swap3A_320] {strides = array<i32>} : memref<64x32xf32, #tpu.memory_space<vmem>>, vector<1x16xf32>,
    %swap3A_322 = vector.shape_cast %swap3A_321 : vector<1x16xf32> to vector<16xf32>
    %swap3A_323 = vector.shape_cast %broadcast_in_dim3A_0 : vector<16xf32> to vector<1x16xf32>
    tpu.vector_store %arg8[%swap3A_319, %swap3A_320], %swap3A_323 {strides = array<i32>} : memref<64x32xf32, #tpu.memory_space<vmem>>, vector<1x16xf32>,
    %swap3A_324 = arith.constant 27 : i32
    %swap3A_325 = arith.index_cast %swap3A_324 : i32 to index
    %swap3A_326 = arith.constant 0 : index
    %swap3A_327 = tpu.vector_load %arg8[%swap3A_325, %swap3A_326] {strides = array<i32>} : memref<64x32xf32, #tpu.memory_space<vmem>>, vector<1x16xf32>,
    %swap3A_328 = vector.shape_cast %swap3A_327 : vector<1x16xf32> to vector<16xf32>
    %swap3A_329 = vector.shape_cast %broadcast_in_dim3A_0 : vector<16xf32> to vector<1x16xf32>
    tpu.vector_store %arg8[%swap3A_325, %swap3A_326], %swap3A_329 {strides = array<i32>} : memref<64x32xf32, #tpu.memory_space<vmem>>, vector<1x16xf32>,
    %swap3A_330 = arith.constant 27 : i32
    %swap3A_331 = arith.index_cast %swap3A_330 : i32 to index
    %swap3A_332 = arith.constant 16 : index
    %swap3A_333 = tpu.vector_load %arg8[%swap3A_331, %swap3A_332] {strides = array<i32>} : memref<64x32xf32, #tpu.memory_space<vmem>>, vector<1x16xf32>,
    %swap3A_334 = vector.shape_cast %swap3A_333 : vector<1x16xf32> to vector<16xf32>
    %swap3A_335 = vector.shape_cast %broadcast_in_dim3A_0 : vector<16xf32> to vector<1x16xf32>
    tpu.vector_store %arg8[%swap3A_331, %swap3A_332], %swap3A_335 {strides = array<i32>} : memref<64x32xf32, #tpu.memory_space<vmem>>, vector<1x16xf32>,
    %swap3A_336 = arith.constant 28 : i32
    %swap3A_337 = arith.index_cast %swap3A_336 : i32 to index
    %swap3A_338 = arith.constant 0 : index
    %swap3A_339 = tpu.vector_load %arg8[%swap3A_337, %swap3A_338] {strides = array<i32>} : memref<64x32xf32, #tpu.memory_space<vmem>>, vector<1x16xf32>,
    %swap3A_340 = vector.shape_cast %swap3A_339 : vector<1x16xf32> to vector<16xf32>
    %swap3A_341 = vector.shape_cast %broadcast_in_dim3A_0 : vector<16xf32> to vector<1x16xf32>
    tpu.vector_store %arg8[%swap3A_337, %swap3A_338], %swap3A_341 {strides = array<i32>} : memref<64x32xf32, #tpu.memory_space<vmem>>, vector<1x16xf32>,
    %swap3A_342 = arith.constant 28 : i32
    %swap3A_343 = arith.index_cast %swap3A_342 : i32 to index
    %swap3A_344 = arith.constant 16 : index
    %swap3A_345 = tpu.vector_load %arg8[%swap3A_343, %swap3A_344] {strides = array<i32>} : memref<64x32xf32, #tpu.memory_space<vmem>>, vector<1x16xf32>,
    %swap3A_346 = vector.shape_cast %swap3A_345 : vector<1x16xf32> to vector<16xf32>
    %swap3A_347 = vector.shape_cast %broadcast_in_dim3A_0 : vector<16xf32> to vector<1x16xf32>
    tpu.vector_store %arg8[%swap3A_343, %swap3A_344], %swap3A_347 {strides = array<i32>} : memref<64x32xf32, #tpu.memory_space<vmem>>, vector<1x16xf32>,
    %swap3A_348 = arith.constant 29 : i32
    %swap3A_349 = arith.index_cast %swap3A_348 : i32 to index
    %swap3A_350 = arith.constant 0 : index
    %swap3A_351 = tpu.vector_load %arg8[%swap3A_349, %swap3A_350] {strides = array<i32>} : memref<64x32xf32, #tpu.memory_space<vmem>>, vector<1x16xf32>,
    %swap3A_352 = vector.shape_cast %swap3A_351 : vector<1x16xf32> to vector<16xf32>
    %swap3A_353 = vector.shape_cast %broadcast_in_dim3A_0 : vector<16xf32> to vector<1x16xf32>
    tpu.vector_store %arg8[%swap3A_349, %swap3A_350], %swap3A_353 {strides = array<i32>} : memref<64x32xf32, #tpu.memory_space<vmem>>, vector<1x16xf32>,
    %swap3A_354 = arith.constant 29 : i32
    %swap3A_355 = arith.index_cast %swap3A_354 : i32 to index
    %swap3A_356 = arith.constant 16 : index
    %swap3A_357 = tpu.vector_load %arg8[%swap3A_355, %swap3A_356] {strides = array<i32>} : memref<64x32xf32, #tpu.memory_space<vmem>>, vector<1x16xf32>,
    %swap3A_358 = vector.shape_cast %swap3A_357 : vector<1x16xf32> to vector<16xf32>
    %swap3A_359 = vector.shape_cast %broadcast_in_dim3A_0 : vector<16xf32> to vector<1x16xf32>
    tpu.vector_store %arg8[%swap3A_355, %swap3A_356], %swap3A_359 {strides = array<i32>} : memref<64x32xf32, #tpu.memory_space<vmem>>, vector<1x16xf32>,
    %swap3A_360 = arith.constant 30 : i32
    %swap3A_361 = arith.index_cast %swap3A_360 : i32 to index
    %swap3A_362 = arith.constant 0 : index
    %swap3A_363 = tpu.vector_load %arg8[%swap3A_361, %swap3A_362] {strides = array<i32>} : memref<64x32xf32, #tpu.memory_space<vmem>>, vector<1x16xf32>,
    %swap3A_364 = vector.shape_cast %swap3A_363 : vector<1x16xf32> to vector<16xf32>
    %swap3A_365 = vector.shape_cast %broadcast_in_dim3A_0 : vector<16xf32> to vector<1x16xf32>
    tpu.vector_store %arg8[%swap3A_361, %swap3A_362], %swap3A_365 {strides = array<i32>} : memref<64x32xf32, #tpu.memory_space<vmem>>, vector<1x16xf32>,
    %swap3A_366 = arith.constant 30 : i32
    %swap3A_367 = arith.index_cast %swap3A_366 : i32 to index
    %swap3A_368 = arith.constant 16 : index
    %swap3A_369 = tpu.vector_load %arg8[%swap3A_367, %swap3A_368] {strides = array<i32>} : memref<64x32xf32, #tpu.memory_space<vmem>>, vector<1x16xf32>,
    %swap3A_370 = vector.shape_cast %swap3A_369 : vector<1x16xf32> to vector<16xf32>
    %swap3A_371 = vector.shape_cast %broadcast_in_dim3A_0 : vector<16xf32> to vector<1x16xf32>
    tpu.vector_store %arg8[%swap3A_367, %swap3A_368], %swap3A_371 {strides = array<i32>} : memref<64x32xf32, #tpu.memory_space<vmem>>, vector<1x16xf32>,
    %swap3A_372 = arith.constant 31 : i32
    %swap3A_373 = arith.index_cast %swap3A_372 : i32 to index
    %swap3A_374 = arith.constant 0 : index
    %swap3A_375 = tpu.vector_load %arg8[%swap3A_373, %swap3A_374] {strides = array<i32>} : memref<64x32xf32, #tpu.memory_space<vmem>>, vector<1x16xf32>,
    %swap3A_376 = vector.shape_cast %swap3A_375 : vector<1x16xf32> to vector<16xf32>
    %swap3A_377 = vector.shape_cast %broadcast_in_dim3A_0 : vector<16xf32> to vector<1x16xf32>
    tpu.vector_store %arg8[%swap3A_373, %swap3A_374], %swap3A_377 {strides = array<i32>} : memref<64x32xf32, #tpu.memory_space<vmem>>, vector<1x16xf32>,
    %swap3A_378 = arith.constant 31 : i32
    %swap3A_379 = arith.index_cast %swap3A_378 : i32 to index
    %swap3A_380 = arith.constant 16 : index
    %swap3A_381 = tpu.vector_load %arg8[%swap3A_379, %swap3A_380] {strides = array<i32>} : memref<64x32xf32, #tpu.memory_space<vmem>>, vector<1x16xf32>,
    %swap3A_382 = vector.shape_cast %swap3A_381 : vector<1x16xf32> to vector<16xf32>
    %swap3A_383 = vector.shape_cast %broadcast_in_dim3A_0 : vector<16xf32> to vector<1x16xf32>
    tpu.vector_store %arg8[%swap3A_379, %swap3A_380], %swap3A_383 {strides = array<i32>} : memref<64x32xf32, #tpu.memory_space<vmem>>, vector<1x16xf32>,
    %swap3A_384 = arith.constant 32 : i32
    %swap3A_385 = arith.index_cast %swap3A_384 : i32 to index
    %swap3A_386 = arith.constant 0 : index
    %swap3A_387 = tpu.vector_load %arg8[%swap3A_385, %swap3A_386] {strides = array<i32>} : memref<64x32xf32, #tpu.memory_space<vmem>>, vector<1x16xf32>,
    %swap3A_388 = vector.shape_cast %swap3A_387 : vector<1x16xf32> to vector<16xf32>
    %swap3A_389 = vector.shape_cast %broadcast_in_dim3A_0 : vector<16xf32> to vector<1x16xf32>
    tpu.vector_store %arg8[%swap3A_385, %swap3A_386], %swap3A_389 {strides = array<i32>} : memref<64x32xf32, #tpu.memory_space<vmem>>, vector<1x16xf32>,
    %swap3A_390 = arith.constant 32 : i32
    %swap3A_391 = arith.index_cast %swap3A_390 : i32 to index
    %swap3A_392 = arith.constant 16 : index
    %swap3A_393 = tpu.vector_load %arg8[%swap3A_391, %swap3A_392] {strides = array<i32>} : memref<64x32xf32, #tpu.memory_space<vmem>>, vector<1x16xf32>,
    %swap3A_394 = vector.shape_cast %swap3A_393 : vector<1x16xf32> to vector<16xf32>
    %swap3A_395 = vector.shape_cast %broadcast_in_dim3A_0 : vector<16xf32> to vector<1x16xf32>
    tpu.vector_store %arg8[%swap3A_391, %swap3A_392], %swap3A_395 {strides = array<i32>} : memref<64x32xf32, #tpu.memory_space<vmem>>, vector<1x16xf32>,
    %swap3A_396 = arith.constant 33 : i32
    %swap3A_397 = arith.index_cast %swap3A_396 : i32 to index
    %swap3A_398 = arith.constant 0 : index
    %swap3A_399 = tpu.vector_load %arg8[%swap3A_397, %swap3A_398] {strides = array<i32>} : memref<64x32xf32, #tpu.memory_space<vmem>>, vector<1x16xf32>,
    %swap3A_400 = vector.shape_cast %swap3A_399 : vector<1x16xf32> to vector<16xf32>
    %swap3A_401 = vector.shape_cast %broadcast_in_dim3A_0 : vector<16xf32> to vector<1x16xf32>
    tpu.vector_store %arg8[%swap3A_397, %swap3A_398], %swap3A_401 {strides = array<i32>} : memref<64x32xf32, #tpu.memory_space<vmem>>, vector<1x16xf32>,
    %swap3A_402 = arith.constant 33 : i32
    %swap3A_403 = arith.index_cast %swap3A_402 : i32 to index
    %swap3A_404 = arith.constant 16 : index
    %swap3A_405 = tpu.vector_load %arg8[%swap3A_403, %swap3A_404] {strides = array<i32>} : memref<64x32xf32, #tpu.memory_space<vmem>>, vector<1x16xf32>,
    %swap3A_406 = vector.shape_cast %swap3A_405 : vector<1x16xf32> to vector<16xf32>
    %swap3A_407 = vector.shape_cast %broadcast_in_dim3A_0 : vector<16xf32> to vector<1x16xf32>
    tpu.vector_store %arg8[%swap3A_403, %swap3A_404], %swap3A_407 {strides = array<i32>} : memref<64x32xf32, #tpu.memory_space<vmem>>, vector<1x16xf32>,
    %swap3A_408 = arith.constant 34 : i32
    %swap3A_409 = arith.index_cast %swap3A_408 : i32 to index
    %swap3A_410 = arith.constant 0 : index
    %swap3A_411 = tpu.vector_load %arg8[%swap3A_409, %swap3A_410] {strides = array<i32>} : memref<64x32xf32, #tpu.memory_space<vmem>>, vector<1x16xf32>,
    %swap3A_412 = vector.shape_cast %swap3A_411 : vector<1x16xf32> to vector<16xf32>
    %swap3A_413 = vector.shape_cast %broadcast_in_dim3A_0 : vector<16xf32> to vector<1x16xf32>
    tpu.vector_store %arg8[%swap3A_409, %swap3A_410], %swap3A_413 {strides = array<i32>} : memref<64x32xf32, #tpu.memory_space<vmem>>, vector<1x16xf32>,
    %swap3A_414 = arith.constant 34 : i32
    %swap3A_415 = arith.index_cast %swap3A_414 : i32 to index
    %swap3A_416 = arith.constant 16 : index
    %swap3A_417 = tpu.vector_load %arg8[%swap3A_415, %swap3A_416] {strides = array<i32>} : memref<64x32xf32, #tpu.memory_space<vmem>>, vector<1x16xf32>,
    %swap3A_418 = vector.shape_cast %swap3A_417 : vector<1x16xf32> to vector<16xf32>
    %swap3A_419 = vector.shape_cast %broadcast_in_dim3A_0 : vector<16xf32> to vector<1x16xf32>
    tpu.vector_store %arg8[%swap3A_415, %swap3A_416], %swap3A_419 {strides = array<i32>} : memref<64x32xf32, #tpu.memory_space<vmem>>, vector<1x16xf32>,
    %swap3A_420 = arith.constant 35 : i32
    %swap3A_421 = arith.index_cast %swap3A_420 : i32 to index
    %swap3A_422 = arith.constant 0 : index
    %swap3A_423 = tpu.vector_load %arg8[%swap3A_421, %swap3A_422] {strides = array<i32>} : memref<64x32xf32, #tpu.memory_space<vmem>>, vector<1x16xf32>,
    %swap3A_424 = vector.shape_cast %swap3A_423 : vector<1x16xf32> to vector<16xf32>
    %swap3A_425 = vector.shape_cast %broadcast_in_dim3A_0 : vector<16xf32> to vector<1x16xf32>
    tpu.vector_store %arg8[%swap3A_421, %swap3A_422], %swap3A_425 {strides = array<i32>} : memref<64x32xf32, #tpu.memory_space<vmem>>, vector<1x16xf32>,
    %swap3A_426 = arith.constant 35 : i32
    %swap3A_427 = arith.index_cast %swap3A_426 : i32 to index
    %swap3A_428 = arith.constant 16 : index
    %swap3A_429 = tpu.vector_load %arg8[%swap3A_427, %swap3A_428] {strides = array<i32>} : memref<64x32xf32, #tpu.memory_space<vmem>>, vector<1x16xf32>,
    %swap3A_430 = vector.shape_cast %swap3A_429 : vector<1x16xf32> to vector<16xf32>
    %swap3A_431 = vector.shape_cast %broadcast_in_dim3A_0 : vector<16xf32> to vector<1x16xf32>
    tpu.vector_store %arg8[%swap3A_427, %swap3A_428], %swap3A_431 {strides = array<i32>} : memref<64x32xf32, #tpu.memory_space<vmem>>, vector<1x16xf32>,
    %swap3A_432 = arith.constant 36 : i32
    %swap3A_433 = arith.index_cast %swap3A_432 : i32 to index
    %swap3A_434 = arith.constant 0 : index
    %swap3A_435 = tpu.vector_load %arg8[%swap3A_433, %swap3A_434] {strides = array<i32>} : memref<64x32xf32, #tpu.memory_space<vmem>>, vector<1x16xf32>,
    %swap3A_436 = vector.shape_cast %swap3A_435 : vector<1x16xf32> to vector<16xf32>
    %swap3A_437 = vector.shape_cast %broadcast_in_dim3A_0 : vector<16xf32> to vector<1x16xf32>
    tpu.vector_store %arg8[%swap3A_433, %swap3A_434], %swap3A_437 {strides = array<i32>} : memref<64x32xf32, #tpu.memory_space<vmem>>, vector<1x16xf32>,
    %swap3A_438 = arith.constant 36 : i32
    %swap3A_439 = arith.index_cast %swap3A_438 : i32 to index
    %swap3A_440 = arith.constant 16 : index
    %swap3A_441 = tpu.vector_load %arg8[%swap3A_439, %swap3A_440] {strides = array<i32>} : memref<64x32xf32, #tpu.memory_space<vmem>>, vector<1x16xf32>,
    %swap3A_442 = vector.shape_cast %swap3A_441 : vector<1x16xf32> to vector<16xf32>
    %swap3A_443 = vector.shape_cast %broadcast_in_dim3A_0 : vector<16xf32> to vector<1x16xf32>
    tpu.vector_store %arg8[%swap3A_439, %swap3A_440], %swap3A_443 {strides = array<i32>} : memref<64x32xf32, #tpu.memory_space<vmem>>, vector<1x16xf32>,
    %swap3A_444 = arith.constant 37 : i32
    %swap3A_445 = arith.index_cast %swap3A_444 : i32 to index
    %swap3A_446 = arith.constant 0 : index
    %swap3A_447 = tpu.vector_load %arg8[%swap3A_445, %swap3A_446] {strides = array<i32>} : memref<64x32xf32, #tpu.memory_space<vmem>>, vector<1x16xf32>,
    %swap3A_448 = vector.shape_cast %swap3A_447 : vector<1x16xf32> to vector<16xf32>
    %swap3A_449 = vector.shape_cast %broadcast_in_dim3A_0 : vector<16xf32> to vector<1x16xf32>
    tpu.vector_store %arg8[%swap3A_445, %swap3A_446], %swap3A_449 {strides = array<i32>} : memref<64x32xf32, #tpu.memory_space<vmem>>, vector<1x16xf32>,
    %swap3A_450 = arith.constant 37 : i32
    %swap3A_451 = arith.index_cast %swap3A_450 : i32 to index
    %swap3A_452 = arith.constant 16 : index
    %swap3A_453 = tpu.vector_load %arg8[%swap3A_451, %swap3A_452] {strides = array<i32>} : memref<64x32xf32, #tpu.memory_space<vmem>>, vector<1x16xf32>,
    %swap3A_454 = vector.shape_cast %swap3A_453 : vector<1x16xf32> to vector<16xf32>
    %swap3A_455 = vector.shape_cast %broadcast_in_dim3A_0 : vector<16xf32> to vector<1x16xf32>
    tpu.vector_store %arg8[%swap3A_451, %swap3A_452], %swap3A_455 {strides = array<i32>} : memref<64x32xf32, #tpu.memory_space<vmem>>, vector<1x16xf32>,
    %swap3A_456 = arith.constant 38 : i32
    %swap3A_457 = arith.index_cast %swap3A_456 : i32 to index
    %swap3A_458 = arith.constant 0 : index
    %swap3A_459 = tpu.vector_load %arg8[%swap3A_457, %swap3A_458] {strides = array<i32>} : memref<64x32xf32, #tpu.memory_space<vmem>>, vector<1x16xf32>,
    %swap3A_460 = vector.shape_cast %swap3A_459 : vector<1x16xf32> to vector<16xf32>
    %swap3A_461 = vector.shape_cast %broadcast_in_dim3A_0 : vector<16xf32> to vector<1x16xf32>
    tpu.vector_store %arg8[%swap3A_457, %swap3A_458], %swap3A_461 {strides = array<i32>} : memref<64x32xf32, #tpu.memory_space<vmem>>, vector<1x16xf32>,
    %swap3A_462 = arith.constant 38 : i32
    %swap3A_463 = arith.index_cast %swap3A_462 : i32 to index
    %swap3A_464 = arith.constant 16 : index
    %swap3A_465 = tpu.vector_load %arg8[%swap3A_463, %swap3A_464] {strides = array<i32>} : memref<64x32xf32, #tpu.memory_space<vmem>>, vector<1x16xf32>,
    %swap3A_466 = vector.shape_cast %swap3A_465 : vector<1x16xf32> to vector<16xf32>
    %swap3A_467 = vector.shape_cast %broadcast_in_dim3A_0 : vector<16xf32> to vector<1x16xf32>
    tpu.vector_store %arg8[%swap3A_463, %swap3A_464], %swap3A_467 {strides = array<i32>} : memref<64x32xf32, #tpu.memory_space<vmem>>, vector<1x16xf32>,
    %swap3A_468 = arith.constant 39 : i32
    %swap3A_469 = arith.index_cast %swap3A_468 : i32 to index
    %swap3A_470 = arith.constant 0 : index
    %swap3A_471 = tpu.vector_load %arg8[%swap3A_469, %swap3A_470] {strides = array<i32>} : memref<64x32xf32, #tpu.memory_space<vmem>>, vector<1x16xf32>,
    %swap3A_472 = vector.shape_cast %swap3A_471 : vector<1x16xf32> to vector<16xf32>
    %swap3A_473 = vector.shape_cast %broadcast_in_dim3A_0 : vector<16xf32> to vector<1x16xf32>
    tpu.vector_store %arg8[%swap3A_469, %swap3A_470], %swap3A_473 {strides = array<i32>} : memref<64x32xf32, #tpu.memory_space<vmem>>, vector<1x16xf32>,
    %swap3A_474 = arith.constant 39 : i32
    %swap3A_475 = arith.index_cast %swap3A_474 : i32 to index
    %swap3A_476 = arith.constant 16 : index
    %swap3A_477 = tpu.vector_load %arg8[%swap3A_475, %swap3A_476] {strides = array<i32>} : memref<64x32xf32, #tpu.memory_space<vmem>>, vector<1x16xf32>,
    %swap3A_478 = vector.shape_cast %swap3A_477 : vector<1x16xf32> to vector<16xf32>
    %swap3A_479 = vector.shape_cast %broadcast_in_dim3A_0 : vector<16xf32> to vector<1x16xf32>
    tpu.vector_store %arg8[%swap3A_475, %swap3A_476], %swap3A_479 {strides = array<i32>} : memref<64x32xf32, #tpu.memory_space<vmem>>, vector<1x16xf32>,
    %swap3A_480 = arith.constant 40 : i32
    %swap3A_481 = arith.index_cast %swap3A_480 : i32 to index
    %swap3A_482 = arith.constant 0 : index
    %swap3A_483 = tpu.vector_load %arg8[%swap3A_481, %swap3A_482] {strides = array<i32>} : memref<64x32xf32, #tpu.memory_space<vmem>>, vector<1x16xf32>,
    %swap3A_484 = vector.shape_cast %swap3A_483 : vector<1x16xf32> to vector<16xf32>
    %swap3A_485 = vector.shape_cast %broadcast_in_dim3A_0 : vector<16xf32> to vector<1x16xf32>
    tpu.vector_store %arg8[%swap3A_481, %swap3A_482], %swap3A_485 {strides = array<i32>} : memref<64x32xf32, #tpu.memory_space<vmem>>, vector<1x16xf32>,
    %swap3A_486 = arith.constant 40 : i32
    %swap3A_487 = arith.index_cast %swap3A_486 : i32 to index
    %swap3A_488 = arith.constant 16 : index
    %swap3A_489 = tpu.vector_load %arg8[%swap3A_487, %swap3A_488] {strides = array<i32>} : memref<64x32xf32, #tpu.memory_space<vmem>>, vector<1x16xf32>,
    %swap3A_490 = vector.shape_cast %swap3A_489 : vector<1x16xf32> to vector<16xf32>
    %swap3A_491 = vector.shape_cast %broadcast_in_dim3A_0 : vector<16xf32> to vector<1x16xf32>
    tpu.vector_store %arg8[%swap3A_487, %swap3A_488], %swap3A_491 {strides = array<i32>} : memref<64x32xf32, #tpu.memory_space<vmem>>, vector<1x16xf32>,
    %swap3A_492 = arith.constant 41 : i32
    %swap3A_493 = arith.index_cast %swap3A_492 : i32 to index
    %swap3A_494 = arith.constant 0 : index
    %swap3A_495 = tpu.vector_load %arg8[%swap3A_493, %swap3A_494] {strides = array<i32>} : memref<64x32xf32, #tpu.memory_space<vmem>>, vector<1x16xf32>,
    %swap3A_496 = vector.shape_cast %swap3A_495 : vector<1x16xf32> to vector<16xf32>
    %swap3A_497 = vector.shape_cast %broadcast_in_dim3A_0 : vector<16xf32> to vector<1x16xf32>
    tpu.vector_store %arg8[%swap3A_493, %swap3A_494], %swap3A_497 {strides = array<i32>} : memref<64x32xf32, #tpu.memory_space<vmem>>, vector<1x16xf32>,
    %swap3A_498 = arith.constant 41 : i32
    %swap3A_499 = arith.index_cast %swap3A_498 : i32 to index
    %swap3A_500 = arith.constant 16 : index
    %swap3A_501 = tpu.vector_load %arg8[%swap3A_499, %swap3A_500] {strides = array<i32>} : memref<64x32xf32, #tpu.memory_space<vmem>>, vector<1x16xf32>,
    %swap3A_502 = vector.shape_cast %swap3A_501 : vector<1x16xf32> to vector<16xf32>
    %swap3A_503 = vector.shape_cast %broadcast_in_dim3A_0 : vector<16xf32> to vector<1x16xf32>
    tpu.vector_store %arg8[%swap3A_499, %swap3A_500], %swap3A_503 {strides = array<i32>} : memref<64x32xf32, #tpu.memory_space<vmem>>, vector<1x16xf32>,
    %swap3A_504 = arith.constant 42 : i32
    %swap3A_505 = arith.index_cast %swap3A_504 : i32 to index
    %swap3A_506 = arith.constant 0 : index
    %swap3A_507 = tpu.vector_load %arg8[%swap3A_505, %swap3A_506] {strides = array<i32>} : memref<64x32xf32, #tpu.memory_space<vmem>>, vector<1x16xf32>,
    %swap3A_508 = vector.shape_cast %swap3A_507 : vector<1x16xf32> to vector<16xf32>
    %swap3A_509 = vector.shape_cast %broadcast_in_dim3A_0 : vector<16xf32> to vector<1x16xf32>
    tpu.vector_store %arg8[%swap3A_505, %swap3A_506], %swap3A_509 {strides = array<i32>} : memref<64x32xf32, #tpu.memory_space<vmem>>, vector<1x16xf32>,
    %swap3A_510 = arith.constant 42 : i32
    %swap3A_511 = arith.index_cast %swap3A_510 : i32 to index
    %swap3A_512 = arith.constant 16 : index
    %swap3A_513 = tpu.vector_load %arg8[%swap3A_511, %swap3A_512] {strides = array<i32>} : memref<64x32xf32, #tpu.memory_space<vmem>>, vector<1x16xf32>,
    %swap3A_514 = vector.shape_cast %swap3A_513 : vector<1x16xf32> to vector<16xf32>
    %swap3A_515 = vector.shape_cast %broadcast_in_dim3A_0 : vector<16xf32> to vector<1x16xf32>
    tpu.vector_store %arg8[%swap3A_511, %swap3A_512], %swap3A_515 {strides = array<i32>} : memref<64x32xf32, #tpu.memory_space<vmem>>, vector<1x16xf32>,
    %swap3A_516 = arith.constant 43 : i32
    %swap3A_517 = arith.index_cast %swap3A_516 : i32 to index
    %swap3A_518 = arith.constant 0 : index
    %swap3A_519 = tpu.vector_load %arg8[%swap3A_517, %swap3A_518] {strides = array<i32>} : memref<64x32xf32, #tpu.memory_space<vmem>>, vector<1x16xf32>,
    %swap3A_520 = vector.shape_cast %swap3A_519 : vector<1x16xf32> to vector<16xf32>
    %swap3A_521 = vector.shape_cast %broadcast_in_dim3A_0 : vector<16xf32> to vector<1x16xf32>
    tpu.vector_store %arg8[%swap3A_517, %swap3A_518], %swap3A_521 {strides = array<i32>} : memref<64x32xf32, #tpu.memory_space<vmem>>, vector<1x16xf32>,
    %swap3A_522 = arith.constant 43 : i32
    %swap3A_523 = arith.index_cast %swap3A_522 : i32 to index
    %swap3A_524 = arith.constant 16 : index
    %swap3A_525 = tpu.vector_load %arg8[%swap3A_523, %swap3A_524] {strides = array<i32>} : memref<64x32xf32, #tpu.memory_space<vmem>>, vector<1x16xf32>,
    %swap3A_526 = vector.shape_cast %swap3A_525 : vector<1x16xf32> to vector<16xf32>
    %swap3A_527 = vector.shape_cast %broadcast_in_dim3A_0 : vector<16xf32> to vector<1x16xf32>
    tpu.vector_store %arg8[%swap3A_523, %swap3A_524], %swap3A_527 {strides = array<i32>} : memref<64x32xf32, #tpu.memory_space<vmem>>, vector<1x16xf32>,
    %swap3A_528 = arith.constant 44 : i32
    %swap3A_529 = arith.index_cast %swap3A_528 : i32 to index
    %swap3A_530 = arith.constant 0 : index
    %swap3A_531 = tpu.vector_load %arg8[%swap3A_529, %swap3A_530] {strides = array<i32>} : memref<64x32xf32, #tpu.memory_space<vmem>>, vector<1x16xf32>,
    %swap3A_532 = vector.shape_cast %swap3A_531 : vector<1x16xf32> to vector<16xf32>
    %swap3A_533 = vector.shape_cast %broadcast_in_dim3A_0 : vector<16xf32> to vector<1x16xf32>
    tpu.vector_store %arg8[%swap3A_529, %swap3A_530], %swap3A_533 {strides = array<i32>} : memref<64x32xf32, #tpu.memory_space<vmem>>, vector<1x16xf32>,
    %swap3A_534 = arith.constant 44 : i32
    %swap3A_535 = arith.index_cast %swap3A_534 : i32 to index
    %swap3A_536 = arith.constant 16 : index
    %swap3A_537 = tpu.vector_load %arg8[%swap3A_535, %swap3A_536] {strides = array<i32>} : memref<64x32xf32, #tpu.memory_space<vmem>>, vector<1x16xf32>,
    %swap3A_538 = vector.shape_cast %swap3A_537 : vector<1x16xf32> to vector<16xf32>
    %swap3A_539 = vector.shape_cast %broadcast_in_dim3A_0 : vector<16xf32> to vector<1x16xf32>
    tpu.vector_store %arg8[%swap3A_535, %swap3A_536], %swap3A_539 {strides = array<i32>} : memref<64x32xf32, #tpu.memory_space<vmem>>, vector<1x16xf32>,
    %swap3A_540 = arith.constant 45 : i32
    %swap3A_541 = arith.index_cast %swap3A_540 : i32 to index
    %swap3A_542 = arith.constant 0 : index
    %swap3A_543 = tpu.vector_load %arg8[%swap3A_541, %swap3A_542] {strides = array<i32>} : memref<64x32xf32, #tpu.memory_space<vmem>>, vector<1x16xf32>,
    %swap3A_544 = vector.shape_cast %swap3A_543 : vector<1x16xf32> to vector<16xf32>
    %swap3A_545 = vector.shape_cast %broadcast_in_dim3A_0 : vector<16xf32> to vector<1x16xf32>
    tpu.vector_store %arg8[%swap3A_541, %swap3A_542], %swap3A_545 {strides = array<i32>} : memref<64x32xf32, #tpu.memory_space<vmem>>, vector<1x16xf32>,
    %swap3A_546 = arith.constant 45 : i32
    %swap3A_547 = arith.index_cast %swap3A_546 : i32 to index
    %swap3A_548 = arith.constant 16 : index
    %swap3A_549 = tpu.vector_load %arg8[%swap3A_547, %swap3A_548] {strides = array<i32>} : memref<64x32xf32, #tpu.memory_space<vmem>>, vector<1x16xf32>,
    %swap3A_550 = vector.shape_cast %swap3A_549 : vector<1x16xf32> to vector<16xf32>
    %swap3A_551 = vector.shape_cast %broadcast_in_dim3A_0 : vector<16xf32> to vector<1x16xf32>
    tpu.vector_store %arg8[%swap3A_547, %swap3A_548], %swap3A_551 {strides = array<i32>} : memref<64x32xf32, #tpu.memory_space<vmem>>, vector<1x16xf32>,
    %swap3A_552 = arith.constant 46 : i32
    %swap3A_553 = arith.index_cast %swap3A_552 : i32 to index
    %swap3A_554 = arith.constant 0 : index
    %swap3A_555 = tpu.vector_load %arg8[%swap3A_553, %swap3A_554] {strides = array<i32>} : memref<64x32xf32, #tpu.memory_space<vmem>>, vector<1x16xf32>,
    %swap3A_556 = vector.shape_cast %swap3A_555 : vector<1x16xf32> to vector<16xf32>
    %swap3A_557 = vector.shape_cast %broadcast_in_dim3A_0 : vector<16xf32> to vector<1x16xf32>
    tpu.vector_store %arg8[%swap3A_553, %swap3A_554], %swap3A_557 {strides = array<i32>} : memref<64x32xf32, #tpu.memory_space<vmem>>, vector<1x16xf32>,
    %swap3A_558 = arith.constant 46 : i32
    %swap3A_559 = arith.index_cast %swap3A_558 : i32 to index
    %swap3A_560 = arith.constant 16 : index
    %swap3A_561 = tpu.vector_load %arg8[%swap3A_559, %swap3A_560] {strides = array<i32>} : memref<64x32xf32, #tpu.memory_space<vmem>>, vector<1x16xf32>,
    %swap3A_562 = vector.shape_cast %swap3A_561 : vector<1x16xf32> to vector<16xf32>
    %swap3A_563 = vector.shape_cast %broadcast_in_dim3A_0 : vector<16xf32> to vector<1x16xf32>
    tpu.vector_store %arg8[%swap3A_559, %swap3A_560], %swap3A_563 {strides = array<i32>} : memref<64x32xf32, #tpu.memory_space<vmem>>, vector<1x16xf32>,
    %swap3A_564 = arith.constant 47 : i32
    %swap3A_565 = arith.index_cast %swap3A_564 : i32 to index
    %swap3A_566 = arith.constant 0 : index
    %swap3A_567 = tpu.vector_load %arg8[%swap3A_565, %swap3A_566] {strides = array<i32>} : memref<64x32xf32, #tpu.memory_space<vmem>>, vector<1x16xf32>,
    %swap3A_568 = vector.shape_cast %swap3A_567 : vector<1x16xf32> to vector<16xf32>
    %swap3A_569 = vector.shape_cast %broadcast_in_dim3A_0 : vector<16xf32> to vector<1x16xf32>
    tpu.vector_store %arg8[%swap3A_565, %swap3A_566], %swap3A_569 {strides = array<i32>} : memref<64x32xf32, #tpu.memory_space<vmem>>, vector<1x16xf32>,
    %swap3A_570 = arith.constant 47 : i32
    %swap3A_571 = arith.index_cast %swap3A_570 : i32 to index
    %swap3A_572 = arith.constant 16 : index
    %swap3A_573 = tpu.vector_load %arg8[%swap3A_571, %swap3A_572] {strides = array<i32>} : memref<64x32xf32, #tpu.memory_space<vmem>>, vector<1x16xf32>,
    %swap3A_574 = vector.shape_cast %swap3A_573 : vector<1x16xf32> to vector<16xf32>
    %swap3A_575 = vector.shape_cast %broadcast_in_dim3A_0 : vector<16xf32> to vector<1x16xf32>
    tpu.vector_store %arg8[%swap3A_571, %swap3A_572], %swap3A_575 {strides = array<i32>} : memref<64x32xf32, #tpu.memory_space<vmem>>, vector<1x16xf32>,
    %swap3A_576 = arith.constant 48 : i32
    %swap3A_577 = arith.index_cast %swap3A_576 : i32 to index
    %swap3A_578 = arith.constant 0 : index
    %swap3A_579 = tpu.vector_load %arg8[%swap3A_577, %swap3A_578] {strides = array<i32>} : memref<64x32xf32, #tpu.memory_space<vmem>>, vector<1x16xf32>,
    %swap3A_580 = vector.shape_cast %swap3A_579 : vector<1x16xf32> to vector<16xf32>
    %swap3A_581 = vector.shape_cast %broadcast_in_dim3A_0 : vector<16xf32> to vector<1x16xf32>
    tpu.vector_store %arg8[%swap3A_577, %swap3A_578], %swap3A_581 {strides = array<i32>} : memref<64x32xf32, #tpu.memory_space<vmem>>, vector<1x16xf32>,
    %swap3A_582 = arith.constant 48 : i32
    %swap3A_583 = arith.index_cast %swap3A_582 : i32 to index
    %swap3A_584 = arith.constant 16 : index
    %swap3A_585 = tpu.vector_load %arg8[%swap3A_583, %swap3A_584] {strides = array<i32>} : memref<64x32xf32, #tpu.memory_space<vmem>>, vector<1x16xf32>,
    %swap3A_586 = vector.shape_cast %swap3A_585 : vector<1x16xf32> to vector<16xf32>
    %swap3A_587 = vector.shape_cast %broadcast_in_dim3A_0 : vector<16xf32> to vector<1x16xf32>
    tpu.vector_store %arg8[%swap3A_583, %swap3A_584], %swap3A_587 {strides = array<i32>} : memref<64x32xf32, #tpu.memory_space<vmem>>, vector<1x16xf32>,
    %swap3A_588 = arith.constant 49 : i32
    %swap3A_589 = arith.index_cast %swap3A_588 : i32 to index
    %swap3A_590 = arith.constant 0 : index
    %swap3A_591 = tpu.vector_load %arg8[%swap3A_589, %swap3A_590] {strides = array<i32>} : memref<64x32xf32, #tpu.memory_space<vmem>>, vector<1x16xf32>,
    %swap3A_592 = vector.shape_cast %swap3A_591 : vector<1x16xf32> to vector<16xf32>
    %swap3A_593 = vector.shape_cast %broadcast_in_dim3A_0 : vector<16xf32> to vector<1x16xf32>
    tpu.vector_store %arg8[%swap3A_589, %swap3A_590], %swap3A_593 {strides = array<i32>} : memref<64x32xf32, #tpu.memory_space<vmem>>, vector<1x16xf32>,
    %swap3A_594 = arith.constant 49 : i32
    %swap3A_595 = arith.index_cast %swap3A_594 : i32 to index
    %swap3A_596 = arith.constant 16 : index
    %swap3A_597 = tpu.vector_load %arg8[%swap3A_595, %swap3A_596] {strides = array<i32>} : memref<64x32xf32, #tpu.memory_space<vmem>>, vector<1x16xf32>,
    %swap3A_598 = vector.shape_cast %swap3A_597 : vector<1x16xf32> to vector<16xf32>
    %swap3A_599 = vector.shape_cast %broadcast_in_dim3A_0 : vector<16xf32> to vector<1x16xf32>
    tpu.vector_store %arg8[%swap3A_595, %swap3A_596], %swap3A_599 {strides = array<i32>} : memref<64x32xf32, #tpu.memory_space<vmem>>, vector<1x16xf32>,
    %swap3A_600 = arith.constant 50 : i32
    %swap3A_601 = arith.index_cast %swap3A_600 : i32 to index
    %swap3A_602 = arith.constant 0 : index
    %swap3A_603 = tpu.vector_load %arg8[%swap3A_601, %swap3A_602] {strides = array<i32>} : memref<64x32xf32, #tpu.memory_space<vmem>>, vector<1x16xf32>,
    %swap3A_604 = vector.shape_cast %swap3A_603 : vector<1x16xf32> to vector<16xf32>
    %swap3A_605 = vector.shape_cast %broadcast_in_dim3A_0 : vector<16xf32> to vector<1x16xf32>
    tpu.vector_store %arg8[%swap3A_601, %swap3A_602], %swap3A_605 {strides = array<i32>} : memref<64x32xf32, #tpu.memory_space<vmem>>, vector<1x16xf32>,
    %swap3A_606 = arith.constant 50 : i32
    %swap3A_607 = arith.index_cast %swap3A_606 : i32 to index
    %swap3A_608 = arith.constant 16 : index
    %swap3A_609 = tpu.vector_load %arg8[%swap3A_607, %swap3A_608] {strides = array<i32>} : memref<64x32xf32, #tpu.memory_space<vmem>>, vector<1x16xf32>,
    %swap3A_610 = vector.shape_cast %swap3A_609 : vector<1x16xf32> to vector<16xf32>
    %swap3A_611 = vector.shape_cast %broadcast_in_dim3A_0 : vector<16xf32> to vector<1x16xf32>
    tpu.vector_store %arg8[%swap3A_607, %swap3A_608], %swap3A_611 {strides = array<i32>} : memref<64x32xf32, #tpu.memory_space<vmem>>, vector<1x16xf32>,
    %swap3A_612 = arith.constant 51 : i32
    %swap3A_613 = arith.index_cast %swap3A_612 : i32 to index
    %swap3A_614 = arith.constant 0 : index
    %swap3A_615 = tpu.vector_load %arg8[%swap3A_613, %swap3A_614] {strides = array<i32>} : memref<64x32xf32, #tpu.memory_space<vmem>>, vector<1x16xf32>,
    %swap3A_616 = vector.shape_cast %swap3A_615 : vector<1x16xf32> to vector<16xf32>
    %swap3A_617 = vector.shape_cast %broadcast_in_dim3A_0 : vector<16xf32> to vector<1x16xf32>
    tpu.vector_store %arg8[%swap3A_613, %swap3A_614], %swap3A_617 {strides = array<i32>} : memref<64x32xf32, #tpu.memory_space<vmem>>, vector<1x16xf32>,
    %swap3A_618 = arith.constant 51 : i32
    %swap3A_619 = arith.index_cast %swap3A_618 : i32 to index
    %swap3A_620 = arith.constant 16 : index
    %swap3A_621 = tpu.vector_load %arg8[%swap3A_619, %swap3A_620] {strides = array<i32>} : memref<64x32xf32, #tpu.memory_space<vmem>>, vector<1x16xf32>,
    %swap3A_622 = vector.shape_cast %swap3A_621 : vector<1x16xf32> to vector<16xf32>
    %swap3A_623 = vector.shape_cast %broadcast_in_dim3A_0 : vector<16xf32> to vector<1x16xf32>
    tpu.vector_store %arg8[%swap3A_619, %swap3A_620], %swap3A_623 {strides = array<i32>} : memref<64x32xf32, #tpu.memory_space<vmem>>, vector<1x16xf32>,
    %swap3A_624 = arith.constant 52 : i32
    %swap3A_625 = arith.index_cast %swap3A_624 : i32 to index
    %swap3A_626 = arith.constant 0 : index
    %swap3A_627 = tpu.vector_load %arg8[%swap3A_625, %swap3A_626] {strides = array<i32>} : memref<64x32xf32, #tpu.memory_space<vmem>>, vector<1x16xf32>,
    %swap3A_628 = vector.shape_cast %swap3A_627 : vector<1x16xf32> to vector<16xf32>
    %swap3A_629 = vector.shape_cast %broadcast_in_dim3A_0 : vector<16xf32> to vector<1x16xf32>
    tpu.vector_store %arg8[%swap3A_625, %swap3A_626], %swap3A_629 {strides = array<i32>} : memref<64x32xf32, #tpu.memory_space<vmem>>, vector<1x16xf32>,
    %swap3A_630 = arith.constant 52 : i32
    %swap3A_631 = arith.index_cast %swap3A_630 : i32 to index
    %swap3A_632 = arith.constant 16 : index
    %swap3A_633 = tpu.vector_load %arg8[%swap3A_631, %swap3A_632] {strides = array<i32>} : memref<64x32xf32, #tpu.memory_space<vmem>>, vector<1x16xf32>,
    %swap3A_634 = vector.shape_cast %swap3A_633 : vector<1x16xf32> to vector<16xf32>
    %swap3A_635 = vector.shape_cast %broadcast_in_dim3A_0 : vector<16xf32> to vector<1x16xf32>
    tpu.vector_store %arg8[%swap3A_631, %swap3A_632], %swap3A_635 {strides = array<i32>} : memref<64x32xf32, #tpu.memory_space<vmem>>, vector<1x16xf32>,
    %swap3A_636 = arith.constant 53 : i32
    %swap3A_637 = arith.index_cast %swap3A_636 : i32 to index
    %swap3A_638 = arith.constant 0 : index
    %swap3A_639 = tpu.vector_load %arg8[%swap3A_637, %swap3A_638] {strides = array<i32>} : memref<64x32xf32, #tpu.memory_space<vmem>>, vector<1x16xf32>,
    %swap3A_640 = vector.shape_cast %swap3A_639 : vector<1x16xf32> to vector<16xf32>
    %swap3A_641 = vector.shape_cast %broadcast_in_dim3A_0 : vector<16xf32> to vector<1x16xf32>
    tpu.vector_store %arg8[%swap3A_637, %swap3A_638], %swap3A_641 {strides = array<i32>} : memref<64x32xf32, #tpu.memory_space<vmem>>, vector<1x16xf32>,
    %swap3A_642 = arith.constant 53 : i32
    %swap3A_643 = arith.index_cast %swap3A_642 : i32 to index
    %swap3A_644 = arith.constant 16 : index
    %swap3A_645 = tpu.vector_load %arg8[%swap3A_643, %swap3A_644] {strides = array<i32>} : memref<64x32xf32, #tpu.memory_space<vmem>>, vector<1x16xf32>,
    %swap3A_646 = vector.shape_cast %swap3A_645 : vector<1x16xf32> to vector<16xf32>
    %swap3A_647 = vector.shape_cast %broadcast_in_dim3A_0 : vector<16xf32> to vector<1x16xf32>
    tpu.vector_store %arg8[%swap3A_643, %swap3A_644], %swap3A_647 {strides = array<i32>} : memref<64x32xf32, #tpu.memory_space<vmem>>, vector<1x16xf32>,
    %swap3A_648 = arith.constant 54 : i32
    %swap3A_649 = arith.index_cast %swap3A_648 : i32 to index
    %swap3A_650 = arith.constant 0 : index
    %swap3A_651 = tpu.vector_load %arg8[%swap3A_649, %swap3A_650] {strides = array<i32>} : memref<64x32xf32, #tpu.memory_space<vmem>>, vector<1x16xf32>,
    %swap3A_652 = vector.shape_cast %swap3A_651 : vector<1x16xf32> to vector<16xf32>
    %swap3A_653 = vector.shape_cast %broadcast_in_dim3A_0 : vector<16xf32> to vector<1x16xf32>
    tpu.vector_store %arg8[%swap3A_649, %swap3A_650], %swap3A_653 {strides = array<i32>} : memref<64x32xf32, #tpu.memory_space<vmem>>, vector<1x16xf32>,
    %swap3A_654 = arith.constant 54 : i32
    %swap3A_655 = arith.index_cast %swap3A_654 : i32 to index
    %swap3A_656 = arith.constant 16 : index
    %swap3A_657 = tpu.vector_load %arg8[%swap3A_655, %swap3A_656] {strides = array<i32>} : memref<64x32xf32, #tpu.memory_space<vmem>>, vector<1x16xf32>,
    %swap3A_658 = vector.shape_cast %swap3A_657 : vector<1x16xf32> to vector<16xf32>
    %swap3A_659 = vector.shape_cast %broadcast_in_dim3A_0 : vector<16xf32> to vector<1x16xf32>
    tpu.vector_store %arg8[%swap3A_655, %swap3A_656], %swap3A_659 {strides = array<i32>} : memref<64x32xf32, #tpu.memory_space<vmem>>, vector<1x16xf32>,
    %swap3A_660 = arith.constant 55 : i32
    %swap3A_661 = arith.index_cast %swap3A_660 : i32 to index
    %swap3A_662 = arith.constant 0 : index
    %swap3A_663 = tpu.vector_load %arg8[%swap3A_661, %swap3A_662] {strides = array<i32>} : memref<64x32xf32, #tpu.memory_space<vmem>>, vector<1x16xf32>,
    %swap3A_664 = vector.shape_cast %swap3A_663 : vector<1x16xf32> to vector<16xf32>
    %swap3A_665 = vector.shape_cast %broadcast_in_dim3A_0 : vector<16xf32> to vector<1x16xf32>
    tpu.vector_store %arg8[%swap3A_661, %swap3A_662], %swap3A_665 {strides = array<i32>} : memref<64x32xf32, #tpu.memory_space<vmem>>, vector<1x16xf32>,
    %swap3A_666 = arith.constant 55 : i32
    %swap3A_667 = arith.index_cast %swap3A_666 : i32 to index
    %swap3A_668 = arith.constant 16 : index
    %swap3A_669 = tpu.vector_load %arg8[%swap3A_667, %swap3A_668] {strides = array<i32>} : memref<64x32xf32, #tpu.memory_space<vmem>>, vector<1x16xf32>,
    %swap3A_670 = vector.shape_cast %swap3A_669 : vector<1x16xf32> to vector<16xf32>
    %swap3A_671 = vector.shape_cast %broadcast_in_dim3A_0 : vector<16xf32> to vector<1x16xf32>
    tpu.vector_store %arg8[%swap3A_667, %swap3A_668], %swap3A_671 {strides = array<i32>} : memref<64x32xf32, #tpu.memory_space<vmem>>, vector<1x16xf32>,
    %swap3A_672 = arith.constant 56 : i32
    %swap3A_673 = arith.index_cast %swap3A_672 : i32 to index
    %swap3A_674 = arith.constant 0 : index
    %swap3A_675 = tpu.vector_load %arg8[%swap3A_673, %swap3A_674] {strides = array<i32>} : memref<64x32xf32, #tpu.memory_space<vmem>>, vector<1x16xf32>,
    %swap3A_676 = vector.shape_cast %swap3A_675 : vector<1x16xf32> to vector<16xf32>
    %swap3A_677 = vector.shape_cast %broadcast_in_dim3A_0 : vector<16xf32> to vector<1x16xf32>
    tpu.vector_store %arg8[%swap3A_673, %swap3A_674], %swap3A_677 {strides = array<i32>} : memref<64x32xf32, #tpu.memory_space<vmem>>, vector<1x16xf32>,
    %swap3A_678 = arith.constant 56 : i32
    %swap3A_679 = arith.index_cast %swap3A_678 : i32 to index
    %swap3A_680 = arith.constant 16 : index
    %swap3A_681 = tpu.vector_load %arg8[%swap3A_679, %swap3A_680] {strides = array<i32>} : memref<64x32xf32, #tpu.memory_space<vmem>>, vector<1x16xf32>,
    %swap3A_682 = vector.shape_cast %swap3A_681 : vector<1x16xf32> to vector<16xf32>
    %swap3A_683 = vector.shape_cast %broadcast_in_dim3A_0 : vector<16xf32> to vector<1x16xf32>
    tpu.vector_store %arg8[%swap3A_679, %swap3A_680], %swap3A_683 {strides = array<i32>} : memref<64x32xf32, #tpu.memory_space<vmem>>, vector<1x16xf32>,
    %swap3A_684 = arith.constant 57 : i32
    %swap3A_685 = arith.index_cast %swap3A_684 : i32 to index
    %swap3A_686 = arith.constant 0 : index
    %swap3A_687 = tpu.vector_load %arg8[%swap3A_685, %swap3A_686] {strides = array<i32>} : memref<64x32xf32, #tpu.memory_space<vmem>>, vector<1x16xf32>,
    %swap3A_688 = vector.shape_cast %swap3A_687 : vector<1x16xf32> to vector<16xf32>
    %swap3A_689 = vector.shape_cast %broadcast_in_dim3A_0 : vector<16xf32> to vector<1x16xf32>
    tpu.vector_store %arg8[%swap3A_685, %swap3A_686], %swap3A_689 {strides = array<i32>} : memref<64x32xf32, #tpu.memory_space<vmem>>, vector<1x16xf32>,
    %swap3A_690 = arith.constant 57 : i32
    %swap3A_691 = arith.index_cast %swap3A_690 : i32 to index
    %swap3A_692 = arith.constant 16 : index
    %swap3A_693 = tpu.vector_load %arg8[%swap3A_691, %swap3A_692] {strides = array<i32>} : memref<64x32xf32, #tpu.memory_space<vmem>>, vector<1x16xf32>,
    %swap3A_694 = vector.shape_cast %swap3A_693 : vector<1x16xf32> to vector<16xf32>
    %swap3A_695 = vector.shape_cast %broadcast_in_dim3A_0 : vector<16xf32> to vector<1x16xf32>
    tpu.vector_store %arg8[%swap3A_691, %swap3A_692], %swap3A_695 {strides = array<i32>} : memref<64x32xf32, #tpu.memory_space<vmem>>, vector<1x16xf32>,
    %swap3A_696 = arith.constant 58 : i32
    %swap3A_697 = arith.index_cast %swap3A_696 : i32 to index
    %swap3A_698 = arith.constant 0 : index
    %swap3A_699 = tpu.vector_load %arg8[%swap3A_697, %swap3A_698] {strides = array<i32>} : memref<64x32xf32, #tpu.memory_space<vmem>>, vector<1x16xf32>,
    %swap3A_700 = vector.shape_cast %swap3A_699 : vector<1x16xf32> to vector<16xf32>
    %swap3A_701 = vector.shape_cast %broadcast_in_dim3A_0 : vector<16xf32> to vector<1x16xf32>
    tpu.vector_store %arg8[%swap3A_697, %swap3A_698], %swap3A_701 {strides = array<i32>} : memref<64x32xf32, #tpu.memory_space<vmem>>, vector<1x16xf32>,
    %swap3A_702 = arith.constant 58 : i32
    %swap3A_703 = arith.index_cast %swap3A_702 : i32 to index
    %swap3A_704 = arith.constant 16 : index
    %swap3A_705 = tpu.vector_load %arg8[%swap3A_703, %swap3A_704] {strides = array<i32>} : memref<64x32xf32, #tpu.memory_space<vmem>>, vector<1x16xf32>,
    %swap3A_706 = vector.shape_cast %swap3A_705 : vector<1x16xf32> to vector<16xf32>
    %swap3A_707 = vector.shape_cast %broadcast_in_dim3A_0 : vector<16xf32> to vector<1x16xf32>
    tpu.vector_store %arg8[%swap3A_703, %swap3A_704], %swap3A_707 {strides = array<i32>} : memref<64x32xf32, #tpu.memory_space<vmem>>, vector<1x16xf32>,
    %swap3A_708 = arith.constant 59 : i32
    %swap3A_709 = arith.index_cast %swap3A_708 : i32 to index
    %swap3A_710 = arith.constant 0 : index
    %swap3A_711 = tpu.vector_load %arg8[%swap3A_709, %swap3A_710] {strides = array<i32>} : memref<64x32xf32, #tpu.memory_space<vmem>>, vector<1x16xf32>,
    %swap3A_712 = vector.shape_cast %swap3A_711 : vector<1x16xf32> to vector<16xf32>
    %swap3A_713 = vector.shape_cast %broadcast_in_dim3A_0 : vector<16xf32> to vector<1x16xf32>
    tpu.vector_store %arg8[%swap3A_709, %swap3A_710], %swap3A_713 {strides = array<i32>} : memref<64x32xf32, #tpu.memory_space<vmem>>, vector<1x16xf32>,
    %swap3A_714 = arith.constant 59 : i32
    %swap3A_715 = arith.index_cast %swap3A_714 : i32 to index
    %swap3A_716 = arith.constant 16 : index
    %swap3A_717 = tpu.vector_load %arg8[%swap3A_715, %swap3A_716] {strides = array<i32>} : memref<64x32xf32, #tpu.memory_space<vmem>>, vector<1x16xf32>,
    %swap3A_718 = vector.shape_cast %swap3A_717 : vector<1x16xf32> to vector<16xf32>
    %swap3A_719 = vector.shape_cast %broadcast_in_dim3A_0 : vector<16xf32> to vector<1x16xf32>
    tpu.vector_store %arg8[%swap3A_715, %swap3A_716], %swap3A_719 {strides = array<i32>} : memref<64x32xf32, #tpu.memory_space<vmem>>, vector<1x16xf32>,
    %swap3A_720 = arith.constant 60 : i32
    %swap3A_721 = arith.index_cast %swap3A_720 : i32 to index
    %swap3A_722 = arith.constant 0 : index
    %swap3A_723 = tpu.vector_load %arg8[%swap3A_721, %swap3A_722] {strides = array<i32>} : memref<64x32xf32, #tpu.memory_space<vmem>>, vector<1x16xf32>,
    %swap3A_724 = vector.shape_cast %swap3A_723 : vector<1x16xf32> to vector<16xf32>
    %swap3A_725 = vector.shape_cast %broadcast_in_dim3A_0 : vector<16xf32> to vector<1x16xf32>
    tpu.vector_store %arg8[%swap3A_721, %swap3A_722], %swap3A_725 {strides = array<i32>} : memref<64x32xf32, #tpu.memory_space<vmem>>, vector<1x16xf32>,
    %swap3A_726 = arith.constant 60 : i32
    %swap3A_727 = arith.index_cast %swap3A_726 : i32 to index
    %swap3A_728 = arith.constant 16 : index
    %swap3A_729 = tpu.vector_load %arg8[%swap3A_727, %swap3A_728] {strides = array<i32>} : memref<64x32xf32, #tpu.memory_space<vmem>>, vector<1x16xf32>,
    %swap3A_730 = vector.shape_cast %swap3A_729 : vector<1x16xf32> to vector<16xf32>
    %swap3A_731 = vector.shape_cast %broadcast_in_dim3A_0 : vector<16xf32> to vector<1x16xf32>
    tpu.vector_store %arg8[%swap3A_727, %swap3A_728], %swap3A_731 {strides = array<i32>} : memref<64x32xf32, #tpu.memory_space<vmem>>, vector<1x16xf32>,
    %swap3A_732 = arith.constant 61 : i32
    %swap3A_733 = arith.index_cast %swap3A_732 : i32 to index
    %swap3A_734 = arith.constant 0 : index
    %swap3A_735 = tpu.vector_load %arg8[%swap3A_733, %swap3A_734] {strides = array<i32>} : memref<64x32xf32, #tpu.memory_space<vmem>>, vector<1x16xf32>,
    %swap3A_736 = vector.shape_cast %swap3A_735 : vector<1x16xf32> to vector<16xf32>
    %swap3A_737 = vector.shape_cast %broadcast_in_dim3A_0 : vector<16xf32> to vector<1x16xf32>
    tpu.vector_store %arg8[%swap3A_733, %swap3A_734], %swap3A_737 {strides = array<i32>} : memref<64x32xf32, #tpu.memory_space<vmem>>, vector<1x16xf32>,
    %swap3A_738 = arith.constant 61 : i32
    %swap3A_739 = arith.index_cast %swap3A_738 : i32 to index
    %swap3A_740 = arith.constant 16 : index
    %swap3A_741 = tpu.vector_load %arg8[%swap3A_739, %swap3A_740] {strides = array<i32>} : memref<64x32xf32, #tpu.memory_space<vmem>>, vector<1x16xf32>,
    %swap3A_742 = vector.shape_cast %swap3A_741 : vector<1x16xf32> to vector<16xf32>
    %swap3A_743 = vector.shape_cast %broadcast_in_dim3A_0 : vector<16xf32> to vector<1x16xf32>
    tpu.vector_store %arg8[%swap3A_739, %swap3A_740], %swap3A_743 {strides = array<i32>} : memref<64x32xf32, #tpu.memory_space<vmem>>, vector<1x16xf32>,
    %swap3A_744 = arith.constant 62 : i32
    %swap3A_745 = arith.index_cast %swap3A_744 : i32 to index
    %swap3A_746 = arith.constant 0 : index
    %swap3A_747 = tpu.vector_load %arg8[%swap3A_745, %swap3A_746] {strides = array<i32>} : memref<64x32xf32, #tpu.memory_space<vmem>>, vector<1x16xf32>,
    %swap3A_748 = vector.shape_cast %swap3A_747 : vector<1x16xf32> to vector<16xf32>
    %swap3A_749 = vector.shape_cast %broadcast_in_dim3A_0 : vector<16xf32> to vector<1x16xf32>
    tpu.vector_store %arg8[%swap3A_745, %swap3A_746], %swap3A_749 {strides = array<i32>} : memref<64x32xf32, #tpu.memory_space<vmem>>, vector<1x16xf32>,
    %swap3A_750 = arith.constant 62 : i32
    %swap3A_751 = arith.index_cast %swap3A_750 : i32 to index
    %swap3A_752 = arith.constant 16 : index
    %swap3A_753 = tpu.vector_load %arg8[%swap3A_751, %swap3A_752] {strides = array<i32>} : memref<64x32xf32, #tpu.memory_space<vmem>>, vector<1x16xf32>,
    %swap3A_754 = vector.shape_cast %swap3A_753 : vector<1x16xf32> to vector<16xf32>
    %swap3A_755 = vector.shape_cast %broadcast_in_dim3A_0 : vector<16xf32> to vector<1x16xf32>
    tpu.vector_store %arg8[%swap3A_751, %swap3A_752], %swap3A_755 {strides = array<i32>} : memref<64x32xf32, #tpu.memory_space<vmem>>, vector<1x16xf32>,
    %swap3A_756 = arith.constant 63 : i32
    %swap3A_757 = arith.index_cast %swap3A_756 : i32 to index
    %swap3A_758 = arith.constant 0 : index
    %swap3A_759 = tpu.vector_load %arg8[%swap3A_757, %swap3A_758] {strides = array<i32>} : memref<64x32xf32, #tpu.memory_space<vmem>>, vector<1x16xf32>,
    %swap3A_760 = vector.shape_cast %swap3A_759 : vector<1x16xf32> to vector<16xf32>
    %swap3A_761 = vector.shape_cast %broadcast_in_dim3A_0 : vector<16xf32> to vector<1x16xf32>
    tpu.vector_store %arg8[%swap3A_757, %swap3A_758], %swap3A_761 {strides = array<i32>} : memref<64x32xf32, #tpu.memory_space<vmem>>, vector<1x16xf32>,
    %swap3A_762 = arith.constant 63 : i32
    %swap3A_763 = arith.index_cast %swap3A_762 : i32 to index
    %swap3A_764 = arith.constant 16 : index
    %swap3A_765 = tpu.vector_load %arg8[%swap3A_763, %swap3A_764] {strides = array<i32>} : memref<64x32xf32, #tpu.memory_space<vmem>>, vector<1x16xf32>,
    %swap3A_766 = vector.shape_cast %swap3A_765 : vector<1x16xf32> to vector<16xf32>
    %swap3A_767 = vector.shape_cast %broadcast_in_dim3A_0 : vector<16xf32> to vector<1x16xf32>
    tpu.vector_store %arg8[%swap3A_763, %swap3A_764], %swap3A_767 {strides = array<i32>} : memref<64x32xf32, #tpu.memory_space<vmem>>, vector<1x16xf32>,
    %mul3A = arith.constant 626 : i32
    %mul3A_768 = arith.muli %arg1, %mul3A : i32
    %add3A = arith.constant 0 : i32
    %add3A_769 = arith.addi %mul3A_768, %add3A : i32
    "tpu.region"() ({
      %run_scoped3A = tpu.sem_alloc : memref<!tpu.dma_semaphore, #tpu.memory_space<semaphore_mem>>
      %dma_start3A_823 = arith.constant 0 : i32
      %dma_start3A_824 = tpu.memref_slice %arg9[%add3A_769, %dma_start3A_823] : memref<10016x32xf32, #tpu.memory_space<vmem_shared>> -> memref<64x32xf32, #tpu.memory_space<vmem_shared>>
      %dma_start3A_825 = arith.constant 0 : i32
      %dma_start3A_826 = tpu.memref_slice %arg9[%add3A_769, %dma_start3A_825] : memref<10016x32xf32, #tpu.memory_space<vmem_shared>> -> memref<64x32xf32, #tpu.memory_space<vmem_shared>>
      tpu.enqueue_dma source(%arg8 : memref<64x32xf32, #tpu.memory_space<vmem>>) target(%dma_start3A_826 : memref<64x32xf32, #tpu.memory_space<vmem_shared>>) target_semaphore(%run_scoped3A : memref<!tpu.dma_semaphore, #tpu.memory_space<semaphore_mem>>)
      %dma_wait3A = arith.constant 0 : i32
      %dma_wait3A_827 = tpu.memref_slice %arg9[%add3A_769, %dma_wait3A] : memref<10016x32xf32, #tpu.memory_space<vmem_shared>> -> memref<64x32xf32, #tpu.memory_space<vmem_shared>>
      %dma_wait3A_828 = arith.constant 0 : i32
      %dma_wait3A_829 = tpu.memref_slice %arg9[%add3A_769, %dma_wait3A_828] : memref<10016x32xf32, #tpu.memory_space<vmem_shared>> -> memref<64x32xf32, #tpu.memory_space<vmem_shared>>
      tpu.wait_dma2 semaphore(%run_scoped3A : memref<!tpu.dma_semaphore, #tpu.memory_space<semaphore_mem>>) src(%arg8 : memref<64x32xf32, #tpu.memory_space<vmem>>) dst(%dma_wait3A_829 : memref<64x32xf32, #tpu.memory_space<vmem_shared>>)
      tpu.yield
    }) : () -> ()
    %add3A_770 = arith.constant 64 : i32
    %add3A_771 = arith.addi %mul3A_768, %add3A_770 : i32
    "tpu.region"() ({
      %run_scoped3A = tpu.sem_alloc : memref<!tpu.dma_semaphore, #tpu.memory_space<semaphore_mem>>
      %dma_start3A_823 = arith.constant 0 : i32
      %dma_start3A_824 = tpu.memref_slice %arg9[%add3A_771, %dma_start3A_823] : memref<10016x32xf32, #tpu.memory_space<vmem_shared>> -> memref<64x32xf32, #tpu.memory_space<vmem_shared>>
      %dma_start3A_825 = arith.constant 0 : i32
      %dma_start3A_826 = tpu.memref_slice %arg9[%add3A_771, %dma_start3A_825] : memref<10016x32xf32, #tpu.memory_space<vmem_shared>> -> memref<64x32xf32, #tpu.memory_space<vmem_shared>>
      tpu.enqueue_dma source(%arg8 : memref<64x32xf32, #tpu.memory_space<vmem>>) target(%dma_start3A_826 : memref<64x32xf32, #tpu.memory_space<vmem_shared>>) target_semaphore(%run_scoped3A : memref<!tpu.dma_semaphore, #tpu.memory_space<semaphore_mem>>)
      %dma_wait3A = arith.constant 0 : i32
      %dma_wait3A_827 = tpu.memref_slice %arg9[%add3A_771, %dma_wait3A] : memref<10016x32xf32, #tpu.memory_space<vmem_shared>> -> memref<64x32xf32, #tpu.memory_space<vmem_shared>>
      %dma_wait3A_828 = arith.constant 0 : i32
      %dma_wait3A_829 = tpu.memref_slice %arg9[%add3A_771, %dma_wait3A_828] : memref<10016x32xf32, #tpu.memory_space<vmem_shared>> -> memref<64x32xf32, #tpu.memory_space<vmem_shared>>
      tpu.wait_dma2 semaphore(%run_scoped3A : memref<!tpu.dma_semaphore, #tpu.memory_space<semaphore_mem>>) src(%arg8 : memref<64x32xf32, #tpu.memory_space<vmem>>) dst(%dma_wait3A_829 : memref<64x32xf32, #tpu.memory_space<vmem_shared>>)
      tpu.yield
    }) : () -> ()
    %add3A_772 = arith.constant 128 : i32
    %add3A_773 = arith.addi %mul3A_768, %add3A_772 : i32
    "tpu.region"() ({
      %run_scoped3A = tpu.sem_alloc : memref<!tpu.dma_semaphore, #tpu.memory_space<semaphore_mem>>
      %dma_start3A_823 = arith.constant 0 : i32
      %dma_start3A_824 = tpu.memref_slice %arg9[%add3A_773, %dma_start3A_823] : memref<10016x32xf32, #tpu.memory_space<vmem_shared>> -> memref<64x32xf32, #tpu.memory_space<vmem_shared>>
      %dma_start3A_825 = arith.constant 0 : i32
      %dma_start3A_826 = tpu.memref_slice %arg9[%add3A_773, %dma_start3A_825] : memref<10016x32xf32, #tpu.memory_space<vmem_shared>> -> memref<64x32xf32, #tpu.memory_space<vmem_shared>>
      tpu.enqueue_dma source(%arg8 : memref<64x32xf32, #tpu.memory_space<vmem>>) target(%dma_start3A_826 : memref<64x32xf32, #tpu.memory_space<vmem_shared>>) target_semaphore(%run_scoped3A : memref<!tpu.dma_semaphore, #tpu.memory_space<semaphore_mem>>)
      %dma_wait3A = arith.constant 0 : i32
      %dma_wait3A_827 = tpu.memref_slice %arg9[%add3A_773, %dma_wait3A] : memref<10016x32xf32, #tpu.memory_space<vmem_shared>> -> memref<64x32xf32, #tpu.memory_space<vmem_shared>>
      %dma_wait3A_828 = arith.constant 0 : i32
      %dma_wait3A_829 = tpu.memref_slice %arg9[%add3A_773, %dma_wait3A_828] : memref<10016x32xf32, #tpu.memory_space<vmem_shared>> -> memref<64x32xf32, #tpu.memory_space<vmem_shared>>
      tpu.wait_dma2 semaphore(%run_scoped3A : memref<!tpu.dma_semaphore, #tpu.memory_space<semaphore_mem>>) src(%arg8 : memref<64x32xf32, #tpu.memory_space<vmem>>) dst(%dma_wait3A_829 : memref<64x32xf32, #tpu.memory_space<vmem_shared>>)
      tpu.yield
    }) : () -> ()
    %add3A_774 = arith.constant 192 : i32
    %add3A_775 = arith.addi %mul3A_768, %add3A_774 : i32
    "tpu.region"() ({
      %run_scoped3A = tpu.sem_alloc : memref<!tpu.dma_semaphore, #tpu.memory_space<semaphore_mem>>
      %dma_start3A_823 = arith.constant 0 : i32
      %dma_start3A_824 = tpu.memref_slice %arg9[%add3A_775, %dma_start3A_823] : memref<10016x32xf32, #tpu.memory_space<vmem_shared>> -> memref<64x32xf32, #tpu.memory_space<vmem_shared>>
      %dma_start3A_825 = arith.constant 0 : i32
      %dma_start3A_826 = tpu.memref_slice %arg9[%add3A_775, %dma_start3A_825] : memref<10016x32xf32, #tpu.memory_space<vmem_shared>> -> memref<64x32xf32, #tpu.memory_space<vmem_shared>>
      tpu.enqueue_dma source(%arg8 : memref<64x32xf32, #tpu.memory_space<vmem>>) target(%dma_start3A_826 : memref<64x32xf32, #tpu.memory_space<vmem_shared>>) target_semaphore(%run_scoped3A : memref<!tpu.dma_semaphore, #tpu.memory_space<semaphore_mem>>)
      %dma_wait3A = arith.constant 0 : i32
      %dma_wait3A_827 = tpu.memref_slice %arg9[%add3A_775, %dma_wait3A] : memref<10016x32xf32, #tpu.memory_space<vmem_shared>> -> memref<64x32xf32, #tpu.memory_space<vmem_shared>>
      %dma_wait3A_828 = arith.constant 0 : i32
      %dma_wait3A_829 = tpu.memref_slice %arg9[%add3A_775, %dma_wait3A_828] : memref<10016x32xf32, #tpu.memory_space<vmem_shared>> -> memref<64x32xf32, #tpu.memory_space<vmem_shared>>
      tpu.wait_dma2 semaphore(%run_scoped3A : memref<!tpu.dma_semaphore, #tpu.memory_space<semaphore_mem>>) src(%arg8 : memref<64x32xf32, #tpu.memory_space<vmem>>) dst(%dma_wait3A_829 : memref<64x32xf32, #tpu.memory_space<vmem_shared>>)
      tpu.yield
    }) : () -> ()
    %add3A_776 = arith.constant 256 : i32
    %add3A_777 = arith.addi %mul3A_768, %add3A_776 : i32
    "tpu.region"() ({
      %run_scoped3A = tpu.sem_alloc : memref<!tpu.dma_semaphore, #tpu.memory_space<semaphore_mem>>
      %dma_start3A_823 = arith.constant 0 : i32
      %dma_start3A_824 = tpu.memref_slice %arg9[%add3A_777, %dma_start3A_823] : memref<10016x32xf32, #tpu.memory_space<vmem_shared>> -> memref<64x32xf32, #tpu.memory_space<vmem_shared>>
      %dma_start3A_825 = arith.constant 0 : i32
      %dma_start3A_826 = tpu.memref_slice %arg9[%add3A_777, %dma_start3A_825] : memref<10016x32xf32, #tpu.memory_space<vmem_shared>> -> memref<64x32xf32, #tpu.memory_space<vmem_shared>>
      tpu.enqueue_dma source(%arg8 : memref<64x32xf32, #tpu.memory_space<vmem>>) target(%dma_start3A_826 : memref<64x32xf32, #tpu.memory_space<vmem_shared>>) target_semaphore(%run_scoped3A : memref<!tpu.dma_semaphore, #tpu.memory_space<semaphore_mem>>)
      %dma_wait3A = arith.constant 0 : i32
      %dma_wait3A_827 = tpu.memref_slice %arg9[%add3A_777, %dma_wait3A] : memref<10016x32xf32, #tpu.memory_space<vmem_shared>> -> memref<64x32xf32, #tpu.memory_space<vmem_shared>>
      %dma_wait3A_828 = arith.constant 0 : i32
      %dma_wait3A_829 = tpu.memref_slice %arg9[%add3A_777, %dma_wait3A_828] : memref<10016x32xf32, #tpu.memory_space<vmem_shared>> -> memref<64x32xf32, #tpu.memory_space<vmem_shared>>
      tpu.wait_dma2 semaphore(%run_scoped3A : memref<!tpu.dma_semaphore, #tpu.memory_space<semaphore_mem>>) src(%arg8 : memref<64x32xf32, #tpu.memory_space<vmem>>) dst(%dma_wait3A_829 : memref<64x32xf32, #tpu.memory_space<vmem_shared>>)
      tpu.yield
    }) : () -> ()
    %add3A_778 = arith.constant 320 : i32
    %add3A_779 = arith.addi %mul3A_768, %add3A_778 : i32
    "tpu.region"() ({
      %run_scoped3A = tpu.sem_alloc : memref<!tpu.dma_semaphore, #tpu.memory_space<semaphore_mem>>
      %dma_start3A_823 = arith.constant 0 : i32
      %dma_start3A_824 = tpu.memref_slice %arg9[%add3A_779, %dma_start3A_823] : memref<10016x32xf32, #tpu.memory_space<vmem_shared>> -> memref<64x32xf32, #tpu.memory_space<vmem_shared>>
      %dma_start3A_825 = arith.constant 0 : i32
      %dma_start3A_826 = tpu.memref_slice %arg9[%add3A_779, %dma_start3A_825] : memref<10016x32xf32, #tpu.memory_space<vmem_shared>> -> memref<64x32xf32, #tpu.memory_space<vmem_shared>>
      tpu.enqueue_dma source(%arg8 : memref<64x32xf32, #tpu.memory_space<vmem>>) target(%dma_start3A_826 : memref<64x32xf32, #tpu.memory_space<vmem_shared>>) target_semaphore(%run_scoped3A : memref<!tpu.dma_semaphore, #tpu.memory_space<semaphore_mem>>)
      %dma_wait3A = arith.constant 0 : i32
      %dma_wait3A_827 = tpu.memref_slice %arg9[%add3A_779, %dma_wait3A] : memref<10016x32xf32, #tpu.memory_space<vmem_shared>> -> memref<64x32xf32, #tpu.memory_space<vmem_shared>>
      %dma_wait3A_828 = arith.constant 0 : i32
      %dma_wait3A_829 = tpu.memref_slice %arg9[%add3A_779, %dma_wait3A_828] : memref<10016x32xf32, #tpu.memory_space<vmem_shared>> -> memref<64x32xf32, #tpu.memory_space<vmem_shared>>
      tpu.wait_dma2 semaphore(%run_scoped3A : memref<!tpu.dma_semaphore, #tpu.memory_space<semaphore_mem>>) src(%arg8 : memref<64x32xf32, #tpu.memory_space<vmem>>) dst(%dma_wait3A_829 : memref<64x32xf32, #tpu.memory_space<vmem_shared>>)
      tpu.yield
    }) : () -> ()
    %add3A_780 = arith.constant 384 : i32
    %add3A_781 = arith.addi %mul3A_768, %add3A_780 : i32
    "tpu.region"() ({
      %run_scoped3A = tpu.sem_alloc : memref<!tpu.dma_semaphore, #tpu.memory_space<semaphore_mem>>
      %dma_start3A_823 = arith.constant 0 : i32
      %dma_start3A_824 = tpu.memref_slice %arg9[%add3A_781, %dma_start3A_823] : memref<10016x32xf32, #tpu.memory_space<vmem_shared>> -> memref<64x32xf32, #tpu.memory_space<vmem_shared>>
      %dma_start3A_825 = arith.constant 0 : i32
      %dma_start3A_826 = tpu.memref_slice %arg9[%add3A_781, %dma_start3A_825] : memref<10016x32xf32, #tpu.memory_space<vmem_shared>> -> memref<64x32xf32, #tpu.memory_space<vmem_shared>>
      tpu.enqueue_dma source(%arg8 : memref<64x32xf32, #tpu.memory_space<vmem>>) target(%dma_start3A_826 : memref<64x32xf32, #tpu.memory_space<vmem_shared>>) target_semaphore(%run_scoped3A : memref<!tpu.dma_semaphore, #tpu.memory_space<semaphore_mem>>)
      %dma_wait3A = arith.constant 0 : i32
      %dma_wait3A_827 = tpu.memref_slice %arg9[%add3A_781, %dma_wait3A] : memref<10016x32xf32, #tpu.memory_space<vmem_shared>> -> memref<64x32xf32, #tpu.memory_space<vmem_shared>>
      %dma_wait3A_828 = arith.constant 0 : i32
      %dma_wait3A_829 = tpu.memref_slice %arg9[%add3A_781, %dma_wait3A_828] : memref<10016x32xf32, #tpu.memory_space<vmem_shared>> -> memref<64x32xf32, #tpu.memory_space<vmem_shared>>
      tpu.wait_dma2 semaphore(%run_scoped3A : memref<!tpu.dma_semaphore, #tpu.memory_space<semaphore_mem>>) src(%arg8 : memref<64x32xf32, #tpu.memory_space<vmem>>) dst(%dma_wait3A_829 : memref<64x32xf32, #tpu.memory_space<vmem_shared>>)
      tpu.yield
    }) : () -> ()
    %add3A_782 = arith.constant 448 : i32
    %add3A_783 = arith.addi %mul3A_768, %add3A_782 : i32
    "tpu.region"() ({
      %run_scoped3A = tpu.sem_alloc : memref<!tpu.dma_semaphore, #tpu.memory_space<semaphore_mem>>
      %dma_start3A_823 = arith.constant 0 : i32
      %dma_start3A_824 = tpu.memref_slice %arg9[%add3A_783, %dma_start3A_823] : memref<10016x32xf32, #tpu.memory_space<vmem_shared>> -> memref<64x32xf32, #tpu.memory_space<vmem_shared>>
      %dma_start3A_825 = arith.constant 0 : i32
      %dma_start3A_826 = tpu.memref_slice %arg9[%add3A_783, %dma_start3A_825] : memref<10016x32xf32, #tpu.memory_space<vmem_shared>> -> memref<64x32xf32, #tpu.memory_space<vmem_shared>>
      tpu.enqueue_dma source(%arg8 : memref<64x32xf32, #tpu.memory_space<vmem>>) target(%dma_start3A_826 : memref<64x32xf32, #tpu.memory_space<vmem_shared>>) target_semaphore(%run_scoped3A : memref<!tpu.dma_semaphore, #tpu.memory_space<semaphore_mem>>)
      %dma_wait3A = arith.constant 0 : i32
      %dma_wait3A_827 = tpu.memref_slice %arg9[%add3A_783, %dma_wait3A] : memref<10016x32xf32, #tpu.memory_space<vmem_shared>> -> memref<64x32xf32, #tpu.memory_space<vmem_shared>>
      %dma_wait3A_828 = arith.constant 0 : i32
      %dma_wait3A_829 = tpu.memref_slice %arg9[%add3A_783, %dma_wait3A_828] : memref<10016x32xf32, #tpu.memory_space<vmem_shared>> -> memref<64x32xf32, #tpu.memory_space<vmem_shared>>
      tpu.wait_dma2 semaphore(%run_scoped3A : memref<!tpu.dma_semaphore, #tpu.memory_space<semaphore_mem>>) src(%arg8 : memref<64x32xf32, #tpu.memory_space<vmem>>) dst(%dma_wait3A_829 : memref<64x32xf32, #tpu.memory_space<vmem_shared>>)
      tpu.yield
    }) : () -> ()
    %add3A_784 = arith.constant 512 : i32
    %add3A_785 = arith.addi %mul3A_768, %add3A_784 : i32
    "tpu.region"() ({
      %run_scoped3A = tpu.sem_alloc : memref<!tpu.dma_semaphore, #tpu.memory_space<semaphore_mem>>
      %dma_start3A_823 = arith.constant 0 : i32
      %dma_start3A_824 = tpu.memref_slice %arg9[%add3A_785, %dma_start3A_823] : memref<10016x32xf32, #tpu.memory_space<vmem_shared>> -> memref<64x32xf32, #tpu.memory_space<vmem_shared>>
      %dma_start3A_825 = arith.constant 0 : i32
      %dma_start3A_826 = tpu.memref_slice %arg9[%add3A_785, %dma_start3A_825] : memref<10016x32xf32, #tpu.memory_space<vmem_shared>> -> memref<64x32xf32, #tpu.memory_space<vmem_shared>>
      tpu.enqueue_dma source(%arg8 : memref<64x32xf32, #tpu.memory_space<vmem>>) target(%dma_start3A_826 : memref<64x32xf32, #tpu.memory_space<vmem_shared>>) target_semaphore(%run_scoped3A : memref<!tpu.dma_semaphore, #tpu.memory_space<semaphore_mem>>)
      %dma_wait3A = arith.constant 0 : i32
      %dma_wait3A_827 = tpu.memref_slice %arg9[%add3A_785, %dma_wait3A] : memref<10016x32xf32, #tpu.memory_space<vmem_shared>> -> memref<64x32xf32, #tpu.memory_space<vmem_shared>>
      %dma_wait3A_828 = arith.constant 0 : i32
      %dma_wait3A_829 = tpu.memref_slice %arg9[%add3A_785, %dma_wait3A_828] : memref<10016x32xf32, #tpu.memory_space<vmem_shared>> -> memref<64x32xf32, #tpu.memory_space<vmem_shared>>
      tpu.wait_dma2 semaphore(%run_scoped3A : memref<!tpu.dma_semaphore, #tpu.memory_space<semaphore_mem>>) src(%arg8 : memref<64x32xf32, #tpu.memory_space<vmem>>) dst(%dma_wait3A_829 : memref<64x32xf32, #tpu.memory_space<vmem_shared>>)
      tpu.yield
    }) : () -> ()
    %add3A_786 = arith.constant 576 : i32
    %add3A_787 = arith.addi %mul3A_768, %add3A_786 : i32
    "tpu.region"() ({
      %run_scoped3A = tpu.sem_alloc : memref<!tpu.dma_semaphore, #tpu.memory_space<semaphore_mem>>
      %dma_start3A_823 = arith.constant 0 : i32
      %dma_start3A_824 = arith.constant 0 : i32
      %dma_start3A_825 = tpu.memref_slice %arg8[%dma_start3A_823, %dma_start3A_824] : memref<64x32xf32, #tpu.memory_space<vmem>> -> memref<50x32xf32, #tpu.memory_space<vmem>>
      %dma_start3A_826 = arith.constant 0 : i32
      %dma_start3A_827 = tpu.memref_slice %arg9[%add3A_787, %dma_start3A_826] : memref<10016x32xf32, #tpu.memory_space<vmem_shared>> -> memref<50x32xf32, #tpu.memory_space<vmem_shared>>
      %dma_start3A_828 = arith.constant 0 : i32
      %dma_start3A_829 = tpu.memref_slice %arg9[%add3A_787, %dma_start3A_828] : memref<10016x32xf32, #tpu.memory_space<vmem_shared>> -> memref<50x32xf32, #tpu.memory_space<vmem_shared>>
      %dma_start3A_830 = arith.constant 0 : i32
      %dma_start3A_831 = arith.constant 0 : i32
      %dma_start3A_832 = tpu.memref_slice %arg8[%dma_start3A_830, %dma_start3A_831] : memref<64x32xf32, #tpu.memory_space<vmem>> -> memref<50x32xf32, #tpu.memory_space<vmem>>
      tpu.enqueue_dma source(%dma_start3A_832 : memref<50x32xf32, #tpu.memory_space<vmem>>) target(%dma_start3A_829 : memref<50x32xf32, #tpu.memory_space<vmem_shared>>) target_semaphore(%run_scoped3A : memref<!tpu.dma_semaphore, #tpu.memory_space<semaphore_mem>>)
      %dma_wait3A = arith.constant 0 : i32
      %dma_wait3A_833 = arith.constant 0 : i32
      %dma_wait3A_834 = tpu.memref_slice %arg8[%dma_wait3A, %dma_wait3A_833] : memref<64x32xf32, #tpu.memory_space<vmem>> -> memref<50x32xf32, #tpu.memory_space<vmem>>
      %dma_wait3A_835 = arith.constant 0 : i32
      %dma_wait3A_836 = tpu.memref_slice %arg9[%add3A_787, %dma_wait3A_835] : memref<10016x32xf32, #tpu.memory_space<vmem_shared>> -> memref<50x32xf32, #tpu.memory_space<vmem_shared>>
      %dma_wait3A_837 = arith.constant 0 : i32
      %dma_wait3A_838 = tpu.memref_slice %arg9[%add3A_787, %dma_wait3A_837] : memref<10016x32xf32, #tpu.memory_space<vmem_shared>> -> memref<50x32xf32, #tpu.memory_space<vmem_shared>>
      %dma_wait3A_839 = arith.constant 0 : i32
      %dma_wait3A_840 = arith.constant 0 : i32
      %dma_wait3A_841 = tpu.memref_slice %arg8[%dma_wait3A_839, %dma_wait3A_840] : memref<64x32xf32, #tpu.memory_space<vmem>> -> memref<50x32xf32, #tpu.memory_space<vmem>>
      tpu.wait_dma2 semaphore(%run_scoped3A : memref<!tpu.dma_semaphore, #tpu.memory_space<semaphore_mem>>) src(%dma_wait3A_841 : memref<50x32xf32, #tpu.memory_space<vmem>>) dst(%dma_wait3A_838 : memref<50x32xf32, #tpu.memory_space<vmem_shared>>)
      tpu.yield
    }) : () -> ()
    %mul3A_788 = arith.constant 16 : i32
    %mul3A_789 = arith.muli %arg0, %mul3A_788 : i32
    %add3A_790 = arith.addi %mul3A_789, %arg1 : i32
    %mul3A_791 = arith.constant 54 : i32
    %mul3A_792 = arith.muli %add3A_790, %mul3A_791 : i32
    "tpu.region"() ({
      %run_scoped3A = tpu.sem_alloc : memref<!tpu.dma_semaphore, #tpu.memory_space<semaphore_mem>>
      %dma_start3A_823 = arith.constant 0 : i32
      %dma_start3A_824 = tpu.memref_slice %arg2[%mul3A_792, %dma_start3A_823] : memref<1728x96xi32, #tpu.memory_space<hbm>> -> memref<54x96xi32, #tpu.memory_space<hbm>>
      %dma_start3A_825 = arith.constant 0 : i32
      %dma_start3A_826 = tpu.memref_slice %arg2[%mul3A_792, %dma_start3A_825] : memref<1728x96xi32, #tpu.memory_space<hbm>> -> memref<54x96xi32, #tpu.memory_space<hbm>>
      tpu.enqueue_dma source(%dma_start3A_826 : memref<54x96xi32, #tpu.memory_space<hbm>>) target(%arg5 : memref<54x96xi32, #tpu.memory_space<vmem>>) target_semaphore(%run_scoped3A : memref<!tpu.dma_semaphore, #tpu.memory_space<semaphore_mem>>)
      %dma_wait3A = arith.constant 0 : i32
      %dma_wait3A_827 = tpu.memref_slice %arg2[%mul3A_792, %dma_wait3A] : memref<1728x96xi32, #tpu.memory_space<hbm>> -> memref<54x96xi32, #tpu.memory_space<hbm>>
      %dma_wait3A_828 = arith.constant 0 : i32
      %dma_wait3A_829 = tpu.memref_slice %arg2[%mul3A_792, %dma_wait3A_828] : memref<1728x96xi32, #tpu.memory_space<hbm>> -> memref<54x96xi32, #tpu.memory_space<hbm>>
      tpu.wait_dma2 semaphore(%run_scoped3A : memref<!tpu.dma_semaphore, #tpu.memory_space<semaphore_mem>>) src(%dma_wait3A_829 : memref<54x96xi32, #tpu.memory_space<hbm>>) dst(%arg5 : memref<54x96xi32, #tpu.memory_space<vmem>>)
      tpu.yield
    }) : () -> ()
    %barrier3A = arith.constant 0 : index
    tpu.barrier barrier_id(%barrier3A)
    %mul3A_793 = arith.constant 16 : i32
    %mul3A_794 = arith.muli %arg0, %mul3A_793 : i32
    %add3A_795 = arith.addi %mul3A_794, %arg1 : i32
    %mul3A_796 = arith.constant 54 : i32
    %mul3A_797 = arith.muli %add3A_795, %mul3A_796 : i32
    %mul3A_798 = arith.constant 96 : i32
    %mul3A_799 = arith.muli %mul3A_797, %mul3A_798 : i32
    %add3A_800 = arith.constant 0 : i32
    %add3A_801 = arith.addi %mul3A_799, %add3A_800 : i32
    %dma_start3A = arith.constant 0 : i32
    %dma_start3A_802 = tpu.memref_slice %arg3[%add3A_801, %dma_start3A] : memref<165888x32xf32, #tpu.memory_space<hbm>> -> memref<96x32xf32, #tpu.memory_space<hbm>>
    %dma_start3A_803 = arith.constant 0 : i32
    %dma_start3A_804 = tpu.memref_slice %arg3[%add3A_801, %dma_start3A_803] : memref<165888x32xf32, #tpu.memory_space<hbm>> -> memref<96x32xf32, #tpu.memory_space<hbm>>
    tpu.enqueue_dma source(%dma_start3A_804 : memref<96x32xf32, #tpu.memory_space<hbm>>) target(%arg6 : memref<96x32xf32, #tpu.memory_space<vmem>>) target_semaphore(%arg10 : memref<!tpu.dma_semaphore, #tpu.memory_space<semaphore_mem>>)
    %add3A_805 = arith.constant 96 : i32
    %add3A_806 = arith.addi %mul3A_799, %add3A_805 : i32
    %dma_start3A_807 = arith.constant 0 : i32
    %dma_start3A_808 = tpu.memref_slice %arg3[%add3A_806, %dma_start3A_807] : memref<165888x32xf32, #tpu.memory_space<hbm>> -> memref<96x32xf32, #tpu.memory_space<hbm>>
    %dma_start3A_809 = arith.constant 0 : i32
    %dma_start3A_810 = tpu.memref_slice %arg3[%add3A_806, %dma_start3A_809] : memref<165888x32xf32, #tpu.memory_space<hbm>> -> memref<96x32xf32, #tpu.memory_space<hbm>>
    tpu.enqueue_dma source(%dma_start3A_810 : memref<96x32xf32, #tpu.memory_space<hbm>>) target(%arg7 : memref<96x32xf32, #tpu.memory_space<vmem>>) target_semaphore(%arg11 : memref<!tpu.dma_semaphore, #tpu.memory_space<semaphore_mem>>)
    %scan3A = arith.constant 0 : i32
    %scan3A_811 = arith.constant 0 : i32
    %scan3A_812 = arith.constant 27 : i32
    %scan3A_813 = arith.addi %scan3A_811, %scan3A_812 : i32
    %scan3A_814 = arith.constant 1 : i32
    %scan3A_815 = scf.for %scan3A_823 = %scan3A_811 to %scan3A_813 step %scan3A_814 iter_args(%scan3A_824 = %scan3A) -> (i32)  : i32 {
      %mul3A_825 = arith.constant 2 : i32
      %mul3A_826 = arith.muli %scan3A_823, %mul3A_825 : i32
      %add3A_827 = arith.constant 0 : i32
      %add3A_828 = arith.addi %mul3A_826, %add3A_827 : i32
      %dma_wait3A = arith.constant 0 : i32
      %dma_wait3A_829 = arith.constant 0 : i32
      %dma_wait3A_830 = tpu.memref_slice %arg3[%dma_wait3A, %dma_wait3A_829] : memref<165888x32xf32, #tpu.memory_space<hbm>> -> memref<96x32xf32, #tpu.memory_space<hbm>>
      %dma_wait3A_831 = arith.constant 0 : i32
      %dma_wait3A_832 = arith.constant 0 : i32
      %dma_wait3A_833 = tpu.memref_slice %arg3[%dma_wait3A_831, %dma_wait3A_832] : memref<165888x32xf32, #tpu.memory_space<hbm>> -> memref<96x32xf32, #tpu.memory_space<hbm>>
      tpu.wait_dma2 semaphore(%arg10 : memref<!tpu.dma_semaphore, #tpu.memory_space<semaphore_mem>>) src(%dma_wait3A_833 : memref<96x32xf32, #tpu.memory_space<hbm>>) dst(%arg6 : memref<96x32xf32, #tpu.memory_space<vmem>>)
      %dma_start3A_834 = arith.constant 0 : i32
      %dma_start3A_835 = tpu.memref_slice %arg5[%add3A_828, %dma_start3A_834] : memref<54x96xi32, #tpu.memory_space<vmem>> -> memref<1x96xi32, #tpu.memory_space<vmem>>
      %dma_start3A_836 = tpu.memref_squeeze %dma_start3A_835 : memref<1x96xi32, #tpu.memory_space<vmem>> -> memref<96xi32, #tpu.memory_space<vmem>>
      %dma_start3A_837 = arith.constant 0 : i32
      %dma_start3A_838 = arith.constant 0 : i32
      %dma_start3A_839 = tpu.memref_slice %arg9[%dma_start3A_837, %dma_start3A_838] : memref<10016x32xf32, #tpu.memory_space<vmem_shared>> -> memref<10016x32xf32, #tpu.memory_space<vmem_shared>>
      tpu.enqueue_indirect_dma source(%arg6 : memref<96x32xf32, #tpu.memory_space<vmem>>) target(%dma_start3A_839 : memref<10016x32xf32, #tpu.memory_space<vmem_shared>>) offsets(%dma_start3A_836 : memref<96xi32, #tpu.memory_space<vmem>>) semaphore(%arg12 : memref<!tpu.dma_semaphore, #tpu.memory_space<semaphore_mem>>) {add = true}
      %mul3A_840 = arith.constant 2 : i32
      %mul3A_841 = arith.muli %scan3A_823, %mul3A_840 : i32
      %add3A_842 = arith.constant 1 : i32
      %add3A_843 = arith.addi %mul3A_841, %add3A_842 : i32
      %dma_wait3A_844 = arith.constant 0 : i32
      %dma_wait3A_845 = arith.constant 0 : i32
      %dma_wait3A_846 = tpu.memref_slice %arg3[%dma_wait3A_844, %dma_wait3A_845] : memref<165888x32xf32, #tpu.memory_space<hbm>> -> memref<96x32xf32, #tpu.memory_space<hbm>>
      %dma_wait3A_847 = arith.constant 0 : i32
      %dma_wait3A_848 = arith.constant 0 : i32
      %dma_wait3A_849 = tpu.memref_slice %arg3[%dma_wait3A_847, %dma_wait3A_848] : memref<165888x32xf32, #tpu.memory_space<hbm>> -> memref<96x32xf32, #tpu.memory_space<hbm>>
      tpu.wait_dma2 semaphore(%arg11 : memref<!tpu.dma_semaphore, #tpu.memory_space<semaphore_mem>>) src(%dma_wait3A_849 : memref<96x32xf32, #tpu.memory_space<hbm>>) dst(%arg7 : memref<96x32xf32, #tpu.memory_space<vmem>>)
      %dma_start3A_850 = arith.constant 0 : i32
      %dma_start3A_851 = tpu.memref_slice %arg5[%add3A_843, %dma_start3A_850] : memref<54x96xi32, #tpu.memory_space<vmem>> -> memref<1x96xi32, #tpu.memory_space<vmem>>
      %dma_start3A_852 = tpu.memref_squeeze %dma_start3A_851 : memref<1x96xi32, #tpu.memory_space<vmem>> -> memref<96xi32, #tpu.memory_space<vmem>>
      %dma_start3A_853 = arith.constant 0 : i32
      %dma_start3A_854 = arith.constant 0 : i32
      %dma_start3A_855 = tpu.memref_slice %arg9[%dma_start3A_853, %dma_start3A_854] : memref<10016x32xf32, #tpu.memory_space<vmem_shared>> -> memref<10016x32xf32, #tpu.memory_space<vmem_shared>>
      tpu.enqueue_indirect_dma source(%arg7 : memref<96x32xf32, #tpu.memory_space<vmem>>) target(%dma_start3A_855 : memref<10016x32xf32, #tpu.memory_space<vmem_shared>>) offsets(%dma_start3A_852 : memref<96xi32, #tpu.memory_space<vmem>>) semaphore(%arg13 : memref<!tpu.dma_semaphore, #tpu.memory_space<semaphore_mem>>) {add = true}
      %mul3A_856 = arith.constant 2 : i32
      %mul3A_857 = arith.muli %scan3A_823, %mul3A_856 : i32
      %add3A_858 = arith.constant 0 : i32
      %add3A_859 = arith.addi %mul3A_857, %add3A_858 : i32
      %dma_wait3A_860 = arith.constant 0 : i32
      %dma_wait3A_861 = arith.constant 0 : i32
      %dma_wait3A_862 = tpu.memref_slice %arg5[%dma_wait3A_860, %dma_wait3A_861] : memref<54x96xi32, #tpu.memory_space<vmem>> -> memref<1x96xi32, #tpu.memory_space<vmem>>
      %dma_wait3A_863 = tpu.memref_squeeze %dma_wait3A_862 : memref<1x96xi32, #tpu.memory_space<vmem>> -> memref<96xi32, #tpu.memory_space<vmem>>
      %dma_wait3A_864 = arith.constant 0 : i32
      %dma_wait3A_865 = arith.constant 0 : i32
      %dma_wait3A_866 = tpu.memref_slice %arg9[%dma_wait3A_864, %dma_wait3A_865] : memref<10016x32xf32, #tpu.memory_space<vmem_shared>> -> memref<10016x32xf32, #tpu.memory_space<vmem_shared>>
      tpu.wait_indirect_dma semaphore(%arg12 : memref<!tpu.dma_semaphore, #tpu.memory_space<semaphore_mem>>) src(%arg6 : memref<96x32xf32, #tpu.memory_space<vmem>>) dst(%dma_wait3A_866 : memref<10016x32xf32, #tpu.memory_space<vmem_shared>>)
      %add3A_867 = arith.constant 2 : i32
      %add3A_868 = arith.addi %add3A_859, %add3A_867 : i32
      %lt3A = arith.constant 54 : i32
      %lt3A_869 = arith.cmpi slt, %add3A_868, %lt3A : i32
      %convert_element_type3A = arith.extui %lt3A_869 : i1 to i32
      %cond3A = arith.constant 0 : i32
      %cond3A_870 = arith.cmpi ne, %convert_element_type3A, %cond3A : i32
      scf.if %cond3A_870 {
        %mul3A_890 = arith.constant 96 : i32
        %mul3A_891 = arith.muli %add3A_868, %mul3A_890 : i32
        %add3A_892 = arith.addi %mul3A_799, %mul3A_891 : i32
        %dma_start3A_893 = arith.constant 0 : i32
        %dma_start3A_894 = tpu.memref_slice %arg3[%add3A_892, %dma_start3A_893] : memref<165888x32xf32, #tpu.memory_space<hbm>> -> memref<96x32xf32, #tpu.memory_space<hbm>>
        %dma_start3A_895 = arith.constant 0 : i32
        %dma_start3A_896 = tpu.memref_slice %arg3[%add3A_892, %dma_start3A_895] : memref<165888x32xf32, #tpu.memory_space<hbm>> -> memref<96x32xf32, #tpu.memory_space<hbm>>
        tpu.enqueue_dma source(%dma_start3A_896 : memref<96x32xf32, #tpu.memory_space<hbm>>) target(%arg6 : memref<96x32xf32, #tpu.memory_space<vmem>>) target_semaphore(%arg10 : memref<!tpu.dma_semaphore, #tpu.memory_space<semaphore_mem>>)
      } else {
      }
      %mul3A_871 = arith.constant 2 : i32
      %mul3A_872 = arith.muli %scan3A_823, %mul3A_871 : i32
      %add3A_873 = arith.constant 1 : i32
      %add3A_874 = arith.addi %mul3A_872, %add3A_873 : i32
      %dma_wait3A_875 = arith.constant 0 : i32
      %dma_wait3A_876 = arith.constant 0 : i32
      %dma_wait3A_877 = tpu.memref_slice %arg5[%dma_wait3A_875, %dma_wait3A_876] : memref<54x96xi32, #tpu.memory_space<vmem>> -> memref<1x96xi32, #tpu.memory_space<vmem>>
      %dma_wait3A_878 = tpu.memref_squeeze %dma_wait3A_877 : memref<1x96xi32, #tpu.memory_space<vmem>> -> memref<96xi32, #tpu.memory_space<vmem>>
      %dma_wait3A_879 = arith.constant 0 : i32
      %dma_wait3A_880 = arith.constant 0 : i32
      %dma_wait3A_881 = tpu.memref_slice %arg9[%dma_wait3A_879, %dma_wait3A_880] : memref<10016x32xf32, #tpu.memory_space<vmem_shared>> -> memref<10016x32xf32, #tpu.memory_space<vmem_shared>>
      tpu.wait_indirect_dma semaphore(%arg13 : memref<!tpu.dma_semaphore, #tpu.memory_space<semaphore_mem>>) src(%arg7 : memref<96x32xf32, #tpu.memory_space<vmem>>) dst(%dma_wait3A_881 : memref<10016x32xf32, #tpu.memory_space<vmem_shared>>)
      %add3A_882 = arith.constant 2 : i32
      %add3A_883 = arith.addi %add3A_874, %add3A_882 : i32
      %lt3A_884 = arith.constant 54 : i32
      %lt3A_885 = arith.cmpi slt, %add3A_883, %lt3A_884 : i32
      %convert_element_type3A_886 = arith.extui %lt3A_885 : i1 to i32
      %cond3A_887 = arith.constant 0 : i32
      %cond3A_888 = arith.cmpi ne, %convert_element_type3A_886, %cond3A_887 : i32
      scf.if %cond3A_888 {
        %mul3A_890 = arith.constant 96 : i32
        %mul3A_891 = arith.muli %add3A_883, %mul3A_890 : i32
        %add3A_892 = arith.addi %mul3A_799, %mul3A_891 : i32
        %dma_start3A_893 = arith.constant 0 : i32
        %dma_start3A_894 = tpu.memref_slice %arg3[%add3A_892, %dma_start3A_893] : memref<165888x32xf32, #tpu.memory_space<hbm>> -> memref<96x32xf32, #tpu.memory_space<hbm>>
        %dma_start3A_895 = arith.constant 0 : i32
        %dma_start3A_896 = tpu.memref_slice %arg3[%add3A_892, %dma_start3A_895] : memref<165888x32xf32, #tpu.memory_space<hbm>> -> memref<96x32xf32, #tpu.memory_space<hbm>>
        tpu.enqueue_dma source(%dma_start3A_896 : memref<96x32xf32, #tpu.memory_space<hbm>>) target(%arg7 : memref<96x32xf32, #tpu.memory_space<vmem>>) target_semaphore(%arg11 : memref<!tpu.dma_semaphore, #tpu.memory_space<semaphore_mem>>)
      } else {
      }
      %scan3A_889 = arith.constant 0 : i32
      scf.yield %scan3A_889 : i32
    }
    %scan3A_816 = arith.constant 27 : i32
    %barrier3A_817 = arith.constant 0 : index
    tpu.barrier barrier_id(%barrier3A_817)
    %mul3A_818 = arith.constant 625 : i32
    %mul3A_819 = arith.muli %arg1, %mul3A_818 : i32
    %mul3A_820 = arith.constant 10000 : i32
    %mul3A_821 = arith.muli %arg0, %mul3A_820 : i32
    %add3A_822 = arith.addi %mul3A_821, %mul3A_819 : i32
    "tpu.region"() ({
      %run_scoped3A = tpu.sem_alloc : memref<!tpu.dma_semaphore, #tpu.memory_space<semaphore_mem>>
      %dma_start3A_823 = arith.constant 0 : i32
      %dma_start3A_824 = tpu.memref_slice %arg4[%add3A_822, %dma_start3A_823] : memref<20000x32xf32, #tpu.memory_space<hbm>> -> memref<625x32xf32, #tpu.memory_space<hbm>>
      %dma_start3A_825 = arith.constant 0 : i32
      %dma_start3A_826 = tpu.memref_slice %arg9[%mul3A_819, %dma_start3A_825] : memref<10016x32xf32, #tpu.memory_space<vmem_shared>> -> memref<625x32xf32, #tpu.memory_space<vmem_shared>>
      tpu.enqueue_dma source(%dma_start3A_826 : memref<625x32xf32, #tpu.memory_space<vmem_shared>>) target(%dma_start3A_824 : memref<625x32xf32, #tpu.memory_space<hbm>>) target_semaphore(%run_scoped3A : memref<!tpu.dma_semaphore, #tpu.memory_space<semaphore_mem>>)
      %dma_wait3A = arith.constant 0 : i32
      %dma_wait3A_827 = tpu.memref_slice %arg4[%add3A_822, %dma_wait3A] : memref<20000x32xf32, #tpu.memory_space<hbm>> -> memref<625x32xf32, #tpu.memory_space<hbm>>
      %dma_wait3A_828 = arith.constant 0 : i32
      %dma_wait3A_829 = tpu.memref_slice %arg9[%mul3A_819, %dma_wait3A_828] : memref<10016x32xf32, #tpu.memory_space<vmem_shared>> -> memref<625x32xf32, #tpu.memory_space<vmem_shared>>
      tpu.wait_dma2 semaphore(%run_scoped3A : memref<!tpu.dma_semaphore, #tpu.memory_space<semaphore_mem>>) src(%dma_wait3A_829 : memref<625x32xf32, #tpu.memory_space<vmem_shared>>) dst(%dma_wait3A_827 : memref<625x32xf32, #tpu.memory_space<hbm>>)
      tpu.yield
    }) : () -> ()
    return
  }
}

#map = affine_map<(d0, d1) -> (0, 0)>
module attributes {stable_mosaic.version = 14 : i64} {
  func.func @_sc_nfeats(%arg0: i32, %arg1: i32, %arg2: memref<1728x96xi32, #tpu.memory_space<hbm>>, %arg3: memref<1728x96xi32, #tpu.memory_space<hbm>>, %arg4: memref<20000x128xbf16, #tpu.memory_space<hbm>>, %arg5: memref<20000x128xbf16, #tpu.memory_space<hbm>>, %arg6: memref<108x96xi32, #tpu.memory_space<vmem>>, %arg7: memref<108x96xi32, #tpu.memory_space<vmem>>, %arg8: memref<96x128xbf16, #tpu.memory_space<vmem>>, %arg9: memref<96x128xbf16, #tpu.memory_space<vmem>>, %arg10: memref<64x128xbf16, #tpu.memory_space<vmem>>, %arg11: memref<10016x128xbf16, #tpu.memory_space<vmem_shared>>, %arg12: memref<10016x128xbf16, #tpu.memory_space<vmem_shared>>, %arg13: memref<!tpu.dma_semaphore, #tpu.memory_space<semaphore_mem>>, %arg14: memref<!tpu.dma_semaphore, #tpu.memory_space<semaphore_mem>>, %arg15: memref<!tpu.dma_semaphore, #tpu.memory_space<semaphore_mem>>, %arg16: memref<!tpu.dma_semaphore, #tpu.memory_space<semaphore_mem>>) attributes {dimension_semantics = [#tpu.dimension_semantics<core_parallel>, #tpu.dimension_semantics<subcore_parallel>], iteration_bounds = array<i64: 2, 16>, scalar_prefetch = 0 : i64, scratch_operands = 11 : i64, tpu.core_type = #tpu.core_type<sc_vector_subcore>, window_params = [{transform_indices = #map}, {transform_indices = #map}, {transform_indices = #map}, {transform_indices = #map}]} {
    %broadcast_in_dim3A = arith.constant 0.000000e+00 : bf16
    %broadcast_in_dim3A_0 = vector.broadcast %broadcast_in_dim3A : bf16 to vector<32xbf16>
    %swap3A = arith.constant 0 : i32
    %swap3A_1 = arith.index_cast %swap3A : i32 to index
    %swap3A_2 = arith.constant 0 : index
    %swap3A_3 = tpu.vector_load %arg10[%swap3A_1, %swap3A_2] {strides = array<i32>} : memref<64x128xbf16, #tpu.memory_space<vmem>>, vector<1x32xbf16>,
    %swap3A_4 = vector.shape_cast %swap3A_3 : vector<1x32xbf16> to vector<32xbf16>
    %swap3A_5 = vector.shape_cast %broadcast_in_dim3A_0 : vector<32xbf16> to vector<1x32xbf16>
    tpu.vector_store %arg10[%swap3A_1, %swap3A_2], %swap3A_5 {strides = array<i32>} : memref<64x128xbf16, #tpu.memory_space<vmem>>, vector<1x32xbf16>,
    %swap3A_6 = arith.constant 0 : i32
    %swap3A_7 = arith.index_cast %swap3A_6 : i32 to index
    %swap3A_8 = arith.constant 32 : index
    %swap3A_9 = tpu.vector_load %arg10[%swap3A_7, %swap3A_8] {strides = array<i32>} : memref<64x128xbf16, #tpu.memory_space<vmem>>, vector<1x32xbf16>,
    %swap3A_10 = vector.shape_cast %swap3A_9 : vector<1x32xbf16> to vector<32xbf16>
    %swap3A_11 = vector.shape_cast %broadcast_in_dim3A_0 : vector<32xbf16> to vector<1x32xbf16>
    tpu.vector_store %arg10[%swap3A_7, %swap3A_8], %swap3A_11 {strides = array<i32>} : memref<64x128xbf16, #tpu.memory_space<vmem>>, vector<1x32xbf16>,
    %swap3A_12 = arith.constant 0 : i32
    %swap3A_13 = arith.index_cast %swap3A_12 : i32 to index
    %swap3A_14 = arith.constant 64 : index
    %swap3A_15 = tpu.vector_load %arg10[%swap3A_13, %swap3A_14] {strides = array<i32>} : memref<64x128xbf16, #tpu.memory_space<vmem>>, vector<1x32xbf16>,
    %swap3A_16 = vector.shape_cast %swap3A_15 : vector<1x32xbf16> to vector<32xbf16>
    %swap3A_17 = vector.shape_cast %broadcast_in_dim3A_0 : vector<32xbf16> to vector<1x32xbf16>
    tpu.vector_store %arg10[%swap3A_13, %swap3A_14], %swap3A_17 {strides = array<i32>} : memref<64x128xbf16, #tpu.memory_space<vmem>>, vector<1x32xbf16>,
    %swap3A_18 = arith.constant 0 : i32
    %swap3A_19 = arith.index_cast %swap3A_18 : i32 to index
    %swap3A_20 = arith.constant 96 : index
    %swap3A_21 = tpu.vector_load %arg10[%swap3A_19, %swap3A_20] {strides = array<i32>} : memref<64x128xbf16, #tpu.memory_space<vmem>>, vector<1x32xbf16>,
    %swap3A_22 = vector.shape_cast %swap3A_21 : vector<1x32xbf16> to vector<32xbf16>
    %swap3A_23 = vector.shape_cast %broadcast_in_dim3A_0 : vector<32xbf16> to vector<1x32xbf16>
    tpu.vector_store %arg10[%swap3A_19, %swap3A_20], %swap3A_23 {strides = array<i32>} : memref<64x128xbf16, #tpu.memory_space<vmem>>, vector<1x32xbf16>,
    %swap3A_24 = arith.constant 1 : i32
    %swap3A_25 = arith.index_cast %swap3A_24 : i32 to index
    %swap3A_26 = arith.constant 0 : index
    %swap3A_27 = tpu.vector_load %arg10[%swap3A_25, %swap3A_26] {strides = array<i32>} : memref<64x128xbf16, #tpu.memory_space<vmem>>, vector<1x32xbf16>,
    %swap3A_28 = vector.shape_cast %swap3A_27 : vector<1x32xbf16> to vector<32xbf16>
    %swap3A_29 = vector.shape_cast %broadcast_in_dim3A_0 : vector<32xbf16> to vector<1x32xbf16>
    tpu.vector_store %arg10[%swap3A_25, %swap3A_26], %swap3A_29 {strides = array<i32>} : memref<64x128xbf16, #tpu.memory_space<vmem>>, vector<1x32xbf16>,
    %swap3A_30 = arith.constant 1 : i32
    %swap3A_31 = arith.index_cast %swap3A_30 : i32 to index
    %swap3A_32 = arith.constant 32 : index
    %swap3A_33 = tpu.vector_load %arg10[%swap3A_31, %swap3A_32] {strides = array<i32>} : memref<64x128xbf16, #tpu.memory_space<vmem>>, vector<1x32xbf16>,
    %swap3A_34 = vector.shape_cast %swap3A_33 : vector<1x32xbf16> to vector<32xbf16>
    %swap3A_35 = vector.shape_cast %broadcast_in_dim3A_0 : vector<32xbf16> to vector<1x32xbf16>
    tpu.vector_store %arg10[%swap3A_31, %swap3A_32], %swap3A_35 {strides = array<i32>} : memref<64x128xbf16, #tpu.memory_space<vmem>>, vector<1x32xbf16>,
    %swap3A_36 = arith.constant 1 : i32
    %swap3A_37 = arith.index_cast %swap3A_36 : i32 to index
    %swap3A_38 = arith.constant 64 : index
    %swap3A_39 = tpu.vector_load %arg10[%swap3A_37, %swap3A_38] {strides = array<i32>} : memref<64x128xbf16, #tpu.memory_space<vmem>>, vector<1x32xbf16>,
    %swap3A_40 = vector.shape_cast %swap3A_39 : vector<1x32xbf16> to vector<32xbf16>
    %swap3A_41 = vector.shape_cast %broadcast_in_dim3A_0 : vector<32xbf16> to vector<1x32xbf16>
    tpu.vector_store %arg10[%swap3A_37, %swap3A_38], %swap3A_41 {strides = array<i32>} : memref<64x128xbf16, #tpu.memory_space<vmem>>, vector<1x32xbf16>,
    %swap3A_42 = arith.constant 1 : i32
    %swap3A_43 = arith.index_cast %swap3A_42 : i32 to index
    %swap3A_44 = arith.constant 96 : index
    %swap3A_45 = tpu.vector_load %arg10[%swap3A_43, %swap3A_44] {strides = array<i32>} : memref<64x128xbf16, #tpu.memory_space<vmem>>, vector<1x32xbf16>,
    %swap3A_46 = vector.shape_cast %swap3A_45 : vector<1x32xbf16> to vector<32xbf16>
    %swap3A_47 = vector.shape_cast %broadcast_in_dim3A_0 : vector<32xbf16> to vector<1x32xbf16>
    tpu.vector_store %arg10[%swap3A_43, %swap3A_44], %swap3A_47 {strides = array<i32>} : memref<64x128xbf16, #tpu.memory_space<vmem>>, vector<1x32xbf16>,
    %swap3A_48 = arith.constant 2 : i32
    %swap3A_49 = arith.index_cast %swap3A_48 : i32 to index
    %swap3A_50 = arith.constant 0 : index
    %swap3A_51 = tpu.vector_load %arg10[%swap3A_49, %swap3A_50] {strides = array<i32>} : memref<64x128xbf16, #tpu.memory_space<vmem>>, vector<1x32xbf16>,
    %swap3A_52 = vector.shape_cast %swap3A_51 : vector<1x32xbf16> to vector<32xbf16>
    %swap3A_53 = vector.shape_cast %broadcast_in_dim3A_0 : vector<32xbf16> to vector<1x32xbf16>
    tpu.vector_store %arg10[%swap3A_49, %swap3A_50], %swap3A_53 {strides = array<i32>} : memref<64x128xbf16, #tpu.memory_space<vmem>>, vector<1x32xbf16>,
    %swap3A_54 = arith.constant 2 : i32
    %swap3A_55 = arith.index_cast %swap3A_54 : i32 to index
    %swap3A_56 = arith.constant 32 : index
    %swap3A_57 = tpu.vector_load %arg10[%swap3A_55, %swap3A_56] {strides = array<i32>} : memref<64x128xbf16, #tpu.memory_space<vmem>>, vector<1x32xbf16>,
    %swap3A_58 = vector.shape_cast %swap3A_57 : vector<1x32xbf16> to vector<32xbf16>
    %swap3A_59 = vector.shape_cast %broadcast_in_dim3A_0 : vector<32xbf16> to vector<1x32xbf16>
    tpu.vector_store %arg10[%swap3A_55, %swap3A_56], %swap3A_59 {strides = array<i32>} : memref<64x128xbf16, #tpu.memory_space<vmem>>, vector<1x32xbf16>,
    %swap3A_60 = arith.constant 2 : i32
    %swap3A_61 = arith.index_cast %swap3A_60 : i32 to index
    %swap3A_62 = arith.constant 64 : index
    %swap3A_63 = tpu.vector_load %arg10[%swap3A_61, %swap3A_62] {strides = array<i32>} : memref<64x128xbf16, #tpu.memory_space<vmem>>, vector<1x32xbf16>,
    %swap3A_64 = vector.shape_cast %swap3A_63 : vector<1x32xbf16> to vector<32xbf16>
    %swap3A_65 = vector.shape_cast %broadcast_in_dim3A_0 : vector<32xbf16> to vector<1x32xbf16>
    tpu.vector_store %arg10[%swap3A_61, %swap3A_62], %swap3A_65 {strides = array<i32>} : memref<64x128xbf16, #tpu.memory_space<vmem>>, vector<1x32xbf16>,
    %swap3A_66 = arith.constant 2 : i32
    %swap3A_67 = arith.index_cast %swap3A_66 : i32 to index
    %swap3A_68 = arith.constant 96 : index
    %swap3A_69 = tpu.vector_load %arg10[%swap3A_67, %swap3A_68] {strides = array<i32>} : memref<64x128xbf16, #tpu.memory_space<vmem>>, vector<1x32xbf16>,
    %swap3A_70 = vector.shape_cast %swap3A_69 : vector<1x32xbf16> to vector<32xbf16>
    %swap3A_71 = vector.shape_cast %broadcast_in_dim3A_0 : vector<32xbf16> to vector<1x32xbf16>
    tpu.vector_store %arg10[%swap3A_67, %swap3A_68], %swap3A_71 {strides = array<i32>} : memref<64x128xbf16, #tpu.memory_space<vmem>>, vector<1x32xbf16>,
    %swap3A_72 = arith.constant 3 : i32
    %swap3A_73 = arith.index_cast %swap3A_72 : i32 to index
    %swap3A_74 = arith.constant 0 : index
    %swap3A_75 = tpu.vector_load %arg10[%swap3A_73, %swap3A_74] {strides = array<i32>} : memref<64x128xbf16, #tpu.memory_space<vmem>>, vector<1x32xbf16>,
    %swap3A_76 = vector.shape_cast %swap3A_75 : vector<1x32xbf16> to vector<32xbf16>
    %swap3A_77 = vector.shape_cast %broadcast_in_dim3A_0 : vector<32xbf16> to vector<1x32xbf16>
    tpu.vector_store %arg10[%swap3A_73, %swap3A_74], %swap3A_77 {strides = array<i32>} : memref<64x128xbf16, #tpu.memory_space<vmem>>, vector<1x32xbf16>,
    %swap3A_78 = arith.constant 3 : i32
    %swap3A_79 = arith.index_cast %swap3A_78 : i32 to index
    %swap3A_80 = arith.constant 32 : index
    %swap3A_81 = tpu.vector_load %arg10[%swap3A_79, %swap3A_80] {strides = array<i32>} : memref<64x128xbf16, #tpu.memory_space<vmem>>, vector<1x32xbf16>,
    %swap3A_82 = vector.shape_cast %swap3A_81 : vector<1x32xbf16> to vector<32xbf16>
    %swap3A_83 = vector.shape_cast %broadcast_in_dim3A_0 : vector<32xbf16> to vector<1x32xbf16>
    tpu.vector_store %arg10[%swap3A_79, %swap3A_80], %swap3A_83 {strides = array<i32>} : memref<64x128xbf16, #tpu.memory_space<vmem>>, vector<1x32xbf16>,
    %swap3A_84 = arith.constant 3 : i32
    %swap3A_85 = arith.index_cast %swap3A_84 : i32 to index
    %swap3A_86 = arith.constant 64 : index
    %swap3A_87 = tpu.vector_load %arg10[%swap3A_85, %swap3A_86] {strides = array<i32>} : memref<64x128xbf16, #tpu.memory_space<vmem>>, vector<1x32xbf16>,
    %swap3A_88 = vector.shape_cast %swap3A_87 : vector<1x32xbf16> to vector<32xbf16>
    %swap3A_89 = vector.shape_cast %broadcast_in_dim3A_0 : vector<32xbf16> to vector<1x32xbf16>
    tpu.vector_store %arg10[%swap3A_85, %swap3A_86], %swap3A_89 {strides = array<i32>} : memref<64x128xbf16, #tpu.memory_space<vmem>>, vector<1x32xbf16>,
    %swap3A_90 = arith.constant 3 : i32
    %swap3A_91 = arith.index_cast %swap3A_90 : i32 to index
    %swap3A_92 = arith.constant 96 : index
    %swap3A_93 = tpu.vector_load %arg10[%swap3A_91, %swap3A_92] {strides = array<i32>} : memref<64x128xbf16, #tpu.memory_space<vmem>>, vector<1x32xbf16>,
    %swap3A_94 = vector.shape_cast %swap3A_93 : vector<1x32xbf16> to vector<32xbf16>
    %swap3A_95 = vector.shape_cast %broadcast_in_dim3A_0 : vector<32xbf16> to vector<1x32xbf16>
    tpu.vector_store %arg10[%swap3A_91, %swap3A_92], %swap3A_95 {strides = array<i32>} : memref<64x128xbf16, #tpu.memory_space<vmem>>, vector<1x32xbf16>,
    %swap3A_96 = arith.constant 4 : i32
    %swap3A_97 = arith.index_cast %swap3A_96 : i32 to index
    %swap3A_98 = arith.constant 0 : index
    %swap3A_99 = tpu.vector_load %arg10[%swap3A_97, %swap3A_98] {strides = array<i32>} : memref<64x128xbf16, #tpu.memory_space<vmem>>, vector<1x32xbf16>,
    %swap3A_100 = vector.shape_cast %swap3A_99 : vector<1x32xbf16> to vector<32xbf16>
    %swap3A_101 = vector.shape_cast %broadcast_in_dim3A_0 : vector<32xbf16> to vector<1x32xbf16>
    tpu.vector_store %arg10[%swap3A_97, %swap3A_98], %swap3A_101 {strides = array<i32>} : memref<64x128xbf16, #tpu.memory_space<vmem>>, vector<1x32xbf16>,
    %swap3A_102 = arith.constant 4 : i32
    %swap3A_103 = arith.index_cast %swap3A_102 : i32 to index
    %swap3A_104 = arith.constant 32 : index
    %swap3A_105 = tpu.vector_load %arg10[%swap3A_103, %swap3A_104] {strides = array<i32>} : memref<64x128xbf16, #tpu.memory_space<vmem>>, vector<1x32xbf16>,
    %swap3A_106 = vector.shape_cast %swap3A_105 : vector<1x32xbf16> to vector<32xbf16>
    %swap3A_107 = vector.shape_cast %broadcast_in_dim3A_0 : vector<32xbf16> to vector<1x32xbf16>
    tpu.vector_store %arg10[%swap3A_103, %swap3A_104], %swap3A_107 {strides = array<i32>} : memref<64x128xbf16, #tpu.memory_space<vmem>>, vector<1x32xbf16>,
    %swap3A_108 = arith.constant 4 : i32
    %swap3A_109 = arith.index_cast %swap3A_108 : i32 to index
    %swap3A_110 = arith.constant 64 : index
    %swap3A_111 = tpu.vector_load %arg10[%swap3A_109, %swap3A_110] {strides = array<i32>} : memref<64x128xbf16, #tpu.memory_space<vmem>>, vector<1x32xbf16>,
    %swap3A_112 = vector.shape_cast %swap3A_111 : vector<1x32xbf16> to vector<32xbf16>
    %swap3A_113 = vector.shape_cast %broadcast_in_dim3A_0 : vector<32xbf16> to vector<1x32xbf16>
    tpu.vector_store %arg10[%swap3A_109, %swap3A_110], %swap3A_113 {strides = array<i32>} : memref<64x128xbf16, #tpu.memory_space<vmem>>, vector<1x32xbf16>,
    %swap3A_114 = arith.constant 4 : i32
    %swap3A_115 = arith.index_cast %swap3A_114 : i32 to index
    %swap3A_116 = arith.constant 96 : index
    %swap3A_117 = tpu.vector_load %arg10[%swap3A_115, %swap3A_116] {strides = array<i32>} : memref<64x128xbf16, #tpu.memory_space<vmem>>, vector<1x32xbf16>,
    %swap3A_118 = vector.shape_cast %swap3A_117 : vector<1x32xbf16> to vector<32xbf16>
    %swap3A_119 = vector.shape_cast %broadcast_in_dim3A_0 : vector<32xbf16> to vector<1x32xbf16>
    tpu.vector_store %arg10[%swap3A_115, %swap3A_116], %swap3A_119 {strides = array<i32>} : memref<64x128xbf16, #tpu.memory_space<vmem>>, vector<1x32xbf16>,
    %swap3A_120 = arith.constant 5 : i32
    %swap3A_121 = arith.index_cast %swap3A_120 : i32 to index
    %swap3A_122 = arith.constant 0 : index
    %swap3A_123 = tpu.vector_load %arg10[%swap3A_121, %swap3A_122] {strides = array<i32>} : memref<64x128xbf16, #tpu.memory_space<vmem>>, vector<1x32xbf16>,
    %swap3A_124 = vector.shape_cast %swap3A_123 : vector<1x32xbf16> to vector<32xbf16>
    %swap3A_125 = vector.shape_cast %broadcast_in_dim3A_0 : vector<32xbf16> to vector<1x32xbf16>
    tpu.vector_store %arg10[%swap3A_121, %swap3A_122], %swap3A_125 {strides = array<i32>} : memref<64x128xbf16, #tpu.memory_space<vmem>>, vector<1x32xbf16>,
    %swap3A_126 = arith.constant 5 : i32
    %swap3A_127 = arith.index_cast %swap3A_126 : i32 to index
    %swap3A_128 = arith.constant 32 : index
    %swap3A_129 = tpu.vector_load %arg10[%swap3A_127, %swap3A_128] {strides = array<i32>} : memref<64x128xbf16, #tpu.memory_space<vmem>>, vector<1x32xbf16>,
    %swap3A_130 = vector.shape_cast %swap3A_129 : vector<1x32xbf16> to vector<32xbf16>
    %swap3A_131 = vector.shape_cast %broadcast_in_dim3A_0 : vector<32xbf16> to vector<1x32xbf16>
    tpu.vector_store %arg10[%swap3A_127, %swap3A_128], %swap3A_131 {strides = array<i32>} : memref<64x128xbf16, #tpu.memory_space<vmem>>, vector<1x32xbf16>,
    %swap3A_132 = arith.constant 5 : i32
    %swap3A_133 = arith.index_cast %swap3A_132 : i32 to index
    %swap3A_134 = arith.constant 64 : index
    %swap3A_135 = tpu.vector_load %arg10[%swap3A_133, %swap3A_134] {strides = array<i32>} : memref<64x128xbf16, #tpu.memory_space<vmem>>, vector<1x32xbf16>,
    %swap3A_136 = vector.shape_cast %swap3A_135 : vector<1x32xbf16> to vector<32xbf16>
    %swap3A_137 = vector.shape_cast %broadcast_in_dim3A_0 : vector<32xbf16> to vector<1x32xbf16>
    tpu.vector_store %arg10[%swap3A_133, %swap3A_134], %swap3A_137 {strides = array<i32>} : memref<64x128xbf16, #tpu.memory_space<vmem>>, vector<1x32xbf16>,
    %swap3A_138 = arith.constant 5 : i32
    %swap3A_139 = arith.index_cast %swap3A_138 : i32 to index
    %swap3A_140 = arith.constant 96 : index
    %swap3A_141 = tpu.vector_load %arg10[%swap3A_139, %swap3A_140] {strides = array<i32>} : memref<64x128xbf16, #tpu.memory_space<vmem>>, vector<1x32xbf16>,
    %swap3A_142 = vector.shape_cast %swap3A_141 : vector<1x32xbf16> to vector<32xbf16>
    %swap3A_143 = vector.shape_cast %broadcast_in_dim3A_0 : vector<32xbf16> to vector<1x32xbf16>
    tpu.vector_store %arg10[%swap3A_139, %swap3A_140], %swap3A_143 {strides = array<i32>} : memref<64x128xbf16, #tpu.memory_space<vmem>>, vector<1x32xbf16>,
    %swap3A_144 = arith.constant 6 : i32
    %swap3A_145 = arith.index_cast %swap3A_144 : i32 to index
    %swap3A_146 = arith.constant 0 : index
    %swap3A_147 = tpu.vector_load %arg10[%swap3A_145, %swap3A_146] {strides = array<i32>} : memref<64x128xbf16, #tpu.memory_space<vmem>>, vector<1x32xbf16>,
    %swap3A_148 = vector.shape_cast %swap3A_147 : vector<1x32xbf16> to vector<32xbf16>
    %swap3A_149 = vector.shape_cast %broadcast_in_dim3A_0 : vector<32xbf16> to vector<1x32xbf16>
    tpu.vector_store %arg10[%swap3A_145, %swap3A_146], %swap3A_149 {strides = array<i32>} : memref<64x128xbf16, #tpu.memory_space<vmem>>, vector<1x32xbf16>,
    %swap3A_150 = arith.constant 6 : i32
    %swap3A_151 = arith.index_cast %swap3A_150 : i32 to index
    %swap3A_152 = arith.constant 32 : index
    %swap3A_153 = tpu.vector_load %arg10[%swap3A_151, %swap3A_152] {strides = array<i32>} : memref<64x128xbf16, #tpu.memory_space<vmem>>, vector<1x32xbf16>,
    %swap3A_154 = vector.shape_cast %swap3A_153 : vector<1x32xbf16> to vector<32xbf16>
    %swap3A_155 = vector.shape_cast %broadcast_in_dim3A_0 : vector<32xbf16> to vector<1x32xbf16>
    tpu.vector_store %arg10[%swap3A_151, %swap3A_152], %swap3A_155 {strides = array<i32>} : memref<64x128xbf16, #tpu.memory_space<vmem>>, vector<1x32xbf16>,
    %swap3A_156 = arith.constant 6 : i32
    %swap3A_157 = arith.index_cast %swap3A_156 : i32 to index
    %swap3A_158 = arith.constant 64 : index
    %swap3A_159 = tpu.vector_load %arg10[%swap3A_157, %swap3A_158] {strides = array<i32>} : memref<64x128xbf16, #tpu.memory_space<vmem>>, vector<1x32xbf16>,
    %swap3A_160 = vector.shape_cast %swap3A_159 : vector<1x32xbf16> to vector<32xbf16>
    %swap3A_161 = vector.shape_cast %broadcast_in_dim3A_0 : vector<32xbf16> to vector<1x32xbf16>
    tpu.vector_store %arg10[%swap3A_157, %swap3A_158], %swap3A_161 {strides = array<i32>} : memref<64x128xbf16, #tpu.memory_space<vmem>>, vector<1x32xbf16>,
    %swap3A_162 = arith.constant 6 : i32
    %swap3A_163 = arith.index_cast %swap3A_162 : i32 to index
    %swap3A_164 = arith.constant 96 : index
    %swap3A_165 = tpu.vector_load %arg10[%swap3A_163, %swap3A_164] {strides = array<i32>} : memref<64x128xbf16, #tpu.memory_space<vmem>>, vector<1x32xbf16>,
    %swap3A_166 = vector.shape_cast %swap3A_165 : vector<1x32xbf16> to vector<32xbf16>
    %swap3A_167 = vector.shape_cast %broadcast_in_dim3A_0 : vector<32xbf16> to vector<1x32xbf16>
    tpu.vector_store %arg10[%swap3A_163, %swap3A_164], %swap3A_167 {strides = array<i32>} : memref<64x128xbf16, #tpu.memory_space<vmem>>, vector<1x32xbf16>,
    %swap3A_168 = arith.constant 7 : i32
    %swap3A_169 = arith.index_cast %swap3A_168 : i32 to index
    %swap3A_170 = arith.constant 0 : index
    %swap3A_171 = tpu.vector_load %arg10[%swap3A_169, %swap3A_170] {strides = array<i32>} : memref<64x128xbf16, #tpu.memory_space<vmem>>, vector<1x32xbf16>,
    %swap3A_172 = vector.shape_cast %swap3A_171 : vector<1x32xbf16> to vector<32xbf16>
    %swap3A_173 = vector.shape_cast %broadcast_in_dim3A_0 : vector<32xbf16> to vector<1x32xbf16>
    tpu.vector_store %arg10[%swap3A_169, %swap3A_170], %swap3A_173 {strides = array<i32>} : memref<64x128xbf16, #tpu.memory_space<vmem>>, vector<1x32xbf16>,
    %swap3A_174 = arith.constant 7 : i32
    %swap3A_175 = arith.index_cast %swap3A_174 : i32 to index
    %swap3A_176 = arith.constant 32 : index
    %swap3A_177 = tpu.vector_load %arg10[%swap3A_175, %swap3A_176] {strides = array<i32>} : memref<64x128xbf16, #tpu.memory_space<vmem>>, vector<1x32xbf16>,
    %swap3A_178 = vector.shape_cast %swap3A_177 : vector<1x32xbf16> to vector<32xbf16>
    %swap3A_179 = vector.shape_cast %broadcast_in_dim3A_0 : vector<32xbf16> to vector<1x32xbf16>
    tpu.vector_store %arg10[%swap3A_175, %swap3A_176], %swap3A_179 {strides = array<i32>} : memref<64x128xbf16, #tpu.memory_space<vmem>>, vector<1x32xbf16>,
    %swap3A_180 = arith.constant 7 : i32
    %swap3A_181 = arith.index_cast %swap3A_180 : i32 to index
    %swap3A_182 = arith.constant 64 : index
    %swap3A_183 = tpu.vector_load %arg10[%swap3A_181, %swap3A_182] {strides = array<i32>} : memref<64x128xbf16, #tpu.memory_space<vmem>>, vector<1x32xbf16>,
    %swap3A_184 = vector.shape_cast %swap3A_183 : vector<1x32xbf16> to vector<32xbf16>
    %swap3A_185 = vector.shape_cast %broadcast_in_dim3A_0 : vector<32xbf16> to vector<1x32xbf16>
    tpu.vector_store %arg10[%swap3A_181, %swap3A_182], %swap3A_185 {strides = array<i32>} : memref<64x128xbf16, #tpu.memory_space<vmem>>, vector<1x32xbf16>,
    %swap3A_186 = arith.constant 7 : i32
    %swap3A_187 = arith.index_cast %swap3A_186 : i32 to index
    %swap3A_188 = arith.constant 96 : index
    %swap3A_189 = tpu.vector_load %arg10[%swap3A_187, %swap3A_188] {strides = array<i32>} : memref<64x128xbf16, #tpu.memory_space<vmem>>, vector<1x32xbf16>,
    %swap3A_190 = vector.shape_cast %swap3A_189 : vector<1x32xbf16> to vector<32xbf16>
    %swap3A_191 = vector.shape_cast %broadcast_in_dim3A_0 : vector<32xbf16> to vector<1x32xbf16>
    tpu.vector_store %arg10[%swap3A_187, %swap3A_188], %swap3A_191 {strides = array<i32>} : memref<64x128xbf16, #tpu.memory_space<vmem>>, vector<1x32xbf16>,
    %swap3A_192 = arith.constant 8 : i32
    %swap3A_193 = arith.index_cast %swap3A_192 : i32 to index
    %swap3A_194 = arith.constant 0 : index
    %swap3A_195 = tpu.vector_load %arg10[%swap3A_193, %swap3A_194] {strides = array<i32>} : memref<64x128xbf16, #tpu.memory_space<vmem>>, vector<1x32xbf16>,
    %swap3A_196 = vector.shape_cast %swap3A_195 : vector<1x32xbf16> to vector<32xbf16>
    %swap3A_197 = vector.shape_cast %broadcast_in_dim3A_0 : vector<32xbf16> to vector<1x32xbf16>
    tpu.vector_store %arg10[%swap3A_193, %swap3A_194], %swap3A_197 {strides = array<i32>} : memref<64x128xbf16, #tpu.memory_space<vmem>>, vector<1x32xbf16>,
    %swap3A_198 = arith.constant 8 : i32
    %swap3A_199 = arith.index_cast %swap3A_198 : i32 to index
    %swap3A_200 = arith.constant 32 : index
    %swap3A_201 = tpu.vector_load %arg10[%swap3A_199, %swap3A_200] {strides = array<i32>} : memref<64x128xbf16, #tpu.memory_space<vmem>>, vector<1x32xbf16>,
    %swap3A_202 = vector.shape_cast %swap3A_201 : vector<1x32xbf16> to vector<32xbf16>
    %swap3A_203 = vector.shape_cast %broadcast_in_dim3A_0 : vector<32xbf16> to vector<1x32xbf16>
    tpu.vector_store %arg10[%swap3A_199, %swap3A_200], %swap3A_203 {strides = array<i32>} : memref<64x128xbf16, #tpu.memory_space<vmem>>, vector<1x32xbf16>,
    %swap3A_204 = arith.constant 8 : i32
    %swap3A_205 = arith.index_cast %swap3A_204 : i32 to index
    %swap3A_206 = arith.constant 64 : index
    %swap3A_207 = tpu.vector_load %arg10[%swap3A_205, %swap3A_206] {strides = array<i32>} : memref<64x128xbf16, #tpu.memory_space<vmem>>, vector<1x32xbf16>,
    %swap3A_208 = vector.shape_cast %swap3A_207 : vector<1x32xbf16> to vector<32xbf16>
    %swap3A_209 = vector.shape_cast %broadcast_in_dim3A_0 : vector<32xbf16> to vector<1x32xbf16>
    tpu.vector_store %arg10[%swap3A_205, %swap3A_206], %swap3A_209 {strides = array<i32>} : memref<64x128xbf16, #tpu.memory_space<vmem>>, vector<1x32xbf16>,
    %swap3A_210 = arith.constant 8 : i32
    %swap3A_211 = arith.index_cast %swap3A_210 : i32 to index
    %swap3A_212 = arith.constant 96 : index
    %swap3A_213 = tpu.vector_load %arg10[%swap3A_211, %swap3A_212] {strides = array<i32>} : memref<64x128xbf16, #tpu.memory_space<vmem>>, vector<1x32xbf16>,
    %swap3A_214 = vector.shape_cast %swap3A_213 : vector<1x32xbf16> to vector<32xbf16>
    %swap3A_215 = vector.shape_cast %broadcast_in_dim3A_0 : vector<32xbf16> to vector<1x32xbf16>
    tpu.vector_store %arg10[%swap3A_211, %swap3A_212], %swap3A_215 {strides = array<i32>} : memref<64x128xbf16, #tpu.memory_space<vmem>>, vector<1x32xbf16>,
    %swap3A_216 = arith.constant 9 : i32
    %swap3A_217 = arith.index_cast %swap3A_216 : i32 to index
    %swap3A_218 = arith.constant 0 : index
    %swap3A_219 = tpu.vector_load %arg10[%swap3A_217, %swap3A_218] {strides = array<i32>} : memref<64x128xbf16, #tpu.memory_space<vmem>>, vector<1x32xbf16>,
    %swap3A_220 = vector.shape_cast %swap3A_219 : vector<1x32xbf16> to vector<32xbf16>
    %swap3A_221 = vector.shape_cast %broadcast_in_dim3A_0 : vector<32xbf16> to vector<1x32xbf16>
    tpu.vector_store %arg10[%swap3A_217, %swap3A_218], %swap3A_221 {strides = array<i32>} : memref<64x128xbf16, #tpu.memory_space<vmem>>, vector<1x32xbf16>,
    %swap3A_222 = arith.constant 9 : i32
    %swap3A_223 = arith.index_cast %swap3A_222 : i32 to index
    %swap3A_224 = arith.constant 32 : index
    %swap3A_225 = tpu.vector_load %arg10[%swap3A_223, %swap3A_224] {strides = array<i32>} : memref<64x128xbf16, #tpu.memory_space<vmem>>, vector<1x32xbf16>,
    %swap3A_226 = vector.shape_cast %swap3A_225 : vector<1x32xbf16> to vector<32xbf16>
    %swap3A_227 = vector.shape_cast %broadcast_in_dim3A_0 : vector<32xbf16> to vector<1x32xbf16>
    tpu.vector_store %arg10[%swap3A_223, %swap3A_224], %swap3A_227 {strides = array<i32>} : memref<64x128xbf16, #tpu.memory_space<vmem>>, vector<1x32xbf16>,
    %swap3A_228 = arith.constant 9 : i32
    %swap3A_229 = arith.index_cast %swap3A_228 : i32 to index
    %swap3A_230 = arith.constant 64 : index
    %swap3A_231 = tpu.vector_load %arg10[%swap3A_229, %swap3A_230] {strides = array<i32>} : memref<64x128xbf16, #tpu.memory_space<vmem>>, vector<1x32xbf16>,
    %swap3A_232 = vector.shape_cast %swap3A_231 : vector<1x32xbf16> to vector<32xbf16>
    %swap3A_233 = vector.shape_cast %broadcast_in_dim3A_0 : vector<32xbf16> to vector<1x32xbf16>
    tpu.vector_store %arg10[%swap3A_229, %swap3A_230], %swap3A_233 {strides = array<i32>} : memref<64x128xbf16, #tpu.memory_space<vmem>>, vector<1x32xbf16>,
    %swap3A_234 = arith.constant 9 : i32
    %swap3A_235 = arith.index_cast %swap3A_234 : i32 to index
    %swap3A_236 = arith.constant 96 : index
    %swap3A_237 = tpu.vector_load %arg10[%swap3A_235, %swap3A_236] {strides = array<i32>} : memref<64x128xbf16, #tpu.memory_space<vmem>>, vector<1x32xbf16>,
    %swap3A_238 = vector.shape_cast %swap3A_237 : vector<1x32xbf16> to vector<32xbf16>
    %swap3A_239 = vector.shape_cast %broadcast_in_dim3A_0 : vector<32xbf16> to vector<1x32xbf16>
    tpu.vector_store %arg10[%swap3A_235, %swap3A_236], %swap3A_239 {strides = array<i32>} : memref<64x128xbf16, #tpu.memory_space<vmem>>, vector<1x32xbf16>,
    %swap3A_240 = arith.constant 10 : i32
    %swap3A_241 = arith.index_cast %swap3A_240 : i32 to index
    %swap3A_242 = arith.constant 0 : index
    %swap3A_243 = tpu.vector_load %arg10[%swap3A_241, %swap3A_242] {strides = array<i32>} : memref<64x128xbf16, #tpu.memory_space<vmem>>, vector<1x32xbf16>,
    %swap3A_244 = vector.shape_cast %swap3A_243 : vector<1x32xbf16> to vector<32xbf16>
    %swap3A_245 = vector.shape_cast %broadcast_in_dim3A_0 : vector<32xbf16> to vector<1x32xbf16>
    tpu.vector_store %arg10[%swap3A_241, %swap3A_242], %swap3A_245 {strides = array<i32>} : memref<64x128xbf16, #tpu.memory_space<vmem>>, vector<1x32xbf16>,
    %swap3A_246 = arith.constant 10 : i32
    %swap3A_247 = arith.index_cast %swap3A_246 : i32 to index
    %swap3A_248 = arith.constant 32 : index
    %swap3A_249 = tpu.vector_load %arg10[%swap3A_247, %swap3A_248] {strides = array<i32>} : memref<64x128xbf16, #tpu.memory_space<vmem>>, vector<1x32xbf16>,
    %swap3A_250 = vector.shape_cast %swap3A_249 : vector<1x32xbf16> to vector<32xbf16>
    %swap3A_251 = vector.shape_cast %broadcast_in_dim3A_0 : vector<32xbf16> to vector<1x32xbf16>
    tpu.vector_store %arg10[%swap3A_247, %swap3A_248], %swap3A_251 {strides = array<i32>} : memref<64x128xbf16, #tpu.memory_space<vmem>>, vector<1x32xbf16>,
    %swap3A_252 = arith.constant 10 : i32
    %swap3A_253 = arith.index_cast %swap3A_252 : i32 to index
    %swap3A_254 = arith.constant 64 : index
    %swap3A_255 = tpu.vector_load %arg10[%swap3A_253, %swap3A_254] {strides = array<i32>} : memref<64x128xbf16, #tpu.memory_space<vmem>>, vector<1x32xbf16>,
    %swap3A_256 = vector.shape_cast %swap3A_255 : vector<1x32xbf16> to vector<32xbf16>
    %swap3A_257 = vector.shape_cast %broadcast_in_dim3A_0 : vector<32xbf16> to vector<1x32xbf16>
    tpu.vector_store %arg10[%swap3A_253, %swap3A_254], %swap3A_257 {strides = array<i32>} : memref<64x128xbf16, #tpu.memory_space<vmem>>, vector<1x32xbf16>,
    %swap3A_258 = arith.constant 10 : i32
    %swap3A_259 = arith.index_cast %swap3A_258 : i32 to index
    %swap3A_260 = arith.constant 96 : index
    %swap3A_261 = tpu.vector_load %arg10[%swap3A_259, %swap3A_260] {strides = array<i32>} : memref<64x128xbf16, #tpu.memory_space<vmem>>, vector<1x32xbf16>,
    %swap3A_262 = vector.shape_cast %swap3A_261 : vector<1x32xbf16> to vector<32xbf16>
    %swap3A_263 = vector.shape_cast %broadcast_in_dim3A_0 : vector<32xbf16> to vector<1x32xbf16>
    tpu.vector_store %arg10[%swap3A_259, %swap3A_260], %swap3A_263 {strides = array<i32>} : memref<64x128xbf16, #tpu.memory_space<vmem>>, vector<1x32xbf16>,
    %swap3A_264 = arith.constant 11 : i32
    %swap3A_265 = arith.index_cast %swap3A_264 : i32 to index
    %swap3A_266 = arith.constant 0 : index
    %swap3A_267 = tpu.vector_load %arg10[%swap3A_265, %swap3A_266] {strides = array<i32>} : memref<64x128xbf16, #tpu.memory_space<vmem>>, vector<1x32xbf16>,
    %swap3A_268 = vector.shape_cast %swap3A_267 : vector<1x32xbf16> to vector<32xbf16>
    %swap3A_269 = vector.shape_cast %broadcast_in_dim3A_0 : vector<32xbf16> to vector<1x32xbf16>
    tpu.vector_store %arg10[%swap3A_265, %swap3A_266], %swap3A_269 {strides = array<i32>} : memref<64x128xbf16, #tpu.memory_space<vmem>>, vector<1x32xbf16>,
    %swap3A_270 = arith.constant 11 : i32
    %swap3A_271 = arith.index_cast %swap3A_270 : i32 to index
    %swap3A_272 = arith.constant 32 : index
    %swap3A_273 = tpu.vector_load %arg10[%swap3A_271, %swap3A_272] {strides = array<i32>} : memref<64x128xbf16, #tpu.memory_space<vmem>>, vector<1x32xbf16>,
    %swap3A_274 = vector.shape_cast %swap3A_273 : vector<1x32xbf16> to vector<32xbf16>
    %swap3A_275 = vector.shape_cast %broadcast_in_dim3A_0 : vector<32xbf16> to vector<1x32xbf16>
    tpu.vector_store %arg10[%swap3A_271, %swap3A_272], %swap3A_275 {strides = array<i32>} : memref<64x128xbf16, #tpu.memory_space<vmem>>, vector<1x32xbf16>,
    %swap3A_276 = arith.constant 11 : i32
    %swap3A_277 = arith.index_cast %swap3A_276 : i32 to index
    %swap3A_278 = arith.constant 64 : index
    %swap3A_279 = tpu.vector_load %arg10[%swap3A_277, %swap3A_278] {strides = array<i32>} : memref<64x128xbf16, #tpu.memory_space<vmem>>, vector<1x32xbf16>,
    %swap3A_280 = vector.shape_cast %swap3A_279 : vector<1x32xbf16> to vector<32xbf16>
    %swap3A_281 = vector.shape_cast %broadcast_in_dim3A_0 : vector<32xbf16> to vector<1x32xbf16>
    tpu.vector_store %arg10[%swap3A_277, %swap3A_278], %swap3A_281 {strides = array<i32>} : memref<64x128xbf16, #tpu.memory_space<vmem>>, vector<1x32xbf16>,
    %swap3A_282 = arith.constant 11 : i32
    %swap3A_283 = arith.index_cast %swap3A_282 : i32 to index
    %swap3A_284 = arith.constant 96 : index
    %swap3A_285 = tpu.vector_load %arg10[%swap3A_283, %swap3A_284] {strides = array<i32>} : memref<64x128xbf16, #tpu.memory_space<vmem>>, vector<1x32xbf16>,
    %swap3A_286 = vector.shape_cast %swap3A_285 : vector<1x32xbf16> to vector<32xbf16>
    %swap3A_287 = vector.shape_cast %broadcast_in_dim3A_0 : vector<32xbf16> to vector<1x32xbf16>
    tpu.vector_store %arg10[%swap3A_283, %swap3A_284], %swap3A_287 {strides = array<i32>} : memref<64x128xbf16, #tpu.memory_space<vmem>>, vector<1x32xbf16>,
    %swap3A_288 = arith.constant 12 : i32
    %swap3A_289 = arith.index_cast %swap3A_288 : i32 to index
    %swap3A_290 = arith.constant 0 : index
    %swap3A_291 = tpu.vector_load %arg10[%swap3A_289, %swap3A_290] {strides = array<i32>} : memref<64x128xbf16, #tpu.memory_space<vmem>>, vector<1x32xbf16>,
    %swap3A_292 = vector.shape_cast %swap3A_291 : vector<1x32xbf16> to vector<32xbf16>
    %swap3A_293 = vector.shape_cast %broadcast_in_dim3A_0 : vector<32xbf16> to vector<1x32xbf16>
    tpu.vector_store %arg10[%swap3A_289, %swap3A_290], %swap3A_293 {strides = array<i32>} : memref<64x128xbf16, #tpu.memory_space<vmem>>, vector<1x32xbf16>,
    %swap3A_294 = arith.constant 12 : i32
    %swap3A_295 = arith.index_cast %swap3A_294 : i32 to index
    %swap3A_296 = arith.constant 32 : index
    %swap3A_297 = tpu.vector_load %arg10[%swap3A_295, %swap3A_296] {strides = array<i32>} : memref<64x128xbf16, #tpu.memory_space<vmem>>, vector<1x32xbf16>,
    %swap3A_298 = vector.shape_cast %swap3A_297 : vector<1x32xbf16> to vector<32xbf16>
    %swap3A_299 = vector.shape_cast %broadcast_in_dim3A_0 : vector<32xbf16> to vector<1x32xbf16>
    tpu.vector_store %arg10[%swap3A_295, %swap3A_296], %swap3A_299 {strides = array<i32>} : memref<64x128xbf16, #tpu.memory_space<vmem>>, vector<1x32xbf16>,
    %swap3A_300 = arith.constant 12 : i32
    %swap3A_301 = arith.index_cast %swap3A_300 : i32 to index
    %swap3A_302 = arith.constant 64 : index
    %swap3A_303 = tpu.vector_load %arg10[%swap3A_301, %swap3A_302] {strides = array<i32>} : memref<64x128xbf16, #tpu.memory_space<vmem>>, vector<1x32xbf16>,
    %swap3A_304 = vector.shape_cast %swap3A_303 : vector<1x32xbf16> to vector<32xbf16>
    %swap3A_305 = vector.shape_cast %broadcast_in_dim3A_0 : vector<32xbf16> to vector<1x32xbf16>
    tpu.vector_store %arg10[%swap3A_301, %swap3A_302], %swap3A_305 {strides = array<i32>} : memref<64x128xbf16, #tpu.memory_space<vmem>>, vector<1x32xbf16>,
    %swap3A_306 = arith.constant 12 : i32
    %swap3A_307 = arith.index_cast %swap3A_306 : i32 to index
    %swap3A_308 = arith.constant 96 : index
    %swap3A_309 = tpu.vector_load %arg10[%swap3A_307, %swap3A_308] {strides = array<i32>} : memref<64x128xbf16, #tpu.memory_space<vmem>>, vector<1x32xbf16>,
    %swap3A_310 = vector.shape_cast %swap3A_309 : vector<1x32xbf16> to vector<32xbf16>
    %swap3A_311 = vector.shape_cast %broadcast_in_dim3A_0 : vector<32xbf16> to vector<1x32xbf16>
    tpu.vector_store %arg10[%swap3A_307, %swap3A_308], %swap3A_311 {strides = array<i32>} : memref<64x128xbf16, #tpu.memory_space<vmem>>, vector<1x32xbf16>,
    %swap3A_312 = arith.constant 13 : i32
    %swap3A_313 = arith.index_cast %swap3A_312 : i32 to index
    %swap3A_314 = arith.constant 0 : index
    %swap3A_315 = tpu.vector_load %arg10[%swap3A_313, %swap3A_314] {strides = array<i32>} : memref<64x128xbf16, #tpu.memory_space<vmem>>, vector<1x32xbf16>,
    %swap3A_316 = vector.shape_cast %swap3A_315 : vector<1x32xbf16> to vector<32xbf16>
    %swap3A_317 = vector.shape_cast %broadcast_in_dim3A_0 : vector<32xbf16> to vector<1x32xbf16>
    tpu.vector_store %arg10[%swap3A_313, %swap3A_314], %swap3A_317 {strides = array<i32>} : memref<64x128xbf16, #tpu.memory_space<vmem>>, vector<1x32xbf16>,
    %swap3A_318 = arith.constant 13 : i32
    %swap3A_319 = arith.index_cast %swap3A_318 : i32 to index
    %swap3A_320 = arith.constant 32 : index
    %swap3A_321 = tpu.vector_load %arg10[%swap3A_319, %swap3A_320] {strides = array<i32>} : memref<64x128xbf16, #tpu.memory_space<vmem>>, vector<1x32xbf16>,
    %swap3A_322 = vector.shape_cast %swap3A_321 : vector<1x32xbf16> to vector<32xbf16>
    %swap3A_323 = vector.shape_cast %broadcast_in_dim3A_0 : vector<32xbf16> to vector<1x32xbf16>
    tpu.vector_store %arg10[%swap3A_319, %swap3A_320], %swap3A_323 {strides = array<i32>} : memref<64x128xbf16, #tpu.memory_space<vmem>>, vector<1x32xbf16>,
    %swap3A_324 = arith.constant 13 : i32
    %swap3A_325 = arith.index_cast %swap3A_324 : i32 to index
    %swap3A_326 = arith.constant 64 : index
    %swap3A_327 = tpu.vector_load %arg10[%swap3A_325, %swap3A_326] {strides = array<i32>} : memref<64x128xbf16, #tpu.memory_space<vmem>>, vector<1x32xbf16>,
    %swap3A_328 = vector.shape_cast %swap3A_327 : vector<1x32xbf16> to vector<32xbf16>
    %swap3A_329 = vector.shape_cast %broadcast_in_dim3A_0 : vector<32xbf16> to vector<1x32xbf16>
    tpu.vector_store %arg10[%swap3A_325, %swap3A_326], %swap3A_329 {strides = array<i32>} : memref<64x128xbf16, #tpu.memory_space<vmem>>, vector<1x32xbf16>,
    %swap3A_330 = arith.constant 13 : i32
    %swap3A_331 = arith.index_cast %swap3A_330 : i32 to index
    %swap3A_332 = arith.constant 96 : index
    %swap3A_333 = tpu.vector_load %arg10[%swap3A_331, %swap3A_332] {strides = array<i32>} : memref<64x128xbf16, #tpu.memory_space<vmem>>, vector<1x32xbf16>,
    %swap3A_334 = vector.shape_cast %swap3A_333 : vector<1x32xbf16> to vector<32xbf16>
    %swap3A_335 = vector.shape_cast %broadcast_in_dim3A_0 : vector<32xbf16> to vector<1x32xbf16>
    tpu.vector_store %arg10[%swap3A_331, %swap3A_332], %swap3A_335 {strides = array<i32>} : memref<64x128xbf16, #tpu.memory_space<vmem>>, vector<1x32xbf16>,
    %swap3A_336 = arith.constant 14 : i32
    %swap3A_337 = arith.index_cast %swap3A_336 : i32 to index
    %swap3A_338 = arith.constant 0 : index
    %swap3A_339 = tpu.vector_load %arg10[%swap3A_337, %swap3A_338] {strides = array<i32>} : memref<64x128xbf16, #tpu.memory_space<vmem>>, vector<1x32xbf16>,
    %swap3A_340 = vector.shape_cast %swap3A_339 : vector<1x32xbf16> to vector<32xbf16>
    %swap3A_341 = vector.shape_cast %broadcast_in_dim3A_0 : vector<32xbf16> to vector<1x32xbf16>
    tpu.vector_store %arg10[%swap3A_337, %swap3A_338], %swap3A_341 {strides = array<i32>} : memref<64x128xbf16, #tpu.memory_space<vmem>>, vector<1x32xbf16>,
    %swap3A_342 = arith.constant 14 : i32
    %swap3A_343 = arith.index_cast %swap3A_342 : i32 to index
    %swap3A_344 = arith.constant 32 : index
    %swap3A_345 = tpu.vector_load %arg10[%swap3A_343, %swap3A_344] {strides = array<i32>} : memref<64x128xbf16, #tpu.memory_space<vmem>>, vector<1x32xbf16>,
    %swap3A_346 = vector.shape_cast %swap3A_345 : vector<1x32xbf16> to vector<32xbf16>
    %swap3A_347 = vector.shape_cast %broadcast_in_dim3A_0 : vector<32xbf16> to vector<1x32xbf16>
    tpu.vector_store %arg10[%swap3A_343, %swap3A_344], %swap3A_347 {strides = array<i32>} : memref<64x128xbf16, #tpu.memory_space<vmem>>, vector<1x32xbf16>,
    %swap3A_348 = arith.constant 14 : i32
    %swap3A_349 = arith.index_cast %swap3A_348 : i32 to index
    %swap3A_350 = arith.constant 64 : index
    %swap3A_351 = tpu.vector_load %arg10[%swap3A_349, %swap3A_350] {strides = array<i32>} : memref<64x128xbf16, #tpu.memory_space<vmem>>, vector<1x32xbf16>,
    %swap3A_352 = vector.shape_cast %swap3A_351 : vector<1x32xbf16> to vector<32xbf16>
    %swap3A_353 = vector.shape_cast %broadcast_in_dim3A_0 : vector<32xbf16> to vector<1x32xbf16>
    tpu.vector_store %arg10[%swap3A_349, %swap3A_350], %swap3A_353 {strides = array<i32>} : memref<64x128xbf16, #tpu.memory_space<vmem>>, vector<1x32xbf16>,
    %swap3A_354 = arith.constant 14 : i32
    %swap3A_355 = arith.index_cast %swap3A_354 : i32 to index
    %swap3A_356 = arith.constant 96 : index
    %swap3A_357 = tpu.vector_load %arg10[%swap3A_355, %swap3A_356] {strides = array<i32>} : memref<64x128xbf16, #tpu.memory_space<vmem>>, vector<1x32xbf16>,
    %swap3A_358 = vector.shape_cast %swap3A_357 : vector<1x32xbf16> to vector<32xbf16>
    %swap3A_359 = vector.shape_cast %broadcast_in_dim3A_0 : vector<32xbf16> to vector<1x32xbf16>
    tpu.vector_store %arg10[%swap3A_355, %swap3A_356], %swap3A_359 {strides = array<i32>} : memref<64x128xbf16, #tpu.memory_space<vmem>>, vector<1x32xbf16>,
    %swap3A_360 = arith.constant 15 : i32
    %swap3A_361 = arith.index_cast %swap3A_360 : i32 to index
    %swap3A_362 = arith.constant 0 : index
    %swap3A_363 = tpu.vector_load %arg10[%swap3A_361, %swap3A_362] {strides = array<i32>} : memref<64x128xbf16, #tpu.memory_space<vmem>>, vector<1x32xbf16>,
    %swap3A_364 = vector.shape_cast %swap3A_363 : vector<1x32xbf16> to vector<32xbf16>
    %swap3A_365 = vector.shape_cast %broadcast_in_dim3A_0 : vector<32xbf16> to vector<1x32xbf16>
    tpu.vector_store %arg10[%swap3A_361, %swap3A_362], %swap3A_365 {strides = array<i32>} : memref<64x128xbf16, #tpu.memory_space<vmem>>, vector<1x32xbf16>,
    %swap3A_366 = arith.constant 15 : i32
    %swap3A_367 = arith.index_cast %swap3A_366 : i32 to index
    %swap3A_368 = arith.constant 32 : index
    %swap3A_369 = tpu.vector_load %arg10[%swap3A_367, %swap3A_368] {strides = array<i32>} : memref<64x128xbf16, #tpu.memory_space<vmem>>, vector<1x32xbf16>,
    %swap3A_370 = vector.shape_cast %swap3A_369 : vector<1x32xbf16> to vector<32xbf16>
    %swap3A_371 = vector.shape_cast %broadcast_in_dim3A_0 : vector<32xbf16> to vector<1x32xbf16>
    tpu.vector_store %arg10[%swap3A_367, %swap3A_368], %swap3A_371 {strides = array<i32>} : memref<64x128xbf16, #tpu.memory_space<vmem>>, vector<1x32xbf16>,
    %swap3A_372 = arith.constant 15 : i32
    %swap3A_373 = arith.index_cast %swap3A_372 : i32 to index
    %swap3A_374 = arith.constant 64 : index
    %swap3A_375 = tpu.vector_load %arg10[%swap3A_373, %swap3A_374] {strides = array<i32>} : memref<64x128xbf16, #tpu.memory_space<vmem>>, vector<1x32xbf16>,
    %swap3A_376 = vector.shape_cast %swap3A_375 : vector<1x32xbf16> to vector<32xbf16>
    %swap3A_377 = vector.shape_cast %broadcast_in_dim3A_0 : vector<32xbf16> to vector<1x32xbf16>
    tpu.vector_store %arg10[%swap3A_373, %swap3A_374], %swap3A_377 {strides = array<i32>} : memref<64x128xbf16, #tpu.memory_space<vmem>>, vector<1x32xbf16>,
    %swap3A_378 = arith.constant 15 : i32
    %swap3A_379 = arith.index_cast %swap3A_378 : i32 to index
    %swap3A_380 = arith.constant 96 : index
    %swap3A_381 = tpu.vector_load %arg10[%swap3A_379, %swap3A_380] {strides = array<i32>} : memref<64x128xbf16, #tpu.memory_space<vmem>>, vector<1x32xbf16>,
    %swap3A_382 = vector.shape_cast %swap3A_381 : vector<1x32xbf16> to vector<32xbf16>
    %swap3A_383 = vector.shape_cast %broadcast_in_dim3A_0 : vector<32xbf16> to vector<1x32xbf16>
    tpu.vector_store %arg10[%swap3A_379, %swap3A_380], %swap3A_383 {strides = array<i32>} : memref<64x128xbf16, #tpu.memory_space<vmem>>, vector<1x32xbf16>,
    %swap3A_384 = arith.constant 16 : i32
    %swap3A_385 = arith.index_cast %swap3A_384 : i32 to index
    %swap3A_386 = arith.constant 0 : index
    %swap3A_387 = tpu.vector_load %arg10[%swap3A_385, %swap3A_386] {strides = array<i32>} : memref<64x128xbf16, #tpu.memory_space<vmem>>, vector<1x32xbf16>,
    %swap3A_388 = vector.shape_cast %swap3A_387 : vector<1x32xbf16> to vector<32xbf16>
    %swap3A_389 = vector.shape_cast %broadcast_in_dim3A_0 : vector<32xbf16> to vector<1x32xbf16>
    tpu.vector_store %arg10[%swap3A_385, %swap3A_386], %swap3A_389 {strides = array<i32>} : memref<64x128xbf16, #tpu.memory_space<vmem>>, vector<1x32xbf16>,
    %swap3A_390 = arith.constant 16 : i32
    %swap3A_391 = arith.index_cast %swap3A_390 : i32 to index
    %swap3A_392 = arith.constant 32 : index
    %swap3A_393 = tpu.vector_load %arg10[%swap3A_391, %swap3A_392] {strides = array<i32>} : memref<64x128xbf16, #tpu.memory_space<vmem>>, vector<1x32xbf16>,
    %swap3A_394 = vector.shape_cast %swap3A_393 : vector<1x32xbf16> to vector<32xbf16>
    %swap3A_395 = vector.shape_cast %broadcast_in_dim3A_0 : vector<32xbf16> to vector<1x32xbf16>
    tpu.vector_store %arg10[%swap3A_391, %swap3A_392], %swap3A_395 {strides = array<i32>} : memref<64x128xbf16, #tpu.memory_space<vmem>>, vector<1x32xbf16>,
    %swap3A_396 = arith.constant 16 : i32
    %swap3A_397 = arith.index_cast %swap3A_396 : i32 to index
    %swap3A_398 = arith.constant 64 : index
    %swap3A_399 = tpu.vector_load %arg10[%swap3A_397, %swap3A_398] {strides = array<i32>} : memref<64x128xbf16, #tpu.memory_space<vmem>>, vector<1x32xbf16>,
    %swap3A_400 = vector.shape_cast %swap3A_399 : vector<1x32xbf16> to vector<32xbf16>
    %swap3A_401 = vector.shape_cast %broadcast_in_dim3A_0 : vector<32xbf16> to vector<1x32xbf16>
    tpu.vector_store %arg10[%swap3A_397, %swap3A_398], %swap3A_401 {strides = array<i32>} : memref<64x128xbf16, #tpu.memory_space<vmem>>, vector<1x32xbf16>,
    %swap3A_402 = arith.constant 16 : i32
    %swap3A_403 = arith.index_cast %swap3A_402 : i32 to index
    %swap3A_404 = arith.constant 96 : index
    %swap3A_405 = tpu.vector_load %arg10[%swap3A_403, %swap3A_404] {strides = array<i32>} : memref<64x128xbf16, #tpu.memory_space<vmem>>, vector<1x32xbf16>,
    %swap3A_406 = vector.shape_cast %swap3A_405 : vector<1x32xbf16> to vector<32xbf16>
    %swap3A_407 = vector.shape_cast %broadcast_in_dim3A_0 : vector<32xbf16> to vector<1x32xbf16>
    tpu.vector_store %arg10[%swap3A_403, %swap3A_404], %swap3A_407 {strides = array<i32>} : memref<64x128xbf16, #tpu.memory_space<vmem>>, vector<1x32xbf16>,
    %swap3A_408 = arith.constant 17 : i32
    %swap3A_409 = arith.index_cast %swap3A_408 : i32 to index
    %swap3A_410 = arith.constant 0 : index
    %swap3A_411 = tpu.vector_load %arg10[%swap3A_409, %swap3A_410] {strides = array<i32>} : memref<64x128xbf16, #tpu.memory_space<vmem>>, vector<1x32xbf16>,
    %swap3A_412 = vector.shape_cast %swap3A_411 : vector<1x32xbf16> to vector<32xbf16>
    %swap3A_413 = vector.shape_cast %broadcast_in_dim3A_0 : vector<32xbf16> to vector<1x32xbf16>
    tpu.vector_store %arg10[%swap3A_409, %swap3A_410], %swap3A_413 {strides = array<i32>} : memref<64x128xbf16, #tpu.memory_space<vmem>>, vector<1x32xbf16>,
    %swap3A_414 = arith.constant 17 : i32
    %swap3A_415 = arith.index_cast %swap3A_414 : i32 to index
    %swap3A_416 = arith.constant 32 : index
    %swap3A_417 = tpu.vector_load %arg10[%swap3A_415, %swap3A_416] {strides = array<i32>} : memref<64x128xbf16, #tpu.memory_space<vmem>>, vector<1x32xbf16>,
    %swap3A_418 = vector.shape_cast %swap3A_417 : vector<1x32xbf16> to vector<32xbf16>
    %swap3A_419 = vector.shape_cast %broadcast_in_dim3A_0 : vector<32xbf16> to vector<1x32xbf16>
    tpu.vector_store %arg10[%swap3A_415, %swap3A_416], %swap3A_419 {strides = array<i32>} : memref<64x128xbf16, #tpu.memory_space<vmem>>, vector<1x32xbf16>,
    %swap3A_420 = arith.constant 17 : i32
    %swap3A_421 = arith.index_cast %swap3A_420 : i32 to index
    %swap3A_422 = arith.constant 64 : index
    %swap3A_423 = tpu.vector_load %arg10[%swap3A_421, %swap3A_422] {strides = array<i32>} : memref<64x128xbf16, #tpu.memory_space<vmem>>, vector<1x32xbf16>,
    %swap3A_424 = vector.shape_cast %swap3A_423 : vector<1x32xbf16> to vector<32xbf16>
    %swap3A_425 = vector.shape_cast %broadcast_in_dim3A_0 : vector<32xbf16> to vector<1x32xbf16>
    tpu.vector_store %arg10[%swap3A_421, %swap3A_422], %swap3A_425 {strides = array<i32>} : memref<64x128xbf16, #tpu.memory_space<vmem>>, vector<1x32xbf16>,
    %swap3A_426 = arith.constant 17 : i32
    %swap3A_427 = arith.index_cast %swap3A_426 : i32 to index
    %swap3A_428 = arith.constant 96 : index
    %swap3A_429 = tpu.vector_load %arg10[%swap3A_427, %swap3A_428] {strides = array<i32>} : memref<64x128xbf16, #tpu.memory_space<vmem>>, vector<1x32xbf16>,
    %swap3A_430 = vector.shape_cast %swap3A_429 : vector<1x32xbf16> to vector<32xbf16>
    %swap3A_431 = vector.shape_cast %broadcast_in_dim3A_0 : vector<32xbf16> to vector<1x32xbf16>
    tpu.vector_store %arg10[%swap3A_427, %swap3A_428], %swap3A_431 {strides = array<i32>} : memref<64x128xbf16, #tpu.memory_space<vmem>>, vector<1x32xbf16>,
    %swap3A_432 = arith.constant 18 : i32
    %swap3A_433 = arith.index_cast %swap3A_432 : i32 to index
    %swap3A_434 = arith.constant 0 : index
    %swap3A_435 = tpu.vector_load %arg10[%swap3A_433, %swap3A_434] {strides = array<i32>} : memref<64x128xbf16, #tpu.memory_space<vmem>>, vector<1x32xbf16>,
    %swap3A_436 = vector.shape_cast %swap3A_435 : vector<1x32xbf16> to vector<32xbf16>
    %swap3A_437 = vector.shape_cast %broadcast_in_dim3A_0 : vector<32xbf16> to vector<1x32xbf16>
    tpu.vector_store %arg10[%swap3A_433, %swap3A_434], %swap3A_437 {strides = array<i32>} : memref<64x128xbf16, #tpu.memory_space<vmem>>, vector<1x32xbf16>,
    %swap3A_438 = arith.constant 18 : i32
    %swap3A_439 = arith.index_cast %swap3A_438 : i32 to index
    %swap3A_440 = arith.constant 32 : index
    %swap3A_441 = tpu.vector_load %arg10[%swap3A_439, %swap3A_440] {strides = array<i32>} : memref<64x128xbf16, #tpu.memory_space<vmem>>, vector<1x32xbf16>,
    %swap3A_442 = vector.shape_cast %swap3A_441 : vector<1x32xbf16> to vector<32xbf16>
    %swap3A_443 = vector.shape_cast %broadcast_in_dim3A_0 : vector<32xbf16> to vector<1x32xbf16>
    tpu.vector_store %arg10[%swap3A_439, %swap3A_440], %swap3A_443 {strides = array<i32>} : memref<64x128xbf16, #tpu.memory_space<vmem>>, vector<1x32xbf16>,
    %swap3A_444 = arith.constant 18 : i32
    %swap3A_445 = arith.index_cast %swap3A_444 : i32 to index
    %swap3A_446 = arith.constant 64 : index
    %swap3A_447 = tpu.vector_load %arg10[%swap3A_445, %swap3A_446] {strides = array<i32>} : memref<64x128xbf16, #tpu.memory_space<vmem>>, vector<1x32xbf16>,
    %swap3A_448 = vector.shape_cast %swap3A_447 : vector<1x32xbf16> to vector<32xbf16>
    %swap3A_449 = vector.shape_cast %broadcast_in_dim3A_0 : vector<32xbf16> to vector<1x32xbf16>
    tpu.vector_store %arg10[%swap3A_445, %swap3A_446], %swap3A_449 {strides = array<i32>} : memref<64x128xbf16, #tpu.memory_space<vmem>>, vector<1x32xbf16>,
    %swap3A_450 = arith.constant 18 : i32
    %swap3A_451 = arith.index_cast %swap3A_450 : i32 to index
    %swap3A_452 = arith.constant 96 : index
    %swap3A_453 = tpu.vector_load %arg10[%swap3A_451, %swap3A_452] {strides = array<i32>} : memref<64x128xbf16, #tpu.memory_space<vmem>>, vector<1x32xbf16>,
    %swap3A_454 = vector.shape_cast %swap3A_453 : vector<1x32xbf16> to vector<32xbf16>
    %swap3A_455 = vector.shape_cast %broadcast_in_dim3A_0 : vector<32xbf16> to vector<1x32xbf16>
    tpu.vector_store %arg10[%swap3A_451, %swap3A_452], %swap3A_455 {strides = array<i32>} : memref<64x128xbf16, #tpu.memory_space<vmem>>, vector<1x32xbf16>,
    %swap3A_456 = arith.constant 19 : i32
    %swap3A_457 = arith.index_cast %swap3A_456 : i32 to index
    %swap3A_458 = arith.constant 0 : index
    %swap3A_459 = tpu.vector_load %arg10[%swap3A_457, %swap3A_458] {strides = array<i32>} : memref<64x128xbf16, #tpu.memory_space<vmem>>, vector<1x32xbf16>,
    %swap3A_460 = vector.shape_cast %swap3A_459 : vector<1x32xbf16> to vector<32xbf16>
    %swap3A_461 = vector.shape_cast %broadcast_in_dim3A_0 : vector<32xbf16> to vector<1x32xbf16>
    tpu.vector_store %arg10[%swap3A_457, %swap3A_458], %swap3A_461 {strides = array<i32>} : memref<64x128xbf16, #tpu.memory_space<vmem>>, vector<1x32xbf16>,
    %swap3A_462 = arith.constant 19 : i32
    %swap3A_463 = arith.index_cast %swap3A_462 : i32 to index
    %swap3A_464 = arith.constant 32 : index
    %swap3A_465 = tpu.vector_load %arg10[%swap3A_463, %swap3A_464] {strides = array<i32>} : memref<64x128xbf16, #tpu.memory_space<vmem>>, vector<1x32xbf16>,
    %swap3A_466 = vector.shape_cast %swap3A_465 : vector<1x32xbf16> to vector<32xbf16>
    %swap3A_467 = vector.shape_cast %broadcast_in_dim3A_0 : vector<32xbf16> to vector<1x32xbf16>
    tpu.vector_store %arg10[%swap3A_463, %swap3A_464], %swap3A_467 {strides = array<i32>} : memref<64x128xbf16, #tpu.memory_space<vmem>>, vector<1x32xbf16>,
    %swap3A_468 = arith.constant 19 : i32
    %swap3A_469 = arith.index_cast %swap3A_468 : i32 to index
    %swap3A_470 = arith.constant 64 : index
    %swap3A_471 = tpu.vector_load %arg10[%swap3A_469, %swap3A_470] {strides = array<i32>} : memref<64x128xbf16, #tpu.memory_space<vmem>>, vector<1x32xbf16>,
    %swap3A_472 = vector.shape_cast %swap3A_471 : vector<1x32xbf16> to vector<32xbf16>
    %swap3A_473 = vector.shape_cast %broadcast_in_dim3A_0 : vector<32xbf16> to vector<1x32xbf16>
    tpu.vector_store %arg10[%swap3A_469, %swap3A_470], %swap3A_473 {strides = array<i32>} : memref<64x128xbf16, #tpu.memory_space<vmem>>, vector<1x32xbf16>,
    %swap3A_474 = arith.constant 19 : i32
    %swap3A_475 = arith.index_cast %swap3A_474 : i32 to index
    %swap3A_476 = arith.constant 96 : index
    %swap3A_477 = tpu.vector_load %arg10[%swap3A_475, %swap3A_476] {strides = array<i32>} : memref<64x128xbf16, #tpu.memory_space<vmem>>, vector<1x32xbf16>,
    %swap3A_478 = vector.shape_cast %swap3A_477 : vector<1x32xbf16> to vector<32xbf16>
    %swap3A_479 = vector.shape_cast %broadcast_in_dim3A_0 : vector<32xbf16> to vector<1x32xbf16>
    tpu.vector_store %arg10[%swap3A_475, %swap3A_476], %swap3A_479 {strides = array<i32>} : memref<64x128xbf16, #tpu.memory_space<vmem>>, vector<1x32xbf16>,
    %swap3A_480 = arith.constant 20 : i32
    %swap3A_481 = arith.index_cast %swap3A_480 : i32 to index
    %swap3A_482 = arith.constant 0 : index
    %swap3A_483 = tpu.vector_load %arg10[%swap3A_481, %swap3A_482] {strides = array<i32>} : memref<64x128xbf16, #tpu.memory_space<vmem>>, vector<1x32xbf16>,
    %swap3A_484 = vector.shape_cast %swap3A_483 : vector<1x32xbf16> to vector<32xbf16>
    %swap3A_485 = vector.shape_cast %broadcast_in_dim3A_0 : vector<32xbf16> to vector<1x32xbf16>
    tpu.vector_store %arg10[%swap3A_481, %swap3A_482], %swap3A_485 {strides = array<i32>} : memref<64x128xbf16, #tpu.memory_space<vmem>>, vector<1x32xbf16>,
    %swap3A_486 = arith.constant 20 : i32
    %swap3A_487 = arith.index_cast %swap3A_486 : i32 to index
    %swap3A_488 = arith.constant 32 : index
    %swap3A_489 = tpu.vector_load %arg10[%swap3A_487, %swap3A_488] {strides = array<i32>} : memref<64x128xbf16, #tpu.memory_space<vmem>>, vector<1x32xbf16>,
    %swap3A_490 = vector.shape_cast %swap3A_489 : vector<1x32xbf16> to vector<32xbf16>
    %swap3A_491 = vector.shape_cast %broadcast_in_dim3A_0 : vector<32xbf16> to vector<1x32xbf16>
    tpu.vector_store %arg10[%swap3A_487, %swap3A_488], %swap3A_491 {strides = array<i32>} : memref<64x128xbf16, #tpu.memory_space<vmem>>, vector<1x32xbf16>,
    %swap3A_492 = arith.constant 20 : i32
    %swap3A_493 = arith.index_cast %swap3A_492 : i32 to index
    %swap3A_494 = arith.constant 64 : index
    %swap3A_495 = tpu.vector_load %arg10[%swap3A_493, %swap3A_494] {strides = array<i32>} : memref<64x128xbf16, #tpu.memory_space<vmem>>, vector<1x32xbf16>,
    %swap3A_496 = vector.shape_cast %swap3A_495 : vector<1x32xbf16> to vector<32xbf16>
    %swap3A_497 = vector.shape_cast %broadcast_in_dim3A_0 : vector<32xbf16> to vector<1x32xbf16>
    tpu.vector_store %arg10[%swap3A_493, %swap3A_494], %swap3A_497 {strides = array<i32>} : memref<64x128xbf16, #tpu.memory_space<vmem>>, vector<1x32xbf16>,
    %swap3A_498 = arith.constant 20 : i32
    %swap3A_499 = arith.index_cast %swap3A_498 : i32 to index
    %swap3A_500 = arith.constant 96 : index
    %swap3A_501 = tpu.vector_load %arg10[%swap3A_499, %swap3A_500] {strides = array<i32>} : memref<64x128xbf16, #tpu.memory_space<vmem>>, vector<1x32xbf16>,
    %swap3A_502 = vector.shape_cast %swap3A_501 : vector<1x32xbf16> to vector<32xbf16>
    %swap3A_503 = vector.shape_cast %broadcast_in_dim3A_0 : vector<32xbf16> to vector<1x32xbf16>
    tpu.vector_store %arg10[%swap3A_499, %swap3A_500], %swap3A_503 {strides = array<i32>} : memref<64x128xbf16, #tpu.memory_space<vmem>>, vector<1x32xbf16>,
    %swap3A_504 = arith.constant 21 : i32
    %swap3A_505 = arith.index_cast %swap3A_504 : i32 to index
    %swap3A_506 = arith.constant 0 : index
    %swap3A_507 = tpu.vector_load %arg10[%swap3A_505, %swap3A_506] {strides = array<i32>} : memref<64x128xbf16, #tpu.memory_space<vmem>>, vector<1x32xbf16>,
    %swap3A_508 = vector.shape_cast %swap3A_507 : vector<1x32xbf16> to vector<32xbf16>
    %swap3A_509 = vector.shape_cast %broadcast_in_dim3A_0 : vector<32xbf16> to vector<1x32xbf16>
    tpu.vector_store %arg10[%swap3A_505, %swap3A_506], %swap3A_509 {strides = array<i32>} : memref<64x128xbf16, #tpu.memory_space<vmem>>, vector<1x32xbf16>,
    %swap3A_510 = arith.constant 21 : i32
    %swap3A_511 = arith.index_cast %swap3A_510 : i32 to index
    %swap3A_512 = arith.constant 32 : index
    %swap3A_513 = tpu.vector_load %arg10[%swap3A_511, %swap3A_512] {strides = array<i32>} : memref<64x128xbf16, #tpu.memory_space<vmem>>, vector<1x32xbf16>,
    %swap3A_514 = vector.shape_cast %swap3A_513 : vector<1x32xbf16> to vector<32xbf16>
    %swap3A_515 = vector.shape_cast %broadcast_in_dim3A_0 : vector<32xbf16> to vector<1x32xbf16>
    tpu.vector_store %arg10[%swap3A_511, %swap3A_512], %swap3A_515 {strides = array<i32>} : memref<64x128xbf16, #tpu.memory_space<vmem>>, vector<1x32xbf16>,
    %swap3A_516 = arith.constant 21 : i32
    %swap3A_517 = arith.index_cast %swap3A_516 : i32 to index
    %swap3A_518 = arith.constant 64 : index
    %swap3A_519 = tpu.vector_load %arg10[%swap3A_517, %swap3A_518] {strides = array<i32>} : memref<64x128xbf16, #tpu.memory_space<vmem>>, vector<1x32xbf16>,
    %swap3A_520 = vector.shape_cast %swap3A_519 : vector<1x32xbf16> to vector<32xbf16>
    %swap3A_521 = vector.shape_cast %broadcast_in_dim3A_0 : vector<32xbf16> to vector<1x32xbf16>
    tpu.vector_store %arg10[%swap3A_517, %swap3A_518], %swap3A_521 {strides = array<i32>} : memref<64x128xbf16, #tpu.memory_space<vmem>>, vector<1x32xbf16>,
    %swap3A_522 = arith.constant 21 : i32
    %swap3A_523 = arith.index_cast %swap3A_522 : i32 to index
    %swap3A_524 = arith.constant 96 : index
    %swap3A_525 = tpu.vector_load %arg10[%swap3A_523, %swap3A_524] {strides = array<i32>} : memref<64x128xbf16, #tpu.memory_space<vmem>>, vector<1x32xbf16>,
    %swap3A_526 = vector.shape_cast %swap3A_525 : vector<1x32xbf16> to vector<32xbf16>
    %swap3A_527 = vector.shape_cast %broadcast_in_dim3A_0 : vector<32xbf16> to vector<1x32xbf16>
    tpu.vector_store %arg10[%swap3A_523, %swap3A_524], %swap3A_527 {strides = array<i32>} : memref<64x128xbf16, #tpu.memory_space<vmem>>, vector<1x32xbf16>,
    %swap3A_528 = arith.constant 22 : i32
    %swap3A_529 = arith.index_cast %swap3A_528 : i32 to index
    %swap3A_530 = arith.constant 0 : index
    %swap3A_531 = tpu.vector_load %arg10[%swap3A_529, %swap3A_530] {strides = array<i32>} : memref<64x128xbf16, #tpu.memory_space<vmem>>, vector<1x32xbf16>,
    %swap3A_532 = vector.shape_cast %swap3A_531 : vector<1x32xbf16> to vector<32xbf16>
    %swap3A_533 = vector.shape_cast %broadcast_in_dim3A_0 : vector<32xbf16> to vector<1x32xbf16>
    tpu.vector_store %arg10[%swap3A_529, %swap3A_530], %swap3A_533 {strides = array<i32>} : memref<64x128xbf16, #tpu.memory_space<vmem>>, vector<1x32xbf16>,
    %swap3A_534 = arith.constant 22 : i32
    %swap3A_535 = arith.index_cast %swap3A_534 : i32 to index
    %swap3A_536 = arith.constant 32 : index
    %swap3A_537 = tpu.vector_load %arg10[%swap3A_535, %swap3A_536] {strides = array<i32>} : memref<64x128xbf16, #tpu.memory_space<vmem>>, vector<1x32xbf16>,
    %swap3A_538 = vector.shape_cast %swap3A_537 : vector<1x32xbf16> to vector<32xbf16>
    %swap3A_539 = vector.shape_cast %broadcast_in_dim3A_0 : vector<32xbf16> to vector<1x32xbf16>
    tpu.vector_store %arg10[%swap3A_535, %swap3A_536], %swap3A_539 {strides = array<i32>} : memref<64x128xbf16, #tpu.memory_space<vmem>>, vector<1x32xbf16>,
    %swap3A_540 = arith.constant 22 : i32
    %swap3A_541 = arith.index_cast %swap3A_540 : i32 to index
    %swap3A_542 = arith.constant 64 : index
    %swap3A_543 = tpu.vector_load %arg10[%swap3A_541, %swap3A_542] {strides = array<i32>} : memref<64x128xbf16, #tpu.memory_space<vmem>>, vector<1x32xbf16>,
    %swap3A_544 = vector.shape_cast %swap3A_543 : vector<1x32xbf16> to vector<32xbf16>
    %swap3A_545 = vector.shape_cast %broadcast_in_dim3A_0 : vector<32xbf16> to vector<1x32xbf16>
    tpu.vector_store %arg10[%swap3A_541, %swap3A_542], %swap3A_545 {strides = array<i32>} : memref<64x128xbf16, #tpu.memory_space<vmem>>, vector<1x32xbf16>,
    %swap3A_546 = arith.constant 22 : i32
    %swap3A_547 = arith.index_cast %swap3A_546 : i32 to index
    %swap3A_548 = arith.constant 96 : index
    %swap3A_549 = tpu.vector_load %arg10[%swap3A_547, %swap3A_548] {strides = array<i32>} : memref<64x128xbf16, #tpu.memory_space<vmem>>, vector<1x32xbf16>,
    %swap3A_550 = vector.shape_cast %swap3A_549 : vector<1x32xbf16> to vector<32xbf16>
    %swap3A_551 = vector.shape_cast %broadcast_in_dim3A_0 : vector<32xbf16> to vector<1x32xbf16>
    tpu.vector_store %arg10[%swap3A_547, %swap3A_548], %swap3A_551 {strides = array<i32>} : memref<64x128xbf16, #tpu.memory_space<vmem>>, vector<1x32xbf16>,
    %swap3A_552 = arith.constant 23 : i32
    %swap3A_553 = arith.index_cast %swap3A_552 : i32 to index
    %swap3A_554 = arith.constant 0 : index
    %swap3A_555 = tpu.vector_load %arg10[%swap3A_553, %swap3A_554] {strides = array<i32>} : memref<64x128xbf16, #tpu.memory_space<vmem>>, vector<1x32xbf16>,
    %swap3A_556 = vector.shape_cast %swap3A_555 : vector<1x32xbf16> to vector<32xbf16>
    %swap3A_557 = vector.shape_cast %broadcast_in_dim3A_0 : vector<32xbf16> to vector<1x32xbf16>
    tpu.vector_store %arg10[%swap3A_553, %swap3A_554], %swap3A_557 {strides = array<i32>} : memref<64x128xbf16, #tpu.memory_space<vmem>>, vector<1x32xbf16>,
    %swap3A_558 = arith.constant 23 : i32
    %swap3A_559 = arith.index_cast %swap3A_558 : i32 to index
    %swap3A_560 = arith.constant 32 : index
    %swap3A_561 = tpu.vector_load %arg10[%swap3A_559, %swap3A_560] {strides = array<i32>} : memref<64x128xbf16, #tpu.memory_space<vmem>>, vector<1x32xbf16>,
    %swap3A_562 = vector.shape_cast %swap3A_561 : vector<1x32xbf16> to vector<32xbf16>
    %swap3A_563 = vector.shape_cast %broadcast_in_dim3A_0 : vector<32xbf16> to vector<1x32xbf16>
    tpu.vector_store %arg10[%swap3A_559, %swap3A_560], %swap3A_563 {strides = array<i32>} : memref<64x128xbf16, #tpu.memory_space<vmem>>, vector<1x32xbf16>,
    %swap3A_564 = arith.constant 23 : i32
    %swap3A_565 = arith.index_cast %swap3A_564 : i32 to index
    %swap3A_566 = arith.constant 64 : index
    %swap3A_567 = tpu.vector_load %arg10[%swap3A_565, %swap3A_566] {strides = array<i32>} : memref<64x128xbf16, #tpu.memory_space<vmem>>, vector<1x32xbf16>,
    %swap3A_568 = vector.shape_cast %swap3A_567 : vector<1x32xbf16> to vector<32xbf16>
    %swap3A_569 = vector.shape_cast %broadcast_in_dim3A_0 : vector<32xbf16> to vector<1x32xbf16>
    tpu.vector_store %arg10[%swap3A_565, %swap3A_566], %swap3A_569 {strides = array<i32>} : memref<64x128xbf16, #tpu.memory_space<vmem>>, vector<1x32xbf16>,
    %swap3A_570 = arith.constant 23 : i32
    %swap3A_571 = arith.index_cast %swap3A_570 : i32 to index
    %swap3A_572 = arith.constant 96 : index
    %swap3A_573 = tpu.vector_load %arg10[%swap3A_571, %swap3A_572] {strides = array<i32>} : memref<64x128xbf16, #tpu.memory_space<vmem>>, vector<1x32xbf16>,
    %swap3A_574 = vector.shape_cast %swap3A_573 : vector<1x32xbf16> to vector<32xbf16>
    %swap3A_575 = vector.shape_cast %broadcast_in_dim3A_0 : vector<32xbf16> to vector<1x32xbf16>
    tpu.vector_store %arg10[%swap3A_571, %swap3A_572], %swap3A_575 {strides = array<i32>} : memref<64x128xbf16, #tpu.memory_space<vmem>>, vector<1x32xbf16>,
    %swap3A_576 = arith.constant 24 : i32
    %swap3A_577 = arith.index_cast %swap3A_576 : i32 to index
    %swap3A_578 = arith.constant 0 : index
    %swap3A_579 = tpu.vector_load %arg10[%swap3A_577, %swap3A_578] {strides = array<i32>} : memref<64x128xbf16, #tpu.memory_space<vmem>>, vector<1x32xbf16>,
    %swap3A_580 = vector.shape_cast %swap3A_579 : vector<1x32xbf16> to vector<32xbf16>
    %swap3A_581 = vector.shape_cast %broadcast_in_dim3A_0 : vector<32xbf16> to vector<1x32xbf16>
    tpu.vector_store %arg10[%swap3A_577, %swap3A_578], %swap3A_581 {strides = array<i32>} : memref<64x128xbf16, #tpu.memory_space<vmem>>, vector<1x32xbf16>,
    %swap3A_582 = arith.constant 24 : i32
    %swap3A_583 = arith.index_cast %swap3A_582 : i32 to index
    %swap3A_584 = arith.constant 32 : index
    %swap3A_585 = tpu.vector_load %arg10[%swap3A_583, %swap3A_584] {strides = array<i32>} : memref<64x128xbf16, #tpu.memory_space<vmem>>, vector<1x32xbf16>,
    %swap3A_586 = vector.shape_cast %swap3A_585 : vector<1x32xbf16> to vector<32xbf16>
    %swap3A_587 = vector.shape_cast %broadcast_in_dim3A_0 : vector<32xbf16> to vector<1x32xbf16>
    tpu.vector_store %arg10[%swap3A_583, %swap3A_584], %swap3A_587 {strides = array<i32>} : memref<64x128xbf16, #tpu.memory_space<vmem>>, vector<1x32xbf16>,
    %swap3A_588 = arith.constant 24 : i32
    %swap3A_589 = arith.index_cast %swap3A_588 : i32 to index
    %swap3A_590 = arith.constant 64 : index
    %swap3A_591 = tpu.vector_load %arg10[%swap3A_589, %swap3A_590] {strides = array<i32>} : memref<64x128xbf16, #tpu.memory_space<vmem>>, vector<1x32xbf16>,
    %swap3A_592 = vector.shape_cast %swap3A_591 : vector<1x32xbf16> to vector<32xbf16>
    %swap3A_593 = vector.shape_cast %broadcast_in_dim3A_0 : vector<32xbf16> to vector<1x32xbf16>
    tpu.vector_store %arg10[%swap3A_589, %swap3A_590], %swap3A_593 {strides = array<i32>} : memref<64x128xbf16, #tpu.memory_space<vmem>>, vector<1x32xbf16>,
    %swap3A_594 = arith.constant 24 : i32
    %swap3A_595 = arith.index_cast %swap3A_594 : i32 to index
    %swap3A_596 = arith.constant 96 : index
    %swap3A_597 = tpu.vector_load %arg10[%swap3A_595, %swap3A_596] {strides = array<i32>} : memref<64x128xbf16, #tpu.memory_space<vmem>>, vector<1x32xbf16>,
    %swap3A_598 = vector.shape_cast %swap3A_597 : vector<1x32xbf16> to vector<32xbf16>
    %swap3A_599 = vector.shape_cast %broadcast_in_dim3A_0 : vector<32xbf16> to vector<1x32xbf16>
    tpu.vector_store %arg10[%swap3A_595, %swap3A_596], %swap3A_599 {strides = array<i32>} : memref<64x128xbf16, #tpu.memory_space<vmem>>, vector<1x32xbf16>,
    %swap3A_600 = arith.constant 25 : i32
    %swap3A_601 = arith.index_cast %swap3A_600 : i32 to index
    %swap3A_602 = arith.constant 0 : index
    %swap3A_603 = tpu.vector_load %arg10[%swap3A_601, %swap3A_602] {strides = array<i32>} : memref<64x128xbf16, #tpu.memory_space<vmem>>, vector<1x32xbf16>,
    %swap3A_604 = vector.shape_cast %swap3A_603 : vector<1x32xbf16> to vector<32xbf16>
    %swap3A_605 = vector.shape_cast %broadcast_in_dim3A_0 : vector<32xbf16> to vector<1x32xbf16>
    tpu.vector_store %arg10[%swap3A_601, %swap3A_602], %swap3A_605 {strides = array<i32>} : memref<64x128xbf16, #tpu.memory_space<vmem>>, vector<1x32xbf16>,
    %swap3A_606 = arith.constant 25 : i32
    %swap3A_607 = arith.index_cast %swap3A_606 : i32 to index
    %swap3A_608 = arith.constant 32 : index
    %swap3A_609 = tpu.vector_load %arg10[%swap3A_607, %swap3A_608] {strides = array<i32>} : memref<64x128xbf16, #tpu.memory_space<vmem>>, vector<1x32xbf16>,
    %swap3A_610 = vector.shape_cast %swap3A_609 : vector<1x32xbf16> to vector<32xbf16>
    %swap3A_611 = vector.shape_cast %broadcast_in_dim3A_0 : vector<32xbf16> to vector<1x32xbf16>
    tpu.vector_store %arg10[%swap3A_607, %swap3A_608], %swap3A_611 {strides = array<i32>} : memref<64x128xbf16, #tpu.memory_space<vmem>>, vector<1x32xbf16>,
    %swap3A_612 = arith.constant 25 : i32
    %swap3A_613 = arith.index_cast %swap3A_612 : i32 to index
    %swap3A_614 = arith.constant 64 : index
    %swap3A_615 = tpu.vector_load %arg10[%swap3A_613, %swap3A_614] {strides = array<i32>} : memref<64x128xbf16, #tpu.memory_space<vmem>>, vector<1x32xbf16>,
    %swap3A_616 = vector.shape_cast %swap3A_615 : vector<1x32xbf16> to vector<32xbf16>
    %swap3A_617 = vector.shape_cast %broadcast_in_dim3A_0 : vector<32xbf16> to vector<1x32xbf16>
    tpu.vector_store %arg10[%swap3A_613, %swap3A_614], %swap3A_617 {strides = array<i32>} : memref<64x128xbf16, #tpu.memory_space<vmem>>, vector<1x32xbf16>,
    %swap3A_618 = arith.constant 25 : i32
    %swap3A_619 = arith.index_cast %swap3A_618 : i32 to index
    %swap3A_620 = arith.constant 96 : index
    %swap3A_621 = tpu.vector_load %arg10[%swap3A_619, %swap3A_620] {strides = array<i32>} : memref<64x128xbf16, #tpu.memory_space<vmem>>, vector<1x32xbf16>,
    %swap3A_622 = vector.shape_cast %swap3A_621 : vector<1x32xbf16> to vector<32xbf16>
    %swap3A_623 = vector.shape_cast %broadcast_in_dim3A_0 : vector<32xbf16> to vector<1x32xbf16>
    tpu.vector_store %arg10[%swap3A_619, %swap3A_620], %swap3A_623 {strides = array<i32>} : memref<64x128xbf16, #tpu.memory_space<vmem>>, vector<1x32xbf16>,
    %swap3A_624 = arith.constant 26 : i32
    %swap3A_625 = arith.index_cast %swap3A_624 : i32 to index
    %swap3A_626 = arith.constant 0 : index
    %swap3A_627 = tpu.vector_load %arg10[%swap3A_625, %swap3A_626] {strides = array<i32>} : memref<64x128xbf16, #tpu.memory_space<vmem>>, vector<1x32xbf16>,
    %swap3A_628 = vector.shape_cast %swap3A_627 : vector<1x32xbf16> to vector<32xbf16>
    %swap3A_629 = vector.shape_cast %broadcast_in_dim3A_0 : vector<32xbf16> to vector<1x32xbf16>
    tpu.vector_store %arg10[%swap3A_625, %swap3A_626], %swap3A_629 {strides = array<i32>} : memref<64x128xbf16, #tpu.memory_space<vmem>>, vector<1x32xbf16>,
    %swap3A_630 = arith.constant 26 : i32
    %swap3A_631 = arith.index_cast %swap3A_630 : i32 to index
    %swap3A_632 = arith.constant 32 : index
    %swap3A_633 = tpu.vector_load %arg10[%swap3A_631, %swap3A_632] {strides = array<i32>} : memref<64x128xbf16, #tpu.memory_space<vmem>>, vector<1x32xbf16>,
    %swap3A_634 = vector.shape_cast %swap3A_633 : vector<1x32xbf16> to vector<32xbf16>
    %swap3A_635 = vector.shape_cast %broadcast_in_dim3A_0 : vector<32xbf16> to vector<1x32xbf16>
    tpu.vector_store %arg10[%swap3A_631, %swap3A_632], %swap3A_635 {strides = array<i32>} : memref<64x128xbf16, #tpu.memory_space<vmem>>, vector<1x32xbf16>,
    %swap3A_636 = arith.constant 26 : i32
    %swap3A_637 = arith.index_cast %swap3A_636 : i32 to index
    %swap3A_638 = arith.constant 64 : index
    %swap3A_639 = tpu.vector_load %arg10[%swap3A_637, %swap3A_638] {strides = array<i32>} : memref<64x128xbf16, #tpu.memory_space<vmem>>, vector<1x32xbf16>,
    %swap3A_640 = vector.shape_cast %swap3A_639 : vector<1x32xbf16> to vector<32xbf16>
    %swap3A_641 = vector.shape_cast %broadcast_in_dim3A_0 : vector<32xbf16> to vector<1x32xbf16>
    tpu.vector_store %arg10[%swap3A_637, %swap3A_638], %swap3A_641 {strides = array<i32>} : memref<64x128xbf16, #tpu.memory_space<vmem>>, vector<1x32xbf16>,
    %swap3A_642 = arith.constant 26 : i32
    %swap3A_643 = arith.index_cast %swap3A_642 : i32 to index
    %swap3A_644 = arith.constant 96 : index
    %swap3A_645 = tpu.vector_load %arg10[%swap3A_643, %swap3A_644] {strides = array<i32>} : memref<64x128xbf16, #tpu.memory_space<vmem>>, vector<1x32xbf16>,
    %swap3A_646 = vector.shape_cast %swap3A_645 : vector<1x32xbf16> to vector<32xbf16>
    %swap3A_647 = vector.shape_cast %broadcast_in_dim3A_0 : vector<32xbf16> to vector<1x32xbf16>
    tpu.vector_store %arg10[%swap3A_643, %swap3A_644], %swap3A_647 {strides = array<i32>} : memref<64x128xbf16, #tpu.memory_space<vmem>>, vector<1x32xbf16>,
    %swap3A_648 = arith.constant 27 : i32
    %swap3A_649 = arith.index_cast %swap3A_648 : i32 to index
    %swap3A_650 = arith.constant 0 : index
    %swap3A_651 = tpu.vector_load %arg10[%swap3A_649, %swap3A_650] {strides = array<i32>} : memref<64x128xbf16, #tpu.memory_space<vmem>>, vector<1x32xbf16>,
    %swap3A_652 = vector.shape_cast %swap3A_651 : vector<1x32xbf16> to vector<32xbf16>
    %swap3A_653 = vector.shape_cast %broadcast_in_dim3A_0 : vector<32xbf16> to vector<1x32xbf16>
    tpu.vector_store %arg10[%swap3A_649, %swap3A_650], %swap3A_653 {strides = array<i32>} : memref<64x128xbf16, #tpu.memory_space<vmem>>, vector<1x32xbf16>,
    %swap3A_654 = arith.constant 27 : i32
    %swap3A_655 = arith.index_cast %swap3A_654 : i32 to index
    %swap3A_656 = arith.constant 32 : index
    %swap3A_657 = tpu.vector_load %arg10[%swap3A_655, %swap3A_656] {strides = array<i32>} : memref<64x128xbf16, #tpu.memory_space<vmem>>, vector<1x32xbf16>,
    %swap3A_658 = vector.shape_cast %swap3A_657 : vector<1x32xbf16> to vector<32xbf16>
    %swap3A_659 = vector.shape_cast %broadcast_in_dim3A_0 : vector<32xbf16> to vector<1x32xbf16>
    tpu.vector_store %arg10[%swap3A_655, %swap3A_656], %swap3A_659 {strides = array<i32>} : memref<64x128xbf16, #tpu.memory_space<vmem>>, vector<1x32xbf16>,
    %swap3A_660 = arith.constant 27 : i32
    %swap3A_661 = arith.index_cast %swap3A_660 : i32 to index
    %swap3A_662 = arith.constant 64 : index
    %swap3A_663 = tpu.vector_load %arg10[%swap3A_661, %swap3A_662] {strides = array<i32>} : memref<64x128xbf16, #tpu.memory_space<vmem>>, vector<1x32xbf16>,
    %swap3A_664 = vector.shape_cast %swap3A_663 : vector<1x32xbf16> to vector<32xbf16>
    %swap3A_665 = vector.shape_cast %broadcast_in_dim3A_0 : vector<32xbf16> to vector<1x32xbf16>
    tpu.vector_store %arg10[%swap3A_661, %swap3A_662], %swap3A_665 {strides = array<i32>} : memref<64x128xbf16, #tpu.memory_space<vmem>>, vector<1x32xbf16>,
    %swap3A_666 = arith.constant 27 : i32
    %swap3A_667 = arith.index_cast %swap3A_666 : i32 to index
    %swap3A_668 = arith.constant 96 : index
    %swap3A_669 = tpu.vector_load %arg10[%swap3A_667, %swap3A_668] {strides = array<i32>} : memref<64x128xbf16, #tpu.memory_space<vmem>>, vector<1x32xbf16>,
    %swap3A_670 = vector.shape_cast %swap3A_669 : vector<1x32xbf16> to vector<32xbf16>
    %swap3A_671 = vector.shape_cast %broadcast_in_dim3A_0 : vector<32xbf16> to vector<1x32xbf16>
    tpu.vector_store %arg10[%swap3A_667, %swap3A_668], %swap3A_671 {strides = array<i32>} : memref<64x128xbf16, #tpu.memory_space<vmem>>, vector<1x32xbf16>,
    %swap3A_672 = arith.constant 28 : i32
    %swap3A_673 = arith.index_cast %swap3A_672 : i32 to index
    %swap3A_674 = arith.constant 0 : index
    %swap3A_675 = tpu.vector_load %arg10[%swap3A_673, %swap3A_674] {strides = array<i32>} : memref<64x128xbf16, #tpu.memory_space<vmem>>, vector<1x32xbf16>,
    %swap3A_676 = vector.shape_cast %swap3A_675 : vector<1x32xbf16> to vector<32xbf16>
    %swap3A_677 = vector.shape_cast %broadcast_in_dim3A_0 : vector<32xbf16> to vector<1x32xbf16>
    tpu.vector_store %arg10[%swap3A_673, %swap3A_674], %swap3A_677 {strides = array<i32>} : memref<64x128xbf16, #tpu.memory_space<vmem>>, vector<1x32xbf16>,
    %swap3A_678 = arith.constant 28 : i32
    %swap3A_679 = arith.index_cast %swap3A_678 : i32 to index
    %swap3A_680 = arith.constant 32 : index
    %swap3A_681 = tpu.vector_load %arg10[%swap3A_679, %swap3A_680] {strides = array<i32>} : memref<64x128xbf16, #tpu.memory_space<vmem>>, vector<1x32xbf16>,
    %swap3A_682 = vector.shape_cast %swap3A_681 : vector<1x32xbf16> to vector<32xbf16>
    %swap3A_683 = vector.shape_cast %broadcast_in_dim3A_0 : vector<32xbf16> to vector<1x32xbf16>
    tpu.vector_store %arg10[%swap3A_679, %swap3A_680], %swap3A_683 {strides = array<i32>} : memref<64x128xbf16, #tpu.memory_space<vmem>>, vector<1x32xbf16>,
    %swap3A_684 = arith.constant 28 : i32
    %swap3A_685 = arith.index_cast %swap3A_684 : i32 to index
    %swap3A_686 = arith.constant 64 : index
    %swap3A_687 = tpu.vector_load %arg10[%swap3A_685, %swap3A_686] {strides = array<i32>} : memref<64x128xbf16, #tpu.memory_space<vmem>>, vector<1x32xbf16>,
    %swap3A_688 = vector.shape_cast %swap3A_687 : vector<1x32xbf16> to vector<32xbf16>
    %swap3A_689 = vector.shape_cast %broadcast_in_dim3A_0 : vector<32xbf16> to vector<1x32xbf16>
    tpu.vector_store %arg10[%swap3A_685, %swap3A_686], %swap3A_689 {strides = array<i32>} : memref<64x128xbf16, #tpu.memory_space<vmem>>, vector<1x32xbf16>,
    %swap3A_690 = arith.constant 28 : i32
    %swap3A_691 = arith.index_cast %swap3A_690 : i32 to index
    %swap3A_692 = arith.constant 96 : index
    %swap3A_693 = tpu.vector_load %arg10[%swap3A_691, %swap3A_692] {strides = array<i32>} : memref<64x128xbf16, #tpu.memory_space<vmem>>, vector<1x32xbf16>,
    %swap3A_694 = vector.shape_cast %swap3A_693 : vector<1x32xbf16> to vector<32xbf16>
    %swap3A_695 = vector.shape_cast %broadcast_in_dim3A_0 : vector<32xbf16> to vector<1x32xbf16>
    tpu.vector_store %arg10[%swap3A_691, %swap3A_692], %swap3A_695 {strides = array<i32>} : memref<64x128xbf16, #tpu.memory_space<vmem>>, vector<1x32xbf16>,
    %swap3A_696 = arith.constant 29 : i32
    %swap3A_697 = arith.index_cast %swap3A_696 : i32 to index
    %swap3A_698 = arith.constant 0 : index
    %swap3A_699 = tpu.vector_load %arg10[%swap3A_697, %swap3A_698] {strides = array<i32>} : memref<64x128xbf16, #tpu.memory_space<vmem>>, vector<1x32xbf16>,
    %swap3A_700 = vector.shape_cast %swap3A_699 : vector<1x32xbf16> to vector<32xbf16>
    %swap3A_701 = vector.shape_cast %broadcast_in_dim3A_0 : vector<32xbf16> to vector<1x32xbf16>
    tpu.vector_store %arg10[%swap3A_697, %swap3A_698], %swap3A_701 {strides = array<i32>} : memref<64x128xbf16, #tpu.memory_space<vmem>>, vector<1x32xbf16>,
    %swap3A_702 = arith.constant 29 : i32
    %swap3A_703 = arith.index_cast %swap3A_702 : i32 to index
    %swap3A_704 = arith.constant 32 : index
    %swap3A_705 = tpu.vector_load %arg10[%swap3A_703, %swap3A_704] {strides = array<i32>} : memref<64x128xbf16, #tpu.memory_space<vmem>>, vector<1x32xbf16>,
    %swap3A_706 = vector.shape_cast %swap3A_705 : vector<1x32xbf16> to vector<32xbf16>
    %swap3A_707 = vector.shape_cast %broadcast_in_dim3A_0 : vector<32xbf16> to vector<1x32xbf16>
    tpu.vector_store %arg10[%swap3A_703, %swap3A_704], %swap3A_707 {strides = array<i32>} : memref<64x128xbf16, #tpu.memory_space<vmem>>, vector<1x32xbf16>,
    %swap3A_708 = arith.constant 29 : i32
    %swap3A_709 = arith.index_cast %swap3A_708 : i32 to index
    %swap3A_710 = arith.constant 64 : index
    %swap3A_711 = tpu.vector_load %arg10[%swap3A_709, %swap3A_710] {strides = array<i32>} : memref<64x128xbf16, #tpu.memory_space<vmem>>, vector<1x32xbf16>,
    %swap3A_712 = vector.shape_cast %swap3A_711 : vector<1x32xbf16> to vector<32xbf16>
    %swap3A_713 = vector.shape_cast %broadcast_in_dim3A_0 : vector<32xbf16> to vector<1x32xbf16>
    tpu.vector_store %arg10[%swap3A_709, %swap3A_710], %swap3A_713 {strides = array<i32>} : memref<64x128xbf16, #tpu.memory_space<vmem>>, vector<1x32xbf16>,
    %swap3A_714 = arith.constant 29 : i32
    %swap3A_715 = arith.index_cast %swap3A_714 : i32 to index
    %swap3A_716 = arith.constant 96 : index
    %swap3A_717 = tpu.vector_load %arg10[%swap3A_715, %swap3A_716] {strides = array<i32>} : memref<64x128xbf16, #tpu.memory_space<vmem>>, vector<1x32xbf16>,
    %swap3A_718 = vector.shape_cast %swap3A_717 : vector<1x32xbf16> to vector<32xbf16>
    %swap3A_719 = vector.shape_cast %broadcast_in_dim3A_0 : vector<32xbf16> to vector<1x32xbf16>
    tpu.vector_store %arg10[%swap3A_715, %swap3A_716], %swap3A_719 {strides = array<i32>} : memref<64x128xbf16, #tpu.memory_space<vmem>>, vector<1x32xbf16>,
    %swap3A_720 = arith.constant 30 : i32
    %swap3A_721 = arith.index_cast %swap3A_720 : i32 to index
    %swap3A_722 = arith.constant 0 : index
    %swap3A_723 = tpu.vector_load %arg10[%swap3A_721, %swap3A_722] {strides = array<i32>} : memref<64x128xbf16, #tpu.memory_space<vmem>>, vector<1x32xbf16>,
    %swap3A_724 = vector.shape_cast %swap3A_723 : vector<1x32xbf16> to vector<32xbf16>
    %swap3A_725 = vector.shape_cast %broadcast_in_dim3A_0 : vector<32xbf16> to vector<1x32xbf16>
    tpu.vector_store %arg10[%swap3A_721, %swap3A_722], %swap3A_725 {strides = array<i32>} : memref<64x128xbf16, #tpu.memory_space<vmem>>, vector<1x32xbf16>,
    %swap3A_726 = arith.constant 30 : i32
    %swap3A_727 = arith.index_cast %swap3A_726 : i32 to index
    %swap3A_728 = arith.constant 32 : index
    %swap3A_729 = tpu.vector_load %arg10[%swap3A_727, %swap3A_728] {strides = array<i32>} : memref<64x128xbf16, #tpu.memory_space<vmem>>, vector<1x32xbf16>,
    %swap3A_730 = vector.shape_cast %swap3A_729 : vector<1x32xbf16> to vector<32xbf16>
    %swap3A_731 = vector.shape_cast %broadcast_in_dim3A_0 : vector<32xbf16> to vector<1x32xbf16>
    tpu.vector_store %arg10[%swap3A_727, %swap3A_728], %swap3A_731 {strides = array<i32>} : memref<64x128xbf16, #tpu.memory_space<vmem>>, vector<1x32xbf16>,
    %swap3A_732 = arith.constant 30 : i32
    %swap3A_733 = arith.index_cast %swap3A_732 : i32 to index
    %swap3A_734 = arith.constant 64 : index
    %swap3A_735 = tpu.vector_load %arg10[%swap3A_733, %swap3A_734] {strides = array<i32>} : memref<64x128xbf16, #tpu.memory_space<vmem>>, vector<1x32xbf16>,
    %swap3A_736 = vector.shape_cast %swap3A_735 : vector<1x32xbf16> to vector<32xbf16>
    %swap3A_737 = vector.shape_cast %broadcast_in_dim3A_0 : vector<32xbf16> to vector<1x32xbf16>
    tpu.vector_store %arg10[%swap3A_733, %swap3A_734], %swap3A_737 {strides = array<i32>} : memref<64x128xbf16, #tpu.memory_space<vmem>>, vector<1x32xbf16>,
    %swap3A_738 = arith.constant 30 : i32
    %swap3A_739 = arith.index_cast %swap3A_738 : i32 to index
    %swap3A_740 = arith.constant 96 : index
    %swap3A_741 = tpu.vector_load %arg10[%swap3A_739, %swap3A_740] {strides = array<i32>} : memref<64x128xbf16, #tpu.memory_space<vmem>>, vector<1x32xbf16>,
    %swap3A_742 = vector.shape_cast %swap3A_741 : vector<1x32xbf16> to vector<32xbf16>
    %swap3A_743 = vector.shape_cast %broadcast_in_dim3A_0 : vector<32xbf16> to vector<1x32xbf16>
    tpu.vector_store %arg10[%swap3A_739, %swap3A_740], %swap3A_743 {strides = array<i32>} : memref<64x128xbf16, #tpu.memory_space<vmem>>, vector<1x32xbf16>,
    %swap3A_744 = arith.constant 31 : i32
    %swap3A_745 = arith.index_cast %swap3A_744 : i32 to index
    %swap3A_746 = arith.constant 0 : index
    %swap3A_747 = tpu.vector_load %arg10[%swap3A_745, %swap3A_746] {strides = array<i32>} : memref<64x128xbf16, #tpu.memory_space<vmem>>, vector<1x32xbf16>,
    %swap3A_748 = vector.shape_cast %swap3A_747 : vector<1x32xbf16> to vector<32xbf16>
    %swap3A_749 = vector.shape_cast %broadcast_in_dim3A_0 : vector<32xbf16> to vector<1x32xbf16>
    tpu.vector_store %arg10[%swap3A_745, %swap3A_746], %swap3A_749 {strides = array<i32>} : memref<64x128xbf16, #tpu.memory_space<vmem>>, vector<1x32xbf16>,
    %swap3A_750 = arith.constant 31 : i32
    %swap3A_751 = arith.index_cast %swap3A_750 : i32 to index
    %swap3A_752 = arith.constant 32 : index
    %swap3A_753 = tpu.vector_load %arg10[%swap3A_751, %swap3A_752] {strides = array<i32>} : memref<64x128xbf16, #tpu.memory_space<vmem>>, vector<1x32xbf16>,
    %swap3A_754 = vector.shape_cast %swap3A_753 : vector<1x32xbf16> to vector<32xbf16>
    %swap3A_755 = vector.shape_cast %broadcast_in_dim3A_0 : vector<32xbf16> to vector<1x32xbf16>
    tpu.vector_store %arg10[%swap3A_751, %swap3A_752], %swap3A_755 {strides = array<i32>} : memref<64x128xbf16, #tpu.memory_space<vmem>>, vector<1x32xbf16>,
    %swap3A_756 = arith.constant 31 : i32
    %swap3A_757 = arith.index_cast %swap3A_756 : i32 to index
    %swap3A_758 = arith.constant 64 : index
    %swap3A_759 = tpu.vector_load %arg10[%swap3A_757, %swap3A_758] {strides = array<i32>} : memref<64x128xbf16, #tpu.memory_space<vmem>>, vector<1x32xbf16>,
    %swap3A_760 = vector.shape_cast %swap3A_759 : vector<1x32xbf16> to vector<32xbf16>
    %swap3A_761 = vector.shape_cast %broadcast_in_dim3A_0 : vector<32xbf16> to vector<1x32xbf16>
    tpu.vector_store %arg10[%swap3A_757, %swap3A_758], %swap3A_761 {strides = array<i32>} : memref<64x128xbf16, #tpu.memory_space<vmem>>, vector<1x32xbf16>,
    %swap3A_762 = arith.constant 31 : i32
    %swap3A_763 = arith.index_cast %swap3A_762 : i32 to index
    %swap3A_764 = arith.constant 96 : index
    %swap3A_765 = tpu.vector_load %arg10[%swap3A_763, %swap3A_764] {strides = array<i32>} : memref<64x128xbf16, #tpu.memory_space<vmem>>, vector<1x32xbf16>,
    %swap3A_766 = vector.shape_cast %swap3A_765 : vector<1x32xbf16> to vector<32xbf16>
    %swap3A_767 = vector.shape_cast %broadcast_in_dim3A_0 : vector<32xbf16> to vector<1x32xbf16>
    tpu.vector_store %arg10[%swap3A_763, %swap3A_764], %swap3A_767 {strides = array<i32>} : memref<64x128xbf16, #tpu.memory_space<vmem>>, vector<1x32xbf16>,
    %swap3A_768 = arith.constant 32 : i32
    %swap3A_769 = arith.index_cast %swap3A_768 : i32 to index
    %swap3A_770 = arith.constant 0 : index
    %swap3A_771 = tpu.vector_load %arg10[%swap3A_769, %swap3A_770] {strides = array<i32>} : memref<64x128xbf16, #tpu.memory_space<vmem>>, vector<1x32xbf16>,
    %swap3A_772 = vector.shape_cast %swap3A_771 : vector<1x32xbf16> to vector<32xbf16>
    %swap3A_773 = vector.shape_cast %broadcast_in_dim3A_0 : vector<32xbf16> to vector<1x32xbf16>
    tpu.vector_store %arg10[%swap3A_769, %swap3A_770], %swap3A_773 {strides = array<i32>} : memref<64x128xbf16, #tpu.memory_space<vmem>>, vector<1x32xbf16>,
    %swap3A_774 = arith.constant 32 : i32
    %swap3A_775 = arith.index_cast %swap3A_774 : i32 to index
    %swap3A_776 = arith.constant 32 : index
    %swap3A_777 = tpu.vector_load %arg10[%swap3A_775, %swap3A_776] {strides = array<i32>} : memref<64x128xbf16, #tpu.memory_space<vmem>>, vector<1x32xbf16>,
    %swap3A_778 = vector.shape_cast %swap3A_777 : vector<1x32xbf16> to vector<32xbf16>
    %swap3A_779 = vector.shape_cast %broadcast_in_dim3A_0 : vector<32xbf16> to vector<1x32xbf16>
    tpu.vector_store %arg10[%swap3A_775, %swap3A_776], %swap3A_779 {strides = array<i32>} : memref<64x128xbf16, #tpu.memory_space<vmem>>, vector<1x32xbf16>,
    %swap3A_780 = arith.constant 32 : i32
    %swap3A_781 = arith.index_cast %swap3A_780 : i32 to index
    %swap3A_782 = arith.constant 64 : index
    %swap3A_783 = tpu.vector_load %arg10[%swap3A_781, %swap3A_782] {strides = array<i32>} : memref<64x128xbf16, #tpu.memory_space<vmem>>, vector<1x32xbf16>,
    %swap3A_784 = vector.shape_cast %swap3A_783 : vector<1x32xbf16> to vector<32xbf16>
    %swap3A_785 = vector.shape_cast %broadcast_in_dim3A_0 : vector<32xbf16> to vector<1x32xbf16>
    tpu.vector_store %arg10[%swap3A_781, %swap3A_782], %swap3A_785 {strides = array<i32>} : memref<64x128xbf16, #tpu.memory_space<vmem>>, vector<1x32xbf16>,
    %swap3A_786 = arith.constant 32 : i32
    %swap3A_787 = arith.index_cast %swap3A_786 : i32 to index
    %swap3A_788 = arith.constant 96 : index
    %swap3A_789 = tpu.vector_load %arg10[%swap3A_787, %swap3A_788] {strides = array<i32>} : memref<64x128xbf16, #tpu.memory_space<vmem>>, vector<1x32xbf16>,
    %swap3A_790 = vector.shape_cast %swap3A_789 : vector<1x32xbf16> to vector<32xbf16>
    %swap3A_791 = vector.shape_cast %broadcast_in_dim3A_0 : vector<32xbf16> to vector<1x32xbf16>
    tpu.vector_store %arg10[%swap3A_787, %swap3A_788], %swap3A_791 {strides = array<i32>} : memref<64x128xbf16, #tpu.memory_space<vmem>>, vector<1x32xbf16>,
    %swap3A_792 = arith.constant 33 : i32
    %swap3A_793 = arith.index_cast %swap3A_792 : i32 to index
    %swap3A_794 = arith.constant 0 : index
    %swap3A_795 = tpu.vector_load %arg10[%swap3A_793, %swap3A_794] {strides = array<i32>} : memref<64x128xbf16, #tpu.memory_space<vmem>>, vector<1x32xbf16>,
    %swap3A_796 = vector.shape_cast %swap3A_795 : vector<1x32xbf16> to vector<32xbf16>
    %swap3A_797 = vector.shape_cast %broadcast_in_dim3A_0 : vector<32xbf16> to vector<1x32xbf16>
    tpu.vector_store %arg10[%swap3A_793, %swap3A_794], %swap3A_797 {strides = array<i32>} : memref<64x128xbf16, #tpu.memory_space<vmem>>, vector<1x32xbf16>,
    %swap3A_798 = arith.constant 33 : i32
    %swap3A_799 = arith.index_cast %swap3A_798 : i32 to index
    %swap3A_800 = arith.constant 32 : index
    %swap3A_801 = tpu.vector_load %arg10[%swap3A_799, %swap3A_800] {strides = array<i32>} : memref<64x128xbf16, #tpu.memory_space<vmem>>, vector<1x32xbf16>,
    %swap3A_802 = vector.shape_cast %swap3A_801 : vector<1x32xbf16> to vector<32xbf16>
    %swap3A_803 = vector.shape_cast %broadcast_in_dim3A_0 : vector<32xbf16> to vector<1x32xbf16>
    tpu.vector_store %arg10[%swap3A_799, %swap3A_800], %swap3A_803 {strides = array<i32>} : memref<64x128xbf16, #tpu.memory_space<vmem>>, vector<1x32xbf16>,
    %swap3A_804 = arith.constant 33 : i32
    %swap3A_805 = arith.index_cast %swap3A_804 : i32 to index
    %swap3A_806 = arith.constant 64 : index
    %swap3A_807 = tpu.vector_load %arg10[%swap3A_805, %swap3A_806] {strides = array<i32>} : memref<64x128xbf16, #tpu.memory_space<vmem>>, vector<1x32xbf16>,
    %swap3A_808 = vector.shape_cast %swap3A_807 : vector<1x32xbf16> to vector<32xbf16>
    %swap3A_809 = vector.shape_cast %broadcast_in_dim3A_0 : vector<32xbf16> to vector<1x32xbf16>
    tpu.vector_store %arg10[%swap3A_805, %swap3A_806], %swap3A_809 {strides = array<i32>} : memref<64x128xbf16, #tpu.memory_space<vmem>>, vector<1x32xbf16>,
    %swap3A_810 = arith.constant 33 : i32
    %swap3A_811 = arith.index_cast %swap3A_810 : i32 to index
    %swap3A_812 = arith.constant 96 : index
    %swap3A_813 = tpu.vector_load %arg10[%swap3A_811, %swap3A_812] {strides = array<i32>} : memref<64x128xbf16, #tpu.memory_space<vmem>>, vector<1x32xbf16>,
    %swap3A_814 = vector.shape_cast %swap3A_813 : vector<1x32xbf16> to vector<32xbf16>
    %swap3A_815 = vector.shape_cast %broadcast_in_dim3A_0 : vector<32xbf16> to vector<1x32xbf16>
    tpu.vector_store %arg10[%swap3A_811, %swap3A_812], %swap3A_815 {strides = array<i32>} : memref<64x128xbf16, #tpu.memory_space<vmem>>, vector<1x32xbf16>,
    %swap3A_816 = arith.constant 34 : i32
    %swap3A_817 = arith.index_cast %swap3A_816 : i32 to index
    %swap3A_818 = arith.constant 0 : index
    %swap3A_819 = tpu.vector_load %arg10[%swap3A_817, %swap3A_818] {strides = array<i32>} : memref<64x128xbf16, #tpu.memory_space<vmem>>, vector<1x32xbf16>,
    %swap3A_820 = vector.shape_cast %swap3A_819 : vector<1x32xbf16> to vector<32xbf16>
    %swap3A_821 = vector.shape_cast %broadcast_in_dim3A_0 : vector<32xbf16> to vector<1x32xbf16>
    tpu.vector_store %arg10[%swap3A_817, %swap3A_818], %swap3A_821 {strides = array<i32>} : memref<64x128xbf16, #tpu.memory_space<vmem>>, vector<1x32xbf16>,
    %swap3A_822 = arith.constant 34 : i32
    %swap3A_823 = arith.index_cast %swap3A_822 : i32 to index
    %swap3A_824 = arith.constant 32 : index
    %swap3A_825 = tpu.vector_load %arg10[%swap3A_823, %swap3A_824] {strides = array<i32>} : memref<64x128xbf16, #tpu.memory_space<vmem>>, vector<1x32xbf16>,
    %swap3A_826 = vector.shape_cast %swap3A_825 : vector<1x32xbf16> to vector<32xbf16>
    %swap3A_827 = vector.shape_cast %broadcast_in_dim3A_0 : vector<32xbf16> to vector<1x32xbf16>
    tpu.vector_store %arg10[%swap3A_823, %swap3A_824], %swap3A_827 {strides = array<i32>} : memref<64x128xbf16, #tpu.memory_space<vmem>>, vector<1x32xbf16>,
    %swap3A_828 = arith.constant 34 : i32
    %swap3A_829 = arith.index_cast %swap3A_828 : i32 to index
    %swap3A_830 = arith.constant 64 : index
    %swap3A_831 = tpu.vector_load %arg10[%swap3A_829, %swap3A_830] {strides = array<i32>} : memref<64x128xbf16, #tpu.memory_space<vmem>>, vector<1x32xbf16>,
    %swap3A_832 = vector.shape_cast %swap3A_831 : vector<1x32xbf16> to vector<32xbf16>
    %swap3A_833 = vector.shape_cast %broadcast_in_dim3A_0 : vector<32xbf16> to vector<1x32xbf16>
    tpu.vector_store %arg10[%swap3A_829, %swap3A_830], %swap3A_833 {strides = array<i32>} : memref<64x128xbf16, #tpu.memory_space<vmem>>, vector<1x32xbf16>,
    %swap3A_834 = arith.constant 34 : i32
    %swap3A_835 = arith.index_cast %swap3A_834 : i32 to index
    %swap3A_836 = arith.constant 96 : index
    %swap3A_837 = tpu.vector_load %arg10[%swap3A_835, %swap3A_836] {strides = array<i32>} : memref<64x128xbf16, #tpu.memory_space<vmem>>, vector<1x32xbf16>,
    %swap3A_838 = vector.shape_cast %swap3A_837 : vector<1x32xbf16> to vector<32xbf16>
    %swap3A_839 = vector.shape_cast %broadcast_in_dim3A_0 : vector<32xbf16> to vector<1x32xbf16>
    tpu.vector_store %arg10[%swap3A_835, %swap3A_836], %swap3A_839 {strides = array<i32>} : memref<64x128xbf16, #tpu.memory_space<vmem>>, vector<1x32xbf16>,
    %swap3A_840 = arith.constant 35 : i32
    %swap3A_841 = arith.index_cast %swap3A_840 : i32 to index
    %swap3A_842 = arith.constant 0 : index
    %swap3A_843 = tpu.vector_load %arg10[%swap3A_841, %swap3A_842] {strides = array<i32>} : memref<64x128xbf16, #tpu.memory_space<vmem>>, vector<1x32xbf16>,
    %swap3A_844 = vector.shape_cast %swap3A_843 : vector<1x32xbf16> to vector<32xbf16>
    %swap3A_845 = vector.shape_cast %broadcast_in_dim3A_0 : vector<32xbf16> to vector<1x32xbf16>
    tpu.vector_store %arg10[%swap3A_841, %swap3A_842], %swap3A_845 {strides = array<i32>} : memref<64x128xbf16, #tpu.memory_space<vmem>>, vector<1x32xbf16>,
    %swap3A_846 = arith.constant 35 : i32
    %swap3A_847 = arith.index_cast %swap3A_846 : i32 to index
    %swap3A_848 = arith.constant 32 : index
    %swap3A_849 = tpu.vector_load %arg10[%swap3A_847, %swap3A_848] {strides = array<i32>} : memref<64x128xbf16, #tpu.memory_space<vmem>>, vector<1x32xbf16>,
    %swap3A_850 = vector.shape_cast %swap3A_849 : vector<1x32xbf16> to vector<32xbf16>
    %swap3A_851 = vector.shape_cast %broadcast_in_dim3A_0 : vector<32xbf16> to vector<1x32xbf16>
    tpu.vector_store %arg10[%swap3A_847, %swap3A_848], %swap3A_851 {strides = array<i32>} : memref<64x128xbf16, #tpu.memory_space<vmem>>, vector<1x32xbf16>,
    %swap3A_852 = arith.constant 35 : i32
    %swap3A_853 = arith.index_cast %swap3A_852 : i32 to index
    %swap3A_854 = arith.constant 64 : index
    %swap3A_855 = tpu.vector_load %arg10[%swap3A_853, %swap3A_854] {strides = array<i32>} : memref<64x128xbf16, #tpu.memory_space<vmem>>, vector<1x32xbf16>,
    %swap3A_856 = vector.shape_cast %swap3A_855 : vector<1x32xbf16> to vector<32xbf16>
    %swap3A_857 = vector.shape_cast %broadcast_in_dim3A_0 : vector<32xbf16> to vector<1x32xbf16>
    tpu.vector_store %arg10[%swap3A_853, %swap3A_854], %swap3A_857 {strides = array<i32>} : memref<64x128xbf16, #tpu.memory_space<vmem>>, vector<1x32xbf16>,
    %swap3A_858 = arith.constant 35 : i32
    %swap3A_859 = arith.index_cast %swap3A_858 : i32 to index
    %swap3A_860 = arith.constant 96 : index
    %swap3A_861 = tpu.vector_load %arg10[%swap3A_859, %swap3A_860] {strides = array<i32>} : memref<64x128xbf16, #tpu.memory_space<vmem>>, vector<1x32xbf16>,
    %swap3A_862 = vector.shape_cast %swap3A_861 : vector<1x32xbf16> to vector<32xbf16>
    %swap3A_863 = vector.shape_cast %broadcast_in_dim3A_0 : vector<32xbf16> to vector<1x32xbf16>
    tpu.vector_store %arg10[%swap3A_859, %swap3A_860], %swap3A_863 {strides = array<i32>} : memref<64x128xbf16, #tpu.memory_space<vmem>>, vector<1x32xbf16>,
    %swap3A_864 = arith.constant 36 : i32
    %swap3A_865 = arith.index_cast %swap3A_864 : i32 to index
    %swap3A_866 = arith.constant 0 : index
    %swap3A_867 = tpu.vector_load %arg10[%swap3A_865, %swap3A_866] {strides = array<i32>} : memref<64x128xbf16, #tpu.memory_space<vmem>>, vector<1x32xbf16>,
    %swap3A_868 = vector.shape_cast %swap3A_867 : vector<1x32xbf16> to vector<32xbf16>
    %swap3A_869 = vector.shape_cast %broadcast_in_dim3A_0 : vector<32xbf16> to vector<1x32xbf16>
    tpu.vector_store %arg10[%swap3A_865, %swap3A_866], %swap3A_869 {strides = array<i32>} : memref<64x128xbf16, #tpu.memory_space<vmem>>, vector<1x32xbf16>,
    %swap3A_870 = arith.constant 36 : i32
    %swap3A_871 = arith.index_cast %swap3A_870 : i32 to index
    %swap3A_872 = arith.constant 32 : index
    %swap3A_873 = tpu.vector_load %arg10[%swap3A_871, %swap3A_872] {strides = array<i32>} : memref<64x128xbf16, #tpu.memory_space<vmem>>, vector<1x32xbf16>,
    %swap3A_874 = vector.shape_cast %swap3A_873 : vector<1x32xbf16> to vector<32xbf16>
    %swap3A_875 = vector.shape_cast %broadcast_in_dim3A_0 : vector<32xbf16> to vector<1x32xbf16>
    tpu.vector_store %arg10[%swap3A_871, %swap3A_872], %swap3A_875 {strides = array<i32>} : memref<64x128xbf16, #tpu.memory_space<vmem>>, vector<1x32xbf16>,
    %swap3A_876 = arith.constant 36 : i32
    %swap3A_877 = arith.index_cast %swap3A_876 : i32 to index
    %swap3A_878 = arith.constant 64 : index
    %swap3A_879 = tpu.vector_load %arg10[%swap3A_877, %swap3A_878] {strides = array<i32>} : memref<64x128xbf16, #tpu.memory_space<vmem>>, vector<1x32xbf16>,
    %swap3A_880 = vector.shape_cast %swap3A_879 : vector<1x32xbf16> to vector<32xbf16>
    %swap3A_881 = vector.shape_cast %broadcast_in_dim3A_0 : vector<32xbf16> to vector<1x32xbf16>
    tpu.vector_store %arg10[%swap3A_877, %swap3A_878], %swap3A_881 {strides = array<i32>} : memref<64x128xbf16, #tpu.memory_space<vmem>>, vector<1x32xbf16>,
    %swap3A_882 = arith.constant 36 : i32
    %swap3A_883 = arith.index_cast %swap3A_882 : i32 to index
    %swap3A_884 = arith.constant 96 : index
    %swap3A_885 = tpu.vector_load %arg10[%swap3A_883, %swap3A_884] {strides = array<i32>} : memref<64x128xbf16, #tpu.memory_space<vmem>>, vector<1x32xbf16>,
    %swap3A_886 = vector.shape_cast %swap3A_885 : vector<1x32xbf16> to vector<32xbf16>
    %swap3A_887 = vector.shape_cast %broadcast_in_dim3A_0 : vector<32xbf16> to vector<1x32xbf16>
    tpu.vector_store %arg10[%swap3A_883, %swap3A_884], %swap3A_887 {strides = array<i32>} : memref<64x128xbf16, #tpu.memory_space<vmem>>, vector<1x32xbf16>,
    %swap3A_888 = arith.constant 37 : i32
    %swap3A_889 = arith.index_cast %swap3A_888 : i32 to index
    %swap3A_890 = arith.constant 0 : index
    %swap3A_891 = tpu.vector_load %arg10[%swap3A_889, %swap3A_890] {strides = array<i32>} : memref<64x128xbf16, #tpu.memory_space<vmem>>, vector<1x32xbf16>,
    %swap3A_892 = vector.shape_cast %swap3A_891 : vector<1x32xbf16> to vector<32xbf16>
    %swap3A_893 = vector.shape_cast %broadcast_in_dim3A_0 : vector<32xbf16> to vector<1x32xbf16>
    tpu.vector_store %arg10[%swap3A_889, %swap3A_890], %swap3A_893 {strides = array<i32>} : memref<64x128xbf16, #tpu.memory_space<vmem>>, vector<1x32xbf16>,
    %swap3A_894 = arith.constant 37 : i32
    %swap3A_895 = arith.index_cast %swap3A_894 : i32 to index
    %swap3A_896 = arith.constant 32 : index
    %swap3A_897 = tpu.vector_load %arg10[%swap3A_895, %swap3A_896] {strides = array<i32>} : memref<64x128xbf16, #tpu.memory_space<vmem>>, vector<1x32xbf16>,
    %swap3A_898 = vector.shape_cast %swap3A_897 : vector<1x32xbf16> to vector<32xbf16>
    %swap3A_899 = vector.shape_cast %broadcast_in_dim3A_0 : vector<32xbf16> to vector<1x32xbf16>
    tpu.vector_store %arg10[%swap3A_895, %swap3A_896], %swap3A_899 {strides = array<i32>} : memref<64x128xbf16, #tpu.memory_space<vmem>>, vector<1x32xbf16>,
    %swap3A_900 = arith.constant 37 : i32
    %swap3A_901 = arith.index_cast %swap3A_900 : i32 to index
    %swap3A_902 = arith.constant 64 : index
    %swap3A_903 = tpu.vector_load %arg10[%swap3A_901, %swap3A_902] {strides = array<i32>} : memref<64x128xbf16, #tpu.memory_space<vmem>>, vector<1x32xbf16>,
    %swap3A_904 = vector.shape_cast %swap3A_903 : vector<1x32xbf16> to vector<32xbf16>
    %swap3A_905 = vector.shape_cast %broadcast_in_dim3A_0 : vector<32xbf16> to vector<1x32xbf16>
    tpu.vector_store %arg10[%swap3A_901, %swap3A_902], %swap3A_905 {strides = array<i32>} : memref<64x128xbf16, #tpu.memory_space<vmem>>, vector<1x32xbf16>,
    %swap3A_906 = arith.constant 37 : i32
    %swap3A_907 = arith.index_cast %swap3A_906 : i32 to index
    %swap3A_908 = arith.constant 96 : index
    %swap3A_909 = tpu.vector_load %arg10[%swap3A_907, %swap3A_908] {strides = array<i32>} : memref<64x128xbf16, #tpu.memory_space<vmem>>, vector<1x32xbf16>,
    %swap3A_910 = vector.shape_cast %swap3A_909 : vector<1x32xbf16> to vector<32xbf16>
    %swap3A_911 = vector.shape_cast %broadcast_in_dim3A_0 : vector<32xbf16> to vector<1x32xbf16>
    tpu.vector_store %arg10[%swap3A_907, %swap3A_908], %swap3A_911 {strides = array<i32>} : memref<64x128xbf16, #tpu.memory_space<vmem>>, vector<1x32xbf16>,
    %swap3A_912 = arith.constant 38 : i32
    %swap3A_913 = arith.index_cast %swap3A_912 : i32 to index
    %swap3A_914 = arith.constant 0 : index
    %swap3A_915 = tpu.vector_load %arg10[%swap3A_913, %swap3A_914] {strides = array<i32>} : memref<64x128xbf16, #tpu.memory_space<vmem>>, vector<1x32xbf16>,
    %swap3A_916 = vector.shape_cast %swap3A_915 : vector<1x32xbf16> to vector<32xbf16>
    %swap3A_917 = vector.shape_cast %broadcast_in_dim3A_0 : vector<32xbf16> to vector<1x32xbf16>
    tpu.vector_store %arg10[%swap3A_913, %swap3A_914], %swap3A_917 {strides = array<i32>} : memref<64x128xbf16, #tpu.memory_space<vmem>>, vector<1x32xbf16>,
    %swap3A_918 = arith.constant 38 : i32
    %swap3A_919 = arith.index_cast %swap3A_918 : i32 to index
    %swap3A_920 = arith.constant 32 : index
    %swap3A_921 = tpu.vector_load %arg10[%swap3A_919, %swap3A_920] {strides = array<i32>} : memref<64x128xbf16, #tpu.memory_space<vmem>>, vector<1x32xbf16>,
    %swap3A_922 = vector.shape_cast %swap3A_921 : vector<1x32xbf16> to vector<32xbf16>
    %swap3A_923 = vector.shape_cast %broadcast_in_dim3A_0 : vector<32xbf16> to vector<1x32xbf16>
    tpu.vector_store %arg10[%swap3A_919, %swap3A_920], %swap3A_923 {strides = array<i32>} : memref<64x128xbf16, #tpu.memory_space<vmem>>, vector<1x32xbf16>,
    %swap3A_924 = arith.constant 38 : i32
    %swap3A_925 = arith.index_cast %swap3A_924 : i32 to index
    %swap3A_926 = arith.constant 64 : index
    %swap3A_927 = tpu.vector_load %arg10[%swap3A_925, %swap3A_926] {strides = array<i32>} : memref<64x128xbf16, #tpu.memory_space<vmem>>, vector<1x32xbf16>,
    %swap3A_928 = vector.shape_cast %swap3A_927 : vector<1x32xbf16> to vector<32xbf16>
    %swap3A_929 = vector.shape_cast %broadcast_in_dim3A_0 : vector<32xbf16> to vector<1x32xbf16>
    tpu.vector_store %arg10[%swap3A_925, %swap3A_926], %swap3A_929 {strides = array<i32>} : memref<64x128xbf16, #tpu.memory_space<vmem>>, vector<1x32xbf16>,
    %swap3A_930 = arith.constant 38 : i32
    %swap3A_931 = arith.index_cast %swap3A_930 : i32 to index
    %swap3A_932 = arith.constant 96 : index
    %swap3A_933 = tpu.vector_load %arg10[%swap3A_931, %swap3A_932] {strides = array<i32>} : memref<64x128xbf16, #tpu.memory_space<vmem>>, vector<1x32xbf16>,
    %swap3A_934 = vector.shape_cast %swap3A_933 : vector<1x32xbf16> to vector<32xbf16>
    %swap3A_935 = vector.shape_cast %broadcast_in_dim3A_0 : vector<32xbf16> to vector<1x32xbf16>
    tpu.vector_store %arg10[%swap3A_931, %swap3A_932], %swap3A_935 {strides = array<i32>} : memref<64x128xbf16, #tpu.memory_space<vmem>>, vector<1x32xbf16>,
    %swap3A_936 = arith.constant 39 : i32
    %swap3A_937 = arith.index_cast %swap3A_936 : i32 to index
    %swap3A_938 = arith.constant 0 : index
    %swap3A_939 = tpu.vector_load %arg10[%swap3A_937, %swap3A_938] {strides = array<i32>} : memref<64x128xbf16, #tpu.memory_space<vmem>>, vector<1x32xbf16>,
    %swap3A_940 = vector.shape_cast %swap3A_939 : vector<1x32xbf16> to vector<32xbf16>
    %swap3A_941 = vector.shape_cast %broadcast_in_dim3A_0 : vector<32xbf16> to vector<1x32xbf16>
    tpu.vector_store %arg10[%swap3A_937, %swap3A_938], %swap3A_941 {strides = array<i32>} : memref<64x128xbf16, #tpu.memory_space<vmem>>, vector<1x32xbf16>,
    %swap3A_942 = arith.constant 39 : i32
    %swap3A_943 = arith.index_cast %swap3A_942 : i32 to index
    %swap3A_944 = arith.constant 32 : index
    %swap3A_945 = tpu.vector_load %arg10[%swap3A_943, %swap3A_944] {strides = array<i32>} : memref<64x128xbf16, #tpu.memory_space<vmem>>, vector<1x32xbf16>,
    %swap3A_946 = vector.shape_cast %swap3A_945 : vector<1x32xbf16> to vector<32xbf16>
    %swap3A_947 = vector.shape_cast %broadcast_in_dim3A_0 : vector<32xbf16> to vector<1x32xbf16>
    tpu.vector_store %arg10[%swap3A_943, %swap3A_944], %swap3A_947 {strides = array<i32>} : memref<64x128xbf16, #tpu.memory_space<vmem>>, vector<1x32xbf16>,
    %swap3A_948 = arith.constant 39 : i32
    %swap3A_949 = arith.index_cast %swap3A_948 : i32 to index
    %swap3A_950 = arith.constant 64 : index
    %swap3A_951 = tpu.vector_load %arg10[%swap3A_949, %swap3A_950] {strides = array<i32>} : memref<64x128xbf16, #tpu.memory_space<vmem>>, vector<1x32xbf16>,
    %swap3A_952 = vector.shape_cast %swap3A_951 : vector<1x32xbf16> to vector<32xbf16>
    %swap3A_953 = vector.shape_cast %broadcast_in_dim3A_0 : vector<32xbf16> to vector<1x32xbf16>
    tpu.vector_store %arg10[%swap3A_949, %swap3A_950], %swap3A_953 {strides = array<i32>} : memref<64x128xbf16, #tpu.memory_space<vmem>>, vector<1x32xbf16>,
    %swap3A_954 = arith.constant 39 : i32
    %swap3A_955 = arith.index_cast %swap3A_954 : i32 to index
    %swap3A_956 = arith.constant 96 : index
    %swap3A_957 = tpu.vector_load %arg10[%swap3A_955, %swap3A_956] {strides = array<i32>} : memref<64x128xbf16, #tpu.memory_space<vmem>>, vector<1x32xbf16>,
    %swap3A_958 = vector.shape_cast %swap3A_957 : vector<1x32xbf16> to vector<32xbf16>
    %swap3A_959 = vector.shape_cast %broadcast_in_dim3A_0 : vector<32xbf16> to vector<1x32xbf16>
    tpu.vector_store %arg10[%swap3A_955, %swap3A_956], %swap3A_959 {strides = array<i32>} : memref<64x128xbf16, #tpu.memory_space<vmem>>, vector<1x32xbf16>,
    %swap3A_960 = arith.constant 40 : i32
    %swap3A_961 = arith.index_cast %swap3A_960 : i32 to index
    %swap3A_962 = arith.constant 0 : index
    %swap3A_963 = tpu.vector_load %arg10[%swap3A_961, %swap3A_962] {strides = array<i32>} : memref<64x128xbf16, #tpu.memory_space<vmem>>, vector<1x32xbf16>,
    %swap3A_964 = vector.shape_cast %swap3A_963 : vector<1x32xbf16> to vector<32xbf16>
    %swap3A_965 = vector.shape_cast %broadcast_in_dim3A_0 : vector<32xbf16> to vector<1x32xbf16>
    tpu.vector_store %arg10[%swap3A_961, %swap3A_962], %swap3A_965 {strides = array<i32>} : memref<64x128xbf16, #tpu.memory_space<vmem>>, vector<1x32xbf16>,
    %swap3A_966 = arith.constant 40 : i32
    %swap3A_967 = arith.index_cast %swap3A_966 : i32 to index
    %swap3A_968 = arith.constant 32 : index
    %swap3A_969 = tpu.vector_load %arg10[%swap3A_967, %swap3A_968] {strides = array<i32>} : memref<64x128xbf16, #tpu.memory_space<vmem>>, vector<1x32xbf16>,
    %swap3A_970 = vector.shape_cast %swap3A_969 : vector<1x32xbf16> to vector<32xbf16>
    %swap3A_971 = vector.shape_cast %broadcast_in_dim3A_0 : vector<32xbf16> to vector<1x32xbf16>
    tpu.vector_store %arg10[%swap3A_967, %swap3A_968], %swap3A_971 {strides = array<i32>} : memref<64x128xbf16, #tpu.memory_space<vmem>>, vector<1x32xbf16>,
    %swap3A_972 = arith.constant 40 : i32
    %swap3A_973 = arith.index_cast %swap3A_972 : i32 to index
    %swap3A_974 = arith.constant 64 : index
    %swap3A_975 = tpu.vector_load %arg10[%swap3A_973, %swap3A_974] {strides = array<i32>} : memref<64x128xbf16, #tpu.memory_space<vmem>>, vector<1x32xbf16>,
    %swap3A_976 = vector.shape_cast %swap3A_975 : vector<1x32xbf16> to vector<32xbf16>
    %swap3A_977 = vector.shape_cast %broadcast_in_dim3A_0 : vector<32xbf16> to vector<1x32xbf16>
    tpu.vector_store %arg10[%swap3A_973, %swap3A_974], %swap3A_977 {strides = array<i32>} : memref<64x128xbf16, #tpu.memory_space<vmem>>, vector<1x32xbf16>,
    %swap3A_978 = arith.constant 40 : i32
    %swap3A_979 = arith.index_cast %swap3A_978 : i32 to index
    %swap3A_980 = arith.constant 96 : index
    %swap3A_981 = tpu.vector_load %arg10[%swap3A_979, %swap3A_980] {strides = array<i32>} : memref<64x128xbf16, #tpu.memory_space<vmem>>, vector<1x32xbf16>,
    %swap3A_982 = vector.shape_cast %swap3A_981 : vector<1x32xbf16> to vector<32xbf16>
    %swap3A_983 = vector.shape_cast %broadcast_in_dim3A_0 : vector<32xbf16> to vector<1x32xbf16>
    tpu.vector_store %arg10[%swap3A_979, %swap3A_980], %swap3A_983 {strides = array<i32>} : memref<64x128xbf16, #tpu.memory_space<vmem>>, vector<1x32xbf16>,
    %swap3A_984 = arith.constant 41 : i32
    %swap3A_985 = arith.index_cast %swap3A_984 : i32 to index
    %swap3A_986 = arith.constant 0 : index
    %swap3A_987 = tpu.vector_load %arg10[%swap3A_985, %swap3A_986] {strides = array<i32>} : memref<64x128xbf16, #tpu.memory_space<vmem>>, vector<1x32xbf16>,
    %swap3A_988 = vector.shape_cast %swap3A_987 : vector<1x32xbf16> to vector<32xbf16>
    %swap3A_989 = vector.shape_cast %broadcast_in_dim3A_0 : vector<32xbf16> to vector<1x32xbf16>
    tpu.vector_store %arg10[%swap3A_985, %swap3A_986], %swap3A_989 {strides = array<i32>} : memref<64x128xbf16, #tpu.memory_space<vmem>>, vector<1x32xbf16>,
    %swap3A_990 = arith.constant 41 : i32
    %swap3A_991 = arith.index_cast %swap3A_990 : i32 to index
    %swap3A_992 = arith.constant 32 : index
    %swap3A_993 = tpu.vector_load %arg10[%swap3A_991, %swap3A_992] {strides = array<i32>} : memref<64x128xbf16, #tpu.memory_space<vmem>>, vector<1x32xbf16>,
    %swap3A_994 = vector.shape_cast %swap3A_993 : vector<1x32xbf16> to vector<32xbf16>
    %swap3A_995 = vector.shape_cast %broadcast_in_dim3A_0 : vector<32xbf16> to vector<1x32xbf16>
    tpu.vector_store %arg10[%swap3A_991, %swap3A_992], %swap3A_995 {strides = array<i32>} : memref<64x128xbf16, #tpu.memory_space<vmem>>, vector<1x32xbf16>,
    %swap3A_996 = arith.constant 41 : i32
    %swap3A_997 = arith.index_cast %swap3A_996 : i32 to index
    %swap3A_998 = arith.constant 64 : index
    %swap3A_999 = tpu.vector_load %arg10[%swap3A_997, %swap3A_998] {strides = array<i32>} : memref<64x128xbf16, #tpu.memory_space<vmem>>, vector<1x32xbf16>,
    %swap3A_1000 = vector.shape_cast %swap3A_999 : vector<1x32xbf16> to vector<32xbf16>
    %swap3A_1001 = vector.shape_cast %broadcast_in_dim3A_0 : vector<32xbf16> to vector<1x32xbf16>
    tpu.vector_store %arg10[%swap3A_997, %swap3A_998], %swap3A_1001 {strides = array<i32>} : memref<64x128xbf16, #tpu.memory_space<vmem>>, vector<1x32xbf16>,
    %swap3A_1002 = arith.constant 41 : i32
    %swap3A_1003 = arith.index_cast %swap3A_1002 : i32 to index
    %swap3A_1004 = arith.constant 96 : index
    %swap3A_1005 = tpu.vector_load %arg10[%swap3A_1003, %swap3A_1004] {strides = array<i32>} : memref<64x128xbf16, #tpu.memory_space<vmem>>, vector<1x32xbf16>,
    %swap3A_1006 = vector.shape_cast %swap3A_1005 : vector<1x32xbf16> to vector<32xbf16>
    %swap3A_1007 = vector.shape_cast %broadcast_in_dim3A_0 : vector<32xbf16> to vector<1x32xbf16>
    tpu.vector_store %arg10[%swap3A_1003, %swap3A_1004], %swap3A_1007 {strides = array<i32>} : memref<64x128xbf16, #tpu.memory_space<vmem>>, vector<1x32xbf16>,
    %swap3A_1008 = arith.constant 42 : i32
    %swap3A_1009 = arith.index_cast %swap3A_1008 : i32 to index
    %swap3A_1010 = arith.constant 0 : index
    %swap3A_1011 = tpu.vector_load %arg10[%swap3A_1009, %swap3A_1010] {strides = array<i32>} : memref<64x128xbf16, #tpu.memory_space<vmem>>, vector<1x32xbf16>,
    %swap3A_1012 = vector.shape_cast %swap3A_1011 : vector<1x32xbf16> to vector<32xbf16>
    %swap3A_1013 = vector.shape_cast %broadcast_in_dim3A_0 : vector<32xbf16> to vector<1x32xbf16>
    tpu.vector_store %arg10[%swap3A_1009, %swap3A_1010], %swap3A_1013 {strides = array<i32>} : memref<64x128xbf16, #tpu.memory_space<vmem>>, vector<1x32xbf16>,
    %swap3A_1014 = arith.constant 42 : i32
    %swap3A_1015 = arith.index_cast %swap3A_1014 : i32 to index
    %swap3A_1016 = arith.constant 32 : index
    %swap3A_1017 = tpu.vector_load %arg10[%swap3A_1015, %swap3A_1016] {strides = array<i32>} : memref<64x128xbf16, #tpu.memory_space<vmem>>, vector<1x32xbf16>,
    %swap3A_1018 = vector.shape_cast %swap3A_1017 : vector<1x32xbf16> to vector<32xbf16>
    %swap3A_1019 = vector.shape_cast %broadcast_in_dim3A_0 : vector<32xbf16> to vector<1x32xbf16>
    tpu.vector_store %arg10[%swap3A_1015, %swap3A_1016], %swap3A_1019 {strides = array<i32>} : memref<64x128xbf16, #tpu.memory_space<vmem>>, vector<1x32xbf16>,
    %swap3A_1020 = arith.constant 42 : i32
    %swap3A_1021 = arith.index_cast %swap3A_1020 : i32 to index
    %swap3A_1022 = arith.constant 64 : index
    %swap3A_1023 = tpu.vector_load %arg10[%swap3A_1021, %swap3A_1022] {strides = array<i32>} : memref<64x128xbf16, #tpu.memory_space<vmem>>, vector<1x32xbf16>,
    %swap3A_1024 = vector.shape_cast %swap3A_1023 : vector<1x32xbf16> to vector<32xbf16>
    %swap3A_1025 = vector.shape_cast %broadcast_in_dim3A_0 : vector<32xbf16> to vector<1x32xbf16>
    tpu.vector_store %arg10[%swap3A_1021, %swap3A_1022], %swap3A_1025 {strides = array<i32>} : memref<64x128xbf16, #tpu.memory_space<vmem>>, vector<1x32xbf16>,
    %swap3A_1026 = arith.constant 42 : i32
    %swap3A_1027 = arith.index_cast %swap3A_1026 : i32 to index
    %swap3A_1028 = arith.constant 96 : index
    %swap3A_1029 = tpu.vector_load %arg10[%swap3A_1027, %swap3A_1028] {strides = array<i32>} : memref<64x128xbf16, #tpu.memory_space<vmem>>, vector<1x32xbf16>,
    %swap3A_1030 = vector.shape_cast %swap3A_1029 : vector<1x32xbf16> to vector<32xbf16>
    %swap3A_1031 = vector.shape_cast %broadcast_in_dim3A_0 : vector<32xbf16> to vector<1x32xbf16>
    tpu.vector_store %arg10[%swap3A_1027, %swap3A_1028], %swap3A_1031 {strides = array<i32>} : memref<64x128xbf16, #tpu.memory_space<vmem>>, vector<1x32xbf16>,
    %swap3A_1032 = arith.constant 43 : i32
    %swap3A_1033 = arith.index_cast %swap3A_1032 : i32 to index
    %swap3A_1034 = arith.constant 0 : index
    %swap3A_1035 = tpu.vector_load %arg10[%swap3A_1033, %swap3A_1034] {strides = array<i32>} : memref<64x128xbf16, #tpu.memory_space<vmem>>, vector<1x32xbf16>,
    %swap3A_1036 = vector.shape_cast %swap3A_1035 : vector<1x32xbf16> to vector<32xbf16>
    %swap3A_1037 = vector.shape_cast %broadcast_in_dim3A_0 : vector<32xbf16> to vector<1x32xbf16>
    tpu.vector_store %arg10[%swap3A_1033, %swap3A_1034], %swap3A_1037 {strides = array<i32>} : memref<64x128xbf16, #tpu.memory_space<vmem>>, vector<1x32xbf16>,
    %swap3A_1038 = arith.constant 43 : i32
    %swap3A_1039 = arith.index_cast %swap3A_1038 : i32 to index
    %swap3A_1040 = arith.constant 32 : index
    %swap3A_1041 = tpu.vector_load %arg10[%swap3A_1039, %swap3A_1040] {strides = array<i32>} : memref<64x128xbf16, #tpu.memory_space<vmem>>, vector<1x32xbf16>,
    %swap3A_1042 = vector.shape_cast %swap3A_1041 : vector<1x32xbf16> to vector<32xbf16>
    %swap3A_1043 = vector.shape_cast %broadcast_in_dim3A_0 : vector<32xbf16> to vector<1x32xbf16>
    tpu.vector_store %arg10[%swap3A_1039, %swap3A_1040], %swap3A_1043 {strides = array<i32>} : memref<64x128xbf16, #tpu.memory_space<vmem>>, vector<1x32xbf16>,
    %swap3A_1044 = arith.constant 43 : i32
    %swap3A_1045 = arith.index_cast %swap3A_1044 : i32 to index
    %swap3A_1046 = arith.constant 64 : index
    %swap3A_1047 = tpu.vector_load %arg10[%swap3A_1045, %swap3A_1046] {strides = array<i32>} : memref<64x128xbf16, #tpu.memory_space<vmem>>, vector<1x32xbf16>,
    %swap3A_1048 = vector.shape_cast %swap3A_1047 : vector<1x32xbf16> to vector<32xbf16>
    %swap3A_1049 = vector.shape_cast %broadcast_in_dim3A_0 : vector<32xbf16> to vector<1x32xbf16>
    tpu.vector_store %arg10[%swap3A_1045, %swap3A_1046], %swap3A_1049 {strides = array<i32>} : memref<64x128xbf16, #tpu.memory_space<vmem>>, vector<1x32xbf16>,
    %swap3A_1050 = arith.constant 43 : i32
    %swap3A_1051 = arith.index_cast %swap3A_1050 : i32 to index
    %swap3A_1052 = arith.constant 96 : index
    %swap3A_1053 = tpu.vector_load %arg10[%swap3A_1051, %swap3A_1052] {strides = array<i32>} : memref<64x128xbf16, #tpu.memory_space<vmem>>, vector<1x32xbf16>,
    %swap3A_1054 = vector.shape_cast %swap3A_1053 : vector<1x32xbf16> to vector<32xbf16>
    %swap3A_1055 = vector.shape_cast %broadcast_in_dim3A_0 : vector<32xbf16> to vector<1x32xbf16>
    tpu.vector_store %arg10[%swap3A_1051, %swap3A_1052], %swap3A_1055 {strides = array<i32>} : memref<64x128xbf16, #tpu.memory_space<vmem>>, vector<1x32xbf16>,
    %swap3A_1056 = arith.constant 44 : i32
    %swap3A_1057 = arith.index_cast %swap3A_1056 : i32 to index
    %swap3A_1058 = arith.constant 0 : index
    %swap3A_1059 = tpu.vector_load %arg10[%swap3A_1057, %swap3A_1058] {strides = array<i32>} : memref<64x128xbf16, #tpu.memory_space<vmem>>, vector<1x32xbf16>,
    %swap3A_1060 = vector.shape_cast %swap3A_1059 : vector<1x32xbf16> to vector<32xbf16>
    %swap3A_1061 = vector.shape_cast %broadcast_in_dim3A_0 : vector<32xbf16> to vector<1x32xbf16>
    tpu.vector_store %arg10[%swap3A_1057, %swap3A_1058], %swap3A_1061 {strides = array<i32>} : memref<64x128xbf16, #tpu.memory_space<vmem>>, vector<1x32xbf16>,
    %swap3A_1062 = arith.constant 44 : i32
    %swap3A_1063 = arith.index_cast %swap3A_1062 : i32 to index
    %swap3A_1064 = arith.constant 32 : index
    %swap3A_1065 = tpu.vector_load %arg10[%swap3A_1063, %swap3A_1064] {strides = array<i32>} : memref<64x128xbf16, #tpu.memory_space<vmem>>, vector<1x32xbf16>,
    %swap3A_1066 = vector.shape_cast %swap3A_1065 : vector<1x32xbf16> to vector<32xbf16>
    %swap3A_1067 = vector.shape_cast %broadcast_in_dim3A_0 : vector<32xbf16> to vector<1x32xbf16>
    tpu.vector_store %arg10[%swap3A_1063, %swap3A_1064], %swap3A_1067 {strides = array<i32>} : memref<64x128xbf16, #tpu.memory_space<vmem>>, vector<1x32xbf16>,
    %swap3A_1068 = arith.constant 44 : i32
    %swap3A_1069 = arith.index_cast %swap3A_1068 : i32 to index
    %swap3A_1070 = arith.constant 64 : index
    %swap3A_1071 = tpu.vector_load %arg10[%swap3A_1069, %swap3A_1070] {strides = array<i32>} : memref<64x128xbf16, #tpu.memory_space<vmem>>, vector<1x32xbf16>,
    %swap3A_1072 = vector.shape_cast %swap3A_1071 : vector<1x32xbf16> to vector<32xbf16>
    %swap3A_1073 = vector.shape_cast %broadcast_in_dim3A_0 : vector<32xbf16> to vector<1x32xbf16>
    tpu.vector_store %arg10[%swap3A_1069, %swap3A_1070], %swap3A_1073 {strides = array<i32>} : memref<64x128xbf16, #tpu.memory_space<vmem>>, vector<1x32xbf16>,
    %swap3A_1074 = arith.constant 44 : i32
    %swap3A_1075 = arith.index_cast %swap3A_1074 : i32 to index
    %swap3A_1076 = arith.constant 96 : index
    %swap3A_1077 = tpu.vector_load %arg10[%swap3A_1075, %swap3A_1076] {strides = array<i32>} : memref<64x128xbf16, #tpu.memory_space<vmem>>, vector<1x32xbf16>,
    %swap3A_1078 = vector.shape_cast %swap3A_1077 : vector<1x32xbf16> to vector<32xbf16>
    %swap3A_1079 = vector.shape_cast %broadcast_in_dim3A_0 : vector<32xbf16> to vector<1x32xbf16>
    tpu.vector_store %arg10[%swap3A_1075, %swap3A_1076], %swap3A_1079 {strides = array<i32>} : memref<64x128xbf16, #tpu.memory_space<vmem>>, vector<1x32xbf16>,
    %swap3A_1080 = arith.constant 45 : i32
    %swap3A_1081 = arith.index_cast %swap3A_1080 : i32 to index
    %swap3A_1082 = arith.constant 0 : index
    %swap3A_1083 = tpu.vector_load %arg10[%swap3A_1081, %swap3A_1082] {strides = array<i32>} : memref<64x128xbf16, #tpu.memory_space<vmem>>, vector<1x32xbf16>,
    %swap3A_1084 = vector.shape_cast %swap3A_1083 : vector<1x32xbf16> to vector<32xbf16>
    %swap3A_1085 = vector.shape_cast %broadcast_in_dim3A_0 : vector<32xbf16> to vector<1x32xbf16>
    tpu.vector_store %arg10[%swap3A_1081, %swap3A_1082], %swap3A_1085 {strides = array<i32>} : memref<64x128xbf16, #tpu.memory_space<vmem>>, vector<1x32xbf16>,
    %swap3A_1086 = arith.constant 45 : i32
    %swap3A_1087 = arith.index_cast %swap3A_1086 : i32 to index
    %swap3A_1088 = arith.constant 32 : index
    %swap3A_1089 = tpu.vector_load %arg10[%swap3A_1087, %swap3A_1088] {strides = array<i32>} : memref<64x128xbf16, #tpu.memory_space<vmem>>, vector<1x32xbf16>,
    %swap3A_1090 = vector.shape_cast %swap3A_1089 : vector<1x32xbf16> to vector<32xbf16>
    %swap3A_1091 = vector.shape_cast %broadcast_in_dim3A_0 : vector<32xbf16> to vector<1x32xbf16>
    tpu.vector_store %arg10[%swap3A_1087, %swap3A_1088], %swap3A_1091 {strides = array<i32>} : memref<64x128xbf16, #tpu.memory_space<vmem>>, vector<1x32xbf16>,
    %swap3A_1092 = arith.constant 45 : i32
    %swap3A_1093 = arith.index_cast %swap3A_1092 : i32 to index
    %swap3A_1094 = arith.constant 64 : index
    %swap3A_1095 = tpu.vector_load %arg10[%swap3A_1093, %swap3A_1094] {strides = array<i32>} : memref<64x128xbf16, #tpu.memory_space<vmem>>, vector<1x32xbf16>,
    %swap3A_1096 = vector.shape_cast %swap3A_1095 : vector<1x32xbf16> to vector<32xbf16>
    %swap3A_1097 = vector.shape_cast %broadcast_in_dim3A_0 : vector<32xbf16> to vector<1x32xbf16>
    tpu.vector_store %arg10[%swap3A_1093, %swap3A_1094], %swap3A_1097 {strides = array<i32>} : memref<64x128xbf16, #tpu.memory_space<vmem>>, vector<1x32xbf16>,
    %swap3A_1098 = arith.constant 45 : i32
    %swap3A_1099 = arith.index_cast %swap3A_1098 : i32 to index
    %swap3A_1100 = arith.constant 96 : index
    %swap3A_1101 = tpu.vector_load %arg10[%swap3A_1099, %swap3A_1100] {strides = array<i32>} : memref<64x128xbf16, #tpu.memory_space<vmem>>, vector<1x32xbf16>,
    %swap3A_1102 = vector.shape_cast %swap3A_1101 : vector<1x32xbf16> to vector<32xbf16>
    %swap3A_1103 = vector.shape_cast %broadcast_in_dim3A_0 : vector<32xbf16> to vector<1x32xbf16>
    tpu.vector_store %arg10[%swap3A_1099, %swap3A_1100], %swap3A_1103 {strides = array<i32>} : memref<64x128xbf16, #tpu.memory_space<vmem>>, vector<1x32xbf16>,
    %swap3A_1104 = arith.constant 46 : i32
    %swap3A_1105 = arith.index_cast %swap3A_1104 : i32 to index
    %swap3A_1106 = arith.constant 0 : index
    %swap3A_1107 = tpu.vector_load %arg10[%swap3A_1105, %swap3A_1106] {strides = array<i32>} : memref<64x128xbf16, #tpu.memory_space<vmem>>, vector<1x32xbf16>,
    %swap3A_1108 = vector.shape_cast %swap3A_1107 : vector<1x32xbf16> to vector<32xbf16>
    %swap3A_1109 = vector.shape_cast %broadcast_in_dim3A_0 : vector<32xbf16> to vector<1x32xbf16>
    tpu.vector_store %arg10[%swap3A_1105, %swap3A_1106], %swap3A_1109 {strides = array<i32>} : memref<64x128xbf16, #tpu.memory_space<vmem>>, vector<1x32xbf16>,
    %swap3A_1110 = arith.constant 46 : i32
    %swap3A_1111 = arith.index_cast %swap3A_1110 : i32 to index
    %swap3A_1112 = arith.constant 32 : index
    %swap3A_1113 = tpu.vector_load %arg10[%swap3A_1111, %swap3A_1112] {strides = array<i32>} : memref<64x128xbf16, #tpu.memory_space<vmem>>, vector<1x32xbf16>,
    %swap3A_1114 = vector.shape_cast %swap3A_1113 : vector<1x32xbf16> to vector<32xbf16>
    %swap3A_1115 = vector.shape_cast %broadcast_in_dim3A_0 : vector<32xbf16> to vector<1x32xbf16>
    tpu.vector_store %arg10[%swap3A_1111, %swap3A_1112], %swap3A_1115 {strides = array<i32>} : memref<64x128xbf16, #tpu.memory_space<vmem>>, vector<1x32xbf16>,
    %swap3A_1116 = arith.constant 46 : i32
    %swap3A_1117 = arith.index_cast %swap3A_1116 : i32 to index
    %swap3A_1118 = arith.constant 64 : index
    %swap3A_1119 = tpu.vector_load %arg10[%swap3A_1117, %swap3A_1118] {strides = array<i32>} : memref<64x128xbf16, #tpu.memory_space<vmem>>, vector<1x32xbf16>,
    %swap3A_1120 = vector.shape_cast %swap3A_1119 : vector<1x32xbf16> to vector<32xbf16>
    %swap3A_1121 = vector.shape_cast %broadcast_in_dim3A_0 : vector<32xbf16> to vector<1x32xbf16>
    tpu.vector_store %arg10[%swap3A_1117, %swap3A_1118], %swap3A_1121 {strides = array<i32>} : memref<64x128xbf16, #tpu.memory_space<vmem>>, vector<1x32xbf16>,
    %swap3A_1122 = arith.constant 46 : i32
    %swap3A_1123 = arith.index_cast %swap3A_1122 : i32 to index
    %swap3A_1124 = arith.constant 96 : index
    %swap3A_1125 = tpu.vector_load %arg10[%swap3A_1123, %swap3A_1124] {strides = array<i32>} : memref<64x128xbf16, #tpu.memory_space<vmem>>, vector<1x32xbf16>,
    %swap3A_1126 = vector.shape_cast %swap3A_1125 : vector<1x32xbf16> to vector<32xbf16>
    %swap3A_1127 = vector.shape_cast %broadcast_in_dim3A_0 : vector<32xbf16> to vector<1x32xbf16>
    tpu.vector_store %arg10[%swap3A_1123, %swap3A_1124], %swap3A_1127 {strides = array<i32>} : memref<64x128xbf16, #tpu.memory_space<vmem>>, vector<1x32xbf16>,
    %swap3A_1128 = arith.constant 47 : i32
    %swap3A_1129 = arith.index_cast %swap3A_1128 : i32 to index
    %swap3A_1130 = arith.constant 0 : index
    %swap3A_1131 = tpu.vector_load %arg10[%swap3A_1129, %swap3A_1130] {strides = array<i32>} : memref<64x128xbf16, #tpu.memory_space<vmem>>, vector<1x32xbf16>,
    %swap3A_1132 = vector.shape_cast %swap3A_1131 : vector<1x32xbf16> to vector<32xbf16>
    %swap3A_1133 = vector.shape_cast %broadcast_in_dim3A_0 : vector<32xbf16> to vector<1x32xbf16>
    tpu.vector_store %arg10[%swap3A_1129, %swap3A_1130], %swap3A_1133 {strides = array<i32>} : memref<64x128xbf16, #tpu.memory_space<vmem>>, vector<1x32xbf16>,
    %swap3A_1134 = arith.constant 47 : i32
    %swap3A_1135 = arith.index_cast %swap3A_1134 : i32 to index
    %swap3A_1136 = arith.constant 32 : index
    %swap3A_1137 = tpu.vector_load %arg10[%swap3A_1135, %swap3A_1136] {strides = array<i32>} : memref<64x128xbf16, #tpu.memory_space<vmem>>, vector<1x32xbf16>,
    %swap3A_1138 = vector.shape_cast %swap3A_1137 : vector<1x32xbf16> to vector<32xbf16>
    %swap3A_1139 = vector.shape_cast %broadcast_in_dim3A_0 : vector<32xbf16> to vector<1x32xbf16>
    tpu.vector_store %arg10[%swap3A_1135, %swap3A_1136], %swap3A_1139 {strides = array<i32>} : memref<64x128xbf16, #tpu.memory_space<vmem>>, vector<1x32xbf16>,
    %swap3A_1140 = arith.constant 47 : i32
    %swap3A_1141 = arith.index_cast %swap3A_1140 : i32 to index
    %swap3A_1142 = arith.constant 64 : index
    %swap3A_1143 = tpu.vector_load %arg10[%swap3A_1141, %swap3A_1142] {strides = array<i32>} : memref<64x128xbf16, #tpu.memory_space<vmem>>, vector<1x32xbf16>,
    %swap3A_1144 = vector.shape_cast %swap3A_1143 : vector<1x32xbf16> to vector<32xbf16>
    %swap3A_1145 = vector.shape_cast %broadcast_in_dim3A_0 : vector<32xbf16> to vector<1x32xbf16>
    tpu.vector_store %arg10[%swap3A_1141, %swap3A_1142], %swap3A_1145 {strides = array<i32>} : memref<64x128xbf16, #tpu.memory_space<vmem>>, vector<1x32xbf16>,
    %swap3A_1146 = arith.constant 47 : i32
    %swap3A_1147 = arith.index_cast %swap3A_1146 : i32 to index
    %swap3A_1148 = arith.constant 96 : index
    %swap3A_1149 = tpu.vector_load %arg10[%swap3A_1147, %swap3A_1148] {strides = array<i32>} : memref<64x128xbf16, #tpu.memory_space<vmem>>, vector<1x32xbf16>,
    %swap3A_1150 = vector.shape_cast %swap3A_1149 : vector<1x32xbf16> to vector<32xbf16>
    %swap3A_1151 = vector.shape_cast %broadcast_in_dim3A_0 : vector<32xbf16> to vector<1x32xbf16>
    tpu.vector_store %arg10[%swap3A_1147, %swap3A_1148], %swap3A_1151 {strides = array<i32>} : memref<64x128xbf16, #tpu.memory_space<vmem>>, vector<1x32xbf16>,
    %swap3A_1152 = arith.constant 48 : i32
    %swap3A_1153 = arith.index_cast %swap3A_1152 : i32 to index
    %swap3A_1154 = arith.constant 0 : index
    %swap3A_1155 = tpu.vector_load %arg10[%swap3A_1153, %swap3A_1154] {strides = array<i32>} : memref<64x128xbf16, #tpu.memory_space<vmem>>, vector<1x32xbf16>,
    %swap3A_1156 = vector.shape_cast %swap3A_1155 : vector<1x32xbf16> to vector<32xbf16>
    %swap3A_1157 = vector.shape_cast %broadcast_in_dim3A_0 : vector<32xbf16> to vector<1x32xbf16>
    tpu.vector_store %arg10[%swap3A_1153, %swap3A_1154], %swap3A_1157 {strides = array<i32>} : memref<64x128xbf16, #tpu.memory_space<vmem>>, vector<1x32xbf16>,
    %swap3A_1158 = arith.constant 48 : i32
    %swap3A_1159 = arith.index_cast %swap3A_1158 : i32 to index
    %swap3A_1160 = arith.constant 32 : index
    %swap3A_1161 = tpu.vector_load %arg10[%swap3A_1159, %swap3A_1160] {strides = array<i32>} : memref<64x128xbf16, #tpu.memory_space<vmem>>, vector<1x32xbf16>,
    %swap3A_1162 = vector.shape_cast %swap3A_1161 : vector<1x32xbf16> to vector<32xbf16>
    %swap3A_1163 = vector.shape_cast %broadcast_in_dim3A_0 : vector<32xbf16> to vector<1x32xbf16>
    tpu.vector_store %arg10[%swap3A_1159, %swap3A_1160], %swap3A_1163 {strides = array<i32>} : memref<64x128xbf16, #tpu.memory_space<vmem>>, vector<1x32xbf16>,
    %swap3A_1164 = arith.constant 48 : i32
    %swap3A_1165 = arith.index_cast %swap3A_1164 : i32 to index
    %swap3A_1166 = arith.constant 64 : index
    %swap3A_1167 = tpu.vector_load %arg10[%swap3A_1165, %swap3A_1166] {strides = array<i32>} : memref<64x128xbf16, #tpu.memory_space<vmem>>, vector<1x32xbf16>,
    %swap3A_1168 = vector.shape_cast %swap3A_1167 : vector<1x32xbf16> to vector<32xbf16>
    %swap3A_1169 = vector.shape_cast %broadcast_in_dim3A_0 : vector<32xbf16> to vector<1x32xbf16>
    tpu.vector_store %arg10[%swap3A_1165, %swap3A_1166], %swap3A_1169 {strides = array<i32>} : memref<64x128xbf16, #tpu.memory_space<vmem>>, vector<1x32xbf16>,
    %swap3A_1170 = arith.constant 48 : i32
    %swap3A_1171 = arith.index_cast %swap3A_1170 : i32 to index
    %swap3A_1172 = arith.constant 96 : index
    %swap3A_1173 = tpu.vector_load %arg10[%swap3A_1171, %swap3A_1172] {strides = array<i32>} : memref<64x128xbf16, #tpu.memory_space<vmem>>, vector<1x32xbf16>,
    %swap3A_1174 = vector.shape_cast %swap3A_1173 : vector<1x32xbf16> to vector<32xbf16>
    %swap3A_1175 = vector.shape_cast %broadcast_in_dim3A_0 : vector<32xbf16> to vector<1x32xbf16>
    tpu.vector_store %arg10[%swap3A_1171, %swap3A_1172], %swap3A_1175 {strides = array<i32>} : memref<64x128xbf16, #tpu.memory_space<vmem>>, vector<1x32xbf16>,
    %swap3A_1176 = arith.constant 49 : i32
    %swap3A_1177 = arith.index_cast %swap3A_1176 : i32 to index
    %swap3A_1178 = arith.constant 0 : index
    %swap3A_1179 = tpu.vector_load %arg10[%swap3A_1177, %swap3A_1178] {strides = array<i32>} : memref<64x128xbf16, #tpu.memory_space<vmem>>, vector<1x32xbf16>,
    %swap3A_1180 = vector.shape_cast %swap3A_1179 : vector<1x32xbf16> to vector<32xbf16>
    %swap3A_1181 = vector.shape_cast %broadcast_in_dim3A_0 : vector<32xbf16> to vector<1x32xbf16>
    tpu.vector_store %arg10[%swap3A_1177, %swap3A_1178], %swap3A_1181 {strides = array<i32>} : memref<64x128xbf16, #tpu.memory_space<vmem>>, vector<1x32xbf16>,
    %swap3A_1182 = arith.constant 49 : i32
    %swap3A_1183 = arith.index_cast %swap3A_1182 : i32 to index
    %swap3A_1184 = arith.constant 32 : index
    %swap3A_1185 = tpu.vector_load %arg10[%swap3A_1183, %swap3A_1184] {strides = array<i32>} : memref<64x128xbf16, #tpu.memory_space<vmem>>, vector<1x32xbf16>,
    %swap3A_1186 = vector.shape_cast %swap3A_1185 : vector<1x32xbf16> to vector<32xbf16>
    %swap3A_1187 = vector.shape_cast %broadcast_in_dim3A_0 : vector<32xbf16> to vector<1x32xbf16>
    tpu.vector_store %arg10[%swap3A_1183, %swap3A_1184], %swap3A_1187 {strides = array<i32>} : memref<64x128xbf16, #tpu.memory_space<vmem>>, vector<1x32xbf16>,
    %swap3A_1188 = arith.constant 49 : i32
    %swap3A_1189 = arith.index_cast %swap3A_1188 : i32 to index
    %swap3A_1190 = arith.constant 64 : index
    %swap3A_1191 = tpu.vector_load %arg10[%swap3A_1189, %swap3A_1190] {strides = array<i32>} : memref<64x128xbf16, #tpu.memory_space<vmem>>, vector<1x32xbf16>,
    %swap3A_1192 = vector.shape_cast %swap3A_1191 : vector<1x32xbf16> to vector<32xbf16>
    %swap3A_1193 = vector.shape_cast %broadcast_in_dim3A_0 : vector<32xbf16> to vector<1x32xbf16>
    tpu.vector_store %arg10[%swap3A_1189, %swap3A_1190], %swap3A_1193 {strides = array<i32>} : memref<64x128xbf16, #tpu.memory_space<vmem>>, vector<1x32xbf16>,
    %swap3A_1194 = arith.constant 49 : i32
    %swap3A_1195 = arith.index_cast %swap3A_1194 : i32 to index
    %swap3A_1196 = arith.constant 96 : index
    %swap3A_1197 = tpu.vector_load %arg10[%swap3A_1195, %swap3A_1196] {strides = array<i32>} : memref<64x128xbf16, #tpu.memory_space<vmem>>, vector<1x32xbf16>,
    %swap3A_1198 = vector.shape_cast %swap3A_1197 : vector<1x32xbf16> to vector<32xbf16>
    %swap3A_1199 = vector.shape_cast %broadcast_in_dim3A_0 : vector<32xbf16> to vector<1x32xbf16>
    tpu.vector_store %arg10[%swap3A_1195, %swap3A_1196], %swap3A_1199 {strides = array<i32>} : memref<64x128xbf16, #tpu.memory_space<vmem>>, vector<1x32xbf16>,
    %swap3A_1200 = arith.constant 50 : i32
    %swap3A_1201 = arith.index_cast %swap3A_1200 : i32 to index
    %swap3A_1202 = arith.constant 0 : index
    %swap3A_1203 = tpu.vector_load %arg10[%swap3A_1201, %swap3A_1202] {strides = array<i32>} : memref<64x128xbf16, #tpu.memory_space<vmem>>, vector<1x32xbf16>,
    %swap3A_1204 = vector.shape_cast %swap3A_1203 : vector<1x32xbf16> to vector<32xbf16>
    %swap3A_1205 = vector.shape_cast %broadcast_in_dim3A_0 : vector<32xbf16> to vector<1x32xbf16>
    tpu.vector_store %arg10[%swap3A_1201, %swap3A_1202], %swap3A_1205 {strides = array<i32>} : memref<64x128xbf16, #tpu.memory_space<vmem>>, vector<1x32xbf16>,
    %swap3A_1206 = arith.constant 50 : i32
    %swap3A_1207 = arith.index_cast %swap3A_1206 : i32 to index
    %swap3A_1208 = arith.constant 32 : index
    %swap3A_1209 = tpu.vector_load %arg10[%swap3A_1207, %swap3A_1208] {strides = array<i32>} : memref<64x128xbf16, #tpu.memory_space<vmem>>, vector<1x32xbf16>,
    %swap3A_1210 = vector.shape_cast %swap3A_1209 : vector<1x32xbf16> to vector<32xbf16>
    %swap3A_1211 = vector.shape_cast %broadcast_in_dim3A_0 : vector<32xbf16> to vector<1x32xbf16>
    tpu.vector_store %arg10[%swap3A_1207, %swap3A_1208], %swap3A_1211 {strides = array<i32>} : memref<64x128xbf16, #tpu.memory_space<vmem>>, vector<1x32xbf16>,
    %swap3A_1212 = arith.constant 50 : i32
    %swap3A_1213 = arith.index_cast %swap3A_1212 : i32 to index
    %swap3A_1214 = arith.constant 64 : index
    %swap3A_1215 = tpu.vector_load %arg10[%swap3A_1213, %swap3A_1214] {strides = array<i32>} : memref<64x128xbf16, #tpu.memory_space<vmem>>, vector<1x32xbf16>,
    %swap3A_1216 = vector.shape_cast %swap3A_1215 : vector<1x32xbf16> to vector<32xbf16>
    %swap3A_1217 = vector.shape_cast %broadcast_in_dim3A_0 : vector<32xbf16> to vector<1x32xbf16>
    tpu.vector_store %arg10[%swap3A_1213, %swap3A_1214], %swap3A_1217 {strides = array<i32>} : memref<64x128xbf16, #tpu.memory_space<vmem>>, vector<1x32xbf16>,
    %swap3A_1218 = arith.constant 50 : i32
    %swap3A_1219 = arith.index_cast %swap3A_1218 : i32 to index
    %swap3A_1220 = arith.constant 96 : index
    %swap3A_1221 = tpu.vector_load %arg10[%swap3A_1219, %swap3A_1220] {strides = array<i32>} : memref<64x128xbf16, #tpu.memory_space<vmem>>, vector<1x32xbf16>,
    %swap3A_1222 = vector.shape_cast %swap3A_1221 : vector<1x32xbf16> to vector<32xbf16>
    %swap3A_1223 = vector.shape_cast %broadcast_in_dim3A_0 : vector<32xbf16> to vector<1x32xbf16>
    tpu.vector_store %arg10[%swap3A_1219, %swap3A_1220], %swap3A_1223 {strides = array<i32>} : memref<64x128xbf16, #tpu.memory_space<vmem>>, vector<1x32xbf16>,
    %swap3A_1224 = arith.constant 51 : i32
    %swap3A_1225 = arith.index_cast %swap3A_1224 : i32 to index
    %swap3A_1226 = arith.constant 0 : index
    %swap3A_1227 = tpu.vector_load %arg10[%swap3A_1225, %swap3A_1226] {strides = array<i32>} : memref<64x128xbf16, #tpu.memory_space<vmem>>, vector<1x32xbf16>,
    %swap3A_1228 = vector.shape_cast %swap3A_1227 : vector<1x32xbf16> to vector<32xbf16>
    %swap3A_1229 = vector.shape_cast %broadcast_in_dim3A_0 : vector<32xbf16> to vector<1x32xbf16>
    tpu.vector_store %arg10[%swap3A_1225, %swap3A_1226], %swap3A_1229 {strides = array<i32>} : memref<64x128xbf16, #tpu.memory_space<vmem>>, vector<1x32xbf16>,
    %swap3A_1230 = arith.constant 51 : i32
    %swap3A_1231 = arith.index_cast %swap3A_1230 : i32 to index
    %swap3A_1232 = arith.constant 32 : index
    %swap3A_1233 = tpu.vector_load %arg10[%swap3A_1231, %swap3A_1232] {strides = array<i32>} : memref<64x128xbf16, #tpu.memory_space<vmem>>, vector<1x32xbf16>,
    %swap3A_1234 = vector.shape_cast %swap3A_1233 : vector<1x32xbf16> to vector<32xbf16>
    %swap3A_1235 = vector.shape_cast %broadcast_in_dim3A_0 : vector<32xbf16> to vector<1x32xbf16>
    tpu.vector_store %arg10[%swap3A_1231, %swap3A_1232], %swap3A_1235 {strides = array<i32>} : memref<64x128xbf16, #tpu.memory_space<vmem>>, vector<1x32xbf16>,
    %swap3A_1236 = arith.constant 51 : i32
    %swap3A_1237 = arith.index_cast %swap3A_1236 : i32 to index
    %swap3A_1238 = arith.constant 64 : index
    %swap3A_1239 = tpu.vector_load %arg10[%swap3A_1237, %swap3A_1238] {strides = array<i32>} : memref<64x128xbf16, #tpu.memory_space<vmem>>, vector<1x32xbf16>,
    %swap3A_1240 = vector.shape_cast %swap3A_1239 : vector<1x32xbf16> to vector<32xbf16>
    %swap3A_1241 = vector.shape_cast %broadcast_in_dim3A_0 : vector<32xbf16> to vector<1x32xbf16>
    tpu.vector_store %arg10[%swap3A_1237, %swap3A_1238], %swap3A_1241 {strides = array<i32>} : memref<64x128xbf16, #tpu.memory_space<vmem>>, vector<1x32xbf16>,
    %swap3A_1242 = arith.constant 51 : i32
    %swap3A_1243 = arith.index_cast %swap3A_1242 : i32 to index
    %swap3A_1244 = arith.constant 96 : index
    %swap3A_1245 = tpu.vector_load %arg10[%swap3A_1243, %swap3A_1244] {strides = array<i32>} : memref<64x128xbf16, #tpu.memory_space<vmem>>, vector<1x32xbf16>,
    %swap3A_1246 = vector.shape_cast %swap3A_1245 : vector<1x32xbf16> to vector<32xbf16>
    %swap3A_1247 = vector.shape_cast %broadcast_in_dim3A_0 : vector<32xbf16> to vector<1x32xbf16>
    tpu.vector_store %arg10[%swap3A_1243, %swap3A_1244], %swap3A_1247 {strides = array<i32>} : memref<64x128xbf16, #tpu.memory_space<vmem>>, vector<1x32xbf16>,
    %swap3A_1248 = arith.constant 52 : i32
    %swap3A_1249 = arith.index_cast %swap3A_1248 : i32 to index
    %swap3A_1250 = arith.constant 0 : index
    %swap3A_1251 = tpu.vector_load %arg10[%swap3A_1249, %swap3A_1250] {strides = array<i32>} : memref<64x128xbf16, #tpu.memory_space<vmem>>, vector<1x32xbf16>,
    %swap3A_1252 = vector.shape_cast %swap3A_1251 : vector<1x32xbf16> to vector<32xbf16>
    %swap3A_1253 = vector.shape_cast %broadcast_in_dim3A_0 : vector<32xbf16> to vector<1x32xbf16>
    tpu.vector_store %arg10[%swap3A_1249, %swap3A_1250], %swap3A_1253 {strides = array<i32>} : memref<64x128xbf16, #tpu.memory_space<vmem>>, vector<1x32xbf16>,
    %swap3A_1254 = arith.constant 52 : i32
    %swap3A_1255 = arith.index_cast %swap3A_1254 : i32 to index
    %swap3A_1256 = arith.constant 32 : index
    %swap3A_1257 = tpu.vector_load %arg10[%swap3A_1255, %swap3A_1256] {strides = array<i32>} : memref<64x128xbf16, #tpu.memory_space<vmem>>, vector<1x32xbf16>,
    %swap3A_1258 = vector.shape_cast %swap3A_1257 : vector<1x32xbf16> to vector<32xbf16>
    %swap3A_1259 = vector.shape_cast %broadcast_in_dim3A_0 : vector<32xbf16> to vector<1x32xbf16>
    tpu.vector_store %arg10[%swap3A_1255, %swap3A_1256], %swap3A_1259 {strides = array<i32>} : memref<64x128xbf16, #tpu.memory_space<vmem>>, vector<1x32xbf16>,
    %swap3A_1260 = arith.constant 52 : i32
    %swap3A_1261 = arith.index_cast %swap3A_1260 : i32 to index
    %swap3A_1262 = arith.constant 64 : index
    %swap3A_1263 = tpu.vector_load %arg10[%swap3A_1261, %swap3A_1262] {strides = array<i32>} : memref<64x128xbf16, #tpu.memory_space<vmem>>, vector<1x32xbf16>,
    %swap3A_1264 = vector.shape_cast %swap3A_1263 : vector<1x32xbf16> to vector<32xbf16>
    %swap3A_1265 = vector.shape_cast %broadcast_in_dim3A_0 : vector<32xbf16> to vector<1x32xbf16>
    tpu.vector_store %arg10[%swap3A_1261, %swap3A_1262], %swap3A_1265 {strides = array<i32>} : memref<64x128xbf16, #tpu.memory_space<vmem>>, vector<1x32xbf16>,
    %swap3A_1266 = arith.constant 52 : i32
    %swap3A_1267 = arith.index_cast %swap3A_1266 : i32 to index
    %swap3A_1268 = arith.constant 96 : index
    %swap3A_1269 = tpu.vector_load %arg10[%swap3A_1267, %swap3A_1268] {strides = array<i32>} : memref<64x128xbf16, #tpu.memory_space<vmem>>, vector<1x32xbf16>,
    %swap3A_1270 = vector.shape_cast %swap3A_1269 : vector<1x32xbf16> to vector<32xbf16>
    %swap3A_1271 = vector.shape_cast %broadcast_in_dim3A_0 : vector<32xbf16> to vector<1x32xbf16>
    tpu.vector_store %arg10[%swap3A_1267, %swap3A_1268], %swap3A_1271 {strides = array<i32>} : memref<64x128xbf16, #tpu.memory_space<vmem>>, vector<1x32xbf16>,
    %swap3A_1272 = arith.constant 53 : i32
    %swap3A_1273 = arith.index_cast %swap3A_1272 : i32 to index
    %swap3A_1274 = arith.constant 0 : index
    %swap3A_1275 = tpu.vector_load %arg10[%swap3A_1273, %swap3A_1274] {strides = array<i32>} : memref<64x128xbf16, #tpu.memory_space<vmem>>, vector<1x32xbf16>,
    %swap3A_1276 = vector.shape_cast %swap3A_1275 : vector<1x32xbf16> to vector<32xbf16>
    %swap3A_1277 = vector.shape_cast %broadcast_in_dim3A_0 : vector<32xbf16> to vector<1x32xbf16>
    tpu.vector_store %arg10[%swap3A_1273, %swap3A_1274], %swap3A_1277 {strides = array<i32>} : memref<64x128xbf16, #tpu.memory_space<vmem>>, vector<1x32xbf16>,
    %swap3A_1278 = arith.constant 53 : i32
    %swap3A_1279 = arith.index_cast %swap3A_1278 : i32 to index
    %swap3A_1280 = arith.constant 32 : index
    %swap3A_1281 = tpu.vector_load %arg10[%swap3A_1279, %swap3A_1280] {strides = array<i32>} : memref<64x128xbf16, #tpu.memory_space<vmem>>, vector<1x32xbf16>,
    %swap3A_1282 = vector.shape_cast %swap3A_1281 : vector<1x32xbf16> to vector<32xbf16>
    %swap3A_1283 = vector.shape_cast %broadcast_in_dim3A_0 : vector<32xbf16> to vector<1x32xbf16>
    tpu.vector_store %arg10[%swap3A_1279, %swap3A_1280], %swap3A_1283 {strides = array<i32>} : memref<64x128xbf16, #tpu.memory_space<vmem>>, vector<1x32xbf16>,
    %swap3A_1284 = arith.constant 53 : i32
    %swap3A_1285 = arith.index_cast %swap3A_1284 : i32 to index
    %swap3A_1286 = arith.constant 64 : index
    %swap3A_1287 = tpu.vector_load %arg10[%swap3A_1285, %swap3A_1286] {strides = array<i32>} : memref<64x128xbf16, #tpu.memory_space<vmem>>, vector<1x32xbf16>,
    %swap3A_1288 = vector.shape_cast %swap3A_1287 : vector<1x32xbf16> to vector<32xbf16>
    %swap3A_1289 = vector.shape_cast %broadcast_in_dim3A_0 : vector<32xbf16> to vector<1x32xbf16>
    tpu.vector_store %arg10[%swap3A_1285, %swap3A_1286], %swap3A_1289 {strides = array<i32>} : memref<64x128xbf16, #tpu.memory_space<vmem>>, vector<1x32xbf16>,
    %swap3A_1290 = arith.constant 53 : i32
    %swap3A_1291 = arith.index_cast %swap3A_1290 : i32 to index
    %swap3A_1292 = arith.constant 96 : index
    %swap3A_1293 = tpu.vector_load %arg10[%swap3A_1291, %swap3A_1292] {strides = array<i32>} : memref<64x128xbf16, #tpu.memory_space<vmem>>, vector<1x32xbf16>,
    %swap3A_1294 = vector.shape_cast %swap3A_1293 : vector<1x32xbf16> to vector<32xbf16>
    %swap3A_1295 = vector.shape_cast %broadcast_in_dim3A_0 : vector<32xbf16> to vector<1x32xbf16>
    tpu.vector_store %arg10[%swap3A_1291, %swap3A_1292], %swap3A_1295 {strides = array<i32>} : memref<64x128xbf16, #tpu.memory_space<vmem>>, vector<1x32xbf16>,
    %swap3A_1296 = arith.constant 54 : i32
    %swap3A_1297 = arith.index_cast %swap3A_1296 : i32 to index
    %swap3A_1298 = arith.constant 0 : index
    %swap3A_1299 = tpu.vector_load %arg10[%swap3A_1297, %swap3A_1298] {strides = array<i32>} : memref<64x128xbf16, #tpu.memory_space<vmem>>, vector<1x32xbf16>,
    %swap3A_1300 = vector.shape_cast %swap3A_1299 : vector<1x32xbf16> to vector<32xbf16>
    %swap3A_1301 = vector.shape_cast %broadcast_in_dim3A_0 : vector<32xbf16> to vector<1x32xbf16>
    tpu.vector_store %arg10[%swap3A_1297, %swap3A_1298], %swap3A_1301 {strides = array<i32>} : memref<64x128xbf16, #tpu.memory_space<vmem>>, vector<1x32xbf16>,
    %swap3A_1302 = arith.constant 54 : i32
    %swap3A_1303 = arith.index_cast %swap3A_1302 : i32 to index
    %swap3A_1304 = arith.constant 32 : index
    %swap3A_1305 = tpu.vector_load %arg10[%swap3A_1303, %swap3A_1304] {strides = array<i32>} : memref<64x128xbf16, #tpu.memory_space<vmem>>, vector<1x32xbf16>,
    %swap3A_1306 = vector.shape_cast %swap3A_1305 : vector<1x32xbf16> to vector<32xbf16>
    %swap3A_1307 = vector.shape_cast %broadcast_in_dim3A_0 : vector<32xbf16> to vector<1x32xbf16>
    tpu.vector_store %arg10[%swap3A_1303, %swap3A_1304], %swap3A_1307 {strides = array<i32>} : memref<64x128xbf16, #tpu.memory_space<vmem>>, vector<1x32xbf16>,
    %swap3A_1308 = arith.constant 54 : i32
    %swap3A_1309 = arith.index_cast %swap3A_1308 : i32 to index
    %swap3A_1310 = arith.constant 64 : index
    %swap3A_1311 = tpu.vector_load %arg10[%swap3A_1309, %swap3A_1310] {strides = array<i32>} : memref<64x128xbf16, #tpu.memory_space<vmem>>, vector<1x32xbf16>,
    %swap3A_1312 = vector.shape_cast %swap3A_1311 : vector<1x32xbf16> to vector<32xbf16>
    %swap3A_1313 = vector.shape_cast %broadcast_in_dim3A_0 : vector<32xbf16> to vector<1x32xbf16>
    tpu.vector_store %arg10[%swap3A_1309, %swap3A_1310], %swap3A_1313 {strides = array<i32>} : memref<64x128xbf16, #tpu.memory_space<vmem>>, vector<1x32xbf16>,
    %swap3A_1314 = arith.constant 54 : i32
    %swap3A_1315 = arith.index_cast %swap3A_1314 : i32 to index
    %swap3A_1316 = arith.constant 96 : index
    %swap3A_1317 = tpu.vector_load %arg10[%swap3A_1315, %swap3A_1316] {strides = array<i32>} : memref<64x128xbf16, #tpu.memory_space<vmem>>, vector<1x32xbf16>,
    %swap3A_1318 = vector.shape_cast %swap3A_1317 : vector<1x32xbf16> to vector<32xbf16>
    %swap3A_1319 = vector.shape_cast %broadcast_in_dim3A_0 : vector<32xbf16> to vector<1x32xbf16>
    tpu.vector_store %arg10[%swap3A_1315, %swap3A_1316], %swap3A_1319 {strides = array<i32>} : memref<64x128xbf16, #tpu.memory_space<vmem>>, vector<1x32xbf16>,
    %swap3A_1320 = arith.constant 55 : i32
    %swap3A_1321 = arith.index_cast %swap3A_1320 : i32 to index
    %swap3A_1322 = arith.constant 0 : index
    %swap3A_1323 = tpu.vector_load %arg10[%swap3A_1321, %swap3A_1322] {strides = array<i32>} : memref<64x128xbf16, #tpu.memory_space<vmem>>, vector<1x32xbf16>,
    %swap3A_1324 = vector.shape_cast %swap3A_1323 : vector<1x32xbf16> to vector<32xbf16>
    %swap3A_1325 = vector.shape_cast %broadcast_in_dim3A_0 : vector<32xbf16> to vector<1x32xbf16>
    tpu.vector_store %arg10[%swap3A_1321, %swap3A_1322], %swap3A_1325 {strides = array<i32>} : memref<64x128xbf16, #tpu.memory_space<vmem>>, vector<1x32xbf16>,
    %swap3A_1326 = arith.constant 55 : i32
    %swap3A_1327 = arith.index_cast %swap3A_1326 : i32 to index
    %swap3A_1328 = arith.constant 32 : index
    %swap3A_1329 = tpu.vector_load %arg10[%swap3A_1327, %swap3A_1328] {strides = array<i32>} : memref<64x128xbf16, #tpu.memory_space<vmem>>, vector<1x32xbf16>,
    %swap3A_1330 = vector.shape_cast %swap3A_1329 : vector<1x32xbf16> to vector<32xbf16>
    %swap3A_1331 = vector.shape_cast %broadcast_in_dim3A_0 : vector<32xbf16> to vector<1x32xbf16>
    tpu.vector_store %arg10[%swap3A_1327, %swap3A_1328], %swap3A_1331 {strides = array<i32>} : memref<64x128xbf16, #tpu.memory_space<vmem>>, vector<1x32xbf16>,
    %swap3A_1332 = arith.constant 55 : i32
    %swap3A_1333 = arith.index_cast %swap3A_1332 : i32 to index
    %swap3A_1334 = arith.constant 64 : index
    %swap3A_1335 = tpu.vector_load %arg10[%swap3A_1333, %swap3A_1334] {strides = array<i32>} : memref<64x128xbf16, #tpu.memory_space<vmem>>, vector<1x32xbf16>,
    %swap3A_1336 = vector.shape_cast %swap3A_1335 : vector<1x32xbf16> to vector<32xbf16>
    %swap3A_1337 = vector.shape_cast %broadcast_in_dim3A_0 : vector<32xbf16> to vector<1x32xbf16>
    tpu.vector_store %arg10[%swap3A_1333, %swap3A_1334], %swap3A_1337 {strides = array<i32>} : memref<64x128xbf16, #tpu.memory_space<vmem>>, vector<1x32xbf16>,
    %swap3A_1338 = arith.constant 55 : i32
    %swap3A_1339 = arith.index_cast %swap3A_1338 : i32 to index
    %swap3A_1340 = arith.constant 96 : index
    %swap3A_1341 = tpu.vector_load %arg10[%swap3A_1339, %swap3A_1340] {strides = array<i32>} : memref<64x128xbf16, #tpu.memory_space<vmem>>, vector<1x32xbf16>,
    %swap3A_1342 = vector.shape_cast %swap3A_1341 : vector<1x32xbf16> to vector<32xbf16>
    %swap3A_1343 = vector.shape_cast %broadcast_in_dim3A_0 : vector<32xbf16> to vector<1x32xbf16>
    tpu.vector_store %arg10[%swap3A_1339, %swap3A_1340], %swap3A_1343 {strides = array<i32>} : memref<64x128xbf16, #tpu.memory_space<vmem>>, vector<1x32xbf16>,
    %swap3A_1344 = arith.constant 56 : i32
    %swap3A_1345 = arith.index_cast %swap3A_1344 : i32 to index
    %swap3A_1346 = arith.constant 0 : index
    %swap3A_1347 = tpu.vector_load %arg10[%swap3A_1345, %swap3A_1346] {strides = array<i32>} : memref<64x128xbf16, #tpu.memory_space<vmem>>, vector<1x32xbf16>,
    %swap3A_1348 = vector.shape_cast %swap3A_1347 : vector<1x32xbf16> to vector<32xbf16>
    %swap3A_1349 = vector.shape_cast %broadcast_in_dim3A_0 : vector<32xbf16> to vector<1x32xbf16>
    tpu.vector_store %arg10[%swap3A_1345, %swap3A_1346], %swap3A_1349 {strides = array<i32>} : memref<64x128xbf16, #tpu.memory_space<vmem>>, vector<1x32xbf16>,
    %swap3A_1350 = arith.constant 56 : i32
    %swap3A_1351 = arith.index_cast %swap3A_1350 : i32 to index
    %swap3A_1352 = arith.constant 32 : index
    %swap3A_1353 = tpu.vector_load %arg10[%swap3A_1351, %swap3A_1352] {strides = array<i32>} : memref<64x128xbf16, #tpu.memory_space<vmem>>, vector<1x32xbf16>,
    %swap3A_1354 = vector.shape_cast %swap3A_1353 : vector<1x32xbf16> to vector<32xbf16>
    %swap3A_1355 = vector.shape_cast %broadcast_in_dim3A_0 : vector<32xbf16> to vector<1x32xbf16>
    tpu.vector_store %arg10[%swap3A_1351, %swap3A_1352], %swap3A_1355 {strides = array<i32>} : memref<64x128xbf16, #tpu.memory_space<vmem>>, vector<1x32xbf16>,
    %swap3A_1356 = arith.constant 56 : i32
    %swap3A_1357 = arith.index_cast %swap3A_1356 : i32 to index
    %swap3A_1358 = arith.constant 64 : index
    %swap3A_1359 = tpu.vector_load %arg10[%swap3A_1357, %swap3A_1358] {strides = array<i32>} : memref<64x128xbf16, #tpu.memory_space<vmem>>, vector<1x32xbf16>,
    %swap3A_1360 = vector.shape_cast %swap3A_1359 : vector<1x32xbf16> to vector<32xbf16>
    %swap3A_1361 = vector.shape_cast %broadcast_in_dim3A_0 : vector<32xbf16> to vector<1x32xbf16>
    tpu.vector_store %arg10[%swap3A_1357, %swap3A_1358], %swap3A_1361 {strides = array<i32>} : memref<64x128xbf16, #tpu.memory_space<vmem>>, vector<1x32xbf16>,
    %swap3A_1362 = arith.constant 56 : i32
    %swap3A_1363 = arith.index_cast %swap3A_1362 : i32 to index
    %swap3A_1364 = arith.constant 96 : index
    %swap3A_1365 = tpu.vector_load %arg10[%swap3A_1363, %swap3A_1364] {strides = array<i32>} : memref<64x128xbf16, #tpu.memory_space<vmem>>, vector<1x32xbf16>,
    %swap3A_1366 = vector.shape_cast %swap3A_1365 : vector<1x32xbf16> to vector<32xbf16>
    %swap3A_1367 = vector.shape_cast %broadcast_in_dim3A_0 : vector<32xbf16> to vector<1x32xbf16>
    tpu.vector_store %arg10[%swap3A_1363, %swap3A_1364], %swap3A_1367 {strides = array<i32>} : memref<64x128xbf16, #tpu.memory_space<vmem>>, vector<1x32xbf16>,
    %swap3A_1368 = arith.constant 57 : i32
    %swap3A_1369 = arith.index_cast %swap3A_1368 : i32 to index
    %swap3A_1370 = arith.constant 0 : index
    %swap3A_1371 = tpu.vector_load %arg10[%swap3A_1369, %swap3A_1370] {strides = array<i32>} : memref<64x128xbf16, #tpu.memory_space<vmem>>, vector<1x32xbf16>,
    %swap3A_1372 = vector.shape_cast %swap3A_1371 : vector<1x32xbf16> to vector<32xbf16>
    %swap3A_1373 = vector.shape_cast %broadcast_in_dim3A_0 : vector<32xbf16> to vector<1x32xbf16>
    tpu.vector_store %arg10[%swap3A_1369, %swap3A_1370], %swap3A_1373 {strides = array<i32>} : memref<64x128xbf16, #tpu.memory_space<vmem>>, vector<1x32xbf16>,
    %swap3A_1374 = arith.constant 57 : i32
    %swap3A_1375 = arith.index_cast %swap3A_1374 : i32 to index
    %swap3A_1376 = arith.constant 32 : index
    %swap3A_1377 = tpu.vector_load %arg10[%swap3A_1375, %swap3A_1376] {strides = array<i32>} : memref<64x128xbf16, #tpu.memory_space<vmem>>, vector<1x32xbf16>,
    %swap3A_1378 = vector.shape_cast %swap3A_1377 : vector<1x32xbf16> to vector<32xbf16>
    %swap3A_1379 = vector.shape_cast %broadcast_in_dim3A_0 : vector<32xbf16> to vector<1x32xbf16>
    tpu.vector_store %arg10[%swap3A_1375, %swap3A_1376], %swap3A_1379 {strides = array<i32>} : memref<64x128xbf16, #tpu.memory_space<vmem>>, vector<1x32xbf16>,
    %swap3A_1380 = arith.constant 57 : i32
    %swap3A_1381 = arith.index_cast %swap3A_1380 : i32 to index
    %swap3A_1382 = arith.constant 64 : index
    %swap3A_1383 = tpu.vector_load %arg10[%swap3A_1381, %swap3A_1382] {strides = array<i32>} : memref<64x128xbf16, #tpu.memory_space<vmem>>, vector<1x32xbf16>,
    %swap3A_1384 = vector.shape_cast %swap3A_1383 : vector<1x32xbf16> to vector<32xbf16>
    %swap3A_1385 = vector.shape_cast %broadcast_in_dim3A_0 : vector<32xbf16> to vector<1x32xbf16>
    tpu.vector_store %arg10[%swap3A_1381, %swap3A_1382], %swap3A_1385 {strides = array<i32>} : memref<64x128xbf16, #tpu.memory_space<vmem>>, vector<1x32xbf16>,
    %swap3A_1386 = arith.constant 57 : i32
    %swap3A_1387 = arith.index_cast %swap3A_1386 : i32 to index
    %swap3A_1388 = arith.constant 96 : index
    %swap3A_1389 = tpu.vector_load %arg10[%swap3A_1387, %swap3A_1388] {strides = array<i32>} : memref<64x128xbf16, #tpu.memory_space<vmem>>, vector<1x32xbf16>,
    %swap3A_1390 = vector.shape_cast %swap3A_1389 : vector<1x32xbf16> to vector<32xbf16>
    %swap3A_1391 = vector.shape_cast %broadcast_in_dim3A_0 : vector<32xbf16> to vector<1x32xbf16>
    tpu.vector_store %arg10[%swap3A_1387, %swap3A_1388], %swap3A_1391 {strides = array<i32>} : memref<64x128xbf16, #tpu.memory_space<vmem>>, vector<1x32xbf16>,
    %swap3A_1392 = arith.constant 58 : i32
    %swap3A_1393 = arith.index_cast %swap3A_1392 : i32 to index
    %swap3A_1394 = arith.constant 0 : index
    %swap3A_1395 = tpu.vector_load %arg10[%swap3A_1393, %swap3A_1394] {strides = array<i32>} : memref<64x128xbf16, #tpu.memory_space<vmem>>, vector<1x32xbf16>,
    %swap3A_1396 = vector.shape_cast %swap3A_1395 : vector<1x32xbf16> to vector<32xbf16>
    %swap3A_1397 = vector.shape_cast %broadcast_in_dim3A_0 : vector<32xbf16> to vector<1x32xbf16>
    tpu.vector_store %arg10[%swap3A_1393, %swap3A_1394], %swap3A_1397 {strides = array<i32>} : memref<64x128xbf16, #tpu.memory_space<vmem>>, vector<1x32xbf16>,
    %swap3A_1398 = arith.constant 58 : i32
    %swap3A_1399 = arith.index_cast %swap3A_1398 : i32 to index
    %swap3A_1400 = arith.constant 32 : index
    %swap3A_1401 = tpu.vector_load %arg10[%swap3A_1399, %swap3A_1400] {strides = array<i32>} : memref<64x128xbf16, #tpu.memory_space<vmem>>, vector<1x32xbf16>,
    %swap3A_1402 = vector.shape_cast %swap3A_1401 : vector<1x32xbf16> to vector<32xbf16>
    %swap3A_1403 = vector.shape_cast %broadcast_in_dim3A_0 : vector<32xbf16> to vector<1x32xbf16>
    tpu.vector_store %arg10[%swap3A_1399, %swap3A_1400], %swap3A_1403 {strides = array<i32>} : memref<64x128xbf16, #tpu.memory_space<vmem>>, vector<1x32xbf16>,
    %swap3A_1404 = arith.constant 58 : i32
    %swap3A_1405 = arith.index_cast %swap3A_1404 : i32 to index
    %swap3A_1406 = arith.constant 64 : index
    %swap3A_1407 = tpu.vector_load %arg10[%swap3A_1405, %swap3A_1406] {strides = array<i32>} : memref<64x128xbf16, #tpu.memory_space<vmem>>, vector<1x32xbf16>,
    %swap3A_1408 = vector.shape_cast %swap3A_1407 : vector<1x32xbf16> to vector<32xbf16>
    %swap3A_1409 = vector.shape_cast %broadcast_in_dim3A_0 : vector<32xbf16> to vector<1x32xbf16>
    tpu.vector_store %arg10[%swap3A_1405, %swap3A_1406], %swap3A_1409 {strides = array<i32>} : memref<64x128xbf16, #tpu.memory_space<vmem>>, vector<1x32xbf16>,
    %swap3A_1410 = arith.constant 58 : i32
    %swap3A_1411 = arith.index_cast %swap3A_1410 : i32 to index
    %swap3A_1412 = arith.constant 96 : index
    %swap3A_1413 = tpu.vector_load %arg10[%swap3A_1411, %swap3A_1412] {strides = array<i32>} : memref<64x128xbf16, #tpu.memory_space<vmem>>, vector<1x32xbf16>,
    %swap3A_1414 = vector.shape_cast %swap3A_1413 : vector<1x32xbf16> to vector<32xbf16>
    %swap3A_1415 = vector.shape_cast %broadcast_in_dim3A_0 : vector<32xbf16> to vector<1x32xbf16>
    tpu.vector_store %arg10[%swap3A_1411, %swap3A_1412], %swap3A_1415 {strides = array<i32>} : memref<64x128xbf16, #tpu.memory_space<vmem>>, vector<1x32xbf16>,
    %swap3A_1416 = arith.constant 59 : i32
    %swap3A_1417 = arith.index_cast %swap3A_1416 : i32 to index
    %swap3A_1418 = arith.constant 0 : index
    %swap3A_1419 = tpu.vector_load %arg10[%swap3A_1417, %swap3A_1418] {strides = array<i32>} : memref<64x128xbf16, #tpu.memory_space<vmem>>, vector<1x32xbf16>,
    %swap3A_1420 = vector.shape_cast %swap3A_1419 : vector<1x32xbf16> to vector<32xbf16>
    %swap3A_1421 = vector.shape_cast %broadcast_in_dim3A_0 : vector<32xbf16> to vector<1x32xbf16>
    tpu.vector_store %arg10[%swap3A_1417, %swap3A_1418], %swap3A_1421 {strides = array<i32>} : memref<64x128xbf16, #tpu.memory_space<vmem>>, vector<1x32xbf16>,
    %swap3A_1422 = arith.constant 59 : i32
    %swap3A_1423 = arith.index_cast %swap3A_1422 : i32 to index
    %swap3A_1424 = arith.constant 32 : index
    %swap3A_1425 = tpu.vector_load %arg10[%swap3A_1423, %swap3A_1424] {strides = array<i32>} : memref<64x128xbf16, #tpu.memory_space<vmem>>, vector<1x32xbf16>,
    %swap3A_1426 = vector.shape_cast %swap3A_1425 : vector<1x32xbf16> to vector<32xbf16>
    %swap3A_1427 = vector.shape_cast %broadcast_in_dim3A_0 : vector<32xbf16> to vector<1x32xbf16>
    tpu.vector_store %arg10[%swap3A_1423, %swap3A_1424], %swap3A_1427 {strides = array<i32>} : memref<64x128xbf16, #tpu.memory_space<vmem>>, vector<1x32xbf16>,
    %swap3A_1428 = arith.constant 59 : i32
    %swap3A_1429 = arith.index_cast %swap3A_1428 : i32 to index
    %swap3A_1430 = arith.constant 64 : index
    %swap3A_1431 = tpu.vector_load %arg10[%swap3A_1429, %swap3A_1430] {strides = array<i32>} : memref<64x128xbf16, #tpu.memory_space<vmem>>, vector<1x32xbf16>,
    %swap3A_1432 = vector.shape_cast %swap3A_1431 : vector<1x32xbf16> to vector<32xbf16>
    %swap3A_1433 = vector.shape_cast %broadcast_in_dim3A_0 : vector<32xbf16> to vector<1x32xbf16>
    tpu.vector_store %arg10[%swap3A_1429, %swap3A_1430], %swap3A_1433 {strides = array<i32>} : memref<64x128xbf16, #tpu.memory_space<vmem>>, vector<1x32xbf16>,
    %swap3A_1434 = arith.constant 59 : i32
    %swap3A_1435 = arith.index_cast %swap3A_1434 : i32 to index
    %swap3A_1436 = arith.constant 96 : index
    %swap3A_1437 = tpu.vector_load %arg10[%swap3A_1435, %swap3A_1436] {strides = array<i32>} : memref<64x128xbf16, #tpu.memory_space<vmem>>, vector<1x32xbf16>,
    %swap3A_1438 = vector.shape_cast %swap3A_1437 : vector<1x32xbf16> to vector<32xbf16>
    %swap3A_1439 = vector.shape_cast %broadcast_in_dim3A_0 : vector<32xbf16> to vector<1x32xbf16>
    tpu.vector_store %arg10[%swap3A_1435, %swap3A_1436], %swap3A_1439 {strides = array<i32>} : memref<64x128xbf16, #tpu.memory_space<vmem>>, vector<1x32xbf16>,
    %swap3A_1440 = arith.constant 60 : i32
    %swap3A_1441 = arith.index_cast %swap3A_1440 : i32 to index
    %swap3A_1442 = arith.constant 0 : index
    %swap3A_1443 = tpu.vector_load %arg10[%swap3A_1441, %swap3A_1442] {strides = array<i32>} : memref<64x128xbf16, #tpu.memory_space<vmem>>, vector<1x32xbf16>,
    %swap3A_1444 = vector.shape_cast %swap3A_1443 : vector<1x32xbf16> to vector<32xbf16>
    %swap3A_1445 = vector.shape_cast %broadcast_in_dim3A_0 : vector<32xbf16> to vector<1x32xbf16>
    tpu.vector_store %arg10[%swap3A_1441, %swap3A_1442], %swap3A_1445 {strides = array<i32>} : memref<64x128xbf16, #tpu.memory_space<vmem>>, vector<1x32xbf16>,
    %swap3A_1446 = arith.constant 60 : i32
    %swap3A_1447 = arith.index_cast %swap3A_1446 : i32 to index
    %swap3A_1448 = arith.constant 32 : index
    %swap3A_1449 = tpu.vector_load %arg10[%swap3A_1447, %swap3A_1448] {strides = array<i32>} : memref<64x128xbf16, #tpu.memory_space<vmem>>, vector<1x32xbf16>,
    %swap3A_1450 = vector.shape_cast %swap3A_1449 : vector<1x32xbf16> to vector<32xbf16>
    %swap3A_1451 = vector.shape_cast %broadcast_in_dim3A_0 : vector<32xbf16> to vector<1x32xbf16>
    tpu.vector_store %arg10[%swap3A_1447, %swap3A_1448], %swap3A_1451 {strides = array<i32>} : memref<64x128xbf16, #tpu.memory_space<vmem>>, vector<1x32xbf16>,
    %swap3A_1452 = arith.constant 60 : i32
    %swap3A_1453 = arith.index_cast %swap3A_1452 : i32 to index
    %swap3A_1454 = arith.constant 64 : index
    %swap3A_1455 = tpu.vector_load %arg10[%swap3A_1453, %swap3A_1454] {strides = array<i32>} : memref<64x128xbf16, #tpu.memory_space<vmem>>, vector<1x32xbf16>,
    %swap3A_1456 = vector.shape_cast %swap3A_1455 : vector<1x32xbf16> to vector<32xbf16>
    %swap3A_1457 = vector.shape_cast %broadcast_in_dim3A_0 : vector<32xbf16> to vector<1x32xbf16>
    tpu.vector_store %arg10[%swap3A_1453, %swap3A_1454], %swap3A_1457 {strides = array<i32>} : memref<64x128xbf16, #tpu.memory_space<vmem>>, vector<1x32xbf16>,
    %swap3A_1458 = arith.constant 60 : i32
    %swap3A_1459 = arith.index_cast %swap3A_1458 : i32 to index
    %swap3A_1460 = arith.constant 96 : index
    %swap3A_1461 = tpu.vector_load %arg10[%swap3A_1459, %swap3A_1460] {strides = array<i32>} : memref<64x128xbf16, #tpu.memory_space<vmem>>, vector<1x32xbf16>,
    %swap3A_1462 = vector.shape_cast %swap3A_1461 : vector<1x32xbf16> to vector<32xbf16>
    %swap3A_1463 = vector.shape_cast %broadcast_in_dim3A_0 : vector<32xbf16> to vector<1x32xbf16>
    tpu.vector_store %arg10[%swap3A_1459, %swap3A_1460], %swap3A_1463 {strides = array<i32>} : memref<64x128xbf16, #tpu.memory_space<vmem>>, vector<1x32xbf16>,
    %swap3A_1464 = arith.constant 61 : i32
    %swap3A_1465 = arith.index_cast %swap3A_1464 : i32 to index
    %swap3A_1466 = arith.constant 0 : index
    %swap3A_1467 = tpu.vector_load %arg10[%swap3A_1465, %swap3A_1466] {strides = array<i32>} : memref<64x128xbf16, #tpu.memory_space<vmem>>, vector<1x32xbf16>,
    %swap3A_1468 = vector.shape_cast %swap3A_1467 : vector<1x32xbf16> to vector<32xbf16>
    %swap3A_1469 = vector.shape_cast %broadcast_in_dim3A_0 : vector<32xbf16> to vector<1x32xbf16>
    tpu.vector_store %arg10[%swap3A_1465, %swap3A_1466], %swap3A_1469 {strides = array<i32>} : memref<64x128xbf16, #tpu.memory_space<vmem>>, vector<1x32xbf16>,
    %swap3A_1470 = arith.constant 61 : i32
    %swap3A_1471 = arith.index_cast %swap3A_1470 : i32 to index
    %swap3A_1472 = arith.constant 32 : index
    %swap3A_1473 = tpu.vector_load %arg10[%swap3A_1471, %swap3A_1472] {strides = array<i32>} : memref<64x128xbf16, #tpu.memory_space<vmem>>, vector<1x32xbf16>,
    %swap3A_1474 = vector.shape_cast %swap3A_1473 : vector<1x32xbf16> to vector<32xbf16>
    %swap3A_1475 = vector.shape_cast %broadcast_in_dim3A_0 : vector<32xbf16> to vector<1x32xbf16>
    tpu.vector_store %arg10[%swap3A_1471, %swap3A_1472], %swap3A_1475 {strides = array<i32>} : memref<64x128xbf16, #tpu.memory_space<vmem>>, vector<1x32xbf16>,
    %swap3A_1476 = arith.constant 61 : i32
    %swap3A_1477 = arith.index_cast %swap3A_1476 : i32 to index
    %swap3A_1478 = arith.constant 64 : index
    %swap3A_1479 = tpu.vector_load %arg10[%swap3A_1477, %swap3A_1478] {strides = array<i32>} : memref<64x128xbf16, #tpu.memory_space<vmem>>, vector<1x32xbf16>,
    %swap3A_1480 = vector.shape_cast %swap3A_1479 : vector<1x32xbf16> to vector<32xbf16>
    %swap3A_1481 = vector.shape_cast %broadcast_in_dim3A_0 : vector<32xbf16> to vector<1x32xbf16>
    tpu.vector_store %arg10[%swap3A_1477, %swap3A_1478], %swap3A_1481 {strides = array<i32>} : memref<64x128xbf16, #tpu.memory_space<vmem>>, vector<1x32xbf16>,
    %swap3A_1482 = arith.constant 61 : i32
    %swap3A_1483 = arith.index_cast %swap3A_1482 : i32 to index
    %swap3A_1484 = arith.constant 96 : index
    %swap3A_1485 = tpu.vector_load %arg10[%swap3A_1483, %swap3A_1484] {strides = array<i32>} : memref<64x128xbf16, #tpu.memory_space<vmem>>, vector<1x32xbf16>,
    %swap3A_1486 = vector.shape_cast %swap3A_1485 : vector<1x32xbf16> to vector<32xbf16>
    %swap3A_1487 = vector.shape_cast %broadcast_in_dim3A_0 : vector<32xbf16> to vector<1x32xbf16>
    tpu.vector_store %arg10[%swap3A_1483, %swap3A_1484], %swap3A_1487 {strides = array<i32>} : memref<64x128xbf16, #tpu.memory_space<vmem>>, vector<1x32xbf16>,
    %swap3A_1488 = arith.constant 62 : i32
    %swap3A_1489 = arith.index_cast %swap3A_1488 : i32 to index
    %swap3A_1490 = arith.constant 0 : index
    %swap3A_1491 = tpu.vector_load %arg10[%swap3A_1489, %swap3A_1490] {strides = array<i32>} : memref<64x128xbf16, #tpu.memory_space<vmem>>, vector<1x32xbf16>,
    %swap3A_1492 = vector.shape_cast %swap3A_1491 : vector<1x32xbf16> to vector<32xbf16>
    %swap3A_1493 = vector.shape_cast %broadcast_in_dim3A_0 : vector<32xbf16> to vector<1x32xbf16>
    tpu.vector_store %arg10[%swap3A_1489, %swap3A_1490], %swap3A_1493 {strides = array<i32>} : memref<64x128xbf16, #tpu.memory_space<vmem>>, vector<1x32xbf16>,
    %swap3A_1494 = arith.constant 62 : i32
    %swap3A_1495 = arith.index_cast %swap3A_1494 : i32 to index
    %swap3A_1496 = arith.constant 32 : index
    %swap3A_1497 = tpu.vector_load %arg10[%swap3A_1495, %swap3A_1496] {strides = array<i32>} : memref<64x128xbf16, #tpu.memory_space<vmem>>, vector<1x32xbf16>,
    %swap3A_1498 = vector.shape_cast %swap3A_1497 : vector<1x32xbf16> to vector<32xbf16>
    %swap3A_1499 = vector.shape_cast %broadcast_in_dim3A_0 : vector<32xbf16> to vector<1x32xbf16>
    tpu.vector_store %arg10[%swap3A_1495, %swap3A_1496], %swap3A_1499 {strides = array<i32>} : memref<64x128xbf16, #tpu.memory_space<vmem>>, vector<1x32xbf16>,
    %swap3A_1500 = arith.constant 62 : i32
    %swap3A_1501 = arith.index_cast %swap3A_1500 : i32 to index
    %swap3A_1502 = arith.constant 64 : index
    %swap3A_1503 = tpu.vector_load %arg10[%swap3A_1501, %swap3A_1502] {strides = array<i32>} : memref<64x128xbf16, #tpu.memory_space<vmem>>, vector<1x32xbf16>,
    %swap3A_1504 = vector.shape_cast %swap3A_1503 : vector<1x32xbf16> to vector<32xbf16>
    %swap3A_1505 = vector.shape_cast %broadcast_in_dim3A_0 : vector<32xbf16> to vector<1x32xbf16>
    tpu.vector_store %arg10[%swap3A_1501, %swap3A_1502], %swap3A_1505 {strides = array<i32>} : memref<64x128xbf16, #tpu.memory_space<vmem>>, vector<1x32xbf16>,
    %swap3A_1506 = arith.constant 62 : i32
    %swap3A_1507 = arith.index_cast %swap3A_1506 : i32 to index
    %swap3A_1508 = arith.constant 96 : index
    %swap3A_1509 = tpu.vector_load %arg10[%swap3A_1507, %swap3A_1508] {strides = array<i32>} : memref<64x128xbf16, #tpu.memory_space<vmem>>, vector<1x32xbf16>,
    %swap3A_1510 = vector.shape_cast %swap3A_1509 : vector<1x32xbf16> to vector<32xbf16>
    %swap3A_1511 = vector.shape_cast %broadcast_in_dim3A_0 : vector<32xbf16> to vector<1x32xbf16>
    tpu.vector_store %arg10[%swap3A_1507, %swap3A_1508], %swap3A_1511 {strides = array<i32>} : memref<64x128xbf16, #tpu.memory_space<vmem>>, vector<1x32xbf16>,
    %swap3A_1512 = arith.constant 63 : i32
    %swap3A_1513 = arith.index_cast %swap3A_1512 : i32 to index
    %swap3A_1514 = arith.constant 0 : index
    %swap3A_1515 = tpu.vector_load %arg10[%swap3A_1513, %swap3A_1514] {strides = array<i32>} : memref<64x128xbf16, #tpu.memory_space<vmem>>, vector<1x32xbf16>,
    %swap3A_1516 = vector.shape_cast %swap3A_1515 : vector<1x32xbf16> to vector<32xbf16>
    %swap3A_1517 = vector.shape_cast %broadcast_in_dim3A_0 : vector<32xbf16> to vector<1x32xbf16>
    tpu.vector_store %arg10[%swap3A_1513, %swap3A_1514], %swap3A_1517 {strides = array<i32>} : memref<64x128xbf16, #tpu.memory_space<vmem>>, vector<1x32xbf16>,
    %swap3A_1518 = arith.constant 63 : i32
    %swap3A_1519 = arith.index_cast %swap3A_1518 : i32 to index
    %swap3A_1520 = arith.constant 32 : index
    %swap3A_1521 = tpu.vector_load %arg10[%swap3A_1519, %swap3A_1520] {strides = array<i32>} : memref<64x128xbf16, #tpu.memory_space<vmem>>, vector<1x32xbf16>,
    %swap3A_1522 = vector.shape_cast %swap3A_1521 : vector<1x32xbf16> to vector<32xbf16>
    %swap3A_1523 = vector.shape_cast %broadcast_in_dim3A_0 : vector<32xbf16> to vector<1x32xbf16>
    tpu.vector_store %arg10[%swap3A_1519, %swap3A_1520], %swap3A_1523 {strides = array<i32>} : memref<64x128xbf16, #tpu.memory_space<vmem>>, vector<1x32xbf16>,
    %swap3A_1524 = arith.constant 63 : i32
    %swap3A_1525 = arith.index_cast %swap3A_1524 : i32 to index
    %swap3A_1526 = arith.constant 64 : index
    %swap3A_1527 = tpu.vector_load %arg10[%swap3A_1525, %swap3A_1526] {strides = array<i32>} : memref<64x128xbf16, #tpu.memory_space<vmem>>, vector<1x32xbf16>,
    %swap3A_1528 = vector.shape_cast %swap3A_1527 : vector<1x32xbf16> to vector<32xbf16>
    %swap3A_1529 = vector.shape_cast %broadcast_in_dim3A_0 : vector<32xbf16> to vector<1x32xbf16>
    tpu.vector_store %arg10[%swap3A_1525, %swap3A_1526], %swap3A_1529 {strides = array<i32>} : memref<64x128xbf16, #tpu.memory_space<vmem>>, vector<1x32xbf16>,
    %swap3A_1530 = arith.constant 63 : i32
    %swap3A_1531 = arith.index_cast %swap3A_1530 : i32 to index
    %swap3A_1532 = arith.constant 96 : index
    %swap3A_1533 = tpu.vector_load %arg10[%swap3A_1531, %swap3A_1532] {strides = array<i32>} : memref<64x128xbf16, #tpu.memory_space<vmem>>, vector<1x32xbf16>,
    %swap3A_1534 = vector.shape_cast %swap3A_1533 : vector<1x32xbf16> to vector<32xbf16>
    %swap3A_1535 = vector.shape_cast %broadcast_in_dim3A_0 : vector<32xbf16> to vector<1x32xbf16>
    tpu.vector_store %arg10[%swap3A_1531, %swap3A_1532], %swap3A_1535 {strides = array<i32>} : memref<64x128xbf16, #tpu.memory_space<vmem>>, vector<1x32xbf16>,
    %mul3A = arith.constant 626 : i32
    %mul3A_1536 = arith.muli %arg1, %mul3A : i32
    %add3A = arith.constant 0 : i32
    %add3A_1537 = arith.addi %mul3A_1536, %add3A : i32
    "tpu.region"() ({
      %run_scoped3A = tpu.sem_alloc : memref<!tpu.dma_semaphore, #tpu.memory_space<semaphore_mem>>
      %dma_start3A_1590 = arith.constant 0 : i32
      %dma_start3A_1591 = tpu.memref_slice %arg11[%add3A_1537, %dma_start3A_1590] : memref<10016x128xbf16, #tpu.memory_space<vmem_shared>> -> memref<64x128xbf16, #tpu.memory_space<vmem_shared>>
      %dma_start3A_1592 = arith.constant 0 : i32
      %dma_start3A_1593 = tpu.memref_slice %arg11[%add3A_1537, %dma_start3A_1592] : memref<10016x128xbf16, #tpu.memory_space<vmem_shared>> -> memref<64x128xbf16, #tpu.memory_space<vmem_shared>>
      tpu.enqueue_dma source(%arg10 : memref<64x128xbf16, #tpu.memory_space<vmem>>) target(%dma_start3A_1593 : memref<64x128xbf16, #tpu.memory_space<vmem_shared>>) target_semaphore(%run_scoped3A : memref<!tpu.dma_semaphore, #tpu.memory_space<semaphore_mem>>)
      %dma_wait3A = arith.constant 0 : i32
      %dma_wait3A_1594 = tpu.memref_slice %arg11[%add3A_1537, %dma_wait3A] : memref<10016x128xbf16, #tpu.memory_space<vmem_shared>> -> memref<64x128xbf16, #tpu.memory_space<vmem_shared>>
      %dma_wait3A_1595 = arith.constant 0 : i32
      %dma_wait3A_1596 = tpu.memref_slice %arg11[%add3A_1537, %dma_wait3A_1595] : memref<10016x128xbf16, #tpu.memory_space<vmem_shared>> -> memref<64x128xbf16, #tpu.memory_space<vmem_shared>>
      tpu.wait_dma2 semaphore(%run_scoped3A : memref<!tpu.dma_semaphore, #tpu.memory_space<semaphore_mem>>) src(%arg10 : memref<64x128xbf16, #tpu.memory_space<vmem>>) dst(%dma_wait3A_1596 : memref<64x128xbf16, #tpu.memory_space<vmem_shared>>)
      tpu.yield
    }) : () -> ()
    %add3A_1538 = arith.constant 64 : i32
    %add3A_1539 = arith.addi %mul3A_1536, %add3A_1538 : i32
    "tpu.region"() ({
      %run_scoped3A = tpu.sem_alloc : memref<!tpu.dma_semaphore, #tpu.memory_space<semaphore_mem>>
      %dma_start3A_1590 = arith.constant 0 : i32
      %dma_start3A_1591 = tpu.memref_slice %arg11[%add3A_1539, %dma_start3A_1590] : memref<10016x128xbf16, #tpu.memory_space<vmem_shared>> -> memref<64x128xbf16, #tpu.memory_space<vmem_shared>>
      %dma_start3A_1592 = arith.constant 0 : i32
      %dma_start3A_1593 = tpu.memref_slice %arg11[%add3A_1539, %dma_start3A_1592] : memref<10016x128xbf16, #tpu.memory_space<vmem_shared>> -> memref<64x128xbf16, #tpu.memory_space<vmem_shared>>
      tpu.enqueue_dma source(%arg10 : memref<64x128xbf16, #tpu.memory_space<vmem>>) target(%dma_start3A_1593 : memref<64x128xbf16, #tpu.memory_space<vmem_shared>>) target_semaphore(%run_scoped3A : memref<!tpu.dma_semaphore, #tpu.memory_space<semaphore_mem>>)
      %dma_wait3A = arith.constant 0 : i32
      %dma_wait3A_1594 = tpu.memref_slice %arg11[%add3A_1539, %dma_wait3A] : memref<10016x128xbf16, #tpu.memory_space<vmem_shared>> -> memref<64x128xbf16, #tpu.memory_space<vmem_shared>>
      %dma_wait3A_1595 = arith.constant 0 : i32
      %dma_wait3A_1596 = tpu.memref_slice %arg11[%add3A_1539, %dma_wait3A_1595] : memref<10016x128xbf16, #tpu.memory_space<vmem_shared>> -> memref<64x128xbf16, #tpu.memory_space<vmem_shared>>
      tpu.wait_dma2 semaphore(%run_scoped3A : memref<!tpu.dma_semaphore, #tpu.memory_space<semaphore_mem>>) src(%arg10 : memref<64x128xbf16, #tpu.memory_space<vmem>>) dst(%dma_wait3A_1596 : memref<64x128xbf16, #tpu.memory_space<vmem_shared>>)
      tpu.yield
    }) : () -> ()
    %add3A_1540 = arith.constant 128 : i32
    %add3A_1541 = arith.addi %mul3A_1536, %add3A_1540 : i32
    "tpu.region"() ({
      %run_scoped3A = tpu.sem_alloc : memref<!tpu.dma_semaphore, #tpu.memory_space<semaphore_mem>>
      %dma_start3A_1590 = arith.constant 0 : i32
      %dma_start3A_1591 = tpu.memref_slice %arg11[%add3A_1541, %dma_start3A_1590] : memref<10016x128xbf16, #tpu.memory_space<vmem_shared>> -> memref<64x128xbf16, #tpu.memory_space<vmem_shared>>
      %dma_start3A_1592 = arith.constant 0 : i32
      %dma_start3A_1593 = tpu.memref_slice %arg11[%add3A_1541, %dma_start3A_1592] : memref<10016x128xbf16, #tpu.memory_space<vmem_shared>> -> memref<64x128xbf16, #tpu.memory_space<vmem_shared>>
      tpu.enqueue_dma source(%arg10 : memref<64x128xbf16, #tpu.memory_space<vmem>>) target(%dma_start3A_1593 : memref<64x128xbf16, #tpu.memory_space<vmem_shared>>) target_semaphore(%run_scoped3A : memref<!tpu.dma_semaphore, #tpu.memory_space<semaphore_mem>>)
      %dma_wait3A = arith.constant 0 : i32
      %dma_wait3A_1594 = tpu.memref_slice %arg11[%add3A_1541, %dma_wait3A] : memref<10016x128xbf16, #tpu.memory_space<vmem_shared>> -> memref<64x128xbf16, #tpu.memory_space<vmem_shared>>
      %dma_wait3A_1595 = arith.constant 0 : i32
      %dma_wait3A_1596 = tpu.memref_slice %arg11[%add3A_1541, %dma_wait3A_1595] : memref<10016x128xbf16, #tpu.memory_space<vmem_shared>> -> memref<64x128xbf16, #tpu.memory_space<vmem_shared>>
      tpu.wait_dma2 semaphore(%run_scoped3A : memref<!tpu.dma_semaphore, #tpu.memory_space<semaphore_mem>>) src(%arg10 : memref<64x128xbf16, #tpu.memory_space<vmem>>) dst(%dma_wait3A_1596 : memref<64x128xbf16, #tpu.memory_space<vmem_shared>>)
      tpu.yield
    }) : () -> ()
    %add3A_1542 = arith.constant 192 : i32
    %add3A_1543 = arith.addi %mul3A_1536, %add3A_1542 : i32
    "tpu.region"() ({
      %run_scoped3A = tpu.sem_alloc : memref<!tpu.dma_semaphore, #tpu.memory_space<semaphore_mem>>
      %dma_start3A_1590 = arith.constant 0 : i32
      %dma_start3A_1591 = tpu.memref_slice %arg11[%add3A_1543, %dma_start3A_1590] : memref<10016x128xbf16, #tpu.memory_space<vmem_shared>> -> memref<64x128xbf16, #tpu.memory_space<vmem_shared>>
      %dma_start3A_1592 = arith.constant 0 : i32
      %dma_start3A_1593 = tpu.memref_slice %arg11[%add3A_1543, %dma_start3A_1592] : memref<10016x128xbf16, #tpu.memory_space<vmem_shared>> -> memref<64x128xbf16, #tpu.memory_space<vmem_shared>>
      tpu.enqueue_dma source(%arg10 : memref<64x128xbf16, #tpu.memory_space<vmem>>) target(%dma_start3A_1593 : memref<64x128xbf16, #tpu.memory_space<vmem_shared>>) target_semaphore(%run_scoped3A : memref<!tpu.dma_semaphore, #tpu.memory_space<semaphore_mem>>)
      %dma_wait3A = arith.constant 0 : i32
      %dma_wait3A_1594 = tpu.memref_slice %arg11[%add3A_1543, %dma_wait3A] : memref<10016x128xbf16, #tpu.memory_space<vmem_shared>> -> memref<64x128xbf16, #tpu.memory_space<vmem_shared>>
      %dma_wait3A_1595 = arith.constant 0 : i32
      %dma_wait3A_1596 = tpu.memref_slice %arg11[%add3A_1543, %dma_wait3A_1595] : memref<10016x128xbf16, #tpu.memory_space<vmem_shared>> -> memref<64x128xbf16, #tpu.memory_space<vmem_shared>>
      tpu.wait_dma2 semaphore(%run_scoped3A : memref<!tpu.dma_semaphore, #tpu.memory_space<semaphore_mem>>) src(%arg10 : memref<64x128xbf16, #tpu.memory_space<vmem>>) dst(%dma_wait3A_1596 : memref<64x128xbf16, #tpu.memory_space<vmem_shared>>)
      tpu.yield
    }) : () -> ()
    %add3A_1544 = arith.constant 256 : i32
    %add3A_1545 = arith.addi %mul3A_1536, %add3A_1544 : i32
    "tpu.region"() ({
      %run_scoped3A = tpu.sem_alloc : memref<!tpu.dma_semaphore, #tpu.memory_space<semaphore_mem>>
      %dma_start3A_1590 = arith.constant 0 : i32
      %dma_start3A_1591 = tpu.memref_slice %arg11[%add3A_1545, %dma_start3A_1590] : memref<10016x128xbf16, #tpu.memory_space<vmem_shared>> -> memref<64x128xbf16, #tpu.memory_space<vmem_shared>>
      %dma_start3A_1592 = arith.constant 0 : i32
      %dma_start3A_1593 = tpu.memref_slice %arg11[%add3A_1545, %dma_start3A_1592] : memref<10016x128xbf16, #tpu.memory_space<vmem_shared>> -> memref<64x128xbf16, #tpu.memory_space<vmem_shared>>
      tpu.enqueue_dma source(%arg10 : memref<64x128xbf16, #tpu.memory_space<vmem>>) target(%dma_start3A_1593 : memref<64x128xbf16, #tpu.memory_space<vmem_shared>>) target_semaphore(%run_scoped3A : memref<!tpu.dma_semaphore, #tpu.memory_space<semaphore_mem>>)
      %dma_wait3A = arith.constant 0 : i32
      %dma_wait3A_1594 = tpu.memref_slice %arg11[%add3A_1545, %dma_wait3A] : memref<10016x128xbf16, #tpu.memory_space<vmem_shared>> -> memref<64x128xbf16, #tpu.memory_space<vmem_shared>>
      %dma_wait3A_1595 = arith.constant 0 : i32
      %dma_wait3A_1596 = tpu.memref_slice %arg11[%add3A_1545, %dma_wait3A_1595] : memref<10016x128xbf16, #tpu.memory_space<vmem_shared>> -> memref<64x128xbf16, #tpu.memory_space<vmem_shared>>
      tpu.wait_dma2 semaphore(%run_scoped3A : memref<!tpu.dma_semaphore, #tpu.memory_space<semaphore_mem>>) src(%arg10 : memref<64x128xbf16, #tpu.memory_space<vmem>>) dst(%dma_wait3A_1596 : memref<64x128xbf16, #tpu.memory_space<vmem_shared>>)
      tpu.yield
    }) : () -> ()
    %add3A_1546 = arith.constant 320 : i32
    %add3A_1547 = arith.addi %mul3A_1536, %add3A_1546 : i32
    "tpu.region"() ({
      %run_scoped3A = tpu.sem_alloc : memref<!tpu.dma_semaphore, #tpu.memory_space<semaphore_mem>>
      %dma_start3A_1590 = arith.constant 0 : i32
      %dma_start3A_1591 = tpu.memref_slice %arg11[%add3A_1547, %dma_start3A_1590] : memref<10016x128xbf16, #tpu.memory_space<vmem_shared>> -> memref<64x128xbf16, #tpu.memory_space<vmem_shared>>
      %dma_start3A_1592 = arith.constant 0 : i32
      %dma_start3A_1593 = tpu.memref_slice %arg11[%add3A_1547, %dma_start3A_1592] : memref<10016x128xbf16, #tpu.memory_space<vmem_shared>> -> memref<64x128xbf16, #tpu.memory_space<vmem_shared>>
      tpu.enqueue_dma source(%arg10 : memref<64x128xbf16, #tpu.memory_space<vmem>>) target(%dma_start3A_1593 : memref<64x128xbf16, #tpu.memory_space<vmem_shared>>) target_semaphore(%run_scoped3A : memref<!tpu.dma_semaphore, #tpu.memory_space<semaphore_mem>>)
      %dma_wait3A = arith.constant 0 : i32
      %dma_wait3A_1594 = tpu.memref_slice %arg11[%add3A_1547, %dma_wait3A] : memref<10016x128xbf16, #tpu.memory_space<vmem_shared>> -> memref<64x128xbf16, #tpu.memory_space<vmem_shared>>
      %dma_wait3A_1595 = arith.constant 0 : i32
      %dma_wait3A_1596 = tpu.memref_slice %arg11[%add3A_1547, %dma_wait3A_1595] : memref<10016x128xbf16, #tpu.memory_space<vmem_shared>> -> memref<64x128xbf16, #tpu.memory_space<vmem_shared>>
      tpu.wait_dma2 semaphore(%run_scoped3A : memref<!tpu.dma_semaphore, #tpu.memory_space<semaphore_mem>>) src(%arg10 : memref<64x128xbf16, #tpu.memory_space<vmem>>) dst(%dma_wait3A_1596 : memref<64x128xbf16, #tpu.memory_space<vmem_shared>>)
      tpu.yield
    }) : () -> ()
    %add3A_1548 = arith.constant 384 : i32
    %add3A_1549 = arith.addi %mul3A_1536, %add3A_1548 : i32
    "tpu.region"() ({
      %run_scoped3A = tpu.sem_alloc : memref<!tpu.dma_semaphore, #tpu.memory_space<semaphore_mem>>
      %dma_start3A_1590 = arith.constant 0 : i32
      %dma_start3A_1591 = tpu.memref_slice %arg11[%add3A_1549, %dma_start3A_1590] : memref<10016x128xbf16, #tpu.memory_space<vmem_shared>> -> memref<64x128xbf16, #tpu.memory_space<vmem_shared>>
      %dma_start3A_1592 = arith.constant 0 : i32
      %dma_start3A_1593 = tpu.memref_slice %arg11[%add3A_1549, %dma_start3A_1592] : memref<10016x128xbf16, #tpu.memory_space<vmem_shared>> -> memref<64x128xbf16, #tpu.memory_space<vmem_shared>>
      tpu.enqueue_dma source(%arg10 : memref<64x128xbf16, #tpu.memory_space<vmem>>) target(%dma_start3A_1593 : memref<64x128xbf16, #tpu.memory_space<vmem_shared>>) target_semaphore(%run_scoped3A : memref<!tpu.dma_semaphore, #tpu.memory_space<semaphore_mem>>)
      %dma_wait3A = arith.constant 0 : i32
      %dma_wait3A_1594 = tpu.memref_slice %arg11[%add3A_1549, %dma_wait3A] : memref<10016x128xbf16, #tpu.memory_space<vmem_shared>> -> memref<64x128xbf16, #tpu.memory_space<vmem_shared>>
      %dma_wait3A_1595 = arith.constant 0 : i32
      %dma_wait3A_1596 = tpu.memref_slice %arg11[%add3A_1549, %dma_wait3A_1595] : memref<10016x128xbf16, #tpu.memory_space<vmem_shared>> -> memref<64x128xbf16, #tpu.memory_space<vmem_shared>>
      tpu.wait_dma2 semaphore(%run_scoped3A : memref<!tpu.dma_semaphore, #tpu.memory_space<semaphore_mem>>) src(%arg10 : memref<64x128xbf16, #tpu.memory_space<vmem>>) dst(%dma_wait3A_1596 : memref<64x128xbf16, #tpu.memory_space<vmem_shared>>)
      tpu.yield
    }) : () -> ()
    %add3A_1550 = arith.constant 448 : i32
    %add3A_1551 = arith.addi %mul3A_1536, %add3A_1550 : i32
    "tpu.region"() ({
      %run_scoped3A = tpu.sem_alloc : memref<!tpu.dma_semaphore, #tpu.memory_space<semaphore_mem>>
      %dma_start3A_1590 = arith.constant 0 : i32
      %dma_start3A_1591 = tpu.memref_slice %arg11[%add3A_1551, %dma_start3A_1590] : memref<10016x128xbf16, #tpu.memory_space<vmem_shared>> -> memref<64x128xbf16, #tpu.memory_space<vmem_shared>>
      %dma_start3A_1592 = arith.constant 0 : i32
      %dma_start3A_1593 = tpu.memref_slice %arg11[%add3A_1551, %dma_start3A_1592] : memref<10016x128xbf16, #tpu.memory_space<vmem_shared>> -> memref<64x128xbf16, #tpu.memory_space<vmem_shared>>
      tpu.enqueue_dma source(%arg10 : memref<64x128xbf16, #tpu.memory_space<vmem>>) target(%dma_start3A_1593 : memref<64x128xbf16, #tpu.memory_space<vmem_shared>>) target_semaphore(%run_scoped3A : memref<!tpu.dma_semaphore, #tpu.memory_space<semaphore_mem>>)
      %dma_wait3A = arith.constant 0 : i32
      %dma_wait3A_1594 = tpu.memref_slice %arg11[%add3A_1551, %dma_wait3A] : memref<10016x128xbf16, #tpu.memory_space<vmem_shared>> -> memref<64x128xbf16, #tpu.memory_space<vmem_shared>>
      %dma_wait3A_1595 = arith.constant 0 : i32
      %dma_wait3A_1596 = tpu.memref_slice %arg11[%add3A_1551, %dma_wait3A_1595] : memref<10016x128xbf16, #tpu.memory_space<vmem_shared>> -> memref<64x128xbf16, #tpu.memory_space<vmem_shared>>
      tpu.wait_dma2 semaphore(%run_scoped3A : memref<!tpu.dma_semaphore, #tpu.memory_space<semaphore_mem>>) src(%arg10 : memref<64x128xbf16, #tpu.memory_space<vmem>>) dst(%dma_wait3A_1596 : memref<64x128xbf16, #tpu.memory_space<vmem_shared>>)
      tpu.yield
    }) : () -> ()
    %add3A_1552 = arith.constant 512 : i32
    %add3A_1553 = arith.addi %mul3A_1536, %add3A_1552 : i32
    "tpu.region"() ({
      %run_scoped3A = tpu.sem_alloc : memref<!tpu.dma_semaphore, #tpu.memory_space<semaphore_mem>>
      %dma_start3A_1590 = arith.constant 0 : i32
      %dma_start3A_1591 = tpu.memref_slice %arg11[%add3A_1553, %dma_start3A_1590] : memref<10016x128xbf16, #tpu.memory_space<vmem_shared>> -> memref<64x128xbf16, #tpu.memory_space<vmem_shared>>
      %dma_start3A_1592 = arith.constant 0 : i32
      %dma_start3A_1593 = tpu.memref_slice %arg11[%add3A_1553, %dma_start3A_1592] : memref<10016x128xbf16, #tpu.memory_space<vmem_shared>> -> memref<64x128xbf16, #tpu.memory_space<vmem_shared>>
      tpu.enqueue_dma source(%arg10 : memref<64x128xbf16, #tpu.memory_space<vmem>>) target(%dma_start3A_1593 : memref<64x128xbf16, #tpu.memory_space<vmem_shared>>) target_semaphore(%run_scoped3A : memref<!tpu.dma_semaphore, #tpu.memory_space<semaphore_mem>>)
      %dma_wait3A = arith.constant 0 : i32
      %dma_wait3A_1594 = tpu.memref_slice %arg11[%add3A_1553, %dma_wait3A] : memref<10016x128xbf16, #tpu.memory_space<vmem_shared>> -> memref<64x128xbf16, #tpu.memory_space<vmem_shared>>
      %dma_wait3A_1595 = arith.constant 0 : i32
      %dma_wait3A_1596 = tpu.memref_slice %arg11[%add3A_1553, %dma_wait3A_1595] : memref<10016x128xbf16, #tpu.memory_space<vmem_shared>> -> memref<64x128xbf16, #tpu.memory_space<vmem_shared>>
      tpu.wait_dma2 semaphore(%run_scoped3A : memref<!tpu.dma_semaphore, #tpu.memory_space<semaphore_mem>>) src(%arg10 : memref<64x128xbf16, #tpu.memory_space<vmem>>) dst(%dma_wait3A_1596 : memref<64x128xbf16, #tpu.memory_space<vmem_shared>>)
      tpu.yield
    }) : () -> ()
    %add3A_1554 = arith.constant 576 : i32
    %add3A_1555 = arith.addi %mul3A_1536, %add3A_1554 : i32
    "tpu.region"() ({
      %run_scoped3A = tpu.sem_alloc : memref<!tpu.dma_semaphore, #tpu.memory_space<semaphore_mem>>
      %dma_start3A_1590 = arith.constant 0 : i32
      %dma_start3A_1591 = arith.constant 0 : i32
      %dma_start3A_1592 = tpu.memref_slice %arg10[%dma_start3A_1590, %dma_start3A_1591] : memref<64x128xbf16, #tpu.memory_space<vmem>> -> memref<50x128xbf16, #tpu.memory_space<vmem>>
      %dma_start3A_1593 = arith.constant 0 : i32
      %dma_start3A_1594 = tpu.memref_slice %arg11[%add3A_1555, %dma_start3A_1593] : memref<10016x128xbf16, #tpu.memory_space<vmem_shared>> -> memref<50x128xbf16, #tpu.memory_space<vmem_shared>>
      %dma_start3A_1595 = arith.constant 0 : i32
      %dma_start3A_1596 = tpu.memref_slice %arg11[%add3A_1555, %dma_start3A_1595] : memref<10016x128xbf16, #tpu.memory_space<vmem_shared>> -> memref<50x128xbf16, #tpu.memory_space<vmem_shared>>
      %dma_start3A_1597 = arith.constant 0 : i32
      %dma_start3A_1598 = arith.constant 0 : i32
      %dma_start3A_1599 = tpu.memref_slice %arg10[%dma_start3A_1597, %dma_start3A_1598] : memref<64x128xbf16, #tpu.memory_space<vmem>> -> memref<50x128xbf16, #tpu.memory_space<vmem>>
      tpu.enqueue_dma source(%dma_start3A_1599 : memref<50x128xbf16, #tpu.memory_space<vmem>>) target(%dma_start3A_1596 : memref<50x128xbf16, #tpu.memory_space<vmem_shared>>) target_semaphore(%run_scoped3A : memref<!tpu.dma_semaphore, #tpu.memory_space<semaphore_mem>>)
      %dma_wait3A = arith.constant 0 : i32
      %dma_wait3A_1600 = arith.constant 0 : i32
      %dma_wait3A_1601 = tpu.memref_slice %arg10[%dma_wait3A, %dma_wait3A_1600] : memref<64x128xbf16, #tpu.memory_space<vmem>> -> memref<50x128xbf16, #tpu.memory_space<vmem>>
      %dma_wait3A_1602 = arith.constant 0 : i32
      %dma_wait3A_1603 = tpu.memref_slice %arg11[%add3A_1555, %dma_wait3A_1602] : memref<10016x128xbf16, #tpu.memory_space<vmem_shared>> -> memref<50x128xbf16, #tpu.memory_space<vmem_shared>>
      %dma_wait3A_1604 = arith.constant 0 : i32
      %dma_wait3A_1605 = tpu.memref_slice %arg11[%add3A_1555, %dma_wait3A_1604] : memref<10016x128xbf16, #tpu.memory_space<vmem_shared>> -> memref<50x128xbf16, #tpu.memory_space<vmem_shared>>
      %dma_wait3A_1606 = arith.constant 0 : i32
      %dma_wait3A_1607 = arith.constant 0 : i32
      %dma_wait3A_1608 = tpu.memref_slice %arg10[%dma_wait3A_1606, %dma_wait3A_1607] : memref<64x128xbf16, #tpu.memory_space<vmem>> -> memref<50x128xbf16, #tpu.memory_space<vmem>>
      tpu.wait_dma2 semaphore(%run_scoped3A : memref<!tpu.dma_semaphore, #tpu.memory_space<semaphore_mem>>) src(%dma_wait3A_1608 : memref<50x128xbf16, #tpu.memory_space<vmem>>) dst(%dma_wait3A_1605 : memref<50x128xbf16, #tpu.memory_space<vmem_shared>>)
      tpu.yield
    }) : () -> ()
    %mul3A_1556 = arith.constant 108 : i32
    %mul3A_1557 = arith.muli %arg1, %mul3A_1556 : i32
    "tpu.region"() ({
      %run_scoped3A = tpu.sem_alloc : memref<!tpu.dma_semaphore, #tpu.memory_space<semaphore_mem>>
      %dma_start3A_1590 = arith.constant 0 : i32
      %dma_start3A_1591 = tpu.memref_slice %arg2[%mul3A_1557, %dma_start3A_1590] : memref<1728x96xi32, #tpu.memory_space<hbm>> -> memref<108x96xi32, #tpu.memory_space<hbm>>
      %dma_start3A_1592 = arith.constant 0 : i32
      %dma_start3A_1593 = tpu.memref_slice %arg2[%mul3A_1557, %dma_start3A_1592] : memref<1728x96xi32, #tpu.memory_space<hbm>> -> memref<108x96xi32, #tpu.memory_space<hbm>>
      tpu.enqueue_dma source(%dma_start3A_1593 : memref<108x96xi32, #tpu.memory_space<hbm>>) target(%arg6 : memref<108x96xi32, #tpu.memory_space<vmem>>) target_semaphore(%run_scoped3A : memref<!tpu.dma_semaphore, #tpu.memory_space<semaphore_mem>>)
      %dma_wait3A = arith.constant 0 : i32
      %dma_wait3A_1594 = tpu.memref_slice %arg2[%mul3A_1557, %dma_wait3A] : memref<1728x96xi32, #tpu.memory_space<hbm>> -> memref<108x96xi32, #tpu.memory_space<hbm>>
      %dma_wait3A_1595 = arith.constant 0 : i32
      %dma_wait3A_1596 = tpu.memref_slice %arg2[%mul3A_1557, %dma_wait3A_1595] : memref<1728x96xi32, #tpu.memory_space<hbm>> -> memref<108x96xi32, #tpu.memory_space<hbm>>
      tpu.wait_dma2 semaphore(%run_scoped3A : memref<!tpu.dma_semaphore, #tpu.memory_space<semaphore_mem>>) src(%dma_wait3A_1596 : memref<108x96xi32, #tpu.memory_space<hbm>>) dst(%arg6 : memref<108x96xi32, #tpu.memory_space<vmem>>)
      tpu.yield
    }) : () -> ()
    %mul3A_1558 = arith.constant 108 : i32
    %mul3A_1559 = arith.muli %arg1, %mul3A_1558 : i32
    "tpu.region"() ({
      %run_scoped3A = tpu.sem_alloc : memref<!tpu.dma_semaphore, #tpu.memory_space<semaphore_mem>>
      %dma_start3A_1590 = arith.constant 0 : i32
      %dma_start3A_1591 = tpu.memref_slice %arg3[%mul3A_1559, %dma_start3A_1590] : memref<1728x96xi32, #tpu.memory_space<hbm>> -> memref<108x96xi32, #tpu.memory_space<hbm>>
      %dma_start3A_1592 = arith.constant 0 : i32
      %dma_start3A_1593 = tpu.memref_slice %arg3[%mul3A_1559, %dma_start3A_1592] : memref<1728x96xi32, #tpu.memory_space<hbm>> -> memref<108x96xi32, #tpu.memory_space<hbm>>
      tpu.enqueue_dma source(%dma_start3A_1593 : memref<108x96xi32, #tpu.memory_space<hbm>>) target(%arg7 : memref<108x96xi32, #tpu.memory_space<vmem>>) target_semaphore(%run_scoped3A : memref<!tpu.dma_semaphore, #tpu.memory_space<semaphore_mem>>)
      %dma_wait3A = arith.constant 0 : i32
      %dma_wait3A_1594 = tpu.memref_slice %arg3[%mul3A_1559, %dma_wait3A] : memref<1728x96xi32, #tpu.memory_space<hbm>> -> memref<108x96xi32, #tpu.memory_space<hbm>>
      %dma_wait3A_1595 = arith.constant 0 : i32
      %dma_wait3A_1596 = tpu.memref_slice %arg3[%mul3A_1559, %dma_wait3A_1595] : memref<1728x96xi32, #tpu.memory_space<hbm>> -> memref<108x96xi32, #tpu.memory_space<hbm>>
      tpu.wait_dma2 semaphore(%run_scoped3A : memref<!tpu.dma_semaphore, #tpu.memory_space<semaphore_mem>>) src(%dma_wait3A_1596 : memref<108x96xi32, #tpu.memory_space<hbm>>) dst(%arg7 : memref<108x96xi32, #tpu.memory_space<vmem>>)
      tpu.yield
    }) : () -> ()
    %mul3A_1560 = arith.constant 625 : i32
    %mul3A_1561 = arith.muli %arg1, %mul3A_1560 : i32
    %mul3A_1562 = arith.constant 10000 : i32
    %mul3A_1563 = arith.muli %arg0, %mul3A_1562 : i32
    %add3A_1564 = arith.addi %mul3A_1563, %mul3A_1561 : i32
    "tpu.region"() ({
      %run_scoped3A = tpu.sem_alloc : memref<!tpu.dma_semaphore, #tpu.memory_space<semaphore_mem>>
      %dma_start3A_1590 = arith.constant 0 : i32
      %dma_start3A_1591 = tpu.memref_slice %arg12[%mul3A_1561, %dma_start3A_1590] : memref<10016x128xbf16, #tpu.memory_space<vmem_shared>> -> memref<625x128xbf16, #tpu.memory_space<vmem_shared>>
      %dma_start3A_1592 = arith.constant 0 : i32
      %dma_start3A_1593 = tpu.memref_slice %arg4[%add3A_1564, %dma_start3A_1592] : memref<20000x128xbf16, #tpu.memory_space<hbm>> -> memref<625x128xbf16, #tpu.memory_space<hbm>>
      tpu.enqueue_dma source(%dma_start3A_1593 : memref<625x128xbf16, #tpu.memory_space<hbm>>) target(%dma_start3A_1591 : memref<625x128xbf16, #tpu.memory_space<vmem_shared>>) target_semaphore(%run_scoped3A : memref<!tpu.dma_semaphore, #tpu.memory_space<semaphore_mem>>)
      %dma_wait3A = arith.constant 0 : i32
      %dma_wait3A_1594 = tpu.memref_slice %arg12[%mul3A_1561, %dma_wait3A] : memref<10016x128xbf16, #tpu.memory_space<vmem_shared>> -> memref<625x128xbf16, #tpu.memory_space<vmem_shared>>
      %dma_wait3A_1595 = arith.constant 0 : i32
      %dma_wait3A_1596 = tpu.memref_slice %arg4[%add3A_1564, %dma_wait3A_1595] : memref<20000x128xbf16, #tpu.memory_space<hbm>> -> memref<625x128xbf16, #tpu.memory_space<hbm>>
      tpu.wait_dma2 semaphore(%run_scoped3A : memref<!tpu.dma_semaphore, #tpu.memory_space<semaphore_mem>>) src(%dma_wait3A_1596 : memref<625x128xbf16, #tpu.memory_space<hbm>>) dst(%dma_wait3A_1594 : memref<625x128xbf16, #tpu.memory_space<vmem_shared>>)
      tpu.yield
    }) : () -> ()
    %barrier3A = arith.constant 0 : index
    tpu.barrier barrier_id(%barrier3A)
    %dma_start3A = arith.constant 0 : i32
    %dma_start3A_1565 = arith.constant 0 : i32
    %dma_start3A_1566 = tpu.memref_slice %arg6[%dma_start3A, %dma_start3A_1565] : memref<108x96xi32, #tpu.memory_space<vmem>> -> memref<1x96xi32, #tpu.memory_space<vmem>>
    %dma_start3A_1567 = tpu.memref_squeeze %dma_start3A_1566 : memref<1x96xi32, #tpu.memory_space<vmem>> -> memref<96xi32, #tpu.memory_space<vmem>>
    %dma_start3A_1568 = arith.constant 0 : i32
    %dma_start3A_1569 = arith.constant 0 : i32
    %dma_start3A_1570 = tpu.memref_slice %arg12[%dma_start3A_1568, %dma_start3A_1569] : memref<10016x128xbf16, #tpu.memory_space<vmem_shared>> -> memref<10016x128xbf16, #tpu.memory_space<vmem_shared>>
    tpu.enqueue_indirect_dma source(%dma_start3A_1570 : memref<10016x128xbf16, #tpu.memory_space<vmem_shared>>) target(%arg8 : memref<96x128xbf16, #tpu.memory_space<vmem>>) offsets(%dma_start3A_1567 : memref<96xi32, #tpu.memory_space<vmem>>) semaphore(%arg13 : memref<!tpu.dma_semaphore, #tpu.memory_space<semaphore_mem>>)
    %dma_start3A_1571 = arith.constant 1 : i32
    %dma_start3A_1572 = arith.constant 0 : i32
    %dma_start3A_1573 = tpu.memref_slice %arg6[%dma_start3A_1571, %dma_start3A_1572] : memref<108x96xi32, #tpu.memory_space<vmem>> -> memref<1x96xi32, #tpu.memory_space<vmem>>
    %dma_start3A_1574 = tpu.memref_squeeze %dma_start3A_1573 : memref<1x96xi32, #tpu.memory_space<vmem>> -> memref<96xi32, #tpu.memory_space<vmem>>
    %dma_start3A_1575 = arith.constant 0 : i32
    %dma_start3A_1576 = arith.constant 0 : i32
    %dma_start3A_1577 = tpu.memref_slice %arg12[%dma_start3A_1575, %dma_start3A_1576] : memref<10016x128xbf16, #tpu.memory_space<vmem_shared>> -> memref<10016x128xbf16, #tpu.memory_space<vmem_shared>>
    tpu.enqueue_indirect_dma source(%dma_start3A_1577 : memref<10016x128xbf16, #tpu.memory_space<vmem_shared>>) target(%arg9 : memref<96x128xbf16, #tpu.memory_space<vmem>>) offsets(%dma_start3A_1574 : memref<96xi32, #tpu.memory_space<vmem>>) semaphore(%arg14 : memref<!tpu.dma_semaphore, #tpu.memory_space<semaphore_mem>>)
    %scan3A = arith.constant 0 : i32
    %scan3A_1578 = arith.constant 0 : i32
    %scan3A_1579 = arith.constant 54 : i32
    %scan3A_1580 = arith.addi %scan3A_1578, %scan3A_1579 : i32
    %scan3A_1581 = arith.constant 1 : i32
    %scan3A_1582 = scf.for %scan3A_1590 = %scan3A_1578 to %scan3A_1580 step %scan3A_1581 iter_args(%scan3A_1591 = %scan3A) -> (i32)  : i32 {
      %mul3A_1592 = arith.constant 2 : i32
      %mul3A_1593 = arith.muli %scan3A_1590, %mul3A_1592 : i32
      %add3A_1594 = arith.constant 0 : i32
      %add3A_1595 = arith.addi %mul3A_1593, %add3A_1594 : i32
      %dma_wait3A = arith.constant 0 : i32
      %dma_wait3A_1596 = arith.constant 0 : i32
      %dma_wait3A_1597 = tpu.memref_slice %arg6[%dma_wait3A, %dma_wait3A_1596] : memref<108x96xi32, #tpu.memory_space<vmem>> -> memref<1x96xi32, #tpu.memory_space<vmem>>
      %dma_wait3A_1598 = tpu.memref_squeeze %dma_wait3A_1597 : memref<1x96xi32, #tpu.memory_space<vmem>> -> memref<96xi32, #tpu.memory_space<vmem>>
      %dma_wait3A_1599 = arith.constant 0 : i32
      %dma_wait3A_1600 = arith.constant 0 : i32
      %dma_wait3A_1601 = tpu.memref_slice %arg12[%dma_wait3A_1599, %dma_wait3A_1600] : memref<10016x128xbf16, #tpu.memory_space<vmem_shared>> -> memref<10016x128xbf16, #tpu.memory_space<vmem_shared>>
      tpu.wait_indirect_dma semaphore(%arg13 : memref<!tpu.dma_semaphore, #tpu.memory_space<semaphore_mem>>) src(%dma_wait3A_1601 : memref<10016x128xbf16, #tpu.memory_space<vmem_shared>>) dst(%arg8 : memref<96x128xbf16, #tpu.memory_space<vmem>>)
      %dma_start3A_1602 = arith.constant 0 : i32
      %dma_start3A_1603 = tpu.memref_slice %arg7[%add3A_1595, %dma_start3A_1602] : memref<108x96xi32, #tpu.memory_space<vmem>> -> memref<1x96xi32, #tpu.memory_space<vmem>>
      %dma_start3A_1604 = tpu.memref_squeeze %dma_start3A_1603 : memref<1x96xi32, #tpu.memory_space<vmem>> -> memref<96xi32, #tpu.memory_space<vmem>>
      %dma_start3A_1605 = arith.constant 0 : i32
      %dma_start3A_1606 = arith.constant 0 : i32
      %dma_start3A_1607 = tpu.memref_slice %arg11[%dma_start3A_1605, %dma_start3A_1606] : memref<10016x128xbf16, #tpu.memory_space<vmem_shared>> -> memref<10016x128xbf16, #tpu.memory_space<vmem_shared>>
      tpu.enqueue_indirect_dma source(%arg8 : memref<96x128xbf16, #tpu.memory_space<vmem>>) target(%dma_start3A_1607 : memref<10016x128xbf16, #tpu.memory_space<vmem_shared>>) offsets(%dma_start3A_1604 : memref<96xi32, #tpu.memory_space<vmem>>) semaphore(%arg15 : memref<!tpu.dma_semaphore, #tpu.memory_space<semaphore_mem>>) {add = true}
      %mul3A_1608 = arith.constant 2 : i32
      %mul3A_1609 = arith.muli %scan3A_1590, %mul3A_1608 : i32
      %add3A_1610 = arith.constant 1 : i32
      %add3A_1611 = arith.addi %mul3A_1609, %add3A_1610 : i32
      %dma_wait3A_1612 = arith.constant 0 : i32
      %dma_wait3A_1613 = arith.constant 0 : i32
      %dma_wait3A_1614 = tpu.memref_slice %arg6[%dma_wait3A_1612, %dma_wait3A_1613] : memref<108x96xi32, #tpu.memory_space<vmem>> -> memref<1x96xi32, #tpu.memory_space<vmem>>
      %dma_wait3A_1615 = tpu.memref_squeeze %dma_wait3A_1614 : memref<1x96xi32, #tpu.memory_space<vmem>> -> memref<96xi32, #tpu.memory_space<vmem>>
      %dma_wait3A_1616 = arith.constant 0 : i32
      %dma_wait3A_1617 = arith.constant 0 : i32
      %dma_wait3A_1618 = tpu.memref_slice %arg12[%dma_wait3A_1616, %dma_wait3A_1617] : memref<10016x128xbf16, #tpu.memory_space<vmem_shared>> -> memref<10016x128xbf16, #tpu.memory_space<vmem_shared>>
      tpu.wait_indirect_dma semaphore(%arg14 : memref<!tpu.dma_semaphore, #tpu.memory_space<semaphore_mem>>) src(%dma_wait3A_1618 : memref<10016x128xbf16, #tpu.memory_space<vmem_shared>>) dst(%arg9 : memref<96x128xbf16, #tpu.memory_space<vmem>>)
      %dma_start3A_1619 = arith.constant 0 : i32
      %dma_start3A_1620 = tpu.memref_slice %arg7[%add3A_1611, %dma_start3A_1619] : memref<108x96xi32, #tpu.memory_space<vmem>> -> memref<1x96xi32, #tpu.memory_space<vmem>>
      %dma_start3A_1621 = tpu.memref_squeeze %dma_start3A_1620 : memref<1x96xi32, #tpu.memory_space<vmem>> -> memref<96xi32, #tpu.memory_space<vmem>>
      %dma_start3A_1622 = arith.constant 0 : i32
      %dma_start3A_1623 = arith.constant 0 : i32
      %dma_start3A_1624 = tpu.memref_slice %arg11[%dma_start3A_1622, %dma_start3A_1623] : memref<10016x128xbf16, #tpu.memory_space<vmem_shared>> -> memref<10016x128xbf16, #tpu.memory_space<vmem_shared>>
      tpu.enqueue_indirect_dma source(%arg9 : memref<96x128xbf16, #tpu.memory_space<vmem>>) target(%dma_start3A_1624 : memref<10016x128xbf16, #tpu.memory_space<vmem_shared>>) offsets(%dma_start3A_1621 : memref<96xi32, #tpu.memory_space<vmem>>) semaphore(%arg16 : memref<!tpu.dma_semaphore, #tpu.memory_space<semaphore_mem>>) {add = true}
      %mul3A_1625 = arith.constant 2 : i32
      %mul3A_1626 = arith.muli %scan3A_1590, %mul3A_1625 : i32
      %add3A_1627 = arith.constant 0 : i32
      %add3A_1628 = arith.addi %mul3A_1626, %add3A_1627 : i32
      %dma_wait3A_1629 = arith.constant 0 : i32
      %dma_wait3A_1630 = arith.constant 0 : i32
      %dma_wait3A_1631 = tpu.memref_slice %arg7[%dma_wait3A_1629, %dma_wait3A_1630] : memref<108x96xi32, #tpu.memory_space<vmem>> -> memref<1x96xi32, #tpu.memory_space<vmem>>
      %dma_wait3A_1632 = tpu.memref_squeeze %dma_wait3A_1631 : memref<1x96xi32, #tpu.memory_space<vmem>> -> memref<96xi32, #tpu.memory_space<vmem>>
      %dma_wait3A_1633 = arith.constant 0 : i32
      %dma_wait3A_1634 = arith.constant 0 : i32
      %dma_wait3A_1635 = tpu.memref_slice %arg11[%dma_wait3A_1633, %dma_wait3A_1634] : memref<10016x128xbf16, #tpu.memory_space<vmem_shared>> -> memref<10016x128xbf16, #tpu.memory_space<vmem_shared>>
      tpu.wait_indirect_dma semaphore(%arg15 : memref<!tpu.dma_semaphore, #tpu.memory_space<semaphore_mem>>) src(%arg8 : memref<96x128xbf16, #tpu.memory_space<vmem>>) dst(%dma_wait3A_1635 : memref<10016x128xbf16, #tpu.memory_space<vmem_shared>>)
      %add3A_1636 = arith.constant 2 : i32
      %add3A_1637 = arith.addi %add3A_1628, %add3A_1636 : i32
      %lt3A = arith.constant 108 : i32
      %lt3A_1638 = arith.cmpi slt, %add3A_1637, %lt3A : i32
      %convert_element_type3A = arith.extui %lt3A_1638 : i1 to i32
      %cond3A = arith.constant 0 : i32
      %cond3A_1639 = arith.cmpi ne, %convert_element_type3A, %cond3A : i32
      scf.if %cond3A_1639 {
        %dma_start3A_1659 = arith.constant 0 : i32
        %dma_start3A_1660 = tpu.memref_slice %arg6[%add3A_1637, %dma_start3A_1659] : memref<108x96xi32, #tpu.memory_space<vmem>> -> memref<1x96xi32, #tpu.memory_space<vmem>>
        %dma_start3A_1661 = tpu.memref_squeeze %dma_start3A_1660 : memref<1x96xi32, #tpu.memory_space<vmem>> -> memref<96xi32, #tpu.memory_space<vmem>>
        %dma_start3A_1662 = arith.constant 0 : i32
        %dma_start3A_1663 = arith.constant 0 : i32
        %dma_start3A_1664 = tpu.memref_slice %arg12[%dma_start3A_1662, %dma_start3A_1663] : memref<10016x128xbf16, #tpu.memory_space<vmem_shared>> -> memref<10016x128xbf16, #tpu.memory_space<vmem_shared>>
        tpu.enqueue_indirect_dma source(%dma_start3A_1664 : memref<10016x128xbf16, #tpu.memory_space<vmem_shared>>) target(%arg8 : memref<96x128xbf16, #tpu.memory_space<vmem>>) offsets(%dma_start3A_1661 : memref<96xi32, #tpu.memory_space<vmem>>) semaphore(%arg13 : memref<!tpu.dma_semaphore, #tpu.memory_space<semaphore_mem>>)
      } else {
      }
      %mul3A_1640 = arith.constant 2 : i32
      %mul3A_1641 = arith.muli %scan3A_1590, %mul3A_1640 : i32
      %add3A_1642 = arith.constant 1 : i32
      %add3A_1643 = arith.addi %mul3A_1641, %add3A_1642 : i32
      %dma_wait3A_1644 = arith.constant 0 : i32
      %dma_wait3A_1645 = arith.constant 0 : i32
      %dma_wait3A_1646 = tpu.memref_slice %arg7[%dma_wait3A_1644, %dma_wait3A_1645] : memref<108x96xi32, #tpu.memory_space<vmem>> -> memref<1x96xi32, #tpu.memory_space<vmem>>
      %dma_wait3A_1647 = tpu.memref_squeeze %dma_wait3A_1646 : memref<1x96xi32, #tpu.memory_space<vmem>> -> memref<96xi32, #tpu.memory_space<vmem>>
      %dma_wait3A_1648 = arith.constant 0 : i32
      %dma_wait3A_1649 = arith.constant 0 : i32
      %dma_wait3A_1650 = tpu.memref_slice %arg11[%dma_wait3A_1648, %dma_wait3A_1649] : memref<10016x128xbf16, #tpu.memory_space<vmem_shared>> -> memref<10016x128xbf16, #tpu.memory_space<vmem_shared>>
      tpu.wait_indirect_dma semaphore(%arg16 : memref<!tpu.dma_semaphore, #tpu.memory_space<semaphore_mem>>) src(%arg9 : memref<96x128xbf16, #tpu.memory_space<vmem>>) dst(%dma_wait3A_1650 : memref<10016x128xbf16, #tpu.memory_space<vmem_shared>>)
      %add3A_1651 = arith.constant 2 : i32
      %add3A_1652 = arith.addi %add3A_1643, %add3A_1651 : i32
      %lt3A_1653 = arith.constant 108 : i32
      %lt3A_1654 = arith.cmpi slt, %add3A_1652, %lt3A_1653 : i32
      %convert_element_type3A_1655 = arith.extui %lt3A_1654 : i1 to i32
      %cond3A_1656 = arith.constant 0 : i32
      %cond3A_1657 = arith.cmpi ne, %convert_element_type3A_1655, %cond3A_1656 : i32
      scf.if %cond3A_1657 {
        %dma_start3A_1659 = arith.constant 0 : i32
        %dma_start3A_1660 = tpu.memref_slice %arg6[%add3A_1652, %dma_start3A_1659] : memref<108x96xi32, #tpu.memory_space<vmem>> -> memref<1x96xi32, #tpu.memory_space<vmem>>
        %dma_start3A_1661 = tpu.memref_squeeze %dma_start3A_1660 : memref<1x96xi32, #tpu.memory_space<vmem>> -> memref<96xi32, #tpu.memory_space<vmem>>
        %dma_start3A_1662 = arith.constant 0 : i32
        %dma_start3A_1663 = arith.constant 0 : i32
        %dma_start3A_1664 = tpu.memref_slice %arg12[%dma_start3A_1662, %dma_start3A_1663] : memref<10016x128xbf16, #tpu.memory_space<vmem_shared>> -> memref<10016x128xbf16, #tpu.memory_space<vmem_shared>>
        tpu.enqueue_indirect_dma source(%dma_start3A_1664 : memref<10016x128xbf16, #tpu.memory_space<vmem_shared>>) target(%arg9 : memref<96x128xbf16, #tpu.memory_space<vmem>>) offsets(%dma_start3A_1661 : memref<96xi32, #tpu.memory_space<vmem>>) semaphore(%arg14 : memref<!tpu.dma_semaphore, #tpu.memory_space<semaphore_mem>>)
      } else {
      }
      %scan3A_1658 = arith.constant 0 : i32
      scf.yield %scan3A_1658 : i32
    }
    %scan3A_1583 = arith.constant 54 : i32
    %barrier3A_1584 = arith.constant 0 : index
    tpu.barrier barrier_id(%barrier3A_1584)
    %mul3A_1585 = arith.constant 625 : i32
    %mul3A_1586 = arith.muli %arg1, %mul3A_1585 : i32
    %mul3A_1587 = arith.constant 10000 : i32
    %mul3A_1588 = arith.muli %arg0, %mul3A_1587 : i32
    %add3A_1589 = arith.addi %mul3A_1588, %mul3A_1586 : i32
    "tpu.region"() ({
      %run_scoped3A = tpu.sem_alloc : memref<!tpu.dma_semaphore, #tpu.memory_space<semaphore_mem>>
      %dma_start3A_1590 = arith.constant 0 : i32
      %dma_start3A_1591 = tpu.memref_slice %arg5[%add3A_1589, %dma_start3A_1590] : memref<20000x128xbf16, #tpu.memory_space<hbm>> -> memref<625x128xbf16, #tpu.memory_space<hbm>>
      %dma_start3A_1592 = arith.constant 0 : i32
      %dma_start3A_1593 = tpu.memref_slice %arg11[%mul3A_1586, %dma_start3A_1592] : memref<10016x128xbf16, #tpu.memory_space<vmem_shared>> -> memref<625x128xbf16, #tpu.memory_space<vmem_shared>>
      tpu.enqueue_dma source(%dma_start3A_1593 : memref<625x128xbf16, #tpu.memory_space<vmem_shared>>) target(%dma_start3A_1591 : memref<625x128xbf16, #tpu.memory_space<hbm>>) target_semaphore(%run_scoped3A : memref<!tpu.dma_semaphore, #tpu.memory_space<semaphore_mem>>)
      %dma_wait3A = arith.constant 0 : i32
      %dma_wait3A_1594 = tpu.memref_slice %arg5[%add3A_1589, %dma_wait3A] : memref<20000x128xbf16, #tpu.memory_space<hbm>> -> memref<625x128xbf16, #tpu.memory_space<hbm>>
      %dma_wait3A_1595 = arith.constant 0 : i32
      %dma_wait3A_1596 = tpu.memref_slice %arg11[%mul3A_1586, %dma_wait3A_1595] : memref<10016x128xbf16, #tpu.memory_space<vmem_shared>> -> memref<625x128xbf16, #tpu.memory_space<vmem_shared>>
      tpu.wait_dma2 semaphore(%run_scoped3A : memref<!tpu.dma_semaphore, #tpu.memory_space<semaphore_mem>>) src(%dma_wait3A_1596 : memref<625x128xbf16, #tpu.memory_space<vmem_shared>>) dst(%dma_wait3A_1594 : memref<625x128xbf16, #tpu.memory_space<hbm>>)
      tpu.yield
    }) : () -> ()
    return
  }
}

module attributes {stable_mosaic.version = 14 : i64} {
  func.func @_tc_pre_body(%arg0: i32, %arg1: memref<2000x256xf32, #tpu.memory_space<vmem>>, %arg2: memref<256x256xf32, #tpu.memory_space<vmem>>, %arg3: memref<1x256xf32, #tpu.memory_space<vmem>>, %arg4: memref<2000x256xf32, #tpu.memory_space<vmem>>) attributes {dimension_semantics = [#tpu.dimension_semantics<arbitrary>], iteration_bounds = array<i64: 5>, scalar_prefetch = 0 : i64, scratch_operands = 0 : i64, tpu.core_type = #tpu.core_type<tc>, window_params = [{transform_indices = @transform_0, window_bounds = array<i64: 2000, 256>}, {pipeline_mode = #tpu.pipeline_mode<synchronous>, transform_indices = @transform_1, window_bounds = array<i64: 256, 256>}, {pipeline_mode = #tpu.pipeline_mode<synchronous>, transform_indices = @transform_2, window_bounds = array<i64: 1, 256>}, {transform_indices = @transform_3, window_bounds = array<i64: 2000, 256>}]} {
    %get3A = arith.constant 0 : index
    %get3A_0 = arith.constant 0 : index
    %get3A_1 = vector.load %arg1[%get3A, %get3A_0] : memref<2000x256xf32, #tpu.memory_space<vmem>>, vector<2000x256xf32>
    %get3A_2 = arith.constant 0 : index
    %get3A_3 = arith.constant 0 : index
    %get3A_4 = vector.load %arg2[%get3A_2, %get3A_3] : memref<256x256xf32, #tpu.memory_space<vmem>>, vector<256x256xf32>
    %dot_general3A = arith.constant dense<0.000000e+00> : vector<2000x256xf32>
    %dot_general3A_5 = tpu.matmul %get3A_1, %get3A_4, %dot_general3A {dimension_numbers = #tpu.dot_dimension_numbers<[1], [0], [0], [1], [0, 0, 1, 1], [], []>, transpose_lhs_hint = false} : vector<2000x256xf32>, vector<256x256xf32>, vector<2000x256xf32> -> vector<2000x256xf32>
    %get3A_6 = arith.constant 0 : index
    %get3A_7 = arith.constant 0 : index
    %get3A_8 = vector.load %arg3[%get3A_6, %get3A_7] : memref<1x256xf32, #tpu.memory_space<vmem>>, vector<1x256xf32>
    %add3A = vector.broadcast %get3A_8 : vector<1x256xf32> to vector<2000x256xf32>
    %add3A_9 = arith.addf %dot_general3A_5, %add3A : vector<2000x256xf32>
    %swap3A = arith.constant 0 : index
    %swap3A_10 = arith.constant 0 : index
    %swap3A_11 = vector.load %arg4[%swap3A, %swap3A_10] : memref<2000x256xf32, #tpu.memory_space<vmem>>, vector<2000x256xf32>
    tpu.vector_store %arg4[%swap3A, %swap3A_10], %add3A_9 {strides = array<i32>} : memref<2000x256xf32, #tpu.memory_space<vmem>>, vector<2000x256xf32>,
    return
  }
  func.func @transform_0(%arg0: i32) -> (i32, i32) {
    %c0_i32 = arith.constant 0 : i32
    %c0_i32_0 = arith.constant 0 : i32
    return %arg0, %c0_i32 : i32, i32
  }
  func.func @transform_1(%arg0: i32) -> (i32, i32) {
    %c0_i32 = arith.constant 0 : i32
    %c0_i32_0 = arith.constant 0 : i32
    %c0_i32_1 = arith.constant 0 : i32
    return %c0_i32, %c0_i32_0 : i32, i32
  }
  func.func @transform_2(%arg0: i32) -> (i32, i32) {
    %c0_i32 = arith.constant 0 : i32
    %c0_i32_0 = arith.constant 0 : i32
    %c0_i32_1 = arith.constant 0 : i32
    return %c0_i32, %c0_i32_0 : i32, i32
  }
  func.func @transform_3(%arg0: i32) -> (i32, i32) {
    %c0_i32 = arith.constant 0 : i32
    %c0_i32_0 = arith.constant 0 : i32
    return %arg0, %c0_i32 : i32, i32
  }
}

module attributes {stable_mosaic.version = 14 : i64} {
  func.func @_tc_body(%arg0: i32, %arg1: memref<2000x256xf32, #tpu.memory_space<vmem>>, %arg2: memref<2000x128xbf16, #tpu.memory_space<vmem>>, %arg3: memref<2000x128xbf16, #tpu.memory_space<vmem>>, %arg4: memref<2000x32xf32, #tpu.memory_space<vmem>>, %arg5: memref<2000x32xf32, #tpu.memory_space<vmem>>, %arg6: memref<128x256xf32, #tpu.memory_space<vmem>>, %arg7: memref<128x256xf32, #tpu.memory_space<vmem>>, %arg8: memref<16x256xf32, #tpu.memory_space<vmem>>, %arg9: memref<256x256xf32, #tpu.memory_space<vmem>>, %arg10: memref<1x256xf32, #tpu.memory_space<vmem>>, %arg11: memref<2000x256xf32, #tpu.memory_space<vmem>>) attributes {dimension_semantics = [#tpu.dimension_semantics<arbitrary>], iteration_bounds = array<i64: 5>, scalar_prefetch = 0 : i64, scratch_operands = 0 : i64, tpu.core_type = #tpu.core_type<tc>, window_params = [{transform_indices = @transform_0, window_bounds = array<i64: 2000, 256>}, {transform_indices = @transform_1, window_bounds = array<i64: 2000, 128>}, {transform_indices = @transform_2, window_bounds = array<i64: 2000, 128>}, {transform_indices = @transform_3, window_bounds = array<i64: 2000, 32>}, {transform_indices = @transform_4, window_bounds = array<i64: 2000, 32>}, {pipeline_mode = #tpu.pipeline_mode<synchronous>, transform_indices = @transform_5, window_bounds = array<i64: 128, 256>}, {pipeline_mode = #tpu.pipeline_mode<synchronous>, transform_indices = @transform_6, window_bounds = array<i64: 128, 256>}, {pipeline_mode = #tpu.pipeline_mode<synchronous>, transform_indices = @transform_7, window_bounds = array<i64: 16, 256>}, {pipeline_mode = #tpu.pipeline_mode<synchronous>, transform_indices = @transform_8, window_bounds = array<i64: 256, 256>}, {pipeline_mode = #tpu.pipeline_mode<synchronous>, transform_indices = @transform_9, window_bounds = array<i64: 1, 256>}, {transform_indices = @transform_10, window_bounds = array<i64: 2000, 256>}]} {
    %get3A = arith.constant 0 : index
    %get3A_0 = arith.constant 0 : index
    %get3A_1 = vector.load %arg4[%get3A, %get3A_0] : memref<2000x32xf32, #tpu.memory_space<vmem>>, vector<2000x32xf32>
    %get3A_2 = arith.constant 0 : index
    %get3A_3 = arith.constant 0 : index
    %get3A_4 = vector.load %arg5[%get3A_2, %get3A_3] : memref<2000x32xf32, #tpu.memory_space<vmem>>, vector<2000x32xf32>
    %add3A = arith.addf %get3A_1, %get3A_4 : vector<2000x32xf32>
    %slice3A = vector.extract_strided_slice %add3A {offsets = [0, 0], sizes = [2000, 16], strides = [1, 1]} : vector<2000x32xf32> to vector<2000x16xf32>
    %slice3A_5 = vector.extract_strided_slice %add3A {offsets = [0, 16], sizes = [2000, 1], strides = [1, 1]} : vector<2000x32xf32> to vector<2000x1xf32>
    %get3A_6 = arith.constant 0 : index
    %get3A_7 = arith.constant 0 : index
    %get3A_8 = vector.load %arg2[%get3A_6, %get3A_7] : memref<2000x128xbf16, #tpu.memory_space<vmem>>, vector<2000x128xbf16>
    %convert_element_type3A = arith.extf %get3A_8 : vector<2000x128xbf16> to vector<2000x128xf32>
    %get3A_9 = arith.constant 0 : index
    %get3A_10 = arith.constant 0 : index
    %get3A_11 = vector.load %arg3[%get3A_9, %get3A_10] : memref<2000x128xbf16, #tpu.memory_space<vmem>>, vector<2000x128xbf16>
    %convert_element_type3A_12 = arith.extf %get3A_11 : vector<2000x128xbf16> to vector<2000x128xf32>
    %get3A_13 = arith.constant 0 : index
    %get3A_14 = arith.constant 0 : index
    %get3A_15 = vector.load %arg6[%get3A_13, %get3A_14] : memref<128x256xf32, #tpu.memory_space<vmem>>, vector<128x256xf32>
    %dot_general3A = arith.constant dense<0.000000e+00> : vector<2000x256xf32>
    %dot_general3A_16 = tpu.matmul %convert_element_type3A, %get3A_15, %dot_general3A {dimension_numbers = #tpu.dot_dimension_numbers<[1], [0], [0], [1], [0, 0, 1, 1], [], []>, transpose_lhs_hint = false} : vector<2000x128xf32>, vector<128x256xf32>, vector<2000x256xf32> -> vector<2000x256xf32>
    %get3A_17 = arith.constant 0 : index
    %get3A_18 = arith.constant 0 : index
    %get3A_19 = vector.load %arg7[%get3A_17, %get3A_18] : memref<128x256xf32, #tpu.memory_space<vmem>>, vector<128x256xf32>
    %dot_general3A_20 = arith.constant dense<0.000000e+00> : vector<2000x256xf32>
    %dot_general3A_21 = tpu.matmul %convert_element_type3A_12, %get3A_19, %dot_general3A_20 {dimension_numbers = #tpu.dot_dimension_numbers<[1], [0], [0], [1], [0, 0, 1, 1], [], []>, transpose_lhs_hint = false} : vector<2000x128xf32>, vector<128x256xf32>, vector<2000x256xf32> -> vector<2000x256xf32>
    %add3A_22 = arith.addf %dot_general3A_16, %dot_general3A_21 : vector<2000x256xf32>
    %get3A_23 = arith.constant 0 : index
    %get3A_24 = arith.constant 0 : index
    %get3A_25 = vector.load %arg8[%get3A_23, %get3A_24] : memref<16x256xf32, #tpu.memory_space<vmem>>, vector<16x256xf32>
    %dot_general3A_26 = arith.constant dense<0.000000e+00> : vector<2000x256xf32>
    %dot_general3A_27 = tpu.matmul %slice3A, %get3A_25, %dot_general3A_26 {dimension_numbers = #tpu.dot_dimension_numbers<[1], [0], [0], [1], [0, 0, 1, 1], [], []>, transpose_lhs_hint = false} : vector<2000x16xf32>, vector<16x256xf32>, vector<2000x256xf32> -> vector<2000x256xf32>
    %add3A_28 = arith.addf %add3A_22, %dot_general3A_27 : vector<2000x256xf32>
    %get3A_29 = arith.constant 0 : index
    %get3A_30 = arith.constant 0 : index
    %get3A_31 = vector.load %arg10[%get3A_29, %get3A_30] : memref<1x256xf32, #tpu.memory_space<vmem>>, vector<1x256xf32>
    %mul3A = vector.broadcast %slice3A_5 : vector<2000x1xf32> to vector<2000x256xf32>
    %mul3A_32 = vector.broadcast %get3A_31 : vector<1x256xf32> to vector<2000x256xf32>
    %mul3A_33 = arith.mulf %mul3A, %mul3A_32 : vector<2000x256xf32>
    %add3A_34 = arith.addf %add3A_28, %mul3A_33 : vector<2000x256xf32>
    %gt3A = arith.constant 0.000000e+00 : f32
    %gt3A_35 = vector.broadcast %gt3A : f32 to vector<2000x1xf32>
    %gt3A_36 = arith.cmpf ogt, %slice3A_5, %gt3A_35 : vector<2000x1xf32>
    %max3A = arith.constant 1.000000e+00 : f32
    %max3A_37 = vector.broadcast %max3A : f32 to vector<2000x1xf32>
    %max3A_38 = arith.maximumf %slice3A_5, %max3A_37 : vector<2000x1xf32>
    %div3A = arith.constant 1.000000e+00 : f32
    %div3A_39 = vector.broadcast %div3A : f32 to vector<2000x1xf32>
    %div3A_40 = arith.divf %div3A_39, %max3A_38 : vector<2000x1xf32>
    %mul3A_41 = vector.broadcast %div3A_40 : vector<2000x1xf32> to vector<2000x256xf32>
    %mul3A_42 = arith.mulf %add3A_34, %mul3A_41 : vector<2000x256xf32>
    %jit3A = arith.constant 0.000000e+00 : f32
    %broadcast_in_dim3A = vector.shape_cast %gt3A_36 : vector<2000x1xi1> to vector<2000x1xi1>
    %broadcast_in_dim3A_43 = vector.broadcast %broadcast_in_dim3A : vector<2000x1xi1> to vector<2000x256xi1>
    %broadcast_in_dim3A_44 = vector.broadcast %jit3A : f32 to vector<2000x256xf32>
    %select_n3A = arith.select %broadcast_in_dim3A_43, %mul3A_42, %broadcast_in_dim3A_44 : vector<2000x256xi1>, vector<2000x256xf32>
    %get3A_45 = arith.constant 0 : index
    %get3A_46 = arith.constant 0 : index
    %get3A_47 = vector.load %arg1[%get3A_45, %get3A_46] : memref<2000x256xf32, #tpu.memory_space<vmem>>, vector<2000x256xf32>
    %get3A_48 = arith.constant 0 : index
    %get3A_49 = arith.constant 0 : index
    %get3A_50 = vector.load %arg9[%get3A_48, %get3A_49] : memref<256x256xf32, #tpu.memory_space<vmem>>, vector<256x256xf32>
    %dot_general3A_51 = arith.constant dense<0.000000e+00> : vector<2000x256xf32>
    %dot_general3A_52 = tpu.matmul %select_n3A, %get3A_50, %dot_general3A_51 {dimension_numbers = #tpu.dot_dimension_numbers<[1], [0], [0], [1], [0, 0, 1, 1], [], []>, transpose_lhs_hint = false} : vector<2000x256xf32>, vector<256x256xf32>, vector<2000x256xf32> -> vector<2000x256xf32>
    %add3A_53 = arith.addf %get3A_47, %dot_general3A_52 : vector<2000x256xf32>
    %max3A_54 = arith.constant 0.000000e+00 : f32
    %max3A_55 = vector.broadcast %max3A_54 : f32 to vector<2000x256xf32>
    %max3A_56 = arith.maximumf %add3A_53, %max3A_55 : vector<2000x256xf32>
    %swap3A = arith.constant 0 : index
    %swap3A_57 = arith.constant 0 : index
    %swap3A_58 = vector.load %arg11[%swap3A, %swap3A_57] : memref<2000x256xf32, #tpu.memory_space<vmem>>, vector<2000x256xf32>
    tpu.vector_store %arg11[%swap3A, %swap3A_57], %max3A_56 {strides = array<i32>} : memref<2000x256xf32, #tpu.memory_space<vmem>>, vector<2000x256xf32>,
    return
  }
  func.func @transform_0(%arg0: i32) -> (i32, i32) {
    %c0_i32 = arith.constant 0 : i32
    %c0_i32_0 = arith.constant 0 : i32
    return %arg0, %c0_i32 : i32, i32
  }
  func.func @transform_1(%arg0: i32) -> (i32, i32) {
    %c0_i32 = arith.constant 0 : i32
    %c0_i32_0 = arith.constant 0 : i32
    return %arg0, %c0_i32 : i32, i32
  }
  func.func @transform_2(%arg0: i32) -> (i32, i32) {
    %add3A = arith.constant 5 : i32
    %add3A_0 = arith.addi %arg0, %add3A : i32
    %c0_i32 = arith.constant 0 : i32
    %c0_i32_1 = arith.constant 0 : i32
    return %add3A_0, %c0_i32 : i32, i32
  }
  func.func @transform_3(%arg0: i32) -> (i32, i32) {
    %c0_i32 = arith.constant 0 : i32
    %c0_i32_0 = arith.constant 0 : i32
    return %arg0, %c0_i32 : i32, i32
  }
  func.func @transform_4(%arg0: i32) -> (i32, i32) {
    %add3A = arith.constant 5 : i32
    %add3A_0 = arith.addi %arg0, %add3A : i32
    %c0_i32 = arith.constant 0 : i32
    %c0_i32_1 = arith.constant 0 : i32
    return %add3A_0, %c0_i32 : i32, i32
  }
  func.func @transform_5(%arg0: i32) -> (i32, i32) {
    %c0_i32 = arith.constant 0 : i32
    %c0_i32_0 = arith.constant 0 : i32
    %c0_i32_1 = arith.constant 0 : i32
    return %c0_i32, %c0_i32_0 : i32, i32
  }
  func.func @transform_6(%arg0: i32) -> (i32, i32) {
    %c0_i32 = arith.constant 0 : i32
    %c0_i32_0 = arith.constant 0 : i32
    %c0_i32_1 = arith.constant 0 : i32
    return %c0_i32, %c0_i32_0 : i32, i32
  }
  func.func @transform_7(%arg0: i32) -> (i32, i32) {
    %c0_i32 = arith.constant 0 : i32
    %c0_i32_0 = arith.constant 0 : i32
    %c0_i32_1 = arith.constant 0 : i32
    return %c0_i32, %c0_i32_0 : i32, i32
  }
  func.func @transform_8(%arg0: i32) -> (i32, i32) {
    %c0_i32 = arith.constant 0 : i32
    %c0_i32_0 = arith.constant 0 : i32
    %c0_i32_1 = arith.constant 0 : i32
    return %c0_i32, %c0_i32_0 : i32, i32
  }
  func.func @transform_9(%arg0: i32) -> (i32, i32) {
    %c0_i32 = arith.constant 0 : i32
    %c0_i32_0 = arith.constant 0 : i32
    %c0_i32_1 = arith.constant 0 : i32
    return %c0_i32, %c0_i32_0 : i32, i32
  }
  func.func @transform_10(%arg0: i32) -> (i32, i32) {
    %c0_i32 = arith.constant 0 : i32
    %c0_i32_0 = arith.constant 0 : i32
    return %arg0, %c0_i32 : i32, i32
  }
}

</mosaic_0001>

<sc_bundles>
// kernel: kernel.6.cloned.1.call-start
scs
__scs_entry_jumppad:
0x0: {  	(pc) =	sbr.rel $0x88, $3  }
0x1: {  	(tag) =	ssettag $0x0;
	lr =	simm.s32 $0x1  }
0x2: {  	[smem:$0x3F9A] =	sst lr;
	_ =	strace $0xD0000000  }
0x3: {  	_ = 	snop  }
0x4: {  	_ = 	snop  }
0x5: {  	_ = 	snop  }
0x6: {  	_ = 	snop  }
0x7: {  	_ = 	snop  }
__scs_overlays_trampoline_lowered:
0x8: {  	[smem:$0x3FA9] =	sst s0  }
0x9: {  	[smem:$0x3FAA] =	sst s1  }
0xa: {  	[smem:$0x3FAB] =	sst s2  }
0xb: {  	[smem:$0x3FAC] =	sst s3  }
0xc: {  	[smem:$0x3FAD] =	sst s4  }
0xd: {  	[smem:$0x3FAE] =	sst s5  }
0xe: {  	[smem:$0x3FAF] =	sst s6  }
0xf: {  	[smem:$0x3FB0] =	sst s7  }
0x10: {  	[smem:$0x3FB1] =	sst s8  }
0x11: {  	[smem:$0x3FB2] =	sst s9;
	s0 =	simm.s32 @!p0 $0x0  }
0x12: {  	s1 =	sld [smem:$0x3F98];
	s0 =	simm.s32 @p0 $0x1  }
0x13: {  	[smem:$0x3FB3] =	sst s0;
	s0 =	simm.s32 @!p1 $0x0  }
0x14: {  	s2 =	sld [smem:$0x3F97];
	s0 =	simm.s32 @p1 $0x1  }
0x15: {  	[smem:$0x3FB4] =	sst s0;
	s0 =	simm.s32 @!p2 $0x0  }
0x16: {  	s3 =	sld [smem:$0x3FDB];
	s0 =	simm.s32 @p2 $0x1  }
0x17: {  	s4 =	simm.s32 $0x1BF5;
	[smem:$0x3FB6] =	sst s0  }
0x18: {  	s0 =	sld [smem:$0x3F99];
	_ =	swait.ge [sflag:s4], $0x0  }
0x19: {  	s7 =	sld [smem:$0x3F9A]  }
0x1a: {  	s8 =	sadd.s32 $0xFFFFE003, lr  }
0x1b: {  	s9 =	sadd.s32 $0xFFFFFEF7, lr;
	s5 =	simm.s32 $0xFFFFFFFF;
	p2 =	slt.u32 s8, $0xFFFFF086  }
0x1c: {  	p1 =	slt.u32 s9, $0xF7A;
	s5 =	simm.s32 @!p2 $0x0  }
0x1d: {  	s5 =	simm.s32 @p1 $0x1;
	p0 =	seq.s32 s7, s2  }
0x1e: {  	s7 =	smul.u32 @!p0 $0xF7A, s2;
	p2 =	seq.s32 @!p0 s5, $0x0  }
0x1f: {  	s9 =	smul.u32 $0xF7A, s1;
	s8 =	simm.s32 @!p0 $0x1BF5;
	p2 =	por !p2, p0  }
0x20: {  	[sflag:s8] =	ssyncset.s32 @!p0 $0xFFFFF086;
	s6 =	sadd.s32 @!p0 s3, s7;
	s7 =	simm.s32 @!p0 $0x108  }
0x21: {  	s3 =	sadd.s32 s3, s9;
	s6 =	sadd.s32 @!p0 $0x88, s6;
	s7 =	simm.s32 @p2 $0x1082  }
0x22: {  	[simem:s7], [sflag:s8] =	dma.local @!p0 [hbm:s6], $0xF7A  }
0x23: {  	s9 =	sor.u32 $0xD0000000, s2;
	s6 =	simm.s32 $0x108;
	_ =	swait.ge @!p0 [sflag:s8], $0x0  }
0x24: {  	s3 =	sadd.s32 $0x88, s3;
	s6 =	simm.s32 @!p1 $0x1082;
	[sflag:s4] =	ssyncset.s32 $0xFFFFF086  }
0x25: {  	[simem:s6], [sflag:s4] =	dma.local [hbm:s3], $0xF7A  }
0x26: {  	[smem:$0x3F9A] =	sst s1;
	(tag) =	ssettag s2;
	_ =	strace s9  }
0x27: {  	s1 =	sld [smem:$0x3FAA]  }
0x28: {  	s2 =	sld [smem:$0x3FAB]  }
0x29: {  	s4 =	sld [smem:$0x3FAD]  }
0x2a: {  	p0 =	seq.s32 s5, $0x0;
	s5 =	sld [smem:$0x3FAE]  }
0x2b: {  	s6 =	sld [smem:$0x3FAF]  }
0x2c: {  	s7 =	sld [smem:$0x3FB0]  }
0x2d: {  	s3 =	simm.s32 $0x108;
	s8 =	sld [smem:$0x3FB1]  }
0x2e: {  	s3 =	simm.s32 @!p0 $0x1082;
	s9 =	sld [smem:$0x3FB2]  }
0x2f: {  	lr =	sadd.s32 s0, s3;
	s0 =	sld [smem:$0x3FA9]  }
0x30: {  	s3 =	sld [smem:$0x3FAC]  }
0x31: {  	[smem:$0x3FB5] =	sst s10  }
0x32: {  	s10 =	sld [smem:$0x3FB3];
	_ =	sdelay $0x3  }
0x33: {  	p0 =	seq.s32 s10, $0x1;
	s10 =	sld [smem:$0x3FB5];
	_ =	sdelay $0x3  }
0x34: {  	[smem:$0x3FB5] =	sst s10  }
0x35: {  	s10 =	sld [smem:$0x3FB4];
	_ =	sdelay $0x3  }
0x36: {  	p1 =	seq.s32 s10, $0x1;
	s10 =	sld [smem:$0x3FB5];
	_ =	sdelay $0x3  }
0x37: {  	[smem:$0x3FB5] =	sst s10  }
0x38: {  	s10 =	sld [smem:$0x3FB6]  }
0x39: {  	_ = 	snop;
	(pc) =	sbr.ind lr, $3  }
0x3a: {  	_ = 	snop  }
0x3b: {  	_ = 	snop  }
0x3c: {  	p2 =	seq.s32 s10, $0x1;
	s10 =	sld [smem:$0x3FB5]  }
0x3d: {  	_ =	shalt  }
0x3e: {  	_ =	shalt  }
0x3f: {  	_ =	shalt  }
0x40: {  	_ =	shalt  }
0x41: {  	_ =	shalt  }
0x42: {  	_ =	shalt  }
0x43: {  	_ =	shalt  }
0x44: {  	_ =	shalt  }
0x45: {  	_ =	shalt  }
0x46: {  	_ =	shalt  }
0x47: {  	_ =	shalt  }
0x48: {  	_ =	shalt  }
0x49: {  	_ =	shalt  }
0x4a: {  	_ =	shalt  }
0x4b: {  	_ =	shalt  }
0x4c: {  	_ =	shalt  }
0x4d: {  	_ =	shalt  }
0x4e: {  	_ =	shalt  }
0x4f: {  	_ =	shalt  }
0x50: {  	_ =	shalt  }
0x51: {  	_ =	shalt  }
0x52: {  	_ =	shalt  }
0x53: {  	_ =	shalt  }
0x54: {  	_ =	shalt  }
0x55: {  	_ =	shalt  }
0x56: {  	_ =	shalt  }
0x57: {  	_ =	shalt  }
0x58: {  	_ =	shalt  }
0x59: {  	_ =	shalt  }
0x5a: {  	_ =	shalt  }
0x5b: {  	_ =	shalt  }
0x5c: {  	_ =	shalt  }
0x5d: {  	_ =	shalt  }
0x5e: {  	_ =	shalt  }
0x5f: {  	_ =	shalt  }
0x60: {  	_ =	shalt  }
0x61: {  	_ =	shalt  }
0x62: {  	_ =	shalt  }
0x63: {  	_ =	shalt  }
0x64: {  	_ =	shalt  }
0x65: {  	_ =	shalt  }
0x66: {  	_ =	shalt  }
0x67: {  	_ =	shalt  }
0x68: {  	_ =	shalt  }
0x69: {  	_ =	shalt  }
0x6a: {  	_ =	shalt  }
0x6b: {  	_ =	shalt  }
0x6c: {  	_ =	shalt  }
0x6d: {  	_ =	shalt  }
0x6e: {  	_ =	shalt  }
0x6f: {  	_ =	shalt  }
0x70: {  	_ =	shalt  }
0x71: {  	_ =	shalt  }
0x72: {  	_ =	shalt  }
0x73: {  	_ =	shalt  }
0x74: {  	_ =	shalt  }
0x75: {  	_ =	shalt  }
0x76: {  	_ =	shalt  }
0x77: {  	_ =	shalt  }
0x78: {  	_ =	shalt  }
0x79: {  	_ =	shalt  }
0x7a: {  	_ =	shalt  }
0x7b: {  	_ =	shalt  }
0x7c: {  	_ =	shalt  }
0x7d: {  	_ =	shalt  }
0x7e: {  	_ =	shalt  }
0x7f: {  	_ =	shalt  }
0x80: {  	_ =	shalt  }
0x81: {  	_ =	shalt  }
0x82: {  	_ =	shalt  }
0x83: {  	_ =	shalt  }
0x84: {  	_ =	shalt  }
0x85: {  	_ =	shalt  }
0x86: {  	_ =	shalt  }
0x87: {  	_ =	shalt  }
.Lfunc_end0:
.L_simem_size_0:
called_computation_lowered:
.L_overlay_start_0:
0x88: {  	s2 =	sld [smem:$0x3FD9]  }
0x89: {  	s3 =	sld [smem:$0x3FFE];
	_ =	sdelay $0x1  }
0x8a: {  	s1 =	srdreg.scid  }
0x8b: {  	s0 =	sand.u32 $0x1, s1  }
0x8c: {  	s17 =	sshll.u32 s0, $0xA;
	s2 =	sadd.s32 s3, s2  }
0x8d: {  	s2 =	sadd.s32 s2, s17  }
0x8e: {  	[smem:$0x3FC1] =	sst s2  }
0x8f: {  	_ = 	snop  }
0x90: {  	s2 =	sld [smem:$0x3FD0];
	(tm) =	ssettm $0x1  }
0x91: {  	s18 =	sld [smem:$0x3FFB];
	_ =	sdelay $0x3  }
0x92: {  	_ =	strace s18  }
0x93: {  	s3 =	sld [smem:$0x3FFC];
	_ =	sdelay $0x3  }
0x94: {  	_ =	strace s3  }
0x95: {  	s3 =	sld [smem:$0x3FFD];
	_ =	sdelay $0x3  }
0x96: {  	_ =	strace s3  }
0x97: {  	_ =	strace $0x8FFFFFFF  }
0x98: {  	s19 =	sld [smem:$0x3FDB];
	_ =	sdelay $0x1  }
0x99: {  	s4 =	simm.s32 $_scs_section_size  }
0x9a: {  	s5 =	simm.s32 $_size__tile_overlayer_lowered;
	s6 =	simm.s32 $_tile_overlayer_lowered  }
0x9b: {  	s22 =	simm.s32 $0x1BFF;
	s21 =	sshll.u32 s6, $0x1;
	s3 =	sadd.s32 s4, s19  }
0x9c: {  	s7 =	simm.s32 $0x0;
	s20 =	sshll.u32 s5, $0x1;
	s5 =	sadd.s32 s21, s3  }
0x9d: {  	[timem:s7], [sflag:s22] =	dma.local [hbm:s5], s20  }
0x9e: {  	_ =	swait.ge [sflag:s22], s20  }
0x9f: {  	s4 =	ssub.s32 $0x0, s20;
	[sflag:s22] =	ssyncset.done $0x0  }
0xa0: {  	[sflag:s22] =	ssyncadd.s32 s4;
	_ =	sdelay $0x1  }
0xa1: {  	s23 =	simm.s32 $0x1B8B  }
0xa2: {  	_ =	swait.ge [sflag:s23], $0x1  }
0xa3: {  	[sflag:s23] =	ssyncset.done $0x0  }
0xa4: {  	s25 =	simm.s32 $0x1B8E;
	s24 =	sld [smem:$0x3FFE];
	[sflag:s23] =	ssyncadd.s32 $0xFFFFFFFF  }
0xa5: {  	s26 =	simm.s32 $execute0_lowered;
	[smem:$0x3FD2] =	sst s25  }
0xa6: {  	s5 =	sshll.u32 s26, $0x1;
	_ =	strace $0x80000046;
	[dreg:$0x1] =	wrdreg $0xFFFFFFFF  }
0xa7: {  	s28 =	simm.s32 $_size_execute0_lowered;
	s3 =	sadd.s32 s3, s5;
	[dreg:$0x0] =	wrdreg $0x0  }
0xa8: {  	s5 =	sshll.u32 s28, $0x1;
	[dreg:$0x2] =	wrdreg s3  }
0xa9: {  	[dreg:$0x3] =	wrdreg s5  }
0xaa: {  	[dreg:$0x4] =	wrdreg $0xC0  }
0xab: {  	_ =	task [dreg:s7], $0x5FFFF  }
0xac: {  	[dreg:$0x1] =	wrdreg $0xFFFFFFFF  }
0xad: {  	[dreg:$0x0] =	wrdreg $0x60  }
0xae: {  	[dreg:$0x2] =	wrdreg s24  }
0xaf: {  	[dreg:$0x3] =	wrdreg s2  }
0xb0: {  	[dreg:$0x4] =	wrdreg $0x91000  }
0xb1: {  	[dreg:$0x5] =	wrdreg $0x12D800  }
0xb2: {  	[dreg:$0x6] =	wrdreg $0x9  }
0xb3: {  	_ =	task.clear_ibuf [dreg:s7], $0x7FFFF;
	_ =	strace $0x90000046  }
0xb4: {  	s29 =	simm.s32 $0x9;
	_ =	strace $0x80000048  }
0xb5: {  	_ =	swait.ge [sflag:s29], $0x1  }
0xb6: {  	[sflag:s29] =	ssyncadd.s32 $0xFFFFFFFF  }
0xb7: {  	_ =	strace $0x90000048  }
0xb8: {  	_ =	sfence  }
0xb9: {  	s30 =	sld [smem:$0x0];
	_ =	sdelay $0x2  }
0xba: {  	s31 =	sshll.u32 s1, $0xD;
	s1 =	sshrl.u32 s1, $0x2  }
0xbb: {  	s3 =	sand.u32 $0x4000, s31;
	s1 =	sadd.s32 s1, s30  }
0xbc: {  	s0 =	sor.u32 s3, s0;
	s1 =	sshll.u32 s1, $0x11  }
0xbd: {  	s0 =	sor.u32 s1, s0  }
0xbe: {  	s0 =	sadd.s32 $0x8F2B, s0  }
0xbf: {  	[sflag:s0] =	ssyncadd.remote.s32 $0x1  }
0xc0: {  	_ =	sfence.sel $0xFFFF  }
0xc1: {  	[dreg:$0x0] =	wrdreg $0xFFFFFFFF;
	(pc) =	sbr.abs _section_cstart, $3  }
0xc2: {  	[dreg:$0x1] =	wrdreg $0xFFFFFFFF  }
0xc3: {  	_ =	task.clear_ibuf [dreg:s7], $0x2FFFF;
	_ =	strace $0x9FFFFFFF  }
0xc4: {  	(tm) =	ssettm $0x7FFFFFFF  }
0xc5: {  	_ =	shalt  }
tec
execute0_lowered:
.L_overlay_start_1:
0x0: {  	(tag) =	ssettag $0x1  }
0x1: {  	s0 =	rddreg [dreg:$0x0]  }
0x2: {  	s1 =	rddreg [dreg:$0x1]  }
0x3: {  	s2 =	rddreg [dreg:$0x2]  }
0x4: {  	s11 =	stileid.u32;
	s4 =	srdreg.scid  }
0x5: {  	s3 =	rddreg [dreg:$0x3];
	s20 =	simm.s32 $0x8100;
	s5 =	smul.u32 $0x510, s11  }
0x6: {  	s28 =	simm.s32 $0x6900;
	s29 =	simm.s32 $0x1;
	s8 =	smul.u32 $0x271, s11  }
0x7: {  	s30 =	simm.s32 $0x2;
	s31 =	simm.s32 $0x3;
	s9 =	smul.u32 $0x27200, s11  }
0x8: {  	s6 =	sand.u32 $0x1, s4;
	s4 =	simm.s32 $0x0;
	s17 =	smul.u32 $0x13880, s11  }
0x9: {  	s7 =	smul.u32 $0x2710, s6;
	[smem:$0x7FF] =	sst s4;
	s6 =	ssub.s32 $0x2, s6  }
0xa: {  	_ =	strace $0x80000047;
	s16 =	sadd.s32 s5, s0;
	s22 =	sshrl.u32 s6, $0x1  }
0xb: {  	s23 =	sshrl.u32 s9, $0x2;
	s19 =	sshrl.u32 s17, $0x1;
	s21 =	sadd.s32 s8, s7  }
0xc: {  	s6 =	ssub.s32 s6, s22;
	s5 =	sadd.s32 s23, s2;
	s15 =	sadd.s32 $0x7A00, s16  }
0xd: {  	s16 =	sadd.s32 $0x2800, s16;
	s22 =	sadd.s32 s19, s3;
	s26 =	sadd.s32 s19, s2  }
0xe: {  	s7 =	sshll.u32 s21, $0x3;
	s8 =	sadd.s32 $0x1000, s5;
	s24 =	sadd.s32 $0x2000, s5  }
0xf: {  	s25 =	sadd.s32 $0x3000, s5;
	s9 =	sadd.s32 $0x4000, s5;
	s10 =	sadd.s32 $0x5000, s5  }
0x10: {  	s11 =	sadd.s32 $0x6000, s5;
	s12 =	sadd.s32 $0x7000, s5;
	s13 =	sadd.s32 $0x8000, s5  }
0x11: {  	s14 =	sadd.s32 $0x9000, s5;
	s19 =	smax.u32 s6, $0x1;
	[dreg:$0x5] =	wrdreg s8  }
0x12: {  	s21 =	simm.s32 $0x5;
	s23 =	sshrl.u32 s22, $0x3;
	[dreg:$0x6] =	wrdreg s24  }
0x13: {  	s22 =	simm.s32 $0x0;
	s0 =	sadd.s32 s7, s0;
	[dreg:$0x7] =	wrdreg s25  }
0x14: {  	s17 =	sadd.s32 s1, s7;
	s24 =	simm.s32 $0x60;
	s25 =	sshrl.u32 s26, $0x3  }
0x15: {  	v0 =	vimm.bf16 $0.0e+00;
	s26 =	simm.s32 $0x5100;
	s1 =	simm.s32 $0x4;
	s18 =	sadd.s32 $0xCC00, s0  }
.LBB2_1:
0x16: {  	[tilespmem:$0x8100] =	vst v0  }
0x17: {  	[tilespmem:$0x8110] =	vst v0  }
0x18: {  	[tilespmem:$0x8120] =	vst v0  }
0x19: {  	[tilespmem:$0x8130] =	vst v0  }
0x1a: {  	[tilespmem:$0x8140] =	vst v0  }
0x1b: {  	[tilespmem:$0x8150] =	vst v0  }
0x1c: {  	[tilespmem:$0x8160] =	vst v0  }
0x1d: {  	[tilespmem:$0x8170] =	vst v0  }
0x1e: {  	[tilespmem:$0x8180] =	vst v0  }
0x1f: {  	[tilespmem:$0x8190] =	vst v0  }
0x20: {  	[tilespmem:$0x81A0] =	vst v0  }
0x21: {  	[tilespmem:$0x81B0] =	vst v0  }
0x22: {  	[tilespmem:$0x81C0] =	vst v0  }
0x23: {  	[tilespmem:$0x81D0] =	vst v0  }
0x24: {  	[tilespmem:$0x81E0] =	vst v0  }
0x25: {  	[tilespmem:$0x81F0] =	vst v0  }
0x26: {  	[tilespmem:$0x8200] =	vst v0  }
0x27: {  	[tilespmem:$0x8210] =	vst v0  }
0x28: {  	[tilespmem:$0x8220] =	vst v0  }
0x29: {  	[tilespmem:$0x8230] =	vst v0  }
0x2a: {  	[tilespmem:$0x8240] =	vst v0  }
0x2b: {  	[tilespmem:$0x8250] =	vst v0  }
0x2c: {  	[tilespmem:$0x8260] =	vst v0  }
0x2d: {  	[tilespmem:$0x8270] =	vst v0  }
0x2e: {  	[tilespmem:$0x8280] =	vst v0  }
0x2f: {  	[tilespmem:$0x8290] =	vst v0  }
0x30: {  	[tilespmem:$0x82A0] =	vst v0  }
0x31: {  	[tilespmem:$0x82B0] =	vst v0  }
0x32: {  	[tilespmem:$0x82C0] =	vst v0  }
0x33: {  	[tilespmem:$0x82D0] =	vst v0  }
0x34: {  	[tilespmem:$0x82E0] =	vst v0  }
0x35: {  	[tilespmem:$0x82F0] =	vst v0  }
0x36: {  	[tilespmem:$0x8300] =	vst v0  }
0x37: {  	[tilespmem:$0x8310] =	vst v0  }
0x38: {  	[tilespmem:$0x8320] =	vst v0  }
0x39: {  	[tilespmem:$0x8330] =	vst v0  }
0x3a: {  	[tilespmem:$0x8340] =	vst v0  }
0x3b: {  	[tilespmem:$0x8350] =	vst v0  }
0x3c: {  	[tilespmem:$0x8360] =	vst v0  }
0x3d: {  	[tilespmem:$0x8370] =	vst v0  }
0x3e: {  	[tilespmem:$0x8380] =	vst v0  }
0x3f: {  	[tilespmem:$0x8390] =	vst v0  }
0x40: {  	[tilespmem:$0x83A0] =	vst v0  }
0x41: {  	[tilespmem:$0x83B0] =	vst v0  }
0x42: {  	[tilespmem:$0x83C0] =	vst v0  }
0x43: {  	[tilespmem:$0x83D0] =	vst v0  }
0x44: {  	[tilespmem:$0x83E0] =	vst v0  }
0x45: {  	[tilespmem:$0x83F0] =	vst v0  }
0x46: {  	[tilespmem:$0x8400] =	vst v0  }
0x47: {  	[tilespmem:$0x8410] =	vst v0  }
0x48: {  	[tilespmem:$0x8420] =	vst v0  }
0x49: {  	[tilespmem:$0x8430] =	vst v0  }
0x4a: {  	[tilespmem:$0x8440] =	vst v0  }
0x4b: {  	[tilespmem:$0x8450] =	vst v0  }
0x4c: {  	[tilespmem:$0x8460] =	vst v0  }
0x4d: {  	[tilespmem:$0x8470] =	vst v0  }
0x4e: {  	[tilespmem:$0x8480] =	vst v0  }
0x4f: {  	[tilespmem:$0x8490] =	vst v0  }
0x50: {  	[tilespmem:$0x84A0] =	vst v0  }
0x51: {  	[tilespmem:$0x84B0] =	vst v0  }
0x52: {  	[tilespmem:$0x84C0] =	vst v0  }
0x53: {  	[tilespmem:$0x84D0] =	vst v0  }
0x54: {  	[tilespmem:$0x84E0] =	vst v0  }
0x55: {  	[tilespmem:$0x84F0] =	vst v0  }
0x56: {  	[tilespmem:$0x8500] =	vst v0  }
0x57: {  	[tilespmem:$0x8510] =	vst v0  }
0x58: {  	[tilespmem:$0x8520] =	vst v0  }
0x59: {  	[tilespmem:$0x8530] =	vst v0  }
0x5a: {  	[tilespmem:$0x8540] =	vst v0  }
0x5b: {  	[tilespmem:$0x8550] =	vst v0  }
0x5c: {  	[tilespmem:$0x8560] =	vst v0  }
0x5d: {  	[tilespmem:$0x8570] =	vst v0  }
0x5e: {  	[tilespmem:$0x8580] =	vst v0  }
0x5f: {  	[tilespmem:$0x8590] =	vst v0  }
0x60: {  	[tilespmem:$0x85A0] =	vst v0  }
0x61: {  	[tilespmem:$0x85B0] =	vst v0  }
0x62: {  	[tilespmem:$0x85C0] =	vst v0  }
0x63: {  	[tilespmem:$0x85D0] =	vst v0  }
0x64: {  	[tilespmem:$0x85E0] =	vst v0  }
0x65: {  	[tilespmem:$0x85F0] =	vst v0  }
0x66: {  	[tilespmem:$0x8600] =	vst v0  }
0x67: {  	[tilespmem:$0x8610] =	vst v0  }
0x68: {  	[tilespmem:$0x8620] =	vst v0  }
0x69: {  	[tilespmem:$0x8630] =	vst v0  }
0x6a: {  	[tilespmem:$0x8640] =	vst v0  }
0x6b: {  	[tilespmem:$0x8650] =	vst v0  }
0x6c: {  	[tilespmem:$0x8660] =	vst v0  }
0x6d: {  	[tilespmem:$0x8670] =	vst v0  }
0x6e: {  	[tilespmem:$0x8680] =	vst v0  }
0x6f: {  	[tilespmem:$0x8690] =	vst v0  }
0x70: {  	[tilespmem:$0x86A0] =	vst v0  }
0x71: {  	[tilespmem:$0x86B0] =	vst v0  }
0x72: {  	[tilespmem:$0x86C0] =	vst v0  }
0x73: {  	[tilespmem:$0x86D0] =	vst v0  }
0x74: {  	[tilespmem:$0x86E0] =	vst v0  }
0x75: {  	[tilespmem:$0x86F0] =	vst v0  }
0x76: {  	[tilespmem:$0x8700] =	vst v0  }
0x77: {  	[tilespmem:$0x8710] =	vst v0  }
0x78: {  	[tilespmem:$0x8720] =	vst v0  }
0x79: {  	[tilespmem:$0x8730] =	vst v0  }
0x7a: {  	[tilespmem:$0x8740] =	vst v0  }
0x7b: {  	[tilespmem:$0x8750] =	vst v0  }
0x7c: {  	[tilespmem:$0x8760] =	vst v0  }
0x7d: {  	[tilespmem:$0x8770] =	vst v0  }
0x7e: {  	[tilespmem:$0x8780] =	vst v0  }
0x7f: {  	[tilespmem:$0x8790] =	vst v0  }
0x80: {  	[tilespmem:$0x87A0] =	vst v0  }
0x81: {  	[tilespmem:$0x87B0] =	vst v0  }
0x82: {  	[tilespmem:$0x87C0] =	vst v0  }
0x83: {  	[tilespmem:$0x87D0] =	vst v0  }
0x84: {  	[tilespmem:$0x87E0] =	vst v0  }
0x85: {  	[tilespmem:$0x87F0] =	vst v0  }
0x86: {  	[tilespmem:$0x8800] =	vst v0  }
0x87: {  	[tilespmem:$0x8810] =	vst v0  }
0x88: {  	[tilespmem:$0x8820] =	vst v0  }
0x89: {  	[tilespmem:$0x8830] =	vst v0  }
0x8a: {  	[tilespmem:$0x8840] =	vst v0  }
0x8b: {  	[tilespmem:$0x8850] =	vst v0  }
0x8c: {  	[tilespmem:$0x8860] =	vst v0  }
0x8d: {  	[tilespmem:$0x8870] =	vst v0  }
0x8e: {  	[tilespmem:$0x8880] =	vst v0  }
0x8f: {  	[tilespmem:$0x8890] =	vst v0  }
0x90: {  	[tilespmem:$0x88A0] =	vst v0  }
0x91: {  	[tilespmem:$0x88B0] =	vst v0  }
0x92: {  	[tilespmem:$0x88C0] =	vst v0  }
0x93: {  	[tilespmem:$0x88D0] =	vst v0  }
0x94: {  	[tilespmem:$0x88E0] =	vst v0  }
0x95: {  	[tilespmem:$0x88F0] =	vst v0  }
0x96: {  	[tilespmem:$0x8900] =	vst v0  }
0x97: {  	[tilespmem:$0x8910] =	vst v0  }
0x98: {  	[tilespmem:$0x8920] =	vst v0  }
0x99: {  	[tilespmem:$0x8930] =	vst v0  }
0x9a: {  	[tilespmem:$0x8940] =	vst v0  }
0x9b: {  	[tilespmem:$0x8950] =	vst v0  }
0x9c: {  	[tilespmem:$0x8960] =	vst v0  }
0x9d: {  	[tilespmem:$0x8970] =	vst v0  }
0x9e: {  	[tilespmem:$0x8980] =	vst v0  }
0x9f: {  	[tilespmem:$0x8990] =	vst v0  }
0xa0: {  	[tilespmem:$0x89A0] =	vst v0  }
0xa1: {  	[tilespmem:$0x89B0] =	vst v0  }
0xa2: {  	[tilespmem:$0x89C0] =	vst v0  }
0xa3: {  	[tilespmem:$0x89D0] =	vst v0  }
0xa4: {  	[tilespmem:$0x89E0] =	vst v0  }
0xa5: {  	[tilespmem:$0x89F0] =	vst v0  }
0xa6: {  	[tilespmem:$0x8A00] =	vst v0  }
0xa7: {  	[tilespmem:$0x8A10] =	vst v0  }
0xa8: {  	[tilespmem:$0x8A20] =	vst v0  }
0xa9: {  	[tilespmem:$0x8A30] =	vst v0  }
0xaa: {  	[tilespmem:$0x8A40] =	vst v0  }
0xab: {  	[tilespmem:$0x8A50] =	vst v0  }
0xac: {  	[tilespmem:$0x8A60] =	vst v0  }
0xad: {  	[tilespmem:$0x8A70] =	vst v0  }
0xae: {  	[tilespmem:$0x8A80] =	vst v0  }
0xaf: {  	[tilespmem:$0x8A90] =	vst v0  }
0xb0: {  	[tilespmem:$0x8AA0] =	vst v0  }
0xb1: {  	[tilespmem:$0x8AB0] =	vst v0  }
0xb2: {  	[tilespmem:$0x8AC0] =	vst v0  }
0xb3: {  	[tilespmem:$0x8AD0] =	vst v0  }
0xb4: {  	[tilespmem:$0x8AE0] =	vst v0  }
0xb5: {  	[tilespmem:$0x8AF0] =	vst v0  }
0xb6: {  	[tilespmem:$0x8B00] =	vst v0  }
0xb7: {  	[tilespmem:$0x8B10] =	vst v0  }
0xb8: {  	[tilespmem:$0x8B20] =	vst v0  }
0xb9: {  	[tilespmem:$0x8B30] =	vst v0  }
0xba: {  	[tilespmem:$0x8B40] =	vst v0  }
0xbb: {  	[tilespmem:$0x8B50] =	vst v0  }
0xbc: {  	[tilespmem:$0x8B60] =	vst v0  }
0xbd: {  	[tilespmem:$0x8B70] =	vst v0  }
0xbe: {  	[tilespmem:$0x8B80] =	vst v0  }
0xbf: {  	[tilespmem:$0x8B90] =	vst v0  }
0xc0: {  	[tilespmem:$0x8BA0] =	vst v0  }
0xc1: {  	[tilespmem:$0x8BB0] =	vst v0  }
0xc2: {  	[tilespmem:$0x8BC0] =	vst v0  }
0xc3: {  	[tilespmem:$0x8BD0] =	vst v0  }
0xc4: {  	[tilespmem:$0x8BE0] =	vst v0  }
0xc5: {  	[tilespmem:$0x8BF0] =	vst v0  }
0xc6: {  	[tilespmem:$0x8C00] =	vst v0  }
0xc7: {  	[tilespmem:$0x8C10] =	vst v0  }
0xc8: {  	[tilespmem:$0x8C20] =	vst v0  }
0xc9: {  	[tilespmem:$0x8C30] =	vst v0  }
0xca: {  	[tilespmem:$0x8C40] =	vst v0  }
0xcb: {  	[tilespmem:$0x8C50] =	vst v0  }
0xcc: {  	[tilespmem:$0x8C60] =	vst v0  }
0xcd: {  	[tilespmem:$0x8C70] =	vst v0  }
0xce: {  	[tilespmem:$0x8C80] =	vst v0  }
0xcf: {  	[tilespmem:$0x8C90] =	vst v0  }
0xd0: {  	[tilespmem:$0x8CA0] =	vst v0  }
0xd1: {  	[tilespmem:$0x8CB0] =	vst v0  }
0xd2: {  	[tilespmem:$0x8CC0] =	vst v0  }
0xd3: {  	[tilespmem:$0x8CD0] =	vst v0  }
0xd4: {  	[tilespmem:$0x8CE0] =	vst v0  }
0xd5: {  	[tilespmem:$0x8CF0] =	vst v0  }
0xd6: {  	[tilespmem:$0x8D00] =	vst v0  }
0xd7: {  	[tilespmem:$0x8D10] =	vst v0  }
0xd8: {  	[tilespmem:$0x8D20] =	vst v0  }
0xd9: {  	[tilespmem:$0x8D30] =	vst v0  }
0xda: {  	[tilespmem:$0x8D40] =	vst v0  }
0xdb: {  	[tilespmem:$0x8D50] =	vst v0  }
0xdc: {  	[tilespmem:$0x8D60] =	vst v0  }
0xdd: {  	[tilespmem:$0x8D70] =	vst v0  }
0xde: {  	[tilespmem:$0x8D80] =	vst v0  }
0xdf: {  	[tilespmem:$0x8D90] =	vst v0  }
0xe0: {  	[tilespmem:$0x8DA0] =	vst v0  }
0xe1: {  	[tilespmem:$0x8DB0] =	vst v0  }
0xe2: {  	[tilespmem:$0x8DC0] =	vst v0  }
0xe3: {  	[tilespmem:$0x8DD0] =	vst v0  }
0xe4: {  	[tilespmem:$0x8DE0] =	vst v0  }
0xe5: {  	[tilespmem:$0x8DF0] =	vst v0  }
0xe6: {  	[tilespmem:$0x8E00] =	vst v0  }
0xe7: {  	[tilespmem:$0x8E10] =	vst v0  }
0xe8: {  	[tilespmem:$0x8E20] =	vst v0  }
0xe9: {  	[tilespmem:$0x8E30] =	vst v0  }
0xea: {  	[tilespmem:$0x8E40] =	vst v0  }
0xeb: {  	[tilespmem:$0x8E50] =	vst v0  }
0xec: {  	[tilespmem:$0x8E60] =	vst v0  }
0xed: {  	[tilespmem:$0x8E70] =	vst v0  }
0xee: {  	[tilespmem:$0x8E80] =	vst v0  }
0xef: {  	[tilespmem:$0x8E90] =	vst v0  }
0xf0: {  	[tilespmem:$0x8EA0] =	vst v0  }
0xf1: {  	[tilespmem:$0x8EB0] =	vst v0  }
0xf2: {  	[tilespmem:$0x8EC0] =	vst v0  }
0xf3: {  	[tilespmem:$0x8ED0] =	vst v0  }
0xf4: {  	[tilespmem:$0x8EE0] =	vst v0  }
0xf5: {  	[tilespmem:$0x8EF0] =	vst v0  }
0xf6: {  	[tilespmem:$0x8F00] =	vst v0  }
0xf7: {  	[tilespmem:$0x8F10] =	vst v0  }
0xf8: {  	[tilespmem:$0x8F20] =	vst v0  }
0xf9: {  	[tilespmem:$0x8F30] =	vst v0  }
0xfa: {  	[tilespmem:$0x8F40] =	vst v0  }
0xfb: {  	[tilespmem:$0x8F50] =	vst v0  }
0xfc: {  	[tilespmem:$0x8F60] =	vst v0  }
0xfd: {  	[tilespmem:$0x8F70] =	vst v0  }
0xfe: {  	[tilespmem:$0x8F80] =	vst v0  }
0xff: {  	[tilespmem:$0x8F90] =	vst v0  }
0x100: {  	[tilespmem:$0x8FA0] =	vst v0  }
0x101: {  	[tilespmem:$0x8FB0] =	vst v0  }
0x102: {  	[tilespmem:$0x8FC0] =	vst v0  }
0x103: {  	[tilespmem:$0x8FD0] =	vst v0  }
0x104: {  	[tilespmem:$0x8FE0] =	vst v0  }
0x105: {  	[tilespmem:$0x8FF0] =	vst v0  }
0x106: {  	[tilespmem:$0x9000] =	vst v0  }
0x107: {  	[tilespmem:$0x9010] =	vst v0  }
0x108: {  	[tilespmem:$0x9020] =	vst v0  }
0x109: {  	[tilespmem:$0x9030] =	vst v0  }
0x10a: {  	[tilespmem:$0x9040] =	vst v0  }
0x10b: {  	[tilespmem:$0x9050] =	vst v0  }
0x10c: {  	[tilespmem:$0x9060] =	vst v0  }
0x10d: {  	[tilespmem:$0x9070] =	vst v0  }
0x10e: {  	[tilespmem:$0x9080] =	vst v0  }
0x10f: {  	[tilespmem:$0x9090] =	vst v0  }
0x110: {  	[tilespmem:$0x90A0] =	vst v0  }
0x111: {  	[tilespmem:$0x90B0] =	vst v0  }
0x112: {  	[tilespmem:$0x90C0] =	vst v0  }
0x113: {  	[tilespmem:$0x90D0] =	vst v0  }
0x114: {  	[tilespmem:$0x90E0] =	vst v0  }
0x115: {  	[tilespmem:$0x90F0] =	vst v0  }
0x116: {  	[spmem:s5] =	stream.linear.scatter [tilespmem:s20], [sflag:$0x5], $0x1000, $0x38;
	[tilespmem:$0x1CA00] =	vst v63  }
0x117: {  	_ =	swait.ge [sflag:s21], $0x1000  }
0x118: {  	[sflag:s21] =	ssyncset.done $0x0  }
0x119: {  	s0 =	rddreg [dreg:$0x5];
	[sflag:s21] =	ssyncadd.s32 $0xFFFFF000  }
0x11a: {  	[spmem:s0] =	stream.linear.scatter [tilespmem:s20], [sflag:$0x5], $0x1000, $0x38;
	[tilespmem:$0x1CA00] =	vst v63  }
0x11b: {  	_ =	swait.ge [sflag:s21], $0x1000  }
0x11c: {  	[sflag:s21] =	ssyncset.done $0x0  }
0x11d: {  	s6 =	rddreg [dreg:$0x6];
	[sflag:s21] =	ssyncadd.s32 $0xFFFFF000  }
0x11e: {  	[spmem:s6] =	stream.linear.scatter [tilespmem:s20], [sflag:$0x5], $0x1000, $0x38;
	[tilespmem:$0x1CA00] =	vst v63  }
0x11f: {  	_ =	swait.ge [sflag:s21], $0x1000  }
0x120: {  	[sflag:s21] =	ssyncset.done $0x0  }
0x121: {  	s7 =	rddreg [dreg:$0x7];
	[sflag:s21] =	ssyncadd.s32 $0xFFFFF000  }
0x122: {  	[spmem:s7] =	stream.linear.scatter [tilespmem:s20], [sflag:$0x5], $0x1000, $0x38;
	[tilespmem:$0x1CA00] =	vst v63  }
0x123: {  	_ =	swait.ge [sflag:s21], $0x1000  }
0x124: {  	[sflag:s21] =	ssyncset.done $0x0  }
0x125: {  	[sflag:s21] =	ssyncadd.s32 $0xFFFFF000  }
0x126: {  	[spmem:s9] =	stream.linear.scatter [tilespmem:s20], [sflag:$0x5], $0x1000, $0x38;
	[tilespmem:$0x1CA00] =	vst v63  }
0x127: {  	_ =	swait.ge [sflag:s21], $0x1000  }
0x128: {  	[sflag:s21] =	ssyncset.done $0x0  }
0x129: {  	[sflag:s21] =	ssyncadd.s32 $0xFFFFF000  }
0x12a: {  	[spmem:s10] =	stream.linear.scatter [tilespmem:s20], [sflag:$0x5], $0x1000, $0x38;
	[tilespmem:$0x1CA00] =	vst v63  }
0x12b: {  	_ =	swait.ge [sflag:s21], $0x1000  }
0x12c: {  	[sflag:s21] =	ssyncset.done $0x0  }
0x12d: {  	[sflag:s21] =	ssyncadd.s32 $0xFFFFF000  }
0x12e: {  	[spmem:s11] =	stream.linear.scatter [tilespmem:s20], [sflag:$0x5], $0x1000, $0x38;
	[tilespmem:$0x1CA00] =	vst v63  }
0x12f: {  	_ =	swait.ge [sflag:s21], $0x1000  }
0x130: {  	[sflag:s21] =	ssyncset.done $0x0  }
0x131: {  	[sflag:s21] =	ssyncadd.s32 $0xFFFFF000  }
0x132: {  	[spmem:s12] =	stream.linear.scatter [tilespmem:s20], [sflag:$0x5], $0x1000, $0x38;
	[tilespmem:$0x1CA00] =	vst v63  }
0x133: {  	_ =	swait.ge [sflag:s21], $0x1000  }
0x134: {  	[sflag:s21] =	ssyncset.done $0x0  }
0x135: {  	[sflag:s21] =	ssyncadd.s32 $0xFFFFF000  }
0x136: {  	[spmem:s13] =	stream.linear.scatter [tilespmem:s20], [sflag:$0x5], $0x1000, $0x38;
	[tilespmem:$0x1CA00] =	vst v63  }
0x137: {  	_ =	swait.ge [sflag:s21], $0x1000  }
0x138: {  	[sflag:s21] =	ssyncset.done $0x0  }
0x139: {  	[sflag:s21] =	ssyncadd.s32 $0xFFFFF000  }
0x13a: {  	[spmem:s14] =	stream.linear.scatter [tilespmem:s20], [sflag:$0x5], $0xC80, $0x38;
	[tilespmem:$0x1CA00] =	vst v63  }
0x13b: {  	_ =	swait.ge [sflag:s21], $0xC80  }
0x13c: {  	[sflag:s21] =	ssyncset.done $0x0  }
0x13d: {  	[sflag:s21] =	ssyncadd.s32 $0xFFFFF380  }
0x13e: {  	[tilespmem:s4], [sflag:$0x5] =	stream.linear.gather [hbm4b:s15+s4], $0x2880, $0x38;
	[tilespmem:$0x1CA00] =	vst v63  }
0x13f: {  	_ =	swait.ge [sflag:s21], $0x2880  }
0x140: {  	[sflag:s21] =	ssyncset.done $0x0  }
0x141: {  	s8 =	simm.s32 $0x2880;
	[sflag:s21] =	ssyncadd.s32 $0xFFFFD780  }
0x142: {  	[tilespmem:s8], [sflag:$0x5] =	stream.linear.gather [hbm4b:s16+s4], $0x2880, $0x38;
	[tilespmem:$0x1CA00] =	vst v63  }
0x143: {  	s6 =	stileid.u32;
	_ =	swait.ge [sflag:s21], $0x2880  }
0x144: {  	s0 =	sshll.u32 s6, $0x6;
	[sflag:s21] =	ssyncset.done $0x0  }
0x145: {  	s0 =	sor.u32 $0x1C05, s0;
	[sflag:s21] =	ssyncadd.s32 $0xFFFFD780  }
0x146: {  	[spmem:s23], [sflag:s0] =	dma.local [hbm:s17], $0x1388  }
0x147: {  	_ =	swait.ge [sflag:s21], $0x1388  }
0x148: {  	[sflag:s21] =	ssyncset.done $0x0  }
0x149: {  	[sflag:s21] =	ssyncadd.s32 $0xFFFFEC78  }
0x14a: {  	[bflag:$0x0] =	sbarrier.arrive $0xFFFF  }
0x14b: {  	[tilespmem:s26], [sflag:$0x1] =	stream.indirect.gather [spmem:s3], $0x40, s4, s24, $0xb8;
	[tilespmem:$0x1CA00] =	vst v63  }
0x14c: {  	_ = 	snop  }
0x14d: {  	[tilespmem:s28], [sflag:$0x2] =	stream.indirect.gather [spmem:s3], $0x40, s24, s24, $0xb8;
	[tilespmem:$0x1CA00] =	vst v63  }
0x14e: {  	_ =	swait.ge [sflag:s29], $0x1800  }
0x14f: {  	[sflag:s29] =	ssyncset.done $0x0  }
0x150: {  	s6 =	simm.s32 $0x2880;
	[sflag:s29] =	ssyncadd.s32 $0xFFFFE800  }
0x151: {  	[spmem:s2] =	stream.indirect.scatter.add.bf16 [tilespmem:s26], [sflag:$0x3], $0x40, s6, s24, $0xb8;
	[tilespmem:$0x1CA00] =	vst v63  }
0x152: {  	_ =	swait.ge [sflag:s30], $0x1800  }
0x153: {  	[sflag:s30] =	ssyncset.done $0x0  }
0x154: {  	s7 =	simm.s32 $0x28E0;
	[sflag:s30] =	ssyncadd.s32 $0xFFFFE800  }
0x155: {  	[spmem:s2] =	stream.indirect.scatter.add.bf16 [tilespmem:s28], [sflag:$0x4], $0x40, s7, s24, $0xb8;
	[tilespmem:$0x1CA00] =	vst v63  }
0x156: {  	_ =	swait.ge [sflag:s31], $0x1800  }
0x157: {  	[sflag:s31] =	ssyncset.done $0x0  }
0x158: {  	s8 =	simm.s32 $0xC0;
	[sflag:s31] =	ssyncadd.s32 $0xFFFFE800  }
0x159: {  	[tilespmem:s26], [sflag:$0x1] =	stream.indirect.gather [spmem:s3], $0x40, s8, s24, $0xb8;
	[tilespmem:$0x1CA00] =	vst v63  }
0x15a: {  	_ =	swait.ge [sflag:s1], $0x1800  }
0x15b: {  	[sflag:s1] =	ssyncset.done $0x0  }
0x15c: {  	s6 =	simm.s32 $0x300;
	s7 =	simm.s32 $0x120;
	[sflag:s1] =	ssyncadd.s32 $0xFFFFE800  }
.LBB2_2:
0x15d: {  	[tilespmem:s28], [sflag:$0x2] =	stream.indirect.gather [spmem:s3], $0x40, s7, s24, $0xb8;
	[tilespmem:$0x1CA00] =	vst v63  }
0x15e: {  	s7 =	smov.u32 s6  }
0x15f: {  	p0 =	sne.s32 s6, $0x9C00;
	s6 =	sadd.s32 $0x300, s6;
	_ =	swait.ge [sflag:s29], $0x1800  }
0x160: {  	s7 =	sshra.s32 s7, $0x2;
	[sflag:s29] =	ssyncset.done $0x0  }
0x161: {  	s8 =	sadd.s32 $0x2880, s7;
	[sflag:s29] =	ssyncadd.s32 $0xFFFFE800  }
0x162: {  	[spmem:s2] =	stream.indirect.scatter.add.bf16 [tilespmem:s26], [sflag:$0x3], $0x40, s8, s24, $0xb8;
	[tilespmem:$0x1CA00] =	vst v63  }
0x163: {  	_ =	swait.ge [sflag:s30], $0x1800  }
0x164: {  	[sflag:s30] =	ssyncset.done $0x0  }
0x165: {  	s8 =	sadd.s32 $0x28E0, s7;
	[sflag:s30] =	ssyncadd.s32 $0xFFFFE800  }
0x166: {  	[spmem:s2] =	stream.indirect.scatter.add.bf16 [tilespmem:s28], [sflag:$0x4], $0x40, s8, s24, $0xb8;
	[tilespmem:$0x1CA00] =	vst v63  }
0x167: {  	_ =	swait.ge [sflag:s31], $0x1800  }
0x168: {  	[sflag:s31] =	ssyncset.done $0x0  }
.Ltmp0:
0x169: {  	s8 =	sadd.s32 $0xC0, s7;
	[sflag:s31] =	ssyncadd.s32 $0xFFFFE800;
	(pc) =	sbr.rel @p0 .LBB2_2-.Ltmp0, $4  }
0x16a: {  	[tilespmem:s26], [sflag:$0x1] =	stream.indirect.gather [spmem:s3], $0x40, s8, s24, $0xb8;
	[tilespmem:$0x1CA00] =	vst v63  }
0x16b: {  	_ =	swait.ge [sflag:s1], $0x1800  }
0x16c: {  	[sflag:s1] =	ssyncset.done $0x0  }
0x16d: {  	s7 =	sadd.s32 $0x120, s7;
	[sflag:s1] =	ssyncadd.s32 $0xFFFFE800  }
0x16e: {  	[tilespmem:s28], [sflag:$0x2] =	stream.indirect.gather [spmem:s3], $0x40, s7, s24, $0xb8;
	[tilespmem:$0x1CA00] =	vst v63  }
0x16f: {  	_ =	swait.ge [sflag:s29], $0x1800  }
0x170: {  	[sflag:s29] =	ssyncset.done $0x0  }
0x171: {  	s6 =	simm.s32 $0x5040;
	[sflag:s29] =	ssyncadd.s32 $0xFFFFE800  }
0x172: {  	[spmem:s2] =	stream.indirect.scatter.add.bf16 [tilespmem:s26], [sflag:$0x3], $0x40, s6, s24, $0xb8;
	[tilespmem:$0x1CA00] =	vst v63  }
0x173: {  	_ =	swait.ge [sflag:s30], $0x1800  }
0x174: {  	[sflag:s30] =	ssyncset.done $0x0  }
0x175: {  	s8 =	simm.s32 $0x50A0;
	[sflag:s30] =	ssyncadd.s32 $0xFFFFE800  }
0x176: {  	[spmem:s2] =	stream.indirect.scatter.add.bf16 [tilespmem:s28], [sflag:$0x4], $0x40, s8, s24, $0xb8;
	[tilespmem:$0x1CA00] =	vst v63  }
0x177: {  	_ =	swait.ge [sflag:s31], $0x1800  }
0x178: {  	[sflag:s31] =	ssyncset.done $0x0  }
0x179: {  	[sflag:s31] =	ssyncadd.s32 $0xFFFFE800  }
0x17a: {  	_ =	swait.ge [sflag:s1], $0x1800  }
0x17b: {  	s22 =	sadd.s32 $0x1, s22;
	[sflag:s1] =	ssyncset.done $0x0  }
0x17c: {  	p0 =	sne.s32 s22, s19;
	[sflag:s1] =	ssyncadd.s32 $0xFFFFE800  }
.Ltmp1:
0x17d: {  	[bflag:$0x0] =	sbarrier.arrive $0xFFFF;
	(pc) =	sbr.rel @p0 .LBB2_1-.Ltmp1, $4  }
0x17e: {  	[hbm:s18], [sflag:s0] =	dma.local [spmem:s25], $0x1388  }
0x17f: {  	_ =	swait.ge [sflag:s21], $0x1388  }
0x180: {  	[sflag:s21] =	ssyncset.done $0x0  }
0x181: {  	[sflag:s21] =	ssyncadd.s32 $0xFFFFEC78  }
0x182: {  	_ =	sfence.sel $0x180000  }
0x183: {  	[bflag:$0x0] =	sbarrier.arrive $0xFFFF  }
0x184: {  	_ =	strace $0x90000047  }
0x185: {  	s0 =	stileid.u32;
	[bflag:$0x2] =	sbarrier.arrive $0xFFFF  }
0x186: {  	p0 =	sne.s32 s0, $0x0;
	s0 =	rddreg [dreg:$0x4]  }
0x187: {  	s0 =	sadd.s32 @!p0 $0x100000, s0  }
0x188: {  	[sflag:s0] =	ssyncadd.tile.s32 @!p0 $0x1;
	_ =	shalt  }
.Lfunc_end2:
_tile_overlayer_lowered:
.L_overlay_start_2:
0x189: {  	(tag) =	ssettag $0x2  }
0x18a: {  	s0 =	rddreg [dreg:$0x0];
	s2 =	stileid.u32  }
0x18b: {  	s1 =	rddreg [dreg:$0x1];
	p0 =	sne.s32 s2, $0x0  }
0x18c: {  	s3 =	rddreg [dreg:$0x2];
	[bflag:$0x3] =	sbarrier.arrive $0xFFFF;
	s2 =	simm.s32 @!p0 $0x1C05  }
0x18d: {  	[timem:s3], [sflag:s2] =	dma.local @!p0 [hbm:s0], s1  }
0x18e: {  	s0 =	simm.s32 @!p0 $0x5  }
0x18f: {  	_ =	swait.ge @!p0 [sflag:s0], s1  }
0x190: {  	s1 =	ssub.s32 @!p0 $0x0, s1;
	[sflag:s0] =	ssyncset.done @!p0 $0x0  }
0x191: {  	[sflag:s0] =	ssyncadd.s32 @!p0 s1  }
0x192: {  	[bflag:$0x3] =	sbarrier.arrive $0xFFFF  }
0x193: {  	_ =	shalt  }

// kernel: kernel.9.cloned.1.call-start
scs
__scs_entry_jumppad:
0x0: {  	(pc) =	sbr.rel $0x88, $3  }
0x1: {  	(tag) =	ssettag $0x0;
	lr =	simm.s32 $0x1  }
0x2: {  	[smem:$0x3F9A] =	sst lr;
	_ =	strace $0xD0000000  }
0x3: {  	_ = 	snop  }
0x4: {  	_ = 	snop  }
0x5: {  	_ = 	snop  }
0x6: {  	_ = 	snop  }
0x7: {  	_ = 	snop  }
__scs_overlays_trampoline_lowered:
0x8: {  	[smem:$0x3FA9] =	sst s0  }
0x9: {  	[smem:$0x3FAA] =	sst s1  }
0xa: {  	[smem:$0x3FAB] =	sst s2  }
0xb: {  	[smem:$0x3FAC] =	sst s3  }
0xc: {  	[smem:$0x3FAD] =	sst s4  }
0xd: {  	[smem:$0x3FAE] =	sst s5  }
0xe: {  	[smem:$0x3FAF] =	sst s6  }
0xf: {  	[smem:$0x3FB0] =	sst s7  }
0x10: {  	[smem:$0x3FB1] =	sst s8  }
0x11: {  	[smem:$0x3FB2] =	sst s9;
	s0 =	simm.s32 @!p0 $0x0  }
0x12: {  	s1 =	sld [smem:$0x3F98];
	s0 =	simm.s32 @p0 $0x1  }
0x13: {  	[smem:$0x3FB3] =	sst s0;
	s0 =	simm.s32 @!p1 $0x0  }
0x14: {  	s2 =	sld [smem:$0x3F97];
	s0 =	simm.s32 @p1 $0x1  }
0x15: {  	[smem:$0x3FB4] =	sst s0;
	s0 =	simm.s32 @!p2 $0x0  }
0x16: {  	s3 =	sld [smem:$0x3FDB];
	s0 =	simm.s32 @p2 $0x1  }
0x17: {  	s4 =	simm.s32 $0x1BF5;
	[smem:$0x3FB6] =	sst s0  }
0x18: {  	s0 =	sld [smem:$0x3F99];
	_ =	swait.ge [sflag:s4], $0x0  }
0x19: {  	s7 =	sld [smem:$0x3F9A]  }
0x1a: {  	s8 =	sadd.s32 $0xFFFFE003, lr  }
0x1b: {  	s9 =	sadd.s32 $0xFFFFFEF7, lr;
	s5 =	simm.s32 $0xFFFFFFFF;
	p2 =	slt.u32 s8, $0xFFFFF086  }
0x1c: {  	p1 =	slt.u32 s9, $0xF7A;
	s5 =	simm.s32 @!p2 $0x0  }
0x1d: {  	s5 =	simm.s32 @p1 $0x1;
	p0 =	seq.s32 s7, s2  }
0x1e: {  	s7 =	smul.u32 @!p0 $0xF7A, s2;
	p2 =	seq.s32 @!p0 s5, $0x0  }
0x1f: {  	s9 =	smul.u32 $0xF7A, s1;
	s8 =	simm.s32 @!p0 $0x1BF5;
	p2 =	por !p2, p0  }
0x20: {  	[sflag:s8] =	ssyncset.s32 @!p0 $0xFFFFF086;
	s6 =	sadd.s32 @!p0 s3, s7;
	s7 =	simm.s32 @!p0 $0x108  }
0x21: {  	s3 =	sadd.s32 s3, s9;
	s6 =	sadd.s32 @!p0 $0x88, s6;
	s7 =	simm.s32 @p2 $0x1082  }
0x22: {  	[simem:s7], [sflag:s8] =	dma.local @!p0 [hbm:s6], $0xF7A  }
0x23: {  	s9 =	sor.u32 $0xD0000000, s2;
	s6 =	simm.s32 $0x108;
	_ =	swait.ge @!p0 [sflag:s8], $0x0  }
0x24: {  	s3 =	sadd.s32 $0x88, s3;
	s6 =	simm.s32 @!p1 $0x1082;
	[sflag:s4] =	ssyncset.s32 $0xFFFFF086  }
0x25: {  	[simem:s6], [sflag:s4] =	dma.local [hbm:s3], $0xF7A  }
0x26: {  	[smem:$0x3F9A] =	sst s1;
	(tag) =	ssettag s2;
	_ =	strace s9  }
0x27: {  	s1 =	sld [smem:$0x3FAA]  }
0x28: {  	s2 =	sld [smem:$0x3FAB]  }
0x29: {  	s4 =	sld [smem:$0x3FAD]  }
0x2a: {  	p0 =	seq.s32 s5, $0x0;
	s5 =	sld [smem:$0x3FAE]  }
0x2b: {  	s6 =	sld [smem:$0x3FAF]  }
0x2c: {  	s7 =	sld [smem:$0x3FB0]  }
0x2d: {  	s3 =	simm.s32 $0x108;
	s8 =	sld [smem:$0x3FB1]  }
0x2e: {  	s3 =	simm.s32 @!p0 $0x1082;
	s9 =	sld [smem:$0x3FB2]  }
0x2f: {  	lr =	sadd.s32 s0, s3;
	s0 =	sld [smem:$0x3FA9]  }
0x30: {  	s3 =	sld [smem:$0x3FAC]  }
0x31: {  	[smem:$0x3FB5] =	sst s10  }
0x32: {  	s10 =	sld [smem:$0x3FB3];
	_ =	sdelay $0x3  }
0x33: {  	p0 =	seq.s32 s10, $0x1;
	s10 =	sld [smem:$0x3FB5];
	_ =	sdelay $0x3  }
0x34: {  	[smem:$0x3FB5] =	sst s10  }
0x35: {  	s10 =	sld [smem:$0x3FB4];
	_ =	sdelay $0x3  }
0x36: {  	p1 =	seq.s32 s10, $0x1;
	s10 =	sld [smem:$0x3FB5];
	_ =	sdelay $0x3  }
0x37: {  	[smem:$0x3FB5] =	sst s10  }
0x38: {  	s10 =	sld [smem:$0x3FB6]  }
0x39: {  	_ = 	snop;
	(pc) =	sbr.ind lr, $3  }
0x3a: {  	_ = 	snop  }
0x3b: {  	_ = 	snop  }
0x3c: {  	p2 =	seq.s32 s10, $0x1;
	s10 =	sld [smem:$0x3FB5]  }
0x3d: {  	_ =	shalt  }
0x3e: {  	_ =	shalt  }
0x3f: {  	_ =	shalt  }
0x40: {  	_ =	shalt  }
0x41: {  	_ =	shalt  }
0x42: {  	_ =	shalt  }
0x43: {  	_ =	shalt  }
0x44: {  	_ =	shalt  }
0x45: {  	_ =	shalt  }
0x46: {  	_ =	shalt  }
0x47: {  	_ =	shalt  }
0x48: {  	_ =	shalt  }
0x49: {  	_ =	shalt  }
0x4a: {  	_ =	shalt  }
0x4b: {  	_ =	shalt  }
0x4c: {  	_ =	shalt  }
0x4d: {  	_ =	shalt  }
0x4e: {  	_ =	shalt  }
0x4f: {  	_ =	shalt  }
0x50: {  	_ =	shalt  }
0x51: {  	_ =	shalt  }
0x52: {  	_ =	shalt  }
0x53: {  	_ =	shalt  }
0x54: {  	_ =	shalt  }
0x55: {  	_ =	shalt  }
0x56: {  	_ =	shalt  }
0x57: {  	_ =	shalt  }
0x58: {  	_ =	shalt  }
0x59: {  	_ =	shalt  }
0x5a: {  	_ =	shalt  }
0x5b: {  	_ =	shalt  }
0x5c: {  	_ =	shalt  }
0x5d: {  	_ =	shalt  }
0x5e: {  	_ =	shalt  }
0x5f: {  	_ =	shalt  }
0x60: {  	_ =	shalt  }
0x61: {  	_ =	shalt  }
0x62: {  	_ =	shalt  }
0x63: {  	_ =	shalt  }
0x64: {  	_ =	shalt  }
0x65: {  	_ =	shalt  }
0x66: {  	_ =	shalt  }
0x67: {  	_ =	shalt  }
0x68: {  	_ =	shalt  }
0x69: {  	_ =	shalt  }
0x6a: {  	_ =	shalt  }
0x6b: {  	_ =	shalt  }
0x6c: {  	_ =	shalt  }
0x6d: {  	_ =	shalt  }
0x6e: {  	_ =	shalt  }
0x6f: {  	_ =	shalt  }
0x70: {  	_ =	shalt  }
0x71: {  	_ =	shalt  }
0x72: {  	_ =	shalt  }
0x73: {  	_ =	shalt  }
0x74: {  	_ =	shalt  }
0x75: {  	_ =	shalt  }
0x76: {  	_ =	shalt  }
0x77: {  	_ =	shalt  }
0x78: {  	_ =	shalt  }
0x79: {  	_ =	shalt  }
0x7a: {  	_ =	shalt  }
0x7b: {  	_ =	shalt  }
0x7c: {  	_ =	shalt  }
0x7d: {  	_ =	shalt  }
0x7e: {  	_ =	shalt  }
0x7f: {  	_ =	shalt  }
0x80: {  	_ =	shalt  }
0x81: {  	_ =	shalt  }
0x82: {  	_ =	shalt  }
0x83: {  	_ =	shalt  }
0x84: {  	_ =	shalt  }
0x85: {  	_ =	shalt  }
0x86: {  	_ =	shalt  }
0x87: {  	_ =	shalt  }
.Lfunc_end0:
.L_simem_size_0:
called_computation.1_lowered:
.L_overlay_start_0:
0x88: {  	s2 =	sld [smem:$0x3FD9]  }
0x89: {  	s3 =	sld [smem:$0x3FFE];
	_ =	sdelay $0x1  }
0x8a: {  	s1 =	srdreg.scid  }
0x8b: {  	s0 =	sand.u32 $0x1, s1  }
0x8c: {  	s17 =	sshll.u32 s0, $0xA;
	s2 =	sadd.s32 s3, s2  }
0x8d: {  	s2 =	sadd.s32 s2, s17  }
0x8e: {  	[smem:$0x3FC1] =	sst s2  }
0x8f: {  	_ = 	snop  }
0x90: {  	(tm) =	ssettm $0x1  }
0x91: {  	s18 =	sld [smem:$0x3FFB];
	_ =	sdelay $0x3  }
0x92: {  	_ =	strace s18  }
0x93: {  	s2 =	sld [smem:$0x3FFC];
	_ =	sdelay $0x3  }
0x94: {  	_ =	strace s2  }
0x95: {  	s2 =	sld [smem:$0x3FFD];
	_ =	sdelay $0x3  }
0x96: {  	_ =	strace s2  }
0x97: {  	_ =	strace $0x8FFFFFFF  }
0x98: {  	s19 =	sld [smem:$0x3FDB];
	_ =	sdelay $0x1  }
0x99: {  	s20 =	simm.s32 $_scs_section_size  }
0x9a: {  	s4 =	simm.s32 $_size__tile_overlayer_lowered;
	s5 =	simm.s32 $_tile_overlayer_lowered  }
0x9b: {  	s6 =	simm.s32 $0x1BFF;
	s21 =	sshll.u32 s5, $0x1;
	s3 =	sadd.s32 s20, s19  }
0x9c: {  	s22 =	simm.s32 $0x0;
	s4 =	sshll.u32 s4, $0x1;
	s5 =	sadd.s32 s21, s3  }
0x9d: {  	[timem:s22], [sflag:s6] =	dma.local [hbm:s5], s4  }
0x9e: {  	_ =	swait.ge [sflag:s6], s4  }
0x9f: {  	s4 =	ssub.s32 $0x0, s4;
	[sflag:s6] =	ssyncset.done $0x0  }
0xa0: {  	[sflag:s6] =	ssyncadd.s32 s4;
	_ =	sdelay $0x1  }
0xa1: {  	s23 =	simm.s32 $0x1B8B  }
0xa2: {  	_ =	swait.ge [sflag:s23], $0x1  }
0xa3: {  	[sflag:s23] =	ssyncset.done $0x0  }
0xa4: {  	[sflag:s23] =	ssyncadd.s32 $0xFFFFFFFF  }
0xa5: {  	s4 =	sld [smem:$0x0]  }
0xa6: {  	s5 =	sand.u32 $0xFFFFFFFE, s1  }
0xa7: {  	p0 =	sne.s32 s1, s5  }
0xa8: {  	s5 =	sshll.u32 @p0 s5, $0xE  }
0xa9: {  	s5 =	sadd.s32 @p0 $0x11B8D, s5;
	s6 =	sshll.u32 @p0 s4, $0x11  }
0xaa: {  	s5 =	sor.u32 @p0 s6, s5  }
0xab: {  	[sflag:s5] =	ssyncadd.remote.s32 @p0 $0x1;
	_ =	sdelay $0x1  }
0xac: {  	s5 =	simm.s32 @p0 $0x1B8D  }
0xad: {  	_ =	swait.eq @p0 [sflag:s5], $0x1  }
0xae: {  	[sflag:s5] =	ssyncadd.s32 @p0 $0xFFFFFFFF  }
0xaf: {  	s6 =	sshll.u32 @!p0 s1, $0xE  }
0xb0: {  	s6 =	sor.u32 @!p0 $0x4000, s6;
	s5 =	simm.s32 @!p0 $0x1B8D  }
0xb1: {  	s4 =	sshll.u32 @!p0 s4, $0x11;
	s6 =	sadd.s32 @!p0 $0x11B8D, s6;
	_ =	swait.eq @!p0 [sflag:s5], $0x1  }
0xb2: {  	s4 =	sor.u32 @!p0 s4, s6;
	[sflag:s5] =	ssyncadd.s32 @!p0 $0xFFFFFFFF  }
0xb3: {  	s25 =	simm.s32 $0x1B8E;
	s24 =	sld [smem:$0x3FFE];
	[sflag:s4] =	ssyncadd.remote.s32 @!p0 $0x1  }
0xb4: {  	s26 =	simm.s32 $execute0_lowered;
	[smem:$0x3FD2] =	sst s25  }
0xb5: {  	s5 =	sshll.u32 s26, $0x1;
	_ =	strace $0x80000049;
	[dreg:$0x1] =	wrdreg $0xFFFFFFFF  }
0xb6: {  	s28 =	simm.s32 $_size_execute0_lowered;
	s3 =	sadd.s32 s3, s5;
	[dreg:$0x0] =	wrdreg $0x0  }
0xb7: {  	s5 =	sshll.u32 s28, $0x1;
	[dreg:$0x2] =	wrdreg s3  }
0xb8: {  	[dreg:$0x3] =	wrdreg s5  }
0xb9: {  	[dreg:$0x4] =	wrdreg $0xC0  }
0xba: {  	_ =	task [dreg:s22], $0x5FFFF  }
0xbb: {  	[dreg:$0x1] =	wrdreg $0xFFFFFFFF  }
0xbc: {  	[dreg:$0x0] =	wrdreg $0x60  }
0xbd: {  	[dreg:$0x2] =	wrdreg s24  }
0xbe: {  	[dreg:$0x3] =	wrdreg $0x34400  }
0xbf: {  	[dreg:$0x4] =	wrdreg $0xA  }
0xc0: {  	_ =	task.clear_ibuf [dreg:s22], $0x5FFFF;
	_ =	strace $0x90000049  }
0xc1: {  	s29 =	simm.s32 $0xA;
	_ =	strace $0x8000004B  }
0xc2: {  	_ =	swait.ge [sflag:s29], $0x1  }
0xc3: {  	[sflag:s29] =	ssyncadd.s32 $0xFFFFFFFF  }
0xc4: {  	_ =	strace $0x9000004B  }
0xc5: {  	_ =	sfence  }
0xc6: {  	s30 =	sld [smem:$0x0];
	_ =	sdelay $0x2  }
0xc7: {  	s31 =	sshll.u32 s1, $0xD;
	s1 =	sshrl.u32 s1, $0x2  }
0xc8: {  	s4 =	sand.u32 $0x4000, s31;
	s1 =	sadd.s32 s1, s30  }
0xc9: {  	s0 =	sor.u32 s4, s0;
	s1 =	sshll.u32 s1, $0x11  }
0xca: {  	s0 =	sor.u32 s1, s0  }
0xcb: {  	s0 =	sadd.s32 $0x8F2B, s0  }
0xcc: {  	[sflag:s0] =	ssyncadd.remote.s32 $0x1  }
0xcd: {  	_ =	sfence.sel $0xFFFF  }
0xce: {  	[dreg:$0x0] =	wrdreg $0xFFFFFFFF;
	(pc) =	sbr.abs _section_cstart, $3  }
0xcf: {  	[dreg:$0x1] =	wrdreg $0xFFFFFFFF  }
0xd0: {  	_ =	task.clear_ibuf [dreg:s22], $0x2FFFF;
	_ =	strace $0x9FFFFFFF  }
0xd1: {  	(tm) =	ssettm $0x7FFFFFFF  }
tec
execute0_lowered:
.L_overlay_start_1:
0x0: {  	(tag) =	ssettag $0x1  }
0x1: {  	s0 =	srdreg.scid;
	s4 =	rddreg [dreg:$0x0]  }
0x2: {  	s16 =	stileid.u32;
	s2 =	rddreg [dreg:$0x1]  }
0x3: {  	s3 =	simm.s32 $0x0;
	s28 =	simm.s32 $0x60;
	s7 =	smul.u32 $0x9C4, s16  }
0x4: {  	s29 =	simm.s32 $0x2;
	s30 =	simm.s32 $0x3;
	s8 =	smul.u32 $0x13900, s16  }
0x5: {  	s31 =	simm.s32 $0x4;
	s0 =	sand.u32 $0x1, s0;
	s20 =	smul.u32 $0x1440, s16  }
0x6: {  	[smem:$0x7FF] =	sst s3;
	s19 =	sadd.s32 $0x33E00, s4;
	s25 =	smul.u32 $0x13880, s16  }
0x7: {  	s1 =	sshll.u32 s0, $0x4;
	s6 =	smul.u32 $0x9C40, s0;
	_ =	strace $0x8000004A  }
0x8: {  	s21 =	ssub.s32 $0x2, s0;
	s0 =	smul.u32 $0x14400, s0;
	s1 =	sor.u32 s16, s1  }
0x9: {  	s8 =	sshrl.u32 s8, $0x2;
	s22 =	sshrl.u32 s21, $0x1;
	s5 =	smul.u32 $0x288, s1  }
0xa: {  	s26 =	sshrl.u32 s25, $0x2;
	s6 =	sadd.s32 s7, s6;
	s15 =	smul.u32 $0x5100, s1  }
0xb: {  	s18 =	ssub.s32 s21, s22;
	s1 =	smul.u32 $0x28800, s1;
	s0 =	sadd.s32 s20, s0  }
0xc: {  	s21 =	simm.s32 $0x2C40;
	s22 =	simm.s32 $0x5;
	s17 =	sadd.s32 s6, s4  }
0xd: {  	s0 =	sshll.u32 s0, $0x2;
	s18 =	smax.u32 s18, $0x1;
	s5 =	sadd.s32 s5, s4  }
0xe: {  	s4 =	sadd.s32 s8, s2;
	s1 =	sshrl.u32 s1, $0x3;
	s15 =	sadd.s32 s19, s15  }
0xf: {  	s17 =	sadd.s32 $0xD5E00, s17;
	s0 =	sadd.s32 s19, s0;
	s23 =	sadd.s32 $0x800, s4  }
0x10: {  	s24 =	sadd.s32 $0x1000, s4;
	s7 =	sadd.s32 $0x1800, s4;
	s8 =	sadd.s32 $0x2000, s4  }
0x11: {  	s9 =	sadd.s32 $0x2800, s4;
	s10 =	sadd.s32 $0x3000, s4;
	s11 =	sadd.s32 $0x3800, s4  }
0x12: {  	s12 =	sadd.s32 $0x4000, s4;
	s13 =	sadd.s32 $0x4800, s4;
	s14 =	sadd.s32 $0x2800, s5  }
0x13: {  	s1 =	sadd.s32 s19, s1;
	s19 =	sadd.s32 $0x480, s0;
	[dreg:$0x3] =	wrdreg s23  }
0x14: {  	s20 =	sadd.s32 $0x300, s0;
	[dreg:$0x4] =	wrdreg s24;
	s16 =	sadd.s32 $0x180, s1  }
0x15: {  	s1 =	sadd.s32 s26, s2;
	s23 =	simm.s32 $0x1440;
	s24 =	simm.s32 $0x2040  }
0x16: {  	v0 =	vimm.f32 $0.0e+00;
	s26 =	simm.s32 $0x1;
	s25 =	sshrl.u32 s1, $0x3;
	s1 =	simm.s32 $0x0  }
.LBB2_1:
0x17: {  	[tilespmem:$0x2C40] =	vst v0  }
0x18: {  	[tilespmem:$0x2C50] =	vst v0  }
0x19: {  	[tilespmem:$0x2C60] =	vst v0  }
0x1a: {  	[tilespmem:$0x2C70] =	vst v0  }
0x1b: {  	[tilespmem:$0x2C80] =	vst v0  }
0x1c: {  	[tilespmem:$0x2C90] =	vst v0  }
0x1d: {  	[tilespmem:$0x2CA0] =	vst v0  }
0x1e: {  	[tilespmem:$0x2CB0] =	vst v0  }
0x1f: {  	[tilespmem:$0x2CC0] =	vst v0  }
0x20: {  	[tilespmem:$0x2CD0] =	vst v0  }
0x21: {  	[tilespmem:$0x2CE0] =	vst v0  }
0x22: {  	[tilespmem:$0x2CF0] =	vst v0  }
0x23: {  	[tilespmem:$0x2D00] =	vst v0  }
0x24: {  	[tilespmem:$0x2D10] =	vst v0  }
0x25: {  	[tilespmem:$0x2D20] =	vst v0  }
0x26: {  	[tilespmem:$0x2D30] =	vst v0  }
0x27: {  	[tilespmem:$0x2D40] =	vst v0  }
0x28: {  	[tilespmem:$0x2D50] =	vst v0  }
0x29: {  	[tilespmem:$0x2D60] =	vst v0  }
0x2a: {  	[tilespmem:$0x2D70] =	vst v0  }
0x2b: {  	[tilespmem:$0x2D80] =	vst v0  }
0x2c: {  	[tilespmem:$0x2D90] =	vst v0  }
0x2d: {  	[tilespmem:$0x2DA0] =	vst v0  }
0x2e: {  	[tilespmem:$0x2DB0] =	vst v0  }
0x2f: {  	[tilespmem:$0x2DC0] =	vst v0  }
0x30: {  	[tilespmem:$0x2DD0] =	vst v0  }
0x31: {  	[tilespmem:$0x2DE0] =	vst v0  }
0x32: {  	[tilespmem:$0x2DF0] =	vst v0  }
0x33: {  	[tilespmem:$0x2E00] =	vst v0  }
0x34: {  	[tilespmem:$0x2E10] =	vst v0  }
0x35: {  	[tilespmem:$0x2E20] =	vst v0  }
0x36: {  	[tilespmem:$0x2E30] =	vst v0  }
0x37: {  	[tilespmem:$0x2E40] =	vst v0  }
0x38: {  	[tilespmem:$0x2E50] =	vst v0  }
0x39: {  	[tilespmem:$0x2E60] =	vst v0  }
0x3a: {  	[tilespmem:$0x2E70] =	vst v0  }
0x3b: {  	[tilespmem:$0x2E80] =	vst v0  }
0x3c: {  	[tilespmem:$0x2E90] =	vst v0  }
0x3d: {  	[tilespmem:$0x2EA0] =	vst v0  }
0x3e: {  	[tilespmem:$0x2EB0] =	vst v0  }
0x3f: {  	[tilespmem:$0x2EC0] =	vst v0  }
0x40: {  	[tilespmem:$0x2ED0] =	vst v0  }
0x41: {  	[tilespmem:$0x2EE0] =	vst v0  }
0x42: {  	[tilespmem:$0x2EF0] =	vst v0  }
0x43: {  	[tilespmem:$0x2F00] =	vst v0  }
0x44: {  	[tilespmem:$0x2F10] =	vst v0  }
0x45: {  	[tilespmem:$0x2F20] =	vst v0  }
0x46: {  	[tilespmem:$0x2F30] =	vst v0  }
0x47: {  	[tilespmem:$0x2F40] =	vst v0  }
0x48: {  	[tilespmem:$0x2F50] =	vst v0  }
0x49: {  	[tilespmem:$0x2F60] =	vst v0  }
0x4a: {  	[tilespmem:$0x2F70] =	vst v0  }
0x4b: {  	[tilespmem:$0x2F80] =	vst v0  }
0x4c: {  	[tilespmem:$0x2F90] =	vst v0  }
0x4d: {  	[tilespmem:$0x2FA0] =	vst v0  }
0x4e: {  	[tilespmem:$0x2FB0] =	vst v0  }
0x4f: {  	[tilespmem:$0x2FC0] =	vst v0  }
0x50: {  	[tilespmem:$0x2FD0] =	vst v0  }
0x51: {  	[tilespmem:$0x2FE0] =	vst v0  }
0x52: {  	[tilespmem:$0x2FF0] =	vst v0  }
0x53: {  	[tilespmem:$0x3000] =	vst v0  }
0x54: {  	[tilespmem:$0x3010] =	vst v0  }
0x55: {  	[tilespmem:$0x3020] =	vst v0  }
0x56: {  	[tilespmem:$0x3030] =	vst v0  }
0x57: {  	[tilespmem:$0x3040] =	vst v0  }
0x58: {  	[tilespmem:$0x3050] =	vst v0  }
0x59: {  	[tilespmem:$0x3060] =	vst v0  }
0x5a: {  	[tilespmem:$0x3070] =	vst v0  }
0x5b: {  	[tilespmem:$0x3080] =	vst v0  }
0x5c: {  	[tilespmem:$0x3090] =	vst v0  }
0x5d: {  	[tilespmem:$0x30A0] =	vst v0  }
0x5e: {  	[tilespmem:$0x30B0] =	vst v0  }
0x5f: {  	[tilespmem:$0x30C0] =	vst v0  }
0x60: {  	[tilespmem:$0x30D0] =	vst v0  }
0x61: {  	[tilespmem:$0x30E0] =	vst v0  }
0x62: {  	[tilespmem:$0x30F0] =	vst v0  }
0x63: {  	[tilespmem:$0x3100] =	vst v0  }
0x64: {  	[tilespmem:$0x3110] =	vst v0  }
0x65: {  	[tilespmem:$0x3120] =	vst v0  }
0x66: {  	[tilespmem:$0x3130] =	vst v0  }
0x67: {  	[tilespmem:$0x3140] =	vst v0  }
0x68: {  	[tilespmem:$0x3150] =	vst v0  }
0x69: {  	[tilespmem:$0x3160] =	vst v0  }
0x6a: {  	[tilespmem:$0x3170] =	vst v0  }
0x6b: {  	[tilespmem:$0x3180] =	vst v0  }
0x6c: {  	[tilespmem:$0x3190] =	vst v0  }
0x6d: {  	[tilespmem:$0x31A0] =	vst v0  }
0x6e: {  	[tilespmem:$0x31B0] =	vst v0  }
0x6f: {  	[tilespmem:$0x31C0] =	vst v0  }
0x70: {  	[tilespmem:$0x31D0] =	vst v0  }
0x71: {  	[tilespmem:$0x31E0] =	vst v0  }
0x72: {  	[tilespmem:$0x31F0] =	vst v0  }
0x73: {  	[tilespmem:$0x3200] =	vst v0  }
0x74: {  	[tilespmem:$0x3210] =	vst v0  }
0x75: {  	[tilespmem:$0x3220] =	vst v0  }
0x76: {  	[tilespmem:$0x3230] =	vst v0  }
0x77: {  	[tilespmem:$0x3240] =	vst v0  }
0x78: {  	[tilespmem:$0x3250] =	vst v0  }
0x79: {  	[tilespmem:$0x3260] =	vst v0  }
0x7a: {  	[tilespmem:$0x3270] =	vst v0  }
0x7b: {  	[tilespmem:$0x3280] =	vst v0  }
0x7c: {  	[tilespmem:$0x3290] =	vst v0  }
0x7d: {  	[tilespmem:$0x32A0] =	vst v0  }
0x7e: {  	[tilespmem:$0x32B0] =	vst v0  }
0x7f: {  	[tilespmem:$0x32C0] =	vst v0  }
0x80: {  	[tilespmem:$0x32D0] =	vst v0  }
0x81: {  	[tilespmem:$0x32E0] =	vst v0  }
0x82: {  	[tilespmem:$0x32F0] =	vst v0  }
0x83: {  	[tilespmem:$0x3300] =	vst v0  }
0x84: {  	[tilespmem:$0x3310] =	vst v0  }
0x85: {  	[tilespmem:$0x3320] =	vst v0  }
0x86: {  	[tilespmem:$0x3330] =	vst v0  }
0x87: {  	[tilespmem:$0x3340] =	vst v0  }
0x88: {  	[tilespmem:$0x3350] =	vst v0  }
0x89: {  	[tilespmem:$0x3360] =	vst v0  }
0x8a: {  	[tilespmem:$0x3370] =	vst v0  }
0x8b: {  	[tilespmem:$0x3380] =	vst v0  }
0x8c: {  	[tilespmem:$0x3390] =	vst v0  }
0x8d: {  	[tilespmem:$0x33A0] =	vst v0  }
0x8e: {  	[tilespmem:$0x33B0] =	vst v0  }
0x8f: {  	[tilespmem:$0x33C0] =	vst v0  }
0x90: {  	[tilespmem:$0x33D0] =	vst v0  }
0x91: {  	[tilespmem:$0x33E0] =	vst v0  }
0x92: {  	[tilespmem:$0x33F0] =	vst v0  }
0x93: {  	[tilespmem:$0x3400] =	vst v0  }
0x94: {  	[tilespmem:$0x3410] =	vst v0  }
0x95: {  	[tilespmem:$0x3420] =	vst v0  }
0x96: {  	[tilespmem:$0x3430] =	vst v0  }
0x97: {  	[spmem:s4] =	stream.linear.scatter [tilespmem:s21], [sflag:$0x5], $0x800, $0x38;
	[tilespmem:$0x8280] =	vst v63  }
0x98: {  	_ =	swait.ge [sflag:s22], $0x800  }
0x99: {  	[sflag:s22] =	ssyncset.done $0x0  }
0x9a: {  	s0 =	rddreg [dreg:$0x3];
	[sflag:s22] =	ssyncadd.s32 $0xFFFFF800  }
0x9b: {  	[spmem:s0] =	stream.linear.scatter [tilespmem:s21], [sflag:$0x5], $0x800, $0x38;
	[tilespmem:$0x8280] =	vst v63  }
0x9c: {  	_ =	swait.ge [sflag:s22], $0x800  }
0x9d: {  	[sflag:s22] =	ssyncset.done $0x0  }
0x9e: {  	s5 =	rddreg [dreg:$0x4];
	[sflag:s22] =	ssyncadd.s32 $0xFFFFF800  }
0x9f: {  	[spmem:s5] =	stream.linear.scatter [tilespmem:s21], [sflag:$0x5], $0x800, $0x38;
	[tilespmem:$0x8280] =	vst v63  }
0xa0: {  	_ =	swait.ge [sflag:s22], $0x800  }
0xa1: {  	[sflag:s22] =	ssyncset.done $0x0  }
0xa2: {  	[sflag:s22] =	ssyncadd.s32 $0xFFFFF800  }
0xa3: {  	[spmem:s7] =	stream.linear.scatter [tilespmem:s21], [sflag:$0x5], $0x800, $0x38;
	[tilespmem:$0x8280] =	vst v63  }
0xa4: {  	_ =	swait.ge [sflag:s22], $0x800  }
0xa5: {  	[sflag:s22] =	ssyncset.done $0x0  }
0xa6: {  	[sflag:s22] =	ssyncadd.s32 $0xFFFFF800  }
0xa7: {  	[spmem:s8] =	stream.linear.scatter [tilespmem:s21], [sflag:$0x5], $0x800, $0x38;
	[tilespmem:$0x8280] =	vst v63  }
0xa8: {  	_ =	swait.ge [sflag:s22], $0x800  }
0xa9: {  	[sflag:s22] =	ssyncset.done $0x0  }
0xaa: {  	[sflag:s22] =	ssyncadd.s32 $0xFFFFF800  }
0xab: {  	[spmem:s9] =	stream.linear.scatter [tilespmem:s21], [sflag:$0x5], $0x800, $0x38;
	[tilespmem:$0x8280] =	vst v63  }
0xac: {  	_ =	swait.ge [sflag:s22], $0x800  }
0xad: {  	[sflag:s22] =	ssyncset.done $0x0  }
0xae: {  	[sflag:s22] =	ssyncadd.s32 $0xFFFFF800  }
0xaf: {  	[spmem:s10] =	stream.linear.scatter [tilespmem:s21], [sflag:$0x5], $0x800, $0x38;
	[tilespmem:$0x8280] =	vst v63  }
0xb0: {  	_ =	swait.ge [sflag:s22], $0x800  }
0xb1: {  	[sflag:s22] =	ssyncset.done $0x0  }
0xb2: {  	[sflag:s22] =	ssyncadd.s32 $0xFFFFF800  }
0xb3: {  	[spmem:s11] =	stream.linear.scatter [tilespmem:s21], [sflag:$0x5], $0x800, $0x38;
	[tilespmem:$0x8280] =	vst v63  }
0xb4: {  	_ =	swait.ge [sflag:s22], $0x800  }
0xb5: {  	[sflag:s22] =	ssyncset.done $0x0  }
0xb6: {  	[sflag:s22] =	ssyncadd.s32 $0xFFFFF800  }
0xb7: {  	[spmem:s12] =	stream.linear.scatter [tilespmem:s21], [sflag:$0x5], $0x800, $0x38;
	[tilespmem:$0x8280] =	vst v63  }
0xb8: {  	_ =	swait.ge [sflag:s22], $0x800  }
0xb9: {  	[sflag:s22] =	ssyncset.done $0x0  }
0xba: {  	[sflag:s22] =	ssyncadd.s32 $0xFFFFF800  }
0xbb: {  	[spmem:s13] =	stream.linear.scatter [tilespmem:s21], [sflag:$0x5], $0x640, $0x38;
	[tilespmem:$0x8280] =	vst v63  }
0xbc: {  	_ =	swait.ge [sflag:s22], $0x640  }
0xbd: {  	[sflag:s22] =	ssyncset.done $0x0  }
0xbe: {  	[sflag:s22] =	ssyncadd.s32 $0xFFFFF9C0  }
0xbf: {  	[tilespmem:s3], [sflag:$0x5] =	stream.linear.gather [hbm4b:s14+s3], $0x1440, $0x38;
	[tilespmem:$0x8280] =	vst v63  }
0xc0: {  	_ =	swait.ge [sflag:s22], $0x1440  }
0xc1: {  	[sflag:s22] =	ssyncset.done $0x0  }
0xc2: {  	[sflag:s22] =	ssyncadd.s32 $0xFFFFEBC0  }
0xc3: {  	[bflag:$0x0] =	sbarrier.arrive $0xFFFF  }
0xc4: {  	[tilespmem:s23], [sflag:$0x1] =	stream.linear.gather [hbm4b:s15+s3], $0xC00, $0x38;
	[tilespmem:$0x8280] =	vst v63  }
0xc5: {  	_ = 	snop  }
0xc6: {  	[tilespmem:s24], [sflag:$0x2] =	stream.linear.gather [hbm4b:s16+s3], $0xC00, $0x38;
	[tilespmem:$0x8280] =	vst v63  }
0xc7: {  	_ =	swait.ge [sflag:s26], $0xC00  }
0xc8: {  	[sflag:s26] =	ssyncset.done $0x0  }
0xc9: {  	s6 =	simm.s32 $0x0;
	[sflag:s26] =	ssyncadd.s32 $0xFFFFF400  }
0xca: {  	[spmem:s2] =	stream.indirect.scatter.add.f32 [tilespmem:s23], [sflag:$0x3], $0x20, s6, s28, $0xb8;
	[tilespmem:$0x8280] =	vst v63  }
0xcb: {  	_ =	swait.ge [sflag:s29], $0xC00  }
0xcc: {  	[sflag:s29] =	ssyncset.done $0x0  }
0xcd: {  	s5 =	simm.s32 $0x60;
	[sflag:s29] =	ssyncadd.s32 $0xFFFFF400  }
0xce: {  	[spmem:s2] =	stream.indirect.scatter.add.f32 [tilespmem:s24], [sflag:$0x4], $0x20, s5, s28, $0xb8;
	[tilespmem:$0x8280] =	vst v63  }
0xcf: {  	_ =	swait.ge [sflag:s30], $0xC00  }
0xd0: {  	[sflag:s30] =	ssyncset.done $0x0  }
0xd1: {  	s6 =	sadd.s32 $0x0, s20;
	[sflag:s30] =	ssyncadd.s32 $0xFFFFF400  }
0xd2: {  	[tilespmem:s23], [sflag:$0x1] =	stream.linear.gather [hbm4b:s6+s3], $0xC00, $0x38;
	[tilespmem:$0x8280] =	vst v63  }
0xd3: {  	_ =	swait.ge [sflag:s31], $0xC00  }
0xd4: {  	[sflag:s31] =	ssyncset.done $0x0  }
0xd5: {  	s0 =	simm.s32 $0x300;
	s5 =	sadd.s32 $0x0, s19;
	[sflag:s31] =	ssyncadd.s32 $0xFFFFF400  }
.LBB2_2:
0xd6: {  	[tilespmem:s24], [sflag:$0x2] =	stream.linear.gather [hbm4b:s5+s3], $0xC00, $0x38;
	[tilespmem:$0x8280] =	vst v63  }
0xd7: {  	s5 =	smov.u32 s0  }
0xd8: {  	p0 =	sne.s32 s0, $0x4B00;
	s0 =	sadd.s32 $0x300, s0;
	_ =	swait.ge [sflag:s26], $0xC00  }
0xd9: {  	[sflag:s26] =	ssyncset.done $0x0  }
0xda: {  	s6 =	sshra.s32 s5, $0x2;
	[sflag:s26] =	ssyncadd.s32 $0xFFFFF400  }
0xdb: {  	[spmem:s2] =	stream.indirect.scatter.add.f32 [tilespmem:s23], [sflag:$0x3], $0x20, s6, s28, $0xb8;
	[tilespmem:$0x8280] =	vst v63  }
0xdc: {  	_ =	swait.ge [sflag:s29], $0xC00  }
0xdd: {  	[sflag:s29] =	ssyncset.done $0x0  }
0xde: {  	s6 =	sadd.s32 $0x60, s6;
	[sflag:s29] =	ssyncadd.s32 $0xFFFFF400  }
0xdf: {  	[spmem:s2] =	stream.indirect.scatter.add.f32 [tilespmem:s24], [sflag:$0x4], $0x20, s6, s28, $0xb8;
	[tilespmem:$0x8280] =	vst v63  }
0xe0: {  	_ =	swait.ge [sflag:s30], $0xC00  }
0xe1: {  	[sflag:s30] =	ssyncset.done $0x0  }
.Ltmp0:
0xe2: {  	s6 =	sadd.s32 s5, s20;
	[sflag:s30] =	ssyncadd.s32 $0xFFFFF400;
	(pc) =	sbr.rel @p0 .LBB2_2-.Ltmp0, $4  }
0xe3: {  	[tilespmem:s23], [sflag:$0x1] =	stream.linear.gather [hbm4b:s6+s3], $0xC00, $0x38;
	[tilespmem:$0x8280] =	vst v63  }
0xe4: {  	_ =	swait.ge [sflag:s31], $0xC00  }
0xe5: {  	[sflag:s31] =	ssyncset.done $0x0  }
0xe6: {  	s5 =	sadd.s32 s5, s19;
	[sflag:s31] =	ssyncadd.s32 $0xFFFFF400  }
0xe7: {  	[tilespmem:s24], [sflag:$0x2] =	stream.linear.gather [hbm4b:s5+s3], $0xC00, $0x38;
	[tilespmem:$0x8280] =	vst v63  }
0xe8: {  	_ =	swait.ge [sflag:s26], $0xC00  }
0xe9: {  	[sflag:s26] =	ssyncset.done $0x0  }
0xea: {  	s0 =	simm.s32 $0x1380;
	[sflag:s26] =	ssyncadd.s32 $0xFFFFF400  }
0xeb: {  	[spmem:s2] =	stream.indirect.scatter.add.f32 [tilespmem:s23], [sflag:$0x3], $0x20, s0, s28, $0xb8;
	[tilespmem:$0x8280] =	vst v63  }
0xec: {  	_ =	swait.ge [sflag:s29], $0xC00  }
0xed: {  	[sflag:s29] =	ssyncset.done $0x0  }
0xee: {  	s5 =	simm.s32 $0x13E0;
	[sflag:s29] =	ssyncadd.s32 $0xFFFFF400  }
0xef: {  	[spmem:s2] =	stream.indirect.scatter.add.f32 [tilespmem:s24], [sflag:$0x4], $0x20, s5, s28, $0xb8;
	[tilespmem:$0x8280] =	vst v63  }
0xf0: {  	_ =	swait.ge [sflag:s30], $0xC00  }
0xf1: {  	[sflag:s30] =	ssyncset.done $0x0  }
0xf2: {  	[sflag:s30] =	ssyncadd.s32 $0xFFFFF400  }
0xf3: {  	_ =	swait.ge [sflag:s31], $0xC00  }
0xf4: {  	s6 =	stileid.u32;
	s1 =	sadd.s32 $0x1, s1;
	[sflag:s31] =	ssyncset.done $0x0  }
0xf5: {  	p0 =	sne.s32 s1, s18;
	s0 =	sshll.u32 s6, $0x6;
	[sflag:s31] =	ssyncadd.s32 $0xFFFFF400  }
.Ltmp1:
0xf6: {  	s0 =	sor.u32 $0x1C05, s0;
	[bflag:$0x0] =	sbarrier.arrive $0xFFFF;
	(pc) =	sbr.rel @p0 .LBB2_1-.Ltmp1, $4  }
0xf7: {  	[hbm:s17], [sflag:s0] =	dma.local [spmem:s25], $0x9C4  }
0xf8: {  	_ =	swait.ge [sflag:s22], $0x9C4  }
0xf9: {  	[sflag:s22] =	ssyncset.done $0x0  }
0xfa: {  	[sflag:s22] =	ssyncadd.s32 $0xFFFFF63C  }
0xfb: {  	_ =	sfence.sel $0x180000  }
0xfc: {  	[bflag:$0x0] =	sbarrier.arrive $0xFFFF  }
0xfd: {  	_ =	strace $0x9000004A  }
0xfe: {  	s0 =	stileid.u32;
	[bflag:$0x2] =	sbarrier.arrive $0xFFFF  }
0xff: {  	p0 =	sne.s32 s0, $0x0;
	s0 =	rddreg [dreg:$0x2]  }
0x100: {  	s0 =	sadd.s32 @!p0 $0x100000, s0  }
0x101: {  	[sflag:s0] =	ssyncadd.tile.s32 @!p0 $0x1;
	_ =	shalt  }
.Lfunc_end2:
_tile_overlayer_lowered:
.L_overlay_start_2:
0x102: {  	(tag) =	ssettag $0x2  }
0x103: {  	s0 =	rddreg [dreg:$0x0];
	s2 =	stileid.u32  }
0x104: {  	s1 =	rddreg [dreg:$0x1];
	p0 =	sne.s32 s2, $0x0  }
0x105: {  	s3 =	rddreg [dreg:$0x2];
	[bflag:$0x3] =	sbarrier.arrive $0xFFFF;
	s2 =	simm.s32 @!p0 $0x1C05  }
0x106: {  	[timem:s3], [sflag:s2] =	dma.local @!p0 [hbm:s0], s1  }
0x107: {  	s0 =	simm.s32 @!p0 $0x5  }
0x108: {  	_ =	swait.ge @!p0 [sflag:s0], s1  }
0x109: {  	s1 =	ssub.s32 @!p0 $0x0, s1;
	[sflag:s0] =	ssyncset.done @!p0 $0x0  }
0x10a: {  	[sflag:s0] =	ssyncadd.s32 @!p0 s1  }
0x10b: {  	[bflag:$0x3] =	sbarrier.arrive $0xFFFF  }
0x10c: {  	_ =	shalt  }

</sc_bundles>
